<compile_context>
chip_gen: v7x
topology: tpu7x:2x2x1
jax: 0.10.2.dev20260603
libtpu: 0.0.44.dev20260713+nightly
codegen_flags: <defaults>
</compile_context>

<pallas_src>
import functools

import jax
import jax.numpy as jnp
from jax import lax
from jax.experimental import pallas as pl
from jax.experimental.pallas import tpu as pltpu
from jax.experimental.pallas import tpu_sc as plsc

N = 10000
NP = 10240
D = 128
E = 320000
NC = 2
NS = 16
NW = NC * NS
KB = 128
E_PAD = 327680
CH = 40
NCHUNK = E_PAD // (CH * KB)
CPT0 = 2
CPT1 = 2
RPT = NP // NS
PAD_SRC = N
PAD_DST = NP - 1

DW = 16
DNP = 4 * NP
KD = 128
NBD = 320
E_DPAD = NW * NBD * KD
DRPT = DNP // NS

_mesh = plsc.VectorSubcoreMesh(core_axis_name="c", subcore_axis_name="s")


def _fill(ref, rows, value):
    cols = ref.shape[1] // 16
    vec = jnp.full((16,), value, jnp.float32)

    def body(i, _):
        for k in range(cols):
            ref[i, pl.ds(k * 16, 16)] = vec
        return 0

    lax.fori_loop(0, rows, body, 0)


@functools.partial(
    pl.kernel,
    out_type=jax.ShapeDtypeStruct((NC, NS, DNP), jnp.float32),
    mesh=_mesh,
    scratch_types=[
        pltpu.VMEM((DNP,), jnp.float32),
        pltpu.VMEM((NBD, KD), jnp.int32),
    ],
    compiler_params=pltpu.CompilerParams(needs_layout_passes=False),
)
def _deg_kernel(idx_hbm, out, counts, idxv):
    c = lax.axis_index("c")
    s = lax.axis_index("s")
    wid = c * NS + s

    zero16 = jnp.zeros((16,), jnp.float32)

    def z(i, _):
        counts[pl.ds(i * 16, 16)] = zero16
        return 0

    lax.fori_loop(0, DNP // 16, z, 0)

    pltpu.sync_copy(idx_hbm.at[wid], idxv)
    ones16 = jnp.ones((16,), jnp.float32)

    def batch(j, _):
        for k in range(KD // 16):
            idx = idxv[j, pl.ds(k * 16, 16)]
            plsc.addupdate_scatter(counts, [idx], ones16)
        return 0

    lax.fori_loop(0, NBD, batch, 0)
    pltpu.sync_copy(counts, out.at[c, s])


@functools.partial(
    pl.kernel,
    out_type=jax.ShapeDtypeStruct((2, NC, NS, RPT, D), jnp.float32),
    mesh=_mesh,
    scratch_types=[
        pltpu.VMEM_SHARED((NP, D), jnp.float32),
        pltpu.VMEM((CH, KB), jnp.int32),
        pltpu.VMEM((CH, KB), jnp.int32),
        pltpu.VMEM((KB, D), jnp.float32),
        pltpu.VMEM((KB, D), jnp.float32),
        pltpu.SemaphoreType.DMA,
        pltpu.SemaphoreType.DMA,
        pltpu.SemaphoreType.DMA,
        pltpu.SemaphoreType.DMA,
    ],
)
def _spmm_kernel(xns0, xns1, src0, dst0, src1, dst1, out,
                 acc, srcv, dstv, rb0, rb1, gs0, gs1, ss0, ss1):
    c = lax.axis_index("c")
    s = lax.axis_index("s")
    cbase = jnp.where(c == 0, CPT0 * s, CPT0 * NS + CPT1 * s)
    ccnt = jnp.where(c == 0, CPT0, CPT1)

    for rel, (xns, srch, dsth) in enumerate(
            ((xns0, src0, dst0), (xns1, src1, dst1))):
        with jax.named_scope(f"zero{rel}"):
            _fill(rb0, KB, 0.0)
            for r in range(RPT // KB):
                pltpu.sync_copy(rb0, acc.at[pl.ds(s * RPT + r * KB, KB)])
            plsc.subcore_barrier()

        def chunk(i, _):
            pltpu.sync_copy(srch.at[cbase + i], srcv)
            pltpu.sync_copy(dsth.at[cbase + i], dstv)

            pltpu.async_copy(xns.at[srcv.at[0]], rb0, gs0)
            pltpu.async_copy(xns.at[srcv.at[1]], rb1, gs1)

            def pair(p, _):
                j0 = 2 * p
                j1 = 2 * p + 1
                pltpu.make_async_copy(xns.at[srcv.at[j0]], rb0, gs0).wait()
                sc0 = pltpu.async_copy(rb0, acc.at[dstv.at[j0]], ss0, add=True)
                pltpu.make_async_copy(xns.at[srcv.at[j1]], rb1, gs1).wait()
                sc1 = pltpu.async_copy(rb1, acc.at[dstv.at[j1]], ss1, add=True)
                sc0.wait()

                @pl.when(j0 + 2 < CH)
                def _():
                    pltpu.async_copy(xns.at[srcv.at[j0 + 2]], rb0, gs0)

                sc1.wait()

                @pl.when(j1 + 2 < CH)
                def _():
                    pltpu.async_copy(xns.at[srcv.at[j1 + 2]], rb1, gs1)

                return 0

            lax.fori_loop(0, CH // 2, pair, 0)
            return 0

        with jax.named_scope(f"edges{rel}"):
            lax.fori_loop(0, ccnt, chunk, 0)
            plsc.subcore_barrier()

        with jax.named_scope(f"rdout{rel}"):
            for r in range(RPT // KB):
                pltpu.sync_copy(acc.at[pl.ds(s * RPT + r * KB, KB)], rb0)
                pltpu.sync_copy(rb0, out.at[rel, c, s, pl.ds(r * KB, KB)])
            if rel == 0:
                plsc.subcore_barrier()


_R = 640


def _scale_body(x_ref, ns0_ref, ns1_ref, o0_ref, o1_ref):
    x = x_ref[...]
    o0_ref[...] = x * ns0_ref[...]
    o1_ref[...] = x * ns1_ref[...]


_scale_call = pl.pallas_call(
    _scale_body,
    grid=(NP // _R,),
    in_specs=[
        pl.BlockSpec((_R, D), lambda i: (i, 0)),
        pl.BlockSpec((_R, 1), lambda i: (i, 0)),
        pl.BlockSpec((_R, 1), lambda i: (i, 0)),
    ],
    out_specs=[pl.BlockSpec((_R, D), lambda i: (i, 0))] * 2,
    out_shape=[jax.ShapeDtypeStruct((NP, D), jnp.float32)] * 2,
)


def _layer1_body(a_ref, nd0_ref, nd1_ref, ns0_ref, ns1_ref,
                 w0_ref, w1_ref, b0_ref, b1_ref, o0_ref, o1_ref):
    s0 = (a_ref[0, 0] + a_ref[0, 1]) * nd0_ref[...]
    s1 = (a_ref[1, 0] + a_ref[1, 1]) * nd1_ref[...]
    h = (jnp.dot(s0, w0_ref[...], preferred_element_type=jnp.float32)
         + b0_ref[...]
         + jnp.dot(s1, w1_ref[...], preferred_element_type=jnp.float32)
         + b1_ref[...]) * 0.5
    h = jnp.maximum(h, 0.0)
    o0_ref[...] = h * ns0_ref[...]
    o1_ref[...] = h * ns1_ref[...]


_layer1_call = pl.pallas_call(
    _layer1_body,
    grid=(NP // _R,),
    in_specs=[
        pl.BlockSpec((2, NC, _R, D), lambda i: (0, 0, i, 0)),
        pl.BlockSpec((_R, 1), lambda i: (i, 0)),
        pl.BlockSpec((_R, 1), lambda i: (i, 0)),
        pl.BlockSpec((_R, 1), lambda i: (i, 0)),
        pl.BlockSpec((_R, 1), lambda i: (i, 0)),
        pl.BlockSpec((D, D), lambda i: (0, 0)),
        pl.BlockSpec((D, D), lambda i: (0, 0)),
        pl.BlockSpec((1, D), lambda i: (0, 0)),
        pl.BlockSpec((1, D), lambda i: (0, 0)),
    ],
    out_specs=[pl.BlockSpec((_R, D), lambda i: (i, 0))] * 2,
    out_shape=[jax.ShapeDtypeStruct((NP, D), jnp.float32)] * 2,
)


def _layer2_body(a_ref, nd0_ref, nd1_ref,
                 w0_ref, w1_ref, b0_ref, b1_ref, o_ref):
    s0 = (a_ref[0, 0] + a_ref[0, 1]) * nd0_ref[...]
    s1 = (a_ref[1, 0] + a_ref[1, 1]) * nd1_ref[...]
    o_ref[...] = (jnp.dot(s0, w0_ref[...], preferred_element_type=jnp.float32)
                  + b0_ref[...]
                  + jnp.dot(s1, w1_ref[...], preferred_element_type=jnp.float32)
                  + b1_ref[...]) * 0.5


_layer2_call = pl.pallas_call(
    _layer2_body,
    grid=(NP // _R,),
    in_specs=[
        pl.BlockSpec((2, NC, _R, D), lambda i: (0, 0, i, 0)),
        pl.BlockSpec((_R, 1), lambda i: (i, 0)),
        pl.BlockSpec((_R, 1), lambda i: (i, 0)),
        pl.BlockSpec((D, D), lambda i: (0, 0)),
        pl.BlockSpec((D, D), lambda i: (0, 0)),
        pl.BlockSpec((1, D), lambda i: (0, 0)),
        pl.BlockSpec((1, D), lambda i: (0, 0)),
    ],
    out_specs=pl.BlockSpec((_R, D), lambda i: (i, 0)),
    out_shape=jax.ShapeDtypeStruct((NP, D), jnp.float32),
)


def kernel(x, edge_index_r0, edge_index_r1, W1_r0, b1_r0, W1_r1, b1_r1,
           W2_r0, b2_r0, W2_r1, b2_r1):
    src0 = edge_index_r0[0].astype(jnp.int32)
    dst0 = edge_index_r0[1].astype(jnp.int32)
    src1 = edge_index_r1[0].astype(jnp.int32)
    dst1 = edge_index_r1[1].astype(jnp.int32)

    dpad = N + jnp.arange(E_DPAD - 4 * E, dtype=jnp.int32) % (NP - N)
    deg_idx = jnp.concatenate(
        [src0, dst0 + NP, src1 + 2 * NP, dst1 + 3 * NP, dpad]
    ).reshape(NW, NBD, KD)
    degp = _deg_kernel(deg_idx)
    deg = degp.sum((0, 1))
    rs = lax.rsqrt(jnp.maximum(deg, 1.0)).reshape(4, NP)
    ns0 = rs[0, :, None]
    nd0 = rs[1, :, None]
    ns1 = rs[2, :, None]
    nd1 = rs[3, :, None]

    espread = jnp.arange(E_PAD - E, dtype=jnp.int32) % (NP - N)
    epad_s = PAD_SRC + espread
    epad_d = PAD_SRC + espread
    src0r = jnp.concatenate([src0, epad_s]).reshape(NCHUNK, CH, KB)
    dst0r = jnp.concatenate([dst0, epad_d]).reshape(NCHUNK, CH, KB)
    src1r = jnp.concatenate([src1, epad_s]).reshape(NCHUNK, CH, KB)
    dst1r = jnp.concatenate([dst1, epad_d]).reshape(NCHUNK, CH, KB)

    b1_r0_2d = b1_r0[None, :]
    b1_r1_2d = b1_r1[None, :]
    b2_r0_2d = b2_r0[None, :]
    b2_r1_2d = b2_r1[None, :]

    xp = jnp.pad(x, ((0, NP - N), (0, 0)))
    xns0, xns1 = _scale_call(xp, ns0, ns1)
    agg1 = _spmm_kernel(xns0, xns1, src0r, dst0r, src1r, dst1r)
    agg1 = agg1.reshape(2, NC, NP, D)
    hns0, hns1 = _layer1_call(agg1, nd0, nd1, ns0, ns1,
                              W1_r0, W1_r1, b1_r0_2d, b1_r1_2d)
    agg2 = _spmm_kernel(hns0, hns1, src0r, dst0r, src1r, dst1r)
    agg2 = agg2.reshape(2, NC, NP, D)
    outp = _layer2_call(agg2, nd0, nd1, W2_r0, W2_r1, b2_r0_2d, b2_r1_2d)
    return outp[:N]

# --- scband reference (transcript-rebuilt; emitter-appended) ---
"""Pipeline reference for scband-hgnn-30983894073780 (READ-ONLY COPY).

The authoritative reference and input builder live on the scoring server;
editing this copy changes nothing except your own understanding.
"""

import jax, jax.numpy as jnp
import numpy as np

N_NODES = 10000
D = 128


def _graph_conv(x, src, dst, W, b, n_nodes):
    # DGL GraphConv with norm='both':
    #   h = D_dst^{-1/2} A (D_src^{-1/2} X W) + b, degrees clamped to min 1.
    deg_out = jnp.clip(jnp.bincount(src, length=n_nodes), 1)
    deg_in = jnp.clip(jnp.bincount(dst, length=n_nodes), 1)
    norm_src = jax.lax.rsqrt(deg_out.astype(x.dtype))
    norm_dst = jax.lax.rsqrt(deg_in.astype(x.dtype))
    h = (x * norm_src[:, None]) @ W
    msg = jnp.take(h, src, axis=0)
    agg = jax.ops.segment_sum(msg, dst, num_segments=n_nodes)
    return agg * norm_dst[:, None] + b


def setup_inputs(seed: int = 0) -> dict:
    key = jax.random.key(seed)
    ks = jax.random.split(key, 12)
    E = 320000
    x = jax.random.normal(ks[0], (N_NODES, D), dtype=jnp.float32)
    edge_index_r0 = jax.random.randint(ks[1], (2, E), 0, N_NODES, dtype=jnp.int64)
    edge_index_r1 = jax.random.randint(ks[2], (2, E), 0, N_NODES, dtype=jnp.int64)
    scale = 0.05
    W1_r0 = jax.random.normal(ks[3], (D, D), dtype=jnp.float32) * scale
    b1_r0 = jnp.zeros((D,), dtype=jnp.float32)
    W1_r1 = jax.random.normal(ks[4], (D, D), dtype=jnp.float32) * scale
    b1_r1 = jnp.zeros((D,), dtype=jnp.float32)
    W2_r0 = jax.random.normal(ks[5], (D, D), dtype=jnp.float32) * scale
    b2_r0 = jnp.zeros((D,), dtype=jnp.float32)
    W2_r1 = jax.random.normal(ks[6], (D, D), dtype=jnp.float32) * scale
    b2_r1 = jnp.zeros((D,), dtype=jnp.float32)
    return {
        'x': x,
        'edge_index_r0': edge_index_r0,
        'edge_index_r1': edge_index_r1,
        'W1_r0': W1_r0, 'b1_r0': b1_r0,
        'W1_r1': W1_r1, 'b1_r1': b1_r1,
        'W2_r0': W2_r0, 'b2_r0': b2_r0,
        'W2_r1': W2_r1, 'b2_r1': b2_r1,
    }


def reference(x, edge_index_r0, edge_index_r1, W1_r0, b1_r0, W1_r1, b1_r1, W2_r0, b2_r0, W2_r1, b2_r1):
    src0, dst0 = edge_index_r0[0], edge_index_r0[1]
    src1, dst1 = edge_index_r1[0], edge_index_r1[1]
    # Layer 1: HeteroGraphConv with aggregate='mean' over the two relations
    h_r0 = _graph_conv(x, src0, dst0, W1_r0, b1_r0, N_NODES)
    h_r1 = _graph_conv(x, src1, dst1, W1_r1, b1_r1, N_NODES)
    h = (h_r0 + h_r1) * 0.5
    h = jax.nn.relu(h)
    # Layer 2
    o_r0 = _graph_conv(h, src0, dst0, W2_r0, b2_r0, N_NODES)
    o_r1 = _graph_conv(h, src1, dst1, W2_r1, b2_r1, N_NODES)
    out = (o_r0 + o_r1) * 0.5
    return out

if __name__ == "__main__":
    import jax
    _d = setup_inputs()
    print(jax.jit(kernel)(*tuple(_d.values())))

</pallas_src>

<mosaic_0001>
#map = affine_map<(d0, d1) -> (0, 0)>
#map1 = affine_map<(d0, d1) -> (0, 0, 0)>
#map2 = affine_map<(d0, d1) -> (0, 0, 0, 0, 0)>
module attributes {stable_mosaic.version = 14 : i64} {
  func.func @_spmm_kernel(%arg0: i32, %arg1: i32, %arg2: memref<10240x128xf32, #tpu.memory_space<hbm>>, %arg3: memref<10240x128xf32, #tpu.memory_space<hbm>>, %arg4: memref<64x40x128xi32, #tpu.memory_space<hbm>>, %arg5: memref<64x40x128xi32, #tpu.memory_space<hbm>>, %arg6: memref<64x40x128xi32, #tpu.memory_space<hbm>>, %arg7: memref<64x40x128xi32, #tpu.memory_space<hbm>>, %arg8: memref<2x2x16x640x128xf32, #tpu.memory_space<hbm>>, %arg9: memref<10240x128xf32, #tpu.memory_space<vmem_shared>>, %arg10: memref<40x128xi32, #tpu.memory_space<vmem>>, %arg11: memref<40x128xi32, #tpu.memory_space<vmem>>, %arg12: memref<128x128xf32, #tpu.memory_space<vmem>>, %arg13: memref<128x128xf32, #tpu.memory_space<vmem>>, %arg14: memref<!tpu.dma_semaphore, #tpu.memory_space<semaphore_mem>>, %arg15: memref<!tpu.dma_semaphore, #tpu.memory_space<semaphore_mem>>, %arg16: memref<!tpu.dma_semaphore, #tpu.memory_space<semaphore_mem>>, %arg17: memref<!tpu.dma_semaphore, #tpu.memory_space<semaphore_mem>>) attributes {dimension_semantics = [#tpu.dimension_semantics<core_parallel>, #tpu.dimension_semantics<subcore_parallel>], iteration_bounds = array<i64: 2, 16>, scalar_prefetch = 0 : i64, scratch_operands = 9 : i64, tpu.core_type = #tpu.core_type<sc_vector_subcore>, window_params = [{transform_indices = #map}, {transform_indices = #map}, {transform_indices = #map1}, {transform_indices = #map1}, {transform_indices = #map1}, {transform_indices = #map1}, {transform_indices = #map2}]} {
    %eq3A = arith.constant 0 : i32
    %eq3A_0 = arith.cmpi eq, %arg0, %eq3A : i32
    %mul3A = arith.constant 2 : i32
    %mul3A_1 = arith.muli %mul3A, %arg1 : i32
    %mul3A_2 = arith.constant 2 : i32
    %mul3A_3 = arith.muli %mul3A_2, %arg1 : i32
    %add3A = arith.constant 32 : i32
    %add3A_4 = arith.addi %add3A, %mul3A_3 : i32
    %select_n3A = arith.select %eq3A_0, %mul3A_1, %add3A_4 : i32
    %eq3A_5 = arith.constant 0 : i32
    %eq3A_6 = arith.cmpi eq, %arg0, %eq3A_5 : i32
    %jit3A = arith.constant 2 : i32
    %jit3A_7 = arith.constant 2 : i32
    %select_n3A_8 = arith.select %eq3A_6, %jit3A, %jit3A_7 : i32
    %broadcast_in_dim3A = arith.constant 0.000000e+00 : f32
    "tpu.trace_start"() <{level = 10 : i32, message = "zero0"}> : () -> ()
    %broadcast_in_dim3A_9 = vector.broadcast %broadcast_in_dim3A : f32 to vector<16xf32>
    %scan3A = arith.constant 0 : i32
    %scan3A_10 = arith.constant 0 : i32
    %scan3A_11 = arith.constant 128 : i32
    %scan3A_12 = arith.addi %scan3A_10, %scan3A_11 : i32
    %scan3A_13 = arith.constant 1 : i32
    %scan3A_14 = scf.for %scan3A_141 = %scan3A_10 to %scan3A_12 step %scan3A_13 iter_args(%scan3A_142 = %scan3A) -> (i32)  : i32 {
      %swap3A = arith.index_cast %scan3A_141 : i32 to index
      %swap3A_143 = arith.constant 0 : index
      %swap3A_144 = tpu.vector_load %arg12[%swap3A, %swap3A_143] {strides = array<i32>} : memref<128x128xf32, #tpu.memory_space<vmem>>, vector<1x16xf32>,
      %swap3A_145 = vector.shape_cast %swap3A_144 : vector<1x16xf32> to vector<16xf32>
      %swap3A_146 = vector.shape_cast %broadcast_in_dim3A_9 : vector<16xf32> to vector<1x16xf32>
      tpu.vector_store %arg12[%swap3A, %swap3A_143], %swap3A_146 {strides = array<i32>} : memref<128x128xf32, #tpu.memory_space<vmem>>, vector<1x16xf32>,
      %swap3A_147 = arith.index_cast %scan3A_141 : i32 to index
      %swap3A_148 = arith.constant 16 : index
      %swap3A_149 = tpu.vector_load %arg12[%swap3A_147, %swap3A_148] {strides = array<i32>} : memref<128x128xf32, #tpu.memory_space<vmem>>, vector<1x16xf32>,
      %swap3A_150 = vector.shape_cast %swap3A_149 : vector<1x16xf32> to vector<16xf32>
      %swap3A_151 = vector.shape_cast %broadcast_in_dim3A_9 : vector<16xf32> to vector<1x16xf32>
      tpu.vector_store %arg12[%swap3A_147, %swap3A_148], %swap3A_151 {strides = array<i32>} : memref<128x128xf32, #tpu.memory_space<vmem>>, vector<1x16xf32>,
      %swap3A_152 = arith.index_cast %scan3A_141 : i32 to index
      %swap3A_153 = arith.constant 32 : index
      %swap3A_154 = tpu.vector_load %arg12[%swap3A_152, %swap3A_153] {strides = array<i32>} : memref<128x128xf32, #tpu.memory_space<vmem>>, vector<1x16xf32>,
      %swap3A_155 = vector.shape_cast %swap3A_154 : vector<1x16xf32> to vector<16xf32>
      %swap3A_156 = vector.shape_cast %broadcast_in_dim3A_9 : vector<16xf32> to vector<1x16xf32>
      tpu.vector_store %arg12[%swap3A_152, %swap3A_153], %swap3A_156 {strides = array<i32>} : memref<128x128xf32, #tpu.memory_space<vmem>>, vector<1x16xf32>,
      %swap3A_157 = arith.index_cast %scan3A_141 : i32 to index
      %swap3A_158 = arith.constant 48 : index
      %swap3A_159 = tpu.vector_load %arg12[%swap3A_157, %swap3A_158] {strides = array<i32>} : memref<128x128xf32, #tpu.memory_space<vmem>>, vector<1x16xf32>,
      %swap3A_160 = vector.shape_cast %swap3A_159 : vector<1x16xf32> to vector<16xf32>
      %swap3A_161 = vector.shape_cast %broadcast_in_dim3A_9 : vector<16xf32> to vector<1x16xf32>
      tpu.vector_store %arg12[%swap3A_157, %swap3A_158], %swap3A_161 {strides = array<i32>} : memref<128x128xf32, #tpu.memory_space<vmem>>, vector<1x16xf32>,
      %swap3A_162 = arith.index_cast %scan3A_141 : i32 to index
      %swap3A_163 = arith.constant 64 : index
      %swap3A_164 = tpu.vector_load %arg12[%swap3A_162, %swap3A_163] {strides = array<i32>} : memref<128x128xf32, #tpu.memory_space<vmem>>, vector<1x16xf32>,
      %swap3A_165 = vector.shape_cast %swap3A_164 : vector<1x16xf32> to vector<16xf32>
      %swap3A_166 = vector.shape_cast %broadcast_in_dim3A_9 : vector<16xf32> to vector<1x16xf32>
      tpu.vector_store %arg12[%swap3A_162, %swap3A_163], %swap3A_166 {strides = array<i32>} : memref<128x128xf32, #tpu.memory_space<vmem>>, vector<1x16xf32>,
      %swap3A_167 = arith.index_cast %scan3A_141 : i32 to index
      %swap3A_168 = arith.constant 80 : index
      %swap3A_169 = tpu.vector_load %arg12[%swap3A_167, %swap3A_168] {strides = array<i32>} : memref<128x128xf32, #tpu.memory_space<vmem>>, vector<1x16xf32>,
      %swap3A_170 = vector.shape_cast %swap3A_169 : vector<1x16xf32> to vector<16xf32>
      %swap3A_171 = vector.shape_cast %broadcast_in_dim3A_9 : vector<16xf32> to vector<1x16xf32>
      tpu.vector_store %arg12[%swap3A_167, %swap3A_168], %swap3A_171 {strides = array<i32>} : memref<128x128xf32, #tpu.memory_space<vmem>>, vector<1x16xf32>,
      %swap3A_172 = arith.index_cast %scan3A_141 : i32 to index
      %swap3A_173 = arith.constant 96 : index
      %swap3A_174 = tpu.vector_load %arg12[%swap3A_172, %swap3A_173] {strides = array<i32>} : memref<128x128xf32, #tpu.memory_space<vmem>>, vector<1x16xf32>,
      %swap3A_175 = vector.shape_cast %swap3A_174 : vector<1x16xf32> to vector<16xf32>
      %swap3A_176 = vector.shape_cast %broadcast_in_dim3A_9 : vector<16xf32> to vector<1x16xf32>
      tpu.vector_store %arg12[%swap3A_172, %swap3A_173], %swap3A_176 {strides = array<i32>} : memref<128x128xf32, #tpu.memory_space<vmem>>, vector<1x16xf32>,
      %swap3A_177 = arith.index_cast %scan3A_141 : i32 to index
      %swap3A_178 = arith.constant 112 : index
      %swap3A_179 = tpu.vector_load %arg12[%swap3A_177, %swap3A_178] {strides = array<i32>} : memref<128x128xf32, #tpu.memory_space<vmem>>, vector<1x16xf32>,
      %swap3A_180 = vector.shape_cast %swap3A_179 : vector<1x16xf32> to vector<16xf32>
      %swap3A_181 = vector.shape_cast %broadcast_in_dim3A_9 : vector<16xf32> to vector<1x16xf32>
      tpu.vector_store %arg12[%swap3A_177, %swap3A_178], %swap3A_181 {strides = array<i32>} : memref<128x128xf32, #tpu.memory_space<vmem>>, vector<1x16xf32>,
      %scan3A_182 = arith.constant 0 : i32
      scf.yield %scan3A_182 : i32
    }
    %scan3A_15 = arith.constant 128 : i32
    %mul3A_16 = arith.constant 640 : i32
    %mul3A_17 = arith.muli %arg1, %mul3A_16 : i32
    %add3A_18 = arith.constant 0 : i32
    %add3A_19 = arith.addi %mul3A_17, %add3A_18 : i32
    "tpu.region"() ({
      %run_scoped3A_141 = tpu.sem_alloc : memref<!tpu.dma_semaphore, #tpu.memory_space<semaphore_mem>>
      %dma_start3A = arith.constant 0 : i32
      %dma_start3A_142 = tpu.memref_slice %arg9[%add3A_19, %dma_start3A] : memref<10240x128xf32, #tpu.memory_space<vmem_shared>> -> memref<128x128xf32, #tpu.memory_space<vmem_shared>>
      %dma_start3A_143 = arith.constant 0 : i32
      %dma_start3A_144 = tpu.memref_slice %arg9[%add3A_19, %dma_start3A_143] : memref<10240x128xf32, #tpu.memory_space<vmem_shared>> -> memref<128x128xf32, #tpu.memory_space<vmem_shared>>
      tpu.enqueue_dma source(%arg12 : memref<128x128xf32, #tpu.memory_space<vmem>>) target(%dma_start3A_144 : memref<128x128xf32, #tpu.memory_space<vmem_shared>>) target_semaphore(%run_scoped3A_141 : memref<!tpu.dma_semaphore, #tpu.memory_space<semaphore_mem>>)
      %dma_wait3A = arith.constant 0 : i32
      %dma_wait3A_145 = tpu.memref_slice %arg9[%add3A_19, %dma_wait3A] : memref<10240x128xf32, #tpu.memory_space<vmem_shared>> -> memref<128x128xf32, #tpu.memory_space<vmem_shared>>
      %dma_wait3A_146 = arith.constant 0 : i32
      %dma_wait3A_147 = tpu.memref_slice %arg9[%add3A_19, %dma_wait3A_146] : memref<10240x128xf32, #tpu.memory_space<vmem_shared>> -> memref<128x128xf32, #tpu.memory_space<vmem_shared>>
      tpu.wait_dma2 semaphore(%run_scoped3A_141 : memref<!tpu.dma_semaphore, #tpu.memory_space<semaphore_mem>>) src(%arg12 : memref<128x128xf32, #tpu.memory_space<vmem>>) dst(%dma_wait3A_147 : memref<128x128xf32, #tpu.memory_space<vmem_shared>>)
      tpu.yield
    }) : () -> ()
    %mul3A_20 = arith.constant 640 : i32
    %mul3A_21 = arith.muli %arg1, %mul3A_20 : i32
    %add3A_22 = arith.constant 128 : i32
    %add3A_23 = arith.addi %mul3A_21, %add3A_22 : i32
    "tpu.region"() ({
      %run_scoped3A_141 = tpu.sem_alloc : memref<!tpu.dma_semaphore, #tpu.memory_space<semaphore_mem>>
      %dma_start3A = arith.constant 0 : i32
      %dma_start3A_142 = tpu.memref_slice %arg9[%add3A_23, %dma_start3A] : memref<10240x128xf32, #tpu.memory_space<vmem_shared>> -> memref<128x128xf32, #tpu.memory_space<vmem_shared>>
      %dma_start3A_143 = arith.constant 0 : i32
      %dma_start3A_144 = tpu.memref_slice %arg9[%add3A_23, %dma_start3A_143] : memref<10240x128xf32, #tpu.memory_space<vmem_shared>> -> memref<128x128xf32, #tpu.memory_space<vmem_shared>>
      tpu.enqueue_dma source(%arg12 : memref<128x128xf32, #tpu.memory_space<vmem>>) target(%dma_start3A_144 : memref<128x128xf32, #tpu.memory_space<vmem_shared>>) target_semaphore(%run_scoped3A_141 : memref<!tpu.dma_semaphore, #tpu.memory_space<semaphore_mem>>)
      %dma_wait3A = arith.constant 0 : i32
      %dma_wait3A_145 = tpu.memref_slice %arg9[%add3A_23, %dma_wait3A] : memref<10240x128xf32, #tpu.memory_space<vmem_shared>> -> memref<128x128xf32, #tpu.memory_space<vmem_shared>>
      %dma_wait3A_146 = arith.constant 0 : i32
      %dma_wait3A_147 = tpu.memref_slice %arg9[%add3A_23, %dma_wait3A_146] : memref<10240x128xf32, #tpu.memory_space<vmem_shared>> -> memref<128x128xf32, #tpu.memory_space<vmem_shared>>
      tpu.wait_dma2 semaphore(%run_scoped3A_141 : memref<!tpu.dma_semaphore, #tpu.memory_space<semaphore_mem>>) src(%arg12 : memref<128x128xf32, #tpu.memory_space<vmem>>) dst(%dma_wait3A_147 : memref<128x128xf32, #tpu.memory_space<vmem_shared>>)
      tpu.yield
    }) : () -> ()
    %mul3A_24 = arith.constant 640 : i32
    %mul3A_25 = arith.muli %arg1, %mul3A_24 : i32
    %add3A_26 = arith.constant 256 : i32
    %add3A_27 = arith.addi %mul3A_25, %add3A_26 : i32
    "tpu.region"() ({
      %run_scoped3A_141 = tpu.sem_alloc : memref<!tpu.dma_semaphore, #tpu.memory_space<semaphore_mem>>
      %dma_start3A = arith.constant 0 : i32
      %dma_start3A_142 = tpu.memref_slice %arg9[%add3A_27, %dma_start3A] : memref<10240x128xf32, #tpu.memory_space<vmem_shared>> -> memref<128x128xf32, #tpu.memory_space<vmem_shared>>
      %dma_start3A_143 = arith.constant 0 : i32
      %dma_start3A_144 = tpu.memref_slice %arg9[%add3A_27, %dma_start3A_143] : memref<10240x128xf32, #tpu.memory_space<vmem_shared>> -> memref<128x128xf32, #tpu.memory_space<vmem_shared>>
      tpu.enqueue_dma source(%arg12 : memref<128x128xf32, #tpu.memory_space<vmem>>) target(%dma_start3A_144 : memref<128x128xf32, #tpu.memory_space<vmem_shared>>) target_semaphore(%run_scoped3A_141 : memref<!tpu.dma_semaphore, #tpu.memory_space<semaphore_mem>>)
      %dma_wait3A = arith.constant 0 : i32
      %dma_wait3A_145 = tpu.memref_slice %arg9[%add3A_27, %dma_wait3A] : memref<10240x128xf32, #tpu.memory_space<vmem_shared>> -> memref<128x128xf32, #tpu.memory_space<vmem_shared>>
      %dma_wait3A_146 = arith.constant 0 : i32
      %dma_wait3A_147 = tpu.memref_slice %arg9[%add3A_27, %dma_wait3A_146] : memref<10240x128xf32, #tpu.memory_space<vmem_shared>> -> memref<128x128xf32, #tpu.memory_space<vmem_shared>>
      tpu.wait_dma2 semaphore(%run_scoped3A_141 : memref<!tpu.dma_semaphore, #tpu.memory_space<semaphore_mem>>) src(%arg12 : memref<128x128xf32, #tpu.memory_space<vmem>>) dst(%dma_wait3A_147 : memref<128x128xf32, #tpu.memory_space<vmem_shared>>)
      tpu.yield
    }) : () -> ()
    %mul3A_28 = arith.constant 640 : i32
    %mul3A_29 = arith.muli %arg1, %mul3A_28 : i32
    %add3A_30 = arith.constant 384 : i32
    %add3A_31 = arith.addi %mul3A_29, %add3A_30 : i32
    "tpu.region"() ({
      %run_scoped3A_141 = tpu.sem_alloc : memref<!tpu.dma_semaphore, #tpu.memory_space<semaphore_mem>>
      %dma_start3A = arith.constant 0 : i32
      %dma_start3A_142 = tpu.memref_slice %arg9[%add3A_31, %dma_start3A] : memref<10240x128xf32, #tpu.memory_space<vmem_shared>> -> memref<128x128xf32, #tpu.memory_space<vmem_shared>>
      %dma_start3A_143 = arith.constant 0 : i32
      %dma_start3A_144 = tpu.memref_slice %arg9[%add3A_31, %dma_start3A_143] : memref<10240x128xf32, #tpu.memory_space<vmem_shared>> -> memref<128x128xf32, #tpu.memory_space<vmem_shared>>
      tpu.enqueue_dma source(%arg12 : memref<128x128xf32, #tpu.memory_space<vmem>>) target(%dma_start3A_144 : memref<128x128xf32, #tpu.memory_space<vmem_shared>>) target_semaphore(%run_scoped3A_141 : memref<!tpu.dma_semaphore, #tpu.memory_space<semaphore_mem>>)
      %dma_wait3A = arith.constant 0 : i32
      %dma_wait3A_145 = tpu.memref_slice %arg9[%add3A_31, %dma_wait3A] : memref<10240x128xf32, #tpu.memory_space<vmem_shared>> -> memref<128x128xf32, #tpu.memory_space<vmem_shared>>
      %dma_wait3A_146 = arith.constant 0 : i32
      %dma_wait3A_147 = tpu.memref_slice %arg9[%add3A_31, %dma_wait3A_146] : memref<10240x128xf32, #tpu.memory_space<vmem_shared>> -> memref<128x128xf32, #tpu.memory_space<vmem_shared>>
      tpu.wait_dma2 semaphore(%run_scoped3A_141 : memref<!tpu.dma_semaphore, #tpu.memory_space<semaphore_mem>>) src(%arg12 : memref<128x128xf32, #tpu.memory_space<vmem>>) dst(%dma_wait3A_147 : memref<128x128xf32, #tpu.memory_space<vmem_shared>>)
      tpu.yield
    }) : () -> ()
    %mul3A_32 = arith.constant 640 : i32
    %mul3A_33 = arith.muli %arg1, %mul3A_32 : i32
    %add3A_34 = arith.constant 512 : i32
    %add3A_35 = arith.addi %mul3A_33, %add3A_34 : i32
    "tpu.region"() ({
      %run_scoped3A_141 = tpu.sem_alloc : memref<!tpu.dma_semaphore, #tpu.memory_space<semaphore_mem>>
      %dma_start3A = arith.constant 0 : i32
      %dma_start3A_142 = tpu.memref_slice %arg9[%add3A_35, %dma_start3A] : memref<10240x128xf32, #tpu.memory_space<vmem_shared>> -> memref<128x128xf32, #tpu.memory_space<vmem_shared>>
      %dma_start3A_143 = arith.constant 0 : i32
      %dma_start3A_144 = tpu.memref_slice %arg9[%add3A_35, %dma_start3A_143] : memref<10240x128xf32, #tpu.memory_space<vmem_shared>> -> memref<128x128xf32, #tpu.memory_space<vmem_shared>>
      tpu.enqueue_dma source(%arg12 : memref<128x128xf32, #tpu.memory_space<vmem>>) target(%dma_start3A_144 : memref<128x128xf32, #tpu.memory_space<vmem_shared>>) target_semaphore(%run_scoped3A_141 : memref<!tpu.dma_semaphore, #tpu.memory_space<semaphore_mem>>)
      %dma_wait3A = arith.constant 0 : i32
      %dma_wait3A_145 = tpu.memref_slice %arg9[%add3A_35, %dma_wait3A] : memref<10240x128xf32, #tpu.memory_space<vmem_shared>> -> memref<128x128xf32, #tpu.memory_space<vmem_shared>>
      %dma_wait3A_146 = arith.constant 0 : i32
      %dma_wait3A_147 = tpu.memref_slice %arg9[%add3A_35, %dma_wait3A_146] : memref<10240x128xf32, #tpu.memory_space<vmem_shared>> -> memref<128x128xf32, #tpu.memory_space<vmem_shared>>
      tpu.wait_dma2 semaphore(%run_scoped3A_141 : memref<!tpu.dma_semaphore, #tpu.memory_space<semaphore_mem>>) src(%arg12 : memref<128x128xf32, #tpu.memory_space<vmem>>) dst(%dma_wait3A_147 : memref<128x128xf32, #tpu.memory_space<vmem_shared>>)
      tpu.yield
    }) : () -> ()
    %barrier3A = arith.constant 0 : index
    tpu.barrier barrier_id(%barrier3A)
    %while3A = arith.constant 0 : i32
    %while3A_36 = arith.constant 0 : i32
    "tpu.trace_stop"() : () -> ()
    "tpu.trace_start"() <{level = 10 : i32, message = "edges0"}> : () -> ()
    %while3A_37 = arith.subi %select_n3A_8, %while3A : i32
    %while3A_38 = arith.addi %while3A, %while3A_37 : i32
    %while3A_39 = arith.constant 1 : i32
    %while3A_40 = arith.divsi %while3A_37, %while3A_39 : i32
    %while3A_41 = arith.muli %while3A_40, %while3A_39 : i32
    %while3A_42 = arith.addi %while3A, %while3A_41 : i32
    %while3A_43 = arith.constant 1 : i32
    %while3A_44 = scf.for %while3A_141 = %while3A to %while3A_42 step %while3A_43 iter_args(%while3A_142 = %while3A_36) -> (i32)  : i32 {
      %add3A_143 = arith.addi %select_n3A, %while3A_141 : i32
      "tpu.region"() ({
        %run_scoped3A_166 = tpu.sem_alloc : memref<!tpu.dma_semaphore, #tpu.memory_space<semaphore_mem>>
        %dma_start3A_167 = arith.constant 0 : i32
        %dma_start3A_168 = arith.constant 0 : i32
        %dma_start3A_169 = tpu.memref_slice %arg4[%add3A_143, %dma_start3A_167, %dma_start3A_168] : memref<64x40x128xi32, #tpu.memory_space<hbm>> -> memref<1x40x128xi32, #tpu.memory_space<hbm>>
        %dma_start3A_170 = tpu.memref_squeeze %dma_start3A_169 : memref<1x40x128xi32, #tpu.memory_space<hbm>> -> memref<40x128xi32, #tpu.memory_space<hbm>>
        %dma_start3A_171 = arith.constant 0 : i32
        %dma_start3A_172 = arith.constant 0 : i32
        %dma_start3A_173 = tpu.memref_slice %arg4[%add3A_143, %dma_start3A_171, %dma_start3A_172] : memref<64x40x128xi32, #tpu.memory_space<hbm>> -> memref<1x40x128xi32, #tpu.memory_space<hbm>>
        %dma_start3A_174 = tpu.memref_squeeze %dma_start3A_173 : memref<1x40x128xi32, #tpu.memory_space<hbm>> -> memref<40x128xi32, #tpu.memory_space<hbm>>
        tpu.enqueue_dma source(%dma_start3A_174 : memref<40x128xi32, #tpu.memory_space<hbm>>) target(%arg10 : memref<40x128xi32, #tpu.memory_space<vmem>>) target_semaphore(%run_scoped3A_166 : memref<!tpu.dma_semaphore, #tpu.memory_space<semaphore_mem>>)
        %dma_wait3A = arith.constant 0 : i32
        %dma_wait3A_175 = arith.constant 0 : i32
        %dma_wait3A_176 = tpu.memref_slice %arg4[%add3A_143, %dma_wait3A, %dma_wait3A_175] : memref<64x40x128xi32, #tpu.memory_space<hbm>> -> memref<1x40x128xi32, #tpu.memory_space<hbm>>
        %dma_wait3A_177 = tpu.memref_squeeze %dma_wait3A_176 : memref<1x40x128xi32, #tpu.memory_space<hbm>> -> memref<40x128xi32, #tpu.memory_space<hbm>>
        %dma_wait3A_178 = arith.constant 0 : i32
        %dma_wait3A_179 = arith.constant 0 : i32
        %dma_wait3A_180 = tpu.memref_slice %arg4[%add3A_143, %dma_wait3A_178, %dma_wait3A_179] : memref<64x40x128xi32, #tpu.memory_space<hbm>> -> memref<1x40x128xi32, #tpu.memory_space<hbm>>
        %dma_wait3A_181 = tpu.memref_squeeze %dma_wait3A_180 : memref<1x40x128xi32, #tpu.memory_space<hbm>> -> memref<40x128xi32, #tpu.memory_space<hbm>>
        tpu.wait_dma2 semaphore(%run_scoped3A_166 : memref<!tpu.dma_semaphore, #tpu.memory_space<semaphore_mem>>) src(%dma_wait3A_181 : memref<40x128xi32, #tpu.memory_space<hbm>>) dst(%arg10 : memref<40x128xi32, #tpu.memory_space<vmem>>)
        tpu.yield
      }) : () -> ()
      %add3A_144 = arith.addi %select_n3A, %while3A_141 : i32
      "tpu.region"() ({
        %run_scoped3A_166 = tpu.sem_alloc : memref<!tpu.dma_semaphore, #tpu.memory_space<semaphore_mem>>
        %dma_start3A_167 = arith.constant 0 : i32
        %dma_start3A_168 = arith.constant 0 : i32
        %dma_start3A_169 = tpu.memref_slice %arg5[%add3A_144, %dma_start3A_167, %dma_start3A_168] : memref<64x40x128xi32, #tpu.memory_space<hbm>> -> memref<1x40x128xi32, #tpu.memory_space<hbm>>
        %dma_start3A_170 = tpu.memref_squeeze %dma_start3A_169 : memref<1x40x128xi32, #tpu.memory_space<hbm>> -> memref<40x128xi32, #tpu.memory_space<hbm>>
        %dma_start3A_171 = arith.constant 0 : i32
        %dma_start3A_172 = arith.constant 0 : i32
        %dma_start3A_173 = tpu.memref_slice %arg5[%add3A_144, %dma_start3A_171, %dma_start3A_172] : memref<64x40x128xi32, #tpu.memory_space<hbm>> -> memref<1x40x128xi32, #tpu.memory_space<hbm>>
        %dma_start3A_174 = tpu.memref_squeeze %dma_start3A_173 : memref<1x40x128xi32, #tpu.memory_space<hbm>> -> memref<40x128xi32, #tpu.memory_space<hbm>>
        tpu.enqueue_dma source(%dma_start3A_174 : memref<40x128xi32, #tpu.memory_space<hbm>>) target(%arg11 : memref<40x128xi32, #tpu.memory_space<vmem>>) target_semaphore(%run_scoped3A_166 : memref<!tpu.dma_semaphore, #tpu.memory_space<semaphore_mem>>)
        %dma_wait3A = arith.constant 0 : i32
        %dma_wait3A_175 = arith.constant 0 : i32
        %dma_wait3A_176 = tpu.memref_slice %arg5[%add3A_144, %dma_wait3A, %dma_wait3A_175] : memref<64x40x128xi32, #tpu.memory_space<hbm>> -> memref<1x40x128xi32, #tpu.memory_space<hbm>>
        %dma_wait3A_177 = tpu.memref_squeeze %dma_wait3A_176 : memref<1x40x128xi32, #tpu.memory_space<hbm>> -> memref<40x128xi32, #tpu.memory_space<hbm>>
        %dma_wait3A_178 = arith.constant 0 : i32
        %dma_wait3A_179 = arith.constant 0 : i32
        %dma_wait3A_180 = tpu.memref_slice %arg5[%add3A_144, %dma_wait3A_178, %dma_wait3A_179] : memref<64x40x128xi32, #tpu.memory_space<hbm>> -> memref<1x40x128xi32, #tpu.memory_space<hbm>>
        %dma_wait3A_181 = tpu.memref_squeeze %dma_wait3A_180 : memref<1x40x128xi32, #tpu.memory_space<hbm>> -> memref<40x128xi32, #tpu.memory_space<hbm>>
        tpu.wait_dma2 semaphore(%run_scoped3A_166 : memref<!tpu.dma_semaphore, #tpu.memory_space<semaphore_mem>>) src(%dma_wait3A_181 : memref<40x128xi32, #tpu.memory_space<hbm>>) dst(%arg11 : memref<40x128xi32, #tpu.memory_space<vmem>>)
        tpu.yield
      }) : () -> ()
      %dma_start3A = arith.constant 0 : i32
      %dma_start3A_145 = arith.constant 0 : i32
      %dma_start3A_146 = tpu.memref_slice %arg10[%dma_start3A, %dma_start3A_145] : memref<40x128xi32, #tpu.memory_space<vmem>> -> memref<1x128xi32, #tpu.memory_space<vmem>>
      %dma_start3A_147 = tpu.memref_squeeze %dma_start3A_146 : memref<1x128xi32, #tpu.memory_space<vmem>> -> memref<128xi32, #tpu.memory_space<vmem>>
      %dma_start3A_148 = arith.constant 0 : i32
      %dma_start3A_149 = arith.constant 0 : i32
      %dma_start3A_150 = tpu.memref_slice %arg2[%dma_start3A_148, %dma_start3A_149] : memref<10240x128xf32, #tpu.memory_space<hbm>> -> memref<10240x128xf32, #tpu.memory_space<hbm>>
      tpu.enqueue_indirect_dma source(%dma_start3A_150 : memref<10240x128xf32, #tpu.memory_space<hbm>>) target(%arg12 : memref<128x128xf32, #tpu.memory_space<vmem>>) offsets(%dma_start3A_147 : memref<128xi32, #tpu.memory_space<vmem>>) semaphore(%arg14 : memref<!tpu.dma_semaphore, #tpu.memory_space<semaphore_mem>>)
      %dma_start3A_151 = arith.constant 1 : i32
      %dma_start3A_152 = arith.constant 0 : i32
      %dma_start3A_153 = tpu.memref_slice %arg10[%dma_start3A_151, %dma_start3A_152] : memref<40x128xi32, #tpu.memory_space<vmem>> -> memref<1x128xi32, #tpu.memory_space<vmem>>
      %dma_start3A_154 = tpu.memref_squeeze %dma_start3A_153 : memref<1x128xi32, #tpu.memory_space<vmem>> -> memref<128xi32, #tpu.memory_space<vmem>>
      %dma_start3A_155 = arith.constant 0 : i32
      %dma_start3A_156 = arith.constant 0 : i32
      %dma_start3A_157 = tpu.memref_slice %arg2[%dma_start3A_155, %dma_start3A_156] : memref<10240x128xf32, #tpu.memory_space<hbm>> -> memref<10240x128xf32, #tpu.memory_space<hbm>>
      tpu.enqueue_indirect_dma source(%dma_start3A_157 : memref<10240x128xf32, #tpu.memory_space<hbm>>) target(%arg13 : memref<128x128xf32, #tpu.memory_space<vmem>>) offsets(%dma_start3A_154 : memref<128xi32, #tpu.memory_space<vmem>>) semaphore(%arg15 : memref<!tpu.dma_semaphore, #tpu.memory_space<semaphore_mem>>)
      %scan3A_158 = arith.constant 0 : i32
      %scan3A_159 = arith.constant 0 : i32
      %scan3A_160 = arith.constant 20 : i32
      %scan3A_161 = arith.addi %scan3A_159, %scan3A_160 : i32
      %scan3A_162 = arith.constant 1 : i32
      %scan3A_163 = scf.for %scan3A_166 = %scan3A_159 to %scan3A_161 step %scan3A_162 iter_args(%scan3A_167 = %scan3A_158) -> (i32)  : i32 {
        %mul3A_168 = arith.constant 2 : i32
        %mul3A_169 = arith.muli %mul3A_168, %scan3A_166 : i32
        %mul3A_170 = arith.constant 2 : i32
        %mul3A_171 = arith.muli %mul3A_170, %scan3A_166 : i32
        %add3A_172 = arith.constant 1 : i32
        %add3A_173 = arith.addi %mul3A_171, %add3A_172 : i32
        %dma_wait3A = arith.constant 0 : i32
        %dma_wait3A_174 = tpu.memref_slice %arg10[%mul3A_169, %dma_wait3A] : memref<40x128xi32, #tpu.memory_space<vmem>> -> memref<1x128xi32, #tpu.memory_space<vmem>>
        %dma_wait3A_175 = tpu.memref_squeeze %dma_wait3A_174 : memref<1x128xi32, #tpu.memory_space<vmem>> -> memref<128xi32, #tpu.memory_space<vmem>>
        %dma_wait3A_176 = arith.constant 0 : i32
        %dma_wait3A_177 = arith.constant 0 : i32
        %dma_wait3A_178 = tpu.memref_slice %arg2[%dma_wait3A_176, %dma_wait3A_177] : memref<10240x128xf32, #tpu.memory_space<hbm>> -> memref<10240x128xf32, #tpu.memory_space<hbm>>
        tpu.wait_indirect_dma semaphore(%arg14 : memref<!tpu.dma_semaphore, #tpu.memory_space<semaphore_mem>>) src(%dma_wait3A_178 : memref<10240x128xf32, #tpu.memory_space<hbm>>) dst(%arg12 : memref<128x128xf32, #tpu.memory_space<vmem>>)
        %dma_start3A_179 = arith.constant 0 : i32
        %dma_start3A_180 = tpu.memref_slice %arg11[%mul3A_169, %dma_start3A_179] : memref<40x128xi32, #tpu.memory_space<vmem>> -> memref<1x128xi32, #tpu.memory_space<vmem>>
        %dma_start3A_181 = tpu.memref_squeeze %dma_start3A_180 : memref<1x128xi32, #tpu.memory_space<vmem>> -> memref<128xi32, #tpu.memory_space<vmem>>
        %dma_start3A_182 = arith.constant 0 : i32
        %dma_start3A_183 = arith.constant 0 : i32
        %dma_start3A_184 = tpu.memref_slice %arg9[%dma_start3A_182, %dma_start3A_183] : memref<10240x128xf32, #tpu.memory_space<vmem_shared>> -> memref<10240x128xf32, #tpu.memory_space<vmem_shared>>
        tpu.enqueue_indirect_dma source(%arg12 : memref<128x128xf32, #tpu.memory_space<vmem>>) target(%dma_start3A_184 : memref<10240x128xf32, #tpu.memory_space<vmem_shared>>) offsets(%dma_start3A_181 : memref<128xi32, #tpu.memory_space<vmem>>) semaphore(%arg16 : memref<!tpu.dma_semaphore, #tpu.memory_space<semaphore_mem>>) {add = true}
        %dma_wait3A_185 = arith.constant 0 : i32
        %dma_wait3A_186 = tpu.memref_slice %arg10[%add3A_173, %dma_wait3A_185] : memref<40x128xi32, #tpu.memory_space<vmem>> -> memref<1x128xi32, #tpu.memory_space<vmem>>
        %dma_wait3A_187 = tpu.memref_squeeze %dma_wait3A_186 : memref<1x128xi32, #tpu.memory_space<vmem>> -> memref<128xi32, #tpu.memory_space<vmem>>
        %dma_wait3A_188 = arith.constant 0 : i32
        %dma_wait3A_189 = arith.constant 0 : i32
        %dma_wait3A_190 = tpu.memref_slice %arg2[%dma_wait3A_188, %dma_wait3A_189] : memref<10240x128xf32, #tpu.memory_space<hbm>> -> memref<10240x128xf32, #tpu.memory_space<hbm>>
        tpu.wait_indirect_dma semaphore(%arg15 : memref<!tpu.dma_semaphore, #tpu.memory_space<semaphore_mem>>) src(%dma_wait3A_190 : memref<10240x128xf32, #tpu.memory_space<hbm>>) dst(%arg13 : memref<128x128xf32, #tpu.memory_space<vmem>>)
        %dma_start3A_191 = arith.constant 0 : i32
        %dma_start3A_192 = tpu.memref_slice %arg11[%add3A_173, %dma_start3A_191] : memref<40x128xi32, #tpu.memory_space<vmem>> -> memref<1x128xi32, #tpu.memory_space<vmem>>
        %dma_start3A_193 = tpu.memref_squeeze %dma_start3A_192 : memref<1x128xi32, #tpu.memory_space<vmem>> -> memref<128xi32, #tpu.memory_space<vmem>>
        %dma_start3A_194 = arith.constant 0 : i32
        %dma_start3A_195 = arith.constant 0 : i32
        %dma_start3A_196 = tpu.memref_slice %arg9[%dma_start3A_194, %dma_start3A_195] : memref<10240x128xf32, #tpu.memory_space<vmem_shared>> -> memref<10240x128xf32, #tpu.memory_space<vmem_shared>>
        tpu.enqueue_indirect_dma source(%arg13 : memref<128x128xf32, #tpu.memory_space<vmem>>) target(%dma_start3A_196 : memref<10240x128xf32, #tpu.memory_space<vmem_shared>>) offsets(%dma_start3A_193 : memref<128xi32, #tpu.memory_space<vmem>>) semaphore(%arg17 : memref<!tpu.dma_semaphore, #tpu.memory_space<semaphore_mem>>) {add = true}
        %dma_wait3A_197 = arith.constant 0 : i32
        %dma_wait3A_198 = tpu.memref_slice %arg11[%mul3A_169, %dma_wait3A_197] : memref<40x128xi32, #tpu.memory_space<vmem>> -> memref<1x128xi32, #tpu.memory_space<vmem>>
        %dma_wait3A_199 = tpu.memref_squeeze %dma_wait3A_198 : memref<1x128xi32, #tpu.memory_space<vmem>> -> memref<128xi32, #tpu.memory_space<vmem>>
        %dma_wait3A_200 = arith.constant 0 : i32
        %dma_wait3A_201 = arith.constant 0 : i32
        %dma_wait3A_202 = tpu.memref_slice %arg9[%dma_wait3A_200, %dma_wait3A_201] : memref<10240x128xf32, #tpu.memory_space<vmem_shared>> -> memref<10240x128xf32, #tpu.memory_space<vmem_shared>>
        tpu.wait_indirect_dma semaphore(%arg16 : memref<!tpu.dma_semaphore, #tpu.memory_space<semaphore_mem>>) src(%arg12 : memref<128x128xf32, #tpu.memory_space<vmem>>) dst(%dma_wait3A_202 : memref<10240x128xf32, #tpu.memory_space<vmem_shared>>)
        %add3A_203 = arith.constant 2 : i32
        %add3A_204 = arith.addi %mul3A_169, %add3A_203 : i32
        %lt3A = arith.constant 40 : i32
        %lt3A_205 = arith.cmpi slt, %add3A_204, %lt3A : i32
        %convert_element_type3A = arith.extui %lt3A_205 : i1 to i32
        %cond3A = arith.constant 0 : i32
        %cond3A_206 = arith.cmpi ne, %convert_element_type3A, %cond3A : i32
        scf.if %cond3A_206 {
          %add3A_221 = arith.constant 2 : i32
          %add3A_222 = arith.addi %mul3A_169, %add3A_221 : i32
          %dma_start3A_223 = arith.constant 0 : i32
          %dma_start3A_224 = tpu.memref_slice %arg10[%add3A_222, %dma_start3A_223] : memref<40x128xi32, #tpu.memory_space<vmem>> -> memref<1x128xi32, #tpu.memory_space<vmem>>
          %dma_start3A_225 = tpu.memref_squeeze %dma_start3A_224 : memref<1x128xi32, #tpu.memory_space<vmem>> -> memref<128xi32, #tpu.memory_space<vmem>>
          %dma_start3A_226 = arith.constant 0 : i32
          %dma_start3A_227 = arith.constant 0 : i32
          %dma_start3A_228 = tpu.memref_slice %arg2[%dma_start3A_226, %dma_start3A_227] : memref<10240x128xf32, #tpu.memory_space<hbm>> -> memref<10240x128xf32, #tpu.memory_space<hbm>>
          tpu.enqueue_indirect_dma source(%dma_start3A_228 : memref<10240x128xf32, #tpu.memory_space<hbm>>) target(%arg12 : memref<128x128xf32, #tpu.memory_space<vmem>>) offsets(%dma_start3A_225 : memref<128xi32, #tpu.memory_space<vmem>>) semaphore(%arg14 : memref<!tpu.dma_semaphore, #tpu.memory_space<semaphore_mem>>)
        } else {
        }
        %dma_wait3A_207 = arith.constant 0 : i32
        %dma_wait3A_208 = tpu.memref_slice %arg11[%add3A_173, %dma_wait3A_207] : memref<40x128xi32, #tpu.memory_space<vmem>> -> memref<1x128xi32, #tpu.memory_space<vmem>>
        %dma_wait3A_209 = tpu.memref_squeeze %dma_wait3A_208 : memref<1x128xi32, #tpu.memory_space<vmem>> -> memref<128xi32, #tpu.memory_space<vmem>>
        %dma_wait3A_210 = arith.constant 0 : i32
        %dma_wait3A_211 = arith.constant 0 : i32
        %dma_wait3A_212 = tpu.memref_slice %arg9[%dma_wait3A_210, %dma_wait3A_211] : memref<10240x128xf32, #tpu.memory_space<vmem_shared>> -> memref<10240x128xf32, #tpu.memory_space<vmem_shared>>
        tpu.wait_indirect_dma semaphore(%arg17 : memref<!tpu.dma_semaphore, #tpu.memory_space<semaphore_mem>>) src(%arg13 : memref<128x128xf32, #tpu.memory_space<vmem>>) dst(%dma_wait3A_212 : memref<10240x128xf32, #tpu.memory_space<vmem_shared>>)
        %add3A_213 = arith.constant 2 : i32
        %add3A_214 = arith.addi %add3A_173, %add3A_213 : i32
        %lt3A_215 = arith.constant 40 : i32
        %lt3A_216 = arith.cmpi slt, %add3A_214, %lt3A_215 : i32
        %convert_element_type3A_217 = arith.extui %lt3A_216 : i1 to i32
        %cond3A_218 = arith.constant 0 : i32
        %cond3A_219 = arith.cmpi ne, %convert_element_type3A_217, %cond3A_218 : i32
        scf.if %cond3A_219 {
          %add3A_221 = arith.constant 2 : i32
          %add3A_222 = arith.addi %add3A_173, %add3A_221 : i32
          %dma_start3A_223 = arith.constant 0 : i32
          %dma_start3A_224 = tpu.memref_slice %arg10[%add3A_222, %dma_start3A_223] : memref<40x128xi32, #tpu.memory_space<vmem>> -> memref<1x128xi32, #tpu.memory_space<vmem>>
          %dma_start3A_225 = tpu.memref_squeeze %dma_start3A_224 : memref<1x128xi32, #tpu.memory_space<vmem>> -> memref<128xi32, #tpu.memory_space<vmem>>
          %dma_start3A_226 = arith.constant 0 : i32
          %dma_start3A_227 = arith.constant 0 : i32
          %dma_start3A_228 = tpu.memref_slice %arg2[%dma_start3A_226, %dma_start3A_227] : memref<10240x128xf32, #tpu.memory_space<hbm>> -> memref<10240x128xf32, #tpu.memory_space<hbm>>
          tpu.enqueue_indirect_dma source(%dma_start3A_228 : memref<10240x128xf32, #tpu.memory_space<hbm>>) target(%arg13 : memref<128x128xf32, #tpu.memory_space<vmem>>) offsets(%dma_start3A_225 : memref<128xi32, #tpu.memory_space<vmem>>) semaphore(%arg15 : memref<!tpu.dma_semaphore, #tpu.memory_space<semaphore_mem>>)
        } else {
        }
        %scan3A_220 = arith.constant 0 : i32
        scf.yield %scan3A_220 : i32
      }
      %scan3A_164 = arith.constant 20 : i32
      %while3A_165 = arith.constant 0 : i32
      scf.yield %while3A_165 : i32
    }
    %while3A_45 = arith.constant 1 : i32
    %while3A_46 = scf.for %while3A_141 = %while3A_42 to %while3A_38 step %while3A_45 iter_args(%while3A_142 = %while3A_44) -> (i32)  : i32 {
      %add3A_143 = arith.addi %select_n3A, %while3A_141 : i32
      "tpu.region"() ({
        %run_scoped3A_166 = tpu.sem_alloc : memref<!tpu.dma_semaphore, #tpu.memory_space<semaphore_mem>>
        %dma_start3A_167 = arith.constant 0 : i32
        %dma_start3A_168 = arith.constant 0 : i32
        %dma_start3A_169 = tpu.memref_slice %arg4[%add3A_143, %dma_start3A_167, %dma_start3A_168] : memref<64x40x128xi32, #tpu.memory_space<hbm>> -> memref<1x40x128xi32, #tpu.memory_space<hbm>>
        %dma_start3A_170 = tpu.memref_squeeze %dma_start3A_169 : memref<1x40x128xi32, #tpu.memory_space<hbm>> -> memref<40x128xi32, #tpu.memory_space<hbm>>
        %dma_start3A_171 = arith.constant 0 : i32
        %dma_start3A_172 = arith.constant 0 : i32
        %dma_start3A_173 = tpu.memref_slice %arg4[%add3A_143, %dma_start3A_171, %dma_start3A_172] : memref<64x40x128xi32, #tpu.memory_space<hbm>> -> memref<1x40x128xi32, #tpu.memory_space<hbm>>
        %dma_start3A_174 = tpu.memref_squeeze %dma_start3A_173 : memref<1x40x128xi32, #tpu.memory_space<hbm>> -> memref<40x128xi32, #tpu.memory_space<hbm>>
        tpu.enqueue_dma source(%dma_start3A_174 : memref<40x128xi32, #tpu.memory_space<hbm>>) target(%arg10 : memref<40x128xi32, #tpu.memory_space<vmem>>) target_semaphore(%run_scoped3A_166 : memref<!tpu.dma_semaphore, #tpu.memory_space<semaphore_mem>>)
        %dma_wait3A = arith.constant 0 : i32
        %dma_wait3A_175 = arith.constant 0 : i32
        %dma_wait3A_176 = tpu.memref_slice %arg4[%add3A_143, %dma_wait3A, %dma_wait3A_175] : memref<64x40x128xi32, #tpu.memory_space<hbm>> -> memref<1x40x128xi32, #tpu.memory_space<hbm>>
        %dma_wait3A_177 = tpu.memref_squeeze %dma_wait3A_176 : memref<1x40x128xi32, #tpu.memory_space<hbm>> -> memref<40x128xi32, #tpu.memory_space<hbm>>
        %dma_wait3A_178 = arith.constant 0 : i32
        %dma_wait3A_179 = arith.constant 0 : i32
        %dma_wait3A_180 = tpu.memref_slice %arg4[%add3A_143, %dma_wait3A_178, %dma_wait3A_179] : memref<64x40x128xi32, #tpu.memory_space<hbm>> -> memref<1x40x128xi32, #tpu.memory_space<hbm>>
        %dma_wait3A_181 = tpu.memref_squeeze %dma_wait3A_180 : memref<1x40x128xi32, #tpu.memory_space<hbm>> -> memref<40x128xi32, #tpu.memory_space<hbm>>
        tpu.wait_dma2 semaphore(%run_scoped3A_166 : memref<!tpu.dma_semaphore, #tpu.memory_space<semaphore_mem>>) src(%dma_wait3A_181 : memref<40x128xi32, #tpu.memory_space<hbm>>) dst(%arg10 : memref<40x128xi32, #tpu.memory_space<vmem>>)
        tpu.yield
      }) : () -> ()
      %add3A_144 = arith.addi %select_n3A, %while3A_141 : i32
      "tpu.region"() ({
        %run_scoped3A_166 = tpu.sem_alloc : memref<!tpu.dma_semaphore, #tpu.memory_space<semaphore_mem>>
        %dma_start3A_167 = arith.constant 0 : i32
        %dma_start3A_168 = arith.constant 0 : i32
        %dma_start3A_169 = tpu.memref_slice %arg5[%add3A_144, %dma_start3A_167, %dma_start3A_168] : memref<64x40x128xi32, #tpu.memory_space<hbm>> -> memref<1x40x128xi32, #tpu.memory_space<hbm>>
        %dma_start3A_170 = tpu.memref_squeeze %dma_start3A_169 : memref<1x40x128xi32, #tpu.memory_space<hbm>> -> memref<40x128xi32, #tpu.memory_space<hbm>>
        %dma_start3A_171 = arith.constant 0 : i32
        %dma_start3A_172 = arith.constant 0 : i32
        %dma_start3A_173 = tpu.memref_slice %arg5[%add3A_144, %dma_start3A_171, %dma_start3A_172] : memref<64x40x128xi32, #tpu.memory_space<hbm>> -> memref<1x40x128xi32, #tpu.memory_space<hbm>>
        %dma_start3A_174 = tpu.memref_squeeze %dma_start3A_173 : memref<1x40x128xi32, #tpu.memory_space<hbm>> -> memref<40x128xi32, #tpu.memory_space<hbm>>
        tpu.enqueue_dma source(%dma_start3A_174 : memref<40x128xi32, #tpu.memory_space<hbm>>) target(%arg11 : memref<40x128xi32, #tpu.memory_space<vmem>>) target_semaphore(%run_scoped3A_166 : memref<!tpu.dma_semaphore, #tpu.memory_space<semaphore_mem>>)
        %dma_wait3A = arith.constant 0 : i32
        %dma_wait3A_175 = arith.constant 0 : i32
        %dma_wait3A_176 = tpu.memref_slice %arg5[%add3A_144, %dma_wait3A, %dma_wait3A_175] : memref<64x40x128xi32, #tpu.memory_space<hbm>> -> memref<1x40x128xi32, #tpu.memory_space<hbm>>
        %dma_wait3A_177 = tpu.memref_squeeze %dma_wait3A_176 : memref<1x40x128xi32, #tpu.memory_space<hbm>> -> memref<40x128xi32, #tpu.memory_space<hbm>>
        %dma_wait3A_178 = arith.constant 0 : i32
        %dma_wait3A_179 = arith.constant 0 : i32
        %dma_wait3A_180 = tpu.memref_slice %arg5[%add3A_144, %dma_wait3A_178, %dma_wait3A_179] : memref<64x40x128xi32, #tpu.memory_space<hbm>> -> memref<1x40x128xi32, #tpu.memory_space<hbm>>
        %dma_wait3A_181 = tpu.memref_squeeze %dma_wait3A_180 : memref<1x40x128xi32, #tpu.memory_space<hbm>> -> memref<40x128xi32, #tpu.memory_space<hbm>>
        tpu.wait_dma2 semaphore(%run_scoped3A_166 : memref<!tpu.dma_semaphore, #tpu.memory_space<semaphore_mem>>) src(%dma_wait3A_181 : memref<40x128xi32, #tpu.memory_space<hbm>>) dst(%arg11 : memref<40x128xi32, #tpu.memory_space<vmem>>)
        tpu.yield
      }) : () -> ()
      %dma_start3A = arith.constant 0 : i32
      %dma_start3A_145 = arith.constant 0 : i32
      %dma_start3A_146 = tpu.memref_slice %arg10[%dma_start3A, %dma_start3A_145] : memref<40x128xi32, #tpu.memory_space<vmem>> -> memref<1x128xi32, #tpu.memory_space<vmem>>
      %dma_start3A_147 = tpu.memref_squeeze %dma_start3A_146 : memref<1x128xi32, #tpu.memory_space<vmem>> -> memref<128xi32, #tpu.memory_space<vmem>>
      %dma_start3A_148 = arith.constant 0 : i32
      %dma_start3A_149 = arith.constant 0 : i32
      %dma_start3A_150 = tpu.memref_slice %arg2[%dma_start3A_148, %dma_start3A_149] : memref<10240x128xf32, #tpu.memory_space<hbm>> -> memref<10240x128xf32, #tpu.memory_space<hbm>>
      tpu.enqueue_indirect_dma source(%dma_start3A_150 : memref<10240x128xf32, #tpu.memory_space<hbm>>) target(%arg12 : memref<128x128xf32, #tpu.memory_space<vmem>>) offsets(%dma_start3A_147 : memref<128xi32, #tpu.memory_space<vmem>>) semaphore(%arg14 : memref<!tpu.dma_semaphore, #tpu.memory_space<semaphore_mem>>)
      %dma_start3A_151 = arith.constant 1 : i32
      %dma_start3A_152 = arith.constant 0 : i32
      %dma_start3A_153 = tpu.memref_slice %arg10[%dma_start3A_151, %dma_start3A_152] : memref<40x128xi32, #tpu.memory_space<vmem>> -> memref<1x128xi32, #tpu.memory_space<vmem>>
      %dma_start3A_154 = tpu.memref_squeeze %dma_start3A_153 : memref<1x128xi32, #tpu.memory_space<vmem>> -> memref<128xi32, #tpu.memory_space<vmem>>
      %dma_start3A_155 = arith.constant 0 : i32
      %dma_start3A_156 = arith.constant 0 : i32
      %dma_start3A_157 = tpu.memref_slice %arg2[%dma_start3A_155, %dma_start3A_156] : memref<10240x128xf32, #tpu.memory_space<hbm>> -> memref<10240x128xf32, #tpu.memory_space<hbm>>
      tpu.enqueue_indirect_dma source(%dma_start3A_157 : memref<10240x128xf32, #tpu.memory_space<hbm>>) target(%arg13 : memref<128x128xf32, #tpu.memory_space<vmem>>) offsets(%dma_start3A_154 : memref<128xi32, #tpu.memory_space<vmem>>) semaphore(%arg15 : memref<!tpu.dma_semaphore, #tpu.memory_space<semaphore_mem>>)
      %scan3A_158 = arith.constant 0 : i32
      %scan3A_159 = arith.constant 0 : i32
      %scan3A_160 = arith.constant 20 : i32
      %scan3A_161 = arith.addi %scan3A_159, %scan3A_160 : i32
      %scan3A_162 = arith.constant 1 : i32
      %scan3A_163 = scf.for %scan3A_166 = %scan3A_159 to %scan3A_161 step %scan3A_162 iter_args(%scan3A_167 = %scan3A_158) -> (i32)  : i32 {
        %mul3A_168 = arith.constant 2 : i32
        %mul3A_169 = arith.muli %mul3A_168, %scan3A_166 : i32
        %mul3A_170 = arith.constant 2 : i32
        %mul3A_171 = arith.muli %mul3A_170, %scan3A_166 : i32
        %add3A_172 = arith.constant 1 : i32
        %add3A_173 = arith.addi %mul3A_171, %add3A_172 : i32
        %dma_wait3A = arith.constant 0 : i32
        %dma_wait3A_174 = tpu.memref_slice %arg10[%mul3A_169, %dma_wait3A] : memref<40x128xi32, #tpu.memory_space<vmem>> -> memref<1x128xi32, #tpu.memory_space<vmem>>
        %dma_wait3A_175 = tpu.memref_squeeze %dma_wait3A_174 : memref<1x128xi32, #tpu.memory_space<vmem>> -> memref<128xi32, #tpu.memory_space<vmem>>
        %dma_wait3A_176 = arith.constant 0 : i32
        %dma_wait3A_177 = arith.constant 0 : i32
        %dma_wait3A_178 = tpu.memref_slice %arg2[%dma_wait3A_176, %dma_wait3A_177] : memref<10240x128xf32, #tpu.memory_space<hbm>> -> memref<10240x128xf32, #tpu.memory_space<hbm>>
        tpu.wait_indirect_dma semaphore(%arg14 : memref<!tpu.dma_semaphore, #tpu.memory_space<semaphore_mem>>) src(%dma_wait3A_178 : memref<10240x128xf32, #tpu.memory_space<hbm>>) dst(%arg12 : memref<128x128xf32, #tpu.memory_space<vmem>>)
        %dma_start3A_179 = arith.constant 0 : i32
        %dma_start3A_180 = tpu.memref_slice %arg11[%mul3A_169, %dma_start3A_179] : memref<40x128xi32, #tpu.memory_space<vmem>> -> memref<1x128xi32, #tpu.memory_space<vmem>>
        %dma_start3A_181 = tpu.memref_squeeze %dma_start3A_180 : memref<1x128xi32, #tpu.memory_space<vmem>> -> memref<128xi32, #tpu.memory_space<vmem>>
        %dma_start3A_182 = arith.constant 0 : i32
        %dma_start3A_183 = arith.constant 0 : i32
        %dma_start3A_184 = tpu.memref_slice %arg9[%dma_start3A_182, %dma_start3A_183] : memref<10240x128xf32, #tpu.memory_space<vmem_shared>> -> memref<10240x128xf32, #tpu.memory_space<vmem_shared>>
        tpu.enqueue_indirect_dma source(%arg12 : memref<128x128xf32, #tpu.memory_space<vmem>>) target(%dma_start3A_184 : memref<10240x128xf32, #tpu.memory_space<vmem_shared>>) offsets(%dma_start3A_181 : memref<128xi32, #tpu.memory_space<vmem>>) semaphore(%arg16 : memref<!tpu.dma_semaphore, #tpu.memory_space<semaphore_mem>>) {add = true}
        %dma_wait3A_185 = arith.constant 0 : i32
        %dma_wait3A_186 = tpu.memref_slice %arg10[%add3A_173, %dma_wait3A_185] : memref<40x128xi32, #tpu.memory_space<vmem>> -> memref<1x128xi32, #tpu.memory_space<vmem>>
        %dma_wait3A_187 = tpu.memref_squeeze %dma_wait3A_186 : memref<1x128xi32, #tpu.memory_space<vmem>> -> memref<128xi32, #tpu.memory_space<vmem>>
        %dma_wait3A_188 = arith.constant 0 : i32
        %dma_wait3A_189 = arith.constant 0 : i32
        %dma_wait3A_190 = tpu.memref_slice %arg2[%dma_wait3A_188, %dma_wait3A_189] : memref<10240x128xf32, #tpu.memory_space<hbm>> -> memref<10240x128xf32, #tpu.memory_space<hbm>>
        tpu.wait_indirect_dma semaphore(%arg15 : memref<!tpu.dma_semaphore, #tpu.memory_space<semaphore_mem>>) src(%dma_wait3A_190 : memref<10240x128xf32, #tpu.memory_space<hbm>>) dst(%arg13 : memref<128x128xf32, #tpu.memory_space<vmem>>)
        %dma_start3A_191 = arith.constant 0 : i32
        %dma_start3A_192 = tpu.memref_slice %arg11[%add3A_173, %dma_start3A_191] : memref<40x128xi32, #tpu.memory_space<vmem>> -> memref<1x128xi32, #tpu.memory_space<vmem>>
        %dma_start3A_193 = tpu.memref_squeeze %dma_start3A_192 : memref<1x128xi32, #tpu.memory_space<vmem>> -> memref<128xi32, #tpu.memory_space<vmem>>
        %dma_start3A_194 = arith.constant 0 : i32
        %dma_start3A_195 = arith.constant 0 : i32
        %dma_start3A_196 = tpu.memref_slice %arg9[%dma_start3A_194, %dma_start3A_195] : memref<10240x128xf32, #tpu.memory_space<vmem_shared>> -> memref<10240x128xf32, #tpu.memory_space<vmem_shared>>
        tpu.enqueue_indirect_dma source(%arg13 : memref<128x128xf32, #tpu.memory_space<vmem>>) target(%dma_start3A_196 : memref<10240x128xf32, #tpu.memory_space<vmem_shared>>) offsets(%dma_start3A_193 : memref<128xi32, #tpu.memory_space<vmem>>) semaphore(%arg17 : memref<!tpu.dma_semaphore, #tpu.memory_space<semaphore_mem>>) {add = true}
        %dma_wait3A_197 = arith.constant 0 : i32
        %dma_wait3A_198 = tpu.memref_slice %arg11[%mul3A_169, %dma_wait3A_197] : memref<40x128xi32, #tpu.memory_space<vmem>> -> memref<1x128xi32, #tpu.memory_space<vmem>>
        %dma_wait3A_199 = tpu.memref_squeeze %dma_wait3A_198 : memref<1x128xi32, #tpu.memory_space<vmem>> -> memref<128xi32, #tpu.memory_space<vmem>>
        %dma_wait3A_200 = arith.constant 0 : i32
        %dma_wait3A_201 = arith.constant 0 : i32
        %dma_wait3A_202 = tpu.memref_slice %arg9[%dma_wait3A_200, %dma_wait3A_201] : memref<10240x128xf32, #tpu.memory_space<vmem_shared>> -> memref<10240x128xf32, #tpu.memory_space<vmem_shared>>
        tpu.wait_indirect_dma semaphore(%arg16 : memref<!tpu.dma_semaphore, #tpu.memory_space<semaphore_mem>>) src(%arg12 : memref<128x128xf32, #tpu.memory_space<vmem>>) dst(%dma_wait3A_202 : memref<10240x128xf32, #tpu.memory_space<vmem_shared>>)
        %add3A_203 = arith.constant 2 : i32
        %add3A_204 = arith.addi %mul3A_169, %add3A_203 : i32
        %lt3A = arith.constant 40 : i32
        %lt3A_205 = arith.cmpi slt, %add3A_204, %lt3A : i32
        %convert_element_type3A = arith.extui %lt3A_205 : i1 to i32
        %cond3A = arith.constant 0 : i32
        %cond3A_206 = arith.cmpi ne, %convert_element_type3A, %cond3A : i32
        scf.if %cond3A_206 {
          %add3A_221 = arith.constant 2 : i32
          %add3A_222 = arith.addi %mul3A_169, %add3A_221 : i32
          %dma_start3A_223 = arith.constant 0 : i32
          %dma_start3A_224 = tpu.memref_slice %arg10[%add3A_222, %dma_start3A_223] : memref<40x128xi32, #tpu.memory_space<vmem>> -> memref<1x128xi32, #tpu.memory_space<vmem>>
          %dma_start3A_225 = tpu.memref_squeeze %dma_start3A_224 : memref<1x128xi32, #tpu.memory_space<vmem>> -> memref<128xi32, #tpu.memory_space<vmem>>
          %dma_start3A_226 = arith.constant 0 : i32
          %dma_start3A_227 = arith.constant 0 : i32
          %dma_start3A_228 = tpu.memref_slice %arg2[%dma_start3A_226, %dma_start3A_227] : memref<10240x128xf32, #tpu.memory_space<hbm>> -> memref<10240x128xf32, #tpu.memory_space<hbm>>
          tpu.enqueue_indirect_dma source(%dma_start3A_228 : memref<10240x128xf32, #tpu.memory_space<hbm>>) target(%arg12 : memref<128x128xf32, #tpu.memory_space<vmem>>) offsets(%dma_start3A_225 : memref<128xi32, #tpu.memory_space<vmem>>) semaphore(%arg14 : memref<!tpu.dma_semaphore, #tpu.memory_space<semaphore_mem>>)
        } else {
        }
        %dma_wait3A_207 = arith.constant 0 : i32
        %dma_wait3A_208 = tpu.memref_slice %arg11[%add3A_173, %dma_wait3A_207] : memref<40x128xi32, #tpu.memory_space<vmem>> -> memref<1x128xi32, #tpu.memory_space<vmem>>
        %dma_wait3A_209 = tpu.memref_squeeze %dma_wait3A_208 : memref<1x128xi32, #tpu.memory_space<vmem>> -> memref<128xi32, #tpu.memory_space<vmem>>
        %dma_wait3A_210 = arith.constant 0 : i32
        %dma_wait3A_211 = arith.constant 0 : i32
        %dma_wait3A_212 = tpu.memref_slice %arg9[%dma_wait3A_210, %dma_wait3A_211] : memref<10240x128xf32, #tpu.memory_space<vmem_shared>> -> memref<10240x128xf32, #tpu.memory_space<vmem_shared>>
        tpu.wait_indirect_dma semaphore(%arg17 : memref<!tpu.dma_semaphore, #tpu.memory_space<semaphore_mem>>) src(%arg13 : memref<128x128xf32, #tpu.memory_space<vmem>>) dst(%dma_wait3A_212 : memref<10240x128xf32, #tpu.memory_space<vmem_shared>>)
        %add3A_213 = arith.constant 2 : i32
        %add3A_214 = arith.addi %add3A_173, %add3A_213 : i32
        %lt3A_215 = arith.constant 40 : i32
        %lt3A_216 = arith.cmpi slt, %add3A_214, %lt3A_215 : i32
        %convert_element_type3A_217 = arith.extui %lt3A_216 : i1 to i32
        %cond3A_218 = arith.constant 0 : i32
        %cond3A_219 = arith.cmpi ne, %convert_element_type3A_217, %cond3A_218 : i32
        scf.if %cond3A_219 {
          %add3A_221 = arith.constant 2 : i32
          %add3A_222 = arith.addi %add3A_173, %add3A_221 : i32
          %dma_start3A_223 = arith.constant 0 : i32
          %dma_start3A_224 = tpu.memref_slice %arg10[%add3A_222, %dma_start3A_223] : memref<40x128xi32, #tpu.memory_space<vmem>> -> memref<1x128xi32, #tpu.memory_space<vmem>>
          %dma_start3A_225 = tpu.memref_squeeze %dma_start3A_224 : memref<1x128xi32, #tpu.memory_space<vmem>> -> memref<128xi32, #tpu.memory_space<vmem>>
          %dma_start3A_226 = arith.constant 0 : i32
          %dma_start3A_227 = arith.constant 0 : i32
          %dma_start3A_228 = tpu.memref_slice %arg2[%dma_start3A_226, %dma_start3A_227] : memref<10240x128xf32, #tpu.memory_space<hbm>> -> memref<10240x128xf32, #tpu.memory_space<hbm>>
          tpu.enqueue_indirect_dma source(%dma_start3A_228 : memref<10240x128xf32, #tpu.memory_space<hbm>>) target(%arg13 : memref<128x128xf32, #tpu.memory_space<vmem>>) offsets(%dma_start3A_225 : memref<128xi32, #tpu.memory_space<vmem>>) semaphore(%arg15 : memref<!tpu.dma_semaphore, #tpu.memory_space<semaphore_mem>>)
        } else {
        }
        %scan3A_220 = arith.constant 0 : i32
        scf.yield %scan3A_220 : i32
      }
      %scan3A_164 = arith.constant 20 : i32
      %while3A_165 = arith.constant 0 : i32
      scf.yield %while3A_165 : i32
    }
    %barrier3A_47 = arith.constant 0 : index
    tpu.barrier barrier_id(%barrier3A_47)
    "tpu.trace_stop"() : () -> ()
    "tpu.trace_start"() <{level = 10 : i32, message = "rdout0"}> : () -> ()
    %mul3A_48 = arith.constant 640 : i32
    %mul3A_49 = arith.muli %arg1, %mul3A_48 : i32
    %add3A_50 = arith.constant 0 : i32
    %add3A_51 = arith.addi %mul3A_49, %add3A_50 : i32
    "tpu.region"() ({
      %run_scoped3A_141 = tpu.sem_alloc : memref<!tpu.dma_semaphore, #tpu.memory_space<semaphore_mem>>
      %dma_start3A = arith.constant 0 : i32
      %dma_start3A_142 = tpu.memref_slice %arg9[%add3A_51, %dma_start3A] : memref<10240x128xf32, #tpu.memory_space<vmem_shared>> -> memref<128x128xf32, #tpu.memory_space<vmem_shared>>
      %dma_start3A_143 = arith.constant 0 : i32
      %dma_start3A_144 = tpu.memref_slice %arg9[%add3A_51, %dma_start3A_143] : memref<10240x128xf32, #tpu.memory_space<vmem_shared>> -> memref<128x128xf32, #tpu.memory_space<vmem_shared>>
      tpu.enqueue_dma source(%dma_start3A_144 : memref<128x128xf32, #tpu.memory_space<vmem_shared>>) target(%arg12 : memref<128x128xf32, #tpu.memory_space<vmem>>) target_semaphore(%run_scoped3A_141 : memref<!tpu.dma_semaphore, #tpu.memory_space<semaphore_mem>>)
      %dma_wait3A = arith.constant 0 : i32
      %dma_wait3A_145 = tpu.memref_slice %arg9[%add3A_51, %dma_wait3A] : memref<10240x128xf32, #tpu.memory_space<vmem_shared>> -> memref<128x128xf32, #tpu.memory_space<vmem_shared>>
      %dma_wait3A_146 = arith.constant 0 : i32
      %dma_wait3A_147 = tpu.memref_slice %arg9[%add3A_51, %dma_wait3A_146] : memref<10240x128xf32, #tpu.memory_space<vmem_shared>> -> memref<128x128xf32, #tpu.memory_space<vmem_shared>>
      tpu.wait_dma2 semaphore(%run_scoped3A_141 : memref<!tpu.dma_semaphore, #tpu.memory_space<semaphore_mem>>) src(%dma_wait3A_147 : memref<128x128xf32, #tpu.memory_space<vmem_shared>>) dst(%arg12 : memref<128x128xf32, #tpu.memory_space<vmem>>)
      tpu.yield
    }) : () -> ()
    %run_scoped3A = arith.constant 0 : i32
    "tpu.region"() ({
      %run_scoped3A_141 = tpu.sem_alloc : memref<!tpu.dma_semaphore, #tpu.memory_space<semaphore_mem>>
      %dma_start3A = arith.constant 0 : i32
      %dma_start3A_142 = arith.constant 0 : i32
      %dma_start3A_143 = tpu.memref_slice %arg8[%run_scoped3A, %arg0, %arg1, %dma_start3A, %dma_start3A_142] : memref<2x2x16x640x128xf32, #tpu.memory_space<hbm>> -> memref<1x1x1x128x128xf32, #tpu.memory_space<hbm>>
      %dma_start3A_144 = tpu.memref_squeeze %dma_start3A_143 : memref<1x1x1x128x128xf32, #tpu.memory_space<hbm>> -> memref<128x128xf32, #tpu.memory_space<hbm>>
      %dma_start3A_145 = arith.constant 0 : i32
      %dma_start3A_146 = arith.constant 0 : i32
      %dma_start3A_147 = tpu.memref_slice %arg8[%run_scoped3A, %arg0, %arg1, %dma_start3A_145, %dma_start3A_146] : memref<2x2x16x640x128xf32, #tpu.memory_space<hbm>> -> memref<1x1x1x128x128xf32, #tpu.memory_space<hbm>>
      %dma_start3A_148 = tpu.memref_squeeze %dma_start3A_147 : memref<1x1x1x128x128xf32, #tpu.memory_space<hbm>> -> memref<128x128xf32, #tpu.memory_space<hbm>>
      tpu.enqueue_dma source(%arg12 : memref<128x128xf32, #tpu.memory_space<vmem>>) target(%dma_start3A_148 : memref<128x128xf32, #tpu.memory_space<hbm>>) target_semaphore(%run_scoped3A_141 : memref<!tpu.dma_semaphore, #tpu.memory_space<semaphore_mem>>)
      %dma_wait3A = arith.constant 0 : i32
      %dma_wait3A_149 = arith.constant 0 : i32
      %dma_wait3A_150 = tpu.memref_slice %arg8[%run_scoped3A, %arg0, %arg1, %dma_wait3A, %dma_wait3A_149] : memref<2x2x16x640x128xf32, #tpu.memory_space<hbm>> -> memref<1x1x1x128x128xf32, #tpu.memory_space<hbm>>
      %dma_wait3A_151 = tpu.memref_squeeze %dma_wait3A_150 : memref<1x1x1x128x128xf32, #tpu.memory_space<hbm>> -> memref<128x128xf32, #tpu.memory_space<hbm>>
      %dma_wait3A_152 = arith.constant 0 : i32
      %dma_wait3A_153 = arith.constant 0 : i32
      %dma_wait3A_154 = tpu.memref_slice %arg8[%run_scoped3A, %arg0, %arg1, %dma_wait3A_152, %dma_wait3A_153] : memref<2x2x16x640x128xf32, #tpu.memory_space<hbm>> -> memref<1x1x1x128x128xf32, #tpu.memory_space<hbm>>
      %dma_wait3A_155 = tpu.memref_squeeze %dma_wait3A_154 : memref<1x1x1x128x128xf32, #tpu.memory_space<hbm>> -> memref<128x128xf32, #tpu.memory_space<hbm>>
      tpu.wait_dma2 semaphore(%run_scoped3A_141 : memref<!tpu.dma_semaphore, #tpu.memory_space<semaphore_mem>>) src(%arg12 : memref<128x128xf32, #tpu.memory_space<vmem>>) dst(%dma_wait3A_155 : memref<128x128xf32, #tpu.memory_space<hbm>>)
      tpu.yield
    }) : () -> ()
    %mul3A_52 = arith.constant 640 : i32
    %mul3A_53 = arith.muli %arg1, %mul3A_52 : i32
    %add3A_54 = arith.constant 128 : i32
    %add3A_55 = arith.addi %mul3A_53, %add3A_54 : i32
    "tpu.region"() ({
      %run_scoped3A_141 = tpu.sem_alloc : memref<!tpu.dma_semaphore, #tpu.memory_space<semaphore_mem>>
      %dma_start3A = arith.constant 0 : i32
      %dma_start3A_142 = tpu.memref_slice %arg9[%add3A_55, %dma_start3A] : memref<10240x128xf32, #tpu.memory_space<vmem_shared>> -> memref<128x128xf32, #tpu.memory_space<vmem_shared>>
      %dma_start3A_143 = arith.constant 0 : i32
      %dma_start3A_144 = tpu.memref_slice %arg9[%add3A_55, %dma_start3A_143] : memref<10240x128xf32, #tpu.memory_space<vmem_shared>> -> memref<128x128xf32, #tpu.memory_space<vmem_shared>>
      tpu.enqueue_dma source(%dma_start3A_144 : memref<128x128xf32, #tpu.memory_space<vmem_shared>>) target(%arg12 : memref<128x128xf32, #tpu.memory_space<vmem>>) target_semaphore(%run_scoped3A_141 : memref<!tpu.dma_semaphore, #tpu.memory_space<semaphore_mem>>)
      %dma_wait3A = arith.constant 0 : i32
      %dma_wait3A_145 = tpu.memref_slice %arg9[%add3A_55, %dma_wait3A] : memref<10240x128xf32, #tpu.memory_space<vmem_shared>> -> memref<128x128xf32, #tpu.memory_space<vmem_shared>>
      %dma_wait3A_146 = arith.constant 0 : i32
      %dma_wait3A_147 = tpu.memref_slice %arg9[%add3A_55, %dma_wait3A_146] : memref<10240x128xf32, #tpu.memory_space<vmem_shared>> -> memref<128x128xf32, #tpu.memory_space<vmem_shared>>
      tpu.wait_dma2 semaphore(%run_scoped3A_141 : memref<!tpu.dma_semaphore, #tpu.memory_space<semaphore_mem>>) src(%dma_wait3A_147 : memref<128x128xf32, #tpu.memory_space<vmem_shared>>) dst(%arg12 : memref<128x128xf32, #tpu.memory_space<vmem>>)
      tpu.yield
    }) : () -> ()
    %run_scoped3A_56 = arith.constant 0 : i32
    "tpu.region"() ({
      %run_scoped3A_141 = tpu.sem_alloc : memref<!tpu.dma_semaphore, #tpu.memory_space<semaphore_mem>>
      %dma_start3A = arith.constant 128 : i32
      %dma_start3A_142 = arith.constant 0 : i32
      %dma_start3A_143 = tpu.memref_slice %arg8[%run_scoped3A_56, %arg0, %arg1, %dma_start3A, %dma_start3A_142] : memref<2x2x16x640x128xf32, #tpu.memory_space<hbm>> -> memref<1x1x1x128x128xf32, #tpu.memory_space<hbm>>
      %dma_start3A_144 = tpu.memref_squeeze %dma_start3A_143 : memref<1x1x1x128x128xf32, #tpu.memory_space<hbm>> -> memref<128x128xf32, #tpu.memory_space<hbm>>
      %dma_start3A_145 = arith.constant 128 : i32
      %dma_start3A_146 = arith.constant 0 : i32
      %dma_start3A_147 = tpu.memref_slice %arg8[%run_scoped3A_56, %arg0, %arg1, %dma_start3A_145, %dma_start3A_146] : memref<2x2x16x640x128xf32, #tpu.memory_space<hbm>> -> memref<1x1x1x128x128xf32, #tpu.memory_space<hbm>>
      %dma_start3A_148 = tpu.memref_squeeze %dma_start3A_147 : memref<1x1x1x128x128xf32, #tpu.memory_space<hbm>> -> memref<128x128xf32, #tpu.memory_space<hbm>>
      tpu.enqueue_dma source(%arg12 : memref<128x128xf32, #tpu.memory_space<vmem>>) target(%dma_start3A_148 : memref<128x128xf32, #tpu.memory_space<hbm>>) target_semaphore(%run_scoped3A_141 : memref<!tpu.dma_semaphore, #tpu.memory_space<semaphore_mem>>)
      %dma_wait3A = arith.constant 128 : i32
      %dma_wait3A_149 = arith.constant 0 : i32
      %dma_wait3A_150 = tpu.memref_slice %arg8[%run_scoped3A_56, %arg0, %arg1, %dma_wait3A, %dma_wait3A_149] : memref<2x2x16x640x128xf32, #tpu.memory_space<hbm>> -> memref<1x1x1x128x128xf32, #tpu.memory_space<hbm>>
      %dma_wait3A_151 = tpu.memref_squeeze %dma_wait3A_150 : memref<1x1x1x128x128xf32, #tpu.memory_space<hbm>> -> memref<128x128xf32, #tpu.memory_space<hbm>>
      %dma_wait3A_152 = arith.constant 128 : i32
      %dma_wait3A_153 = arith.constant 0 : i32
      %dma_wait3A_154 = tpu.memref_slice %arg8[%run_scoped3A_56, %arg0, %arg1, %dma_wait3A_152, %dma_wait3A_153] : memref<2x2x16x640x128xf32, #tpu.memory_space<hbm>> -> memref<1x1x1x128x128xf32, #tpu.memory_space<hbm>>
      %dma_wait3A_155 = tpu.memref_squeeze %dma_wait3A_154 : memref<1x1x1x128x128xf32, #tpu.memory_space<hbm>> -> memref<128x128xf32, #tpu.memory_space<hbm>>
      tpu.wait_dma2 semaphore(%run_scoped3A_141 : memref<!tpu.dma_semaphore, #tpu.memory_space<semaphore_mem>>) src(%arg12 : memref<128x128xf32, #tpu.memory_space<vmem>>) dst(%dma_wait3A_155 : memref<128x128xf32, #tpu.memory_space<hbm>>)
      tpu.yield
    }) : () -> ()
    %mul3A_57 = arith.constant 640 : i32
    %mul3A_58 = arith.muli %arg1, %mul3A_57 : i32
    %add3A_59 = arith.constant 256 : i32
    %add3A_60 = arith.addi %mul3A_58, %add3A_59 : i32
    "tpu.region"() ({
      %run_scoped3A_141 = tpu.sem_alloc : memref<!tpu.dma_semaphore, #tpu.memory_space<semaphore_mem>>
      %dma_start3A = arith.constant 0 : i32
      %dma_start3A_142 = tpu.memref_slice %arg9[%add3A_60, %dma_start3A] : memref<10240x128xf32, #tpu.memory_space<vmem_shared>> -> memref<128x128xf32, #tpu.memory_space<vmem_shared>>
      %dma_start3A_143 = arith.constant 0 : i32
      %dma_start3A_144 = tpu.memref_slice %arg9[%add3A_60, %dma_start3A_143] : memref<10240x128xf32, #tpu.memory_space<vmem_shared>> -> memref<128x128xf32, #tpu.memory_space<vmem_shared>>
      tpu.enqueue_dma source(%dma_start3A_144 : memref<128x128xf32, #tpu.memory_space<vmem_shared>>) target(%arg12 : memref<128x128xf32, #tpu.memory_space<vmem>>) target_semaphore(%run_scoped3A_141 : memref<!tpu.dma_semaphore, #tpu.memory_space<semaphore_mem>>)
      %dma_wait3A = arith.constant 0 : i32
      %dma_wait3A_145 = tpu.memref_slice %arg9[%add3A_60, %dma_wait3A] : memref<10240x128xf32, #tpu.memory_space<vmem_shared>> -> memref<128x128xf32, #tpu.memory_space<vmem_shared>>
      %dma_wait3A_146 = arith.constant 0 : i32
      %dma_wait3A_147 = tpu.memref_slice %arg9[%add3A_60, %dma_wait3A_146] : memref<10240x128xf32, #tpu.memory_space<vmem_shared>> -> memref<128x128xf32, #tpu.memory_space<vmem_shared>>
      tpu.wait_dma2 semaphore(%run_scoped3A_141 : memref<!tpu.dma_semaphore, #tpu.memory_space<semaphore_mem>>) src(%dma_wait3A_147 : memref<128x128xf32, #tpu.memory_space<vmem_shared>>) dst(%arg12 : memref<128x128xf32, #tpu.memory_space<vmem>>)
      tpu.yield
    }) : () -> ()
    %run_scoped3A_61 = arith.constant 0 : i32
    "tpu.region"() ({
      %run_scoped3A_141 = tpu.sem_alloc : memref<!tpu.dma_semaphore, #tpu.memory_space<semaphore_mem>>
      %dma_start3A = arith.constant 256 : i32
      %dma_start3A_142 = arith.constant 0 : i32
      %dma_start3A_143 = tpu.memref_slice %arg8[%run_scoped3A_61, %arg0, %arg1, %dma_start3A, %dma_start3A_142] : memref<2x2x16x640x128xf32, #tpu.memory_space<hbm>> -> memref<1x1x1x128x128xf32, #tpu.memory_space<hbm>>
      %dma_start3A_144 = tpu.memref_squeeze %dma_start3A_143 : memref<1x1x1x128x128xf32, #tpu.memory_space<hbm>> -> memref<128x128xf32, #tpu.memory_space<hbm>>
      %dma_start3A_145 = arith.constant 256 : i32
      %dma_start3A_146 = arith.constant 0 : i32
      %dma_start3A_147 = tpu.memref_slice %arg8[%run_scoped3A_61, %arg0, %arg1, %dma_start3A_145, %dma_start3A_146] : memref<2x2x16x640x128xf32, #tpu.memory_space<hbm>> -> memref<1x1x1x128x128xf32, #tpu.memory_space<hbm>>
      %dma_start3A_148 = tpu.memref_squeeze %dma_start3A_147 : memref<1x1x1x128x128xf32, #tpu.memory_space<hbm>> -> memref<128x128xf32, #tpu.memory_space<hbm>>
      tpu.enqueue_dma source(%arg12 : memref<128x128xf32, #tpu.memory_space<vmem>>) target(%dma_start3A_148 : memref<128x128xf32, #tpu.memory_space<hbm>>) target_semaphore(%run_scoped3A_141 : memref<!tpu.dma_semaphore, #tpu.memory_space<semaphore_mem>>)
      %dma_wait3A = arith.constant 256 : i32
      %dma_wait3A_149 = arith.constant 0 : i32
      %dma_wait3A_150 = tpu.memref_slice %arg8[%run_scoped3A_61, %arg0, %arg1, %dma_wait3A, %dma_wait3A_149] : memref<2x2x16x640x128xf32, #tpu.memory_space<hbm>> -> memref<1x1x1x128x128xf32, #tpu.memory_space<hbm>>
      %dma_wait3A_151 = tpu.memref_squeeze %dma_wait3A_150 : memref<1x1x1x128x128xf32, #tpu.memory_space<hbm>> -> memref<128x128xf32, #tpu.memory_space<hbm>>
      %dma_wait3A_152 = arith.constant 256 : i32
      %dma_wait3A_153 = arith.constant 0 : i32
      %dma_wait3A_154 = tpu.memref_slice %arg8[%run_scoped3A_61, %arg0, %arg1, %dma_wait3A_152, %dma_wait3A_153] : memref<2x2x16x640x128xf32, #tpu.memory_space<hbm>> -> memref<1x1x1x128x128xf32, #tpu.memory_space<hbm>>
      %dma_wait3A_155 = tpu.memref_squeeze %dma_wait3A_154 : memref<1x1x1x128x128xf32, #tpu.memory_space<hbm>> -> memref<128x128xf32, #tpu.memory_space<hbm>>
      tpu.wait_dma2 semaphore(%run_scoped3A_141 : memref<!tpu.dma_semaphore, #tpu.memory_space<semaphore_mem>>) src(%arg12 : memref<128x128xf32, #tpu.memory_space<vmem>>) dst(%dma_wait3A_155 : memref<128x128xf32, #tpu.memory_space<hbm>>)
      tpu.yield
    }) : () -> ()
    %mul3A_62 = arith.constant 640 : i32
    %mul3A_63 = arith.muli %arg1, %mul3A_62 : i32
    %add3A_64 = arith.constant 384 : i32
    %add3A_65 = arith.addi %mul3A_63, %add3A_64 : i32
    "tpu.region"() ({
      %run_scoped3A_141 = tpu.sem_alloc : memref<!tpu.dma_semaphore, #tpu.memory_space<semaphore_mem>>
      %dma_start3A = arith.constant 0 : i32
      %dma_start3A_142 = tpu.memref_slice %arg9[%add3A_65, %dma_start3A] : memref<10240x128xf32, #tpu.memory_space<vmem_shared>> -> memref<128x128xf32, #tpu.memory_space<vmem_shared>>
      %dma_start3A_143 = arith.constant 0 : i32
      %dma_start3A_144 = tpu.memref_slice %arg9[%add3A_65, %dma_start3A_143] : memref<10240x128xf32, #tpu.memory_space<vmem_shared>> -> memref<128x128xf32, #tpu.memory_space<vmem_shared>>
      tpu.enqueue_dma source(%dma_start3A_144 : memref<128x128xf32, #tpu.memory_space<vmem_shared>>) target(%arg12 : memref<128x128xf32, #tpu.memory_space<vmem>>) target_semaphore(%run_scoped3A_141 : memref<!tpu.dma_semaphore, #tpu.memory_space<semaphore_mem>>)
      %dma_wait3A = arith.constant 0 : i32
      %dma_wait3A_145 = tpu.memref_slice %arg9[%add3A_65, %dma_wait3A] : memref<10240x128xf32, #tpu.memory_space<vmem_shared>> -> memref<128x128xf32, #tpu.memory_space<vmem_shared>>
      %dma_wait3A_146 = arith.constant 0 : i32
      %dma_wait3A_147 = tpu.memref_slice %arg9[%add3A_65, %dma_wait3A_146] : memref<10240x128xf32, #tpu.memory_space<vmem_shared>> -> memref<128x128xf32, #tpu.memory_space<vmem_shared>>
      tpu.wait_dma2 semaphore(%run_scoped3A_141 : memref<!tpu.dma_semaphore, #tpu.memory_space<semaphore_mem>>) src(%dma_wait3A_147 : memref<128x128xf32, #tpu.memory_space<vmem_shared>>) dst(%arg12 : memref<128x128xf32, #tpu.memory_space<vmem>>)
      tpu.yield
    }) : () -> ()
    %run_scoped3A_66 = arith.constant 0 : i32
    "tpu.region"() ({
      %run_scoped3A_141 = tpu.sem_alloc : memref<!tpu.dma_semaphore, #tpu.memory_space<semaphore_mem>>
      %dma_start3A = arith.constant 384 : i32
      %dma_start3A_142 = arith.constant 0 : i32
      %dma_start3A_143 = tpu.memref_slice %arg8[%run_scoped3A_66, %arg0, %arg1, %dma_start3A, %dma_start3A_142] : memref<2x2x16x640x128xf32, #tpu.memory_space<hbm>> -> memref<1x1x1x128x128xf32, #tpu.memory_space<hbm>>
      %dma_start3A_144 = tpu.memref_squeeze %dma_start3A_143 : memref<1x1x1x128x128xf32, #tpu.memory_space<hbm>> -> memref<128x128xf32, #tpu.memory_space<hbm>>
      %dma_start3A_145 = arith.constant 384 : i32
      %dma_start3A_146 = arith.constant 0 : i32
      %dma_start3A_147 = tpu.memref_slice %arg8[%run_scoped3A_66, %arg0, %arg1, %dma_start3A_145, %dma_start3A_146] : memref<2x2x16x640x128xf32, #tpu.memory_space<hbm>> -> memref<1x1x1x128x128xf32, #tpu.memory_space<hbm>>
      %dma_start3A_148 = tpu.memref_squeeze %dma_start3A_147 : memref<1x1x1x128x128xf32, #tpu.memory_space<hbm>> -> memref<128x128xf32, #tpu.memory_space<hbm>>
      tpu.enqueue_dma source(%arg12 : memref<128x128xf32, #tpu.memory_space<vmem>>) target(%dma_start3A_148 : memref<128x128xf32, #tpu.memory_space<hbm>>) target_semaphore(%run_scoped3A_141 : memref<!tpu.dma_semaphore, #tpu.memory_space<semaphore_mem>>)
      %dma_wait3A = arith.constant 384 : i32
      %dma_wait3A_149 = arith.constant 0 : i32
      %dma_wait3A_150 = tpu.memref_slice %arg8[%run_scoped3A_66, %arg0, %arg1, %dma_wait3A, %dma_wait3A_149] : memref<2x2x16x640x128xf32, #tpu.memory_space<hbm>> -> memref<1x1x1x128x128xf32, #tpu.memory_space<hbm>>
      %dma_wait3A_151 = tpu.memref_squeeze %dma_wait3A_150 : memref<1x1x1x128x128xf32, #tpu.memory_space<hbm>> -> memref<128x128xf32, #tpu.memory_space<hbm>>
      %dma_wait3A_152 = arith.constant 384 : i32
      %dma_wait3A_153 = arith.constant 0 : i32
      %dma_wait3A_154 = tpu.memref_slice %arg8[%run_scoped3A_66, %arg0, %arg1, %dma_wait3A_152, %dma_wait3A_153] : memref<2x2x16x640x128xf32, #tpu.memory_space<hbm>> -> memref<1x1x1x128x128xf32, #tpu.memory_space<hbm>>
      %dma_wait3A_155 = tpu.memref_squeeze %dma_wait3A_154 : memref<1x1x1x128x128xf32, #tpu.memory_space<hbm>> -> memref<128x128xf32, #tpu.memory_space<hbm>>
      tpu.wait_dma2 semaphore(%run_scoped3A_141 : memref<!tpu.dma_semaphore, #tpu.memory_space<semaphore_mem>>) src(%arg12 : memref<128x128xf32, #tpu.memory_space<vmem>>) dst(%dma_wait3A_155 : memref<128x128xf32, #tpu.memory_space<hbm>>)
      tpu.yield
    }) : () -> ()
    %mul3A_67 = arith.constant 640 : i32
    %mul3A_68 = arith.muli %arg1, %mul3A_67 : i32
    %add3A_69 = arith.constant 512 : i32
    %add3A_70 = arith.addi %mul3A_68, %add3A_69 : i32
    "tpu.region"() ({
      %run_scoped3A_141 = tpu.sem_alloc : memref<!tpu.dma_semaphore, #tpu.memory_space<semaphore_mem>>
      %dma_start3A = arith.constant 0 : i32
      %dma_start3A_142 = tpu.memref_slice %arg9[%add3A_70, %dma_start3A] : memref<10240x128xf32, #tpu.memory_space<vmem_shared>> -> memref<128x128xf32, #tpu.memory_space<vmem_shared>>
      %dma_start3A_143 = arith.constant 0 : i32
      %dma_start3A_144 = tpu.memref_slice %arg9[%add3A_70, %dma_start3A_143] : memref<10240x128xf32, #tpu.memory_space<vmem_shared>> -> memref<128x128xf32, #tpu.memory_space<vmem_shared>>
      tpu.enqueue_dma source(%dma_start3A_144 : memref<128x128xf32, #tpu.memory_space<vmem_shared>>) target(%arg12 : memref<128x128xf32, #tpu.memory_space<vmem>>) target_semaphore(%run_scoped3A_141 : memref<!tpu.dma_semaphore, #tpu.memory_space<semaphore_mem>>)
      %dma_wait3A = arith.constant 0 : i32
      %dma_wait3A_145 = tpu.memref_slice %arg9[%add3A_70, %dma_wait3A] : memref<10240x128xf32, #tpu.memory_space<vmem_shared>> -> memref<128x128xf32, #tpu.memory_space<vmem_shared>>
      %dma_wait3A_146 = arith.constant 0 : i32
      %dma_wait3A_147 = tpu.memref_slice %arg9[%add3A_70, %dma_wait3A_146] : memref<10240x128xf32, #tpu.memory_space<vmem_shared>> -> memref<128x128xf32, #tpu.memory_space<vmem_shared>>
      tpu.wait_dma2 semaphore(%run_scoped3A_141 : memref<!tpu.dma_semaphore, #tpu.memory_space<semaphore_mem>>) src(%dma_wait3A_147 : memref<128x128xf32, #tpu.memory_space<vmem_shared>>) dst(%arg12 : memref<128x128xf32, #tpu.memory_space<vmem>>)
      tpu.yield
    }) : () -> ()
    %run_scoped3A_71 = arith.constant 0 : i32
    "tpu.region"() ({
      %run_scoped3A_141 = tpu.sem_alloc : memref<!tpu.dma_semaphore, #tpu.memory_space<semaphore_mem>>
      %dma_start3A = arith.constant 512 : i32
      %dma_start3A_142 = arith.constant 0 : i32
      %dma_start3A_143 = tpu.memref_slice %arg8[%run_scoped3A_71, %arg0, %arg1, %dma_start3A, %dma_start3A_142] : memref<2x2x16x640x128xf32, #tpu.memory_space<hbm>> -> memref<1x1x1x128x128xf32, #tpu.memory_space<hbm>>
      %dma_start3A_144 = tpu.memref_squeeze %dma_start3A_143 : memref<1x1x1x128x128xf32, #tpu.memory_space<hbm>> -> memref<128x128xf32, #tpu.memory_space<hbm>>
      %dma_start3A_145 = arith.constant 512 : i32
      %dma_start3A_146 = arith.constant 0 : i32
      %dma_start3A_147 = tpu.memref_slice %arg8[%run_scoped3A_71, %arg0, %arg1, %dma_start3A_145, %dma_start3A_146] : memref<2x2x16x640x128xf32, #tpu.memory_space<hbm>> -> memref<1x1x1x128x128xf32, #tpu.memory_space<hbm>>
      %dma_start3A_148 = tpu.memref_squeeze %dma_start3A_147 : memref<1x1x1x128x128xf32, #tpu.memory_space<hbm>> -> memref<128x128xf32, #tpu.memory_space<hbm>>
      tpu.enqueue_dma source(%arg12 : memref<128x128xf32, #tpu.memory_space<vmem>>) target(%dma_start3A_148 : memref<128x128xf32, #tpu.memory_space<hbm>>) target_semaphore(%run_scoped3A_141 : memref<!tpu.dma_semaphore, #tpu.memory_space<semaphore_mem>>)
      %dma_wait3A = arith.constant 512 : i32
      %dma_wait3A_149 = arith.constant 0 : i32
      %dma_wait3A_150 = tpu.memref_slice %arg8[%run_scoped3A_71, %arg0, %arg1, %dma_wait3A, %dma_wait3A_149] : memref<2x2x16x640x128xf32, #tpu.memory_space<hbm>> -> memref<1x1x1x128x128xf32, #tpu.memory_space<hbm>>
      %dma_wait3A_151 = tpu.memref_squeeze %dma_wait3A_150 : memref<1x1x1x128x128xf32, #tpu.memory_space<hbm>> -> memref<128x128xf32, #tpu.memory_space<hbm>>
      %dma_wait3A_152 = arith.constant 512 : i32
      %dma_wait3A_153 = arith.constant 0 : i32
      %dma_wait3A_154 = tpu.memref_slice %arg8[%run_scoped3A_71, %arg0, %arg1, %dma_wait3A_152, %dma_wait3A_153] : memref<2x2x16x640x128xf32, #tpu.memory_space<hbm>> -> memref<1x1x1x128x128xf32, #tpu.memory_space<hbm>>
      %dma_wait3A_155 = tpu.memref_squeeze %dma_wait3A_154 : memref<1x1x1x128x128xf32, #tpu.memory_space<hbm>> -> memref<128x128xf32, #tpu.memory_space<hbm>>
      tpu.wait_dma2 semaphore(%run_scoped3A_141 : memref<!tpu.dma_semaphore, #tpu.memory_space<semaphore_mem>>) src(%arg12 : memref<128x128xf32, #tpu.memory_space<vmem>>) dst(%dma_wait3A_155 : memref<128x128xf32, #tpu.memory_space<hbm>>)
      tpu.yield
    }) : () -> ()
    %barrier3A_72 = arith.constant 0 : index
    tpu.barrier barrier_id(%barrier3A_72)
    %broadcast_in_dim3A_73 = arith.constant 0.000000e+00 : f32
    "tpu.trace_stop"() : () -> ()
    "tpu.trace_start"() <{level = 10 : i32, message = "zero1"}> : () -> ()
    %broadcast_in_dim3A_74 = vector.broadcast %broadcast_in_dim3A_73 : f32 to vector<16xf32>
    %scan3A_75 = arith.constant 0 : i32
    %scan3A_76 = arith.constant 0 : i32
    %scan3A_77 = arith.constant 128 : i32
    %scan3A_78 = arith.addi %scan3A_76, %scan3A_77 : i32
    %scan3A_79 = arith.constant 1 : i32
    %scan3A_80 = scf.for %scan3A_141 = %scan3A_76 to %scan3A_78 step %scan3A_79 iter_args(%scan3A_142 = %scan3A_75) -> (i32)  : i32 {
      %swap3A = arith.index_cast %scan3A_141 : i32 to index
      %swap3A_143 = arith.constant 0 : index
      %swap3A_144 = tpu.vector_load %arg12[%swap3A, %swap3A_143] {strides = array<i32>} : memref<128x128xf32, #tpu.memory_space<vmem>>, vector<1x16xf32>,
      %swap3A_145 = vector.shape_cast %swap3A_144 : vector<1x16xf32> to vector<16xf32>
      %swap3A_146 = vector.shape_cast %broadcast_in_dim3A_74 : vector<16xf32> to vector<1x16xf32>
      tpu.vector_store %arg12[%swap3A, %swap3A_143], %swap3A_146 {strides = array<i32>} : memref<128x128xf32, #tpu.memory_space<vmem>>, vector<1x16xf32>,
      %swap3A_147 = arith.index_cast %scan3A_141 : i32 to index
      %swap3A_148 = arith.constant 16 : index
      %swap3A_149 = tpu.vector_load %arg12[%swap3A_147, %swap3A_148] {strides = array<i32>} : memref<128x128xf32, #tpu.memory_space<vmem>>, vector<1x16xf32>,
      %swap3A_150 = vector.shape_cast %swap3A_149 : vector<1x16xf32> to vector<16xf32>
      %swap3A_151 = vector.shape_cast %broadcast_in_dim3A_74 : vector<16xf32> to vector<1x16xf32>
      tpu.vector_store %arg12[%swap3A_147, %swap3A_148], %swap3A_151 {strides = array<i32>} : memref<128x128xf32, #tpu.memory_space<vmem>>, vector<1x16xf32>,
      %swap3A_152 = arith.index_cast %scan3A_141 : i32 to index
      %swap3A_153 = arith.constant 32 : index
      %swap3A_154 = tpu.vector_load %arg12[%swap3A_152, %swap3A_153] {strides = array<i32>} : memref<128x128xf32, #tpu.memory_space<vmem>>, vector<1x16xf32>,
      %swap3A_155 = vector.shape_cast %swap3A_154 : vector<1x16xf32> to vector<16xf32>
      %swap3A_156 = vector.shape_cast %broadcast_in_dim3A_74 : vector<16xf32> to vector<1x16xf32>
      tpu.vector_store %arg12[%swap3A_152, %swap3A_153], %swap3A_156 {strides = array<i32>} : memref<128x128xf32, #tpu.memory_space<vmem>>, vector<1x16xf32>,
      %swap3A_157 = arith.index_cast %scan3A_141 : i32 to index
      %swap3A_158 = arith.constant 48 : index
      %swap3A_159 = tpu.vector_load %arg12[%swap3A_157, %swap3A_158] {strides = array<i32>} : memref<128x128xf32, #tpu.memory_space<vmem>>, vector<1x16xf32>,
      %swap3A_160 = vector.shape_cast %swap3A_159 : vector<1x16xf32> to vector<16xf32>
      %swap3A_161 = vector.shape_cast %broadcast_in_dim3A_74 : vector<16xf32> to vector<1x16xf32>
      tpu.vector_store %arg12[%swap3A_157, %swap3A_158], %swap3A_161 {strides = array<i32>} : memref<128x128xf32, #tpu.memory_space<vmem>>, vector<1x16xf32>,
      %swap3A_162 = arith.index_cast %scan3A_141 : i32 to index
      %swap3A_163 = arith.constant 64 : index
      %swap3A_164 = tpu.vector_load %arg12[%swap3A_162, %swap3A_163] {strides = array<i32>} : memref<128x128xf32, #tpu.memory_space<vmem>>, vector<1x16xf32>,
      %swap3A_165 = vector.shape_cast %swap3A_164 : vector<1x16xf32> to vector<16xf32>
      %swap3A_166 = vector.shape_cast %broadcast_in_dim3A_74 : vector<16xf32> to vector<1x16xf32>
      tpu.vector_store %arg12[%swap3A_162, %swap3A_163], %swap3A_166 {strides = array<i32>} : memref<128x128xf32, #tpu.memory_space<vmem>>, vector<1x16xf32>,
      %swap3A_167 = arith.index_cast %scan3A_141 : i32 to index
      %swap3A_168 = arith.constant 80 : index
      %swap3A_169 = tpu.vector_load %arg12[%swap3A_167, %swap3A_168] {strides = array<i32>} : memref<128x128xf32, #tpu.memory_space<vmem>>, vector<1x16xf32>,
      %swap3A_170 = vector.shape_cast %swap3A_169 : vector<1x16xf32> to vector<16xf32>
      %swap3A_171 = vector.shape_cast %broadcast_in_dim3A_74 : vector<16xf32> to vector<1x16xf32>
      tpu.vector_store %arg12[%swap3A_167, %swap3A_168], %swap3A_171 {strides = array<i32>} : memref<128x128xf32, #tpu.memory_space<vmem>>, vector<1x16xf32>,
      %swap3A_172 = arith.index_cast %scan3A_141 : i32 to index
      %swap3A_173 = arith.constant 96 : index
      %swap3A_174 = tpu.vector_load %arg12[%swap3A_172, %swap3A_173] {strides = array<i32>} : memref<128x128xf32, #tpu.memory_space<vmem>>, vector<1x16xf32>,
      %swap3A_175 = vector.shape_cast %swap3A_174 : vector<1x16xf32> to vector<16xf32>
      %swap3A_176 = vector.shape_cast %broadcast_in_dim3A_74 : vector<16xf32> to vector<1x16xf32>
      tpu.vector_store %arg12[%swap3A_172, %swap3A_173], %swap3A_176 {strides = array<i32>} : memref<128x128xf32, #tpu.memory_space<vmem>>, vector<1x16xf32>,
      %swap3A_177 = arith.index_cast %scan3A_141 : i32 to index
      %swap3A_178 = arith.constant 112 : index
      %swap3A_179 = tpu.vector_load %arg12[%swap3A_177, %swap3A_178] {strides = array<i32>} : memref<128x128xf32, #tpu.memory_space<vmem>>, vector<1x16xf32>,
      %swap3A_180 = vector.shape_cast %swap3A_179 : vector<1x16xf32> to vector<16xf32>
      %swap3A_181 = vector.shape_cast %broadcast_in_dim3A_74 : vector<16xf32> to vector<1x16xf32>
      tpu.vector_store %arg12[%swap3A_177, %swap3A_178], %swap3A_181 {strides = array<i32>} : memref<128x128xf32, #tpu.memory_space<vmem>>, vector<1x16xf32>,
      %scan3A_182 = arith.constant 0 : i32
      scf.yield %scan3A_182 : i32
    }
    %scan3A_81 = arith.constant 128 : i32
    %mul3A_82 = arith.constant 640 : i32
    %mul3A_83 = arith.muli %arg1, %mul3A_82 : i32
    %add3A_84 = arith.constant 0 : i32
    %add3A_85 = arith.addi %mul3A_83, %add3A_84 : i32
    "tpu.region"() ({
      %run_scoped3A_141 = tpu.sem_alloc : memref<!tpu.dma_semaphore, #tpu.memory_space<semaphore_mem>>
      %dma_start3A = arith.constant 0 : i32
      %dma_start3A_142 = tpu.memref_slice %arg9[%add3A_85, %dma_start3A] : memref<10240x128xf32, #tpu.memory_space<vmem_shared>> -> memref<128x128xf32, #tpu.memory_space<vmem_shared>>
      %dma_start3A_143 = arith.constant 0 : i32
      %dma_start3A_144 = tpu.memref_slice %arg9[%add3A_85, %dma_start3A_143] : memref<10240x128xf32, #tpu.memory_space<vmem_shared>> -> memref<128x128xf32, #tpu.memory_space<vmem_shared>>
      tpu.enqueue_dma source(%arg12 : memref<128x128xf32, #tpu.memory_space<vmem>>) target(%dma_start3A_144 : memref<128x128xf32, #tpu.memory_space<vmem_shared>>) target_semaphore(%run_scoped3A_141 : memref<!tpu.dma_semaphore, #tpu.memory_space<semaphore_mem>>)
      %dma_wait3A = arith.constant 0 : i32
      %dma_wait3A_145 = tpu.memref_slice %arg9[%add3A_85, %dma_wait3A] : memref<10240x128xf32, #tpu.memory_space<vmem_shared>> -> memref<128x128xf32, #tpu.memory_space<vmem_shared>>
      %dma_wait3A_146 = arith.constant 0 : i32
      %dma_wait3A_147 = tpu.memref_slice %arg9[%add3A_85, %dma_wait3A_146] : memref<10240x128xf32, #tpu.memory_space<vmem_shared>> -> memref<128x128xf32, #tpu.memory_space<vmem_shared>>
      tpu.wait_dma2 semaphore(%run_scoped3A_141 : memref<!tpu.dma_semaphore, #tpu.memory_space<semaphore_mem>>) src(%arg12 : memref<128x128xf32, #tpu.memory_space<vmem>>) dst(%dma_wait3A_147 : memref<128x128xf32, #tpu.memory_space<vmem_shared>>)
      tpu.yield
    }) : () -> ()
    %mul3A_86 = arith.constant 640 : i32
    %mul3A_87 = arith.muli %arg1, %mul3A_86 : i32
    %add3A_88 = arith.constant 128 : i32
    %add3A_89 = arith.addi %mul3A_87, %add3A_88 : i32
    "tpu.region"() ({
      %run_scoped3A_141 = tpu.sem_alloc : memref<!tpu.dma_semaphore, #tpu.memory_space<semaphore_mem>>
      %dma_start3A = arith.constant 0 : i32
      %dma_start3A_142 = tpu.memref_slice %arg9[%add3A_89, %dma_start3A] : memref<10240x128xf32, #tpu.memory_space<vmem_shared>> -> memref<128x128xf32, #tpu.memory_space<vmem_shared>>
      %dma_start3A_143 = arith.constant 0 : i32
      %dma_start3A_144 = tpu.memref_slice %arg9[%add3A_89, %dma_start3A_143] : memref<10240x128xf32, #tpu.memory_space<vmem_shared>> -> memref<128x128xf32, #tpu.memory_space<vmem_shared>>
      tpu.enqueue_dma source(%arg12 : memref<128x128xf32, #tpu.memory_space<vmem>>) target(%dma_start3A_144 : memref<128x128xf32, #tpu.memory_space<vmem_shared>>) target_semaphore(%run_scoped3A_141 : memref<!tpu.dma_semaphore, #tpu.memory_space<semaphore_mem>>)
      %dma_wait3A = arith.constant 0 : i32
      %dma_wait3A_145 = tpu.memref_slice %arg9[%add3A_89, %dma_wait3A] : memref<10240x128xf32, #tpu.memory_space<vmem_shared>> -> memref<128x128xf32, #tpu.memory_space<vmem_shared>>
      %dma_wait3A_146 = arith.constant 0 : i32
      %dma_wait3A_147 = tpu.memref_slice %arg9[%add3A_89, %dma_wait3A_146] : memref<10240x128xf32, #tpu.memory_space<vmem_shared>> -> memref<128x128xf32, #tpu.memory_space<vmem_shared>>
      tpu.wait_dma2 semaphore(%run_scoped3A_141 : memref<!tpu.dma_semaphore, #tpu.memory_space<semaphore_mem>>) src(%arg12 : memref<128x128xf32, #tpu.memory_space<vmem>>) dst(%dma_wait3A_147 : memref<128x128xf32, #tpu.memory_space<vmem_shared>>)
      tpu.yield
    }) : () -> ()
    %mul3A_90 = arith.constant 640 : i32
    %mul3A_91 = arith.muli %arg1, %mul3A_90 : i32
    %add3A_92 = arith.constant 256 : i32
    %add3A_93 = arith.addi %mul3A_91, %add3A_92 : i32
    "tpu.region"() ({
      %run_scoped3A_141 = tpu.sem_alloc : memref<!tpu.dma_semaphore, #tpu.memory_space<semaphore_mem>>
      %dma_start3A = arith.constant 0 : i32
      %dma_start3A_142 = tpu.memref_slice %arg9[%add3A_93, %dma_start3A] : memref<10240x128xf32, #tpu.memory_space<vmem_shared>> -> memref<128x128xf32, #tpu.memory_space<vmem_shared>>
      %dma_start3A_143 = arith.constant 0 : i32
      %dma_start3A_144 = tpu.memref_slice %arg9[%add3A_93, %dma_start3A_143] : memref<10240x128xf32, #tpu.memory_space<vmem_shared>> -> memref<128x128xf32, #tpu.memory_space<vmem_shared>>
      tpu.enqueue_dma source(%arg12 : memref<128x128xf32, #tpu.memory_space<vmem>>) target(%dma_start3A_144 : memref<128x128xf32, #tpu.memory_space<vmem_shared>>) target_semaphore(%run_scoped3A_141 : memref<!tpu.dma_semaphore, #tpu.memory_space<semaphore_mem>>)
      %dma_wait3A = arith.constant 0 : i32
      %dma_wait3A_145 = tpu.memref_slice %arg9[%add3A_93, %dma_wait3A] : memref<10240x128xf32, #tpu.memory_space<vmem_shared>> -> memref<128x128xf32, #tpu.memory_space<vmem_shared>>
      %dma_wait3A_146 = arith.constant 0 : i32
      %dma_wait3A_147 = tpu.memref_slice %arg9[%add3A_93, %dma_wait3A_146] : memref<10240x128xf32, #tpu.memory_space<vmem_shared>> -> memref<128x128xf32, #tpu.memory_space<vmem_shared>>
      tpu.wait_dma2 semaphore(%run_scoped3A_141 : memref<!tpu.dma_semaphore, #tpu.memory_space<semaphore_mem>>) src(%arg12 : memref<128x128xf32, #tpu.memory_space<vmem>>) dst(%dma_wait3A_147 : memref<128x128xf32, #tpu.memory_space<vmem_shared>>)
      tpu.yield
    }) : () -> ()
    %mul3A_94 = arith.constant 640 : i32
    %mul3A_95 = arith.muli %arg1, %mul3A_94 : i32
    %add3A_96 = arith.constant 384 : i32
    %add3A_97 = arith.addi %mul3A_95, %add3A_96 : i32
    "tpu.region"() ({
      %run_scoped3A_141 = tpu.sem_alloc : memref<!tpu.dma_semaphore, #tpu.memory_space<semaphore_mem>>
      %dma_start3A = arith.constant 0 : i32
      %dma_start3A_142 = tpu.memref_slice %arg9[%add3A_97, %dma_start3A] : memref<10240x128xf32, #tpu.memory_space<vmem_shared>> -> memref<128x128xf32, #tpu.memory_space<vmem_shared>>
      %dma_start3A_143 = arith.constant 0 : i32
      %dma_start3A_144 = tpu.memref_slice %arg9[%add3A_97, %dma_start3A_143] : memref<10240x128xf32, #tpu.memory_space<vmem_shared>> -> memref<128x128xf32, #tpu.memory_space<vmem_shared>>
      tpu.enqueue_dma source(%arg12 : memref<128x128xf32, #tpu.memory_space<vmem>>) target(%dma_start3A_144 : memref<128x128xf32, #tpu.memory_space<vmem_shared>>) target_semaphore(%run_scoped3A_141 : memref<!tpu.dma_semaphore, #tpu.memory_space<semaphore_mem>>)
      %dma_wait3A = arith.constant 0 : i32
      %dma_wait3A_145 = tpu.memref_slice %arg9[%add3A_97, %dma_wait3A] : memref<10240x128xf32, #tpu.memory_space<vmem_shared>> -> memref<128x128xf32, #tpu.memory_space<vmem_shared>>
      %dma_wait3A_146 = arith.constant 0 : i32
      %dma_wait3A_147 = tpu.memref_slice %arg9[%add3A_97, %dma_wait3A_146] : memref<10240x128xf32, #tpu.memory_space<vmem_shared>> -> memref<128x128xf32, #tpu.memory_space<vmem_shared>>
      tpu.wait_dma2 semaphore(%run_scoped3A_141 : memref<!tpu.dma_semaphore, #tpu.memory_space<semaphore_mem>>) src(%arg12 : memref<128x128xf32, #tpu.memory_space<vmem>>) dst(%dma_wait3A_147 : memref<128x128xf32, #tpu.memory_space<vmem_shared>>)
      tpu.yield
    }) : () -> ()
    %mul3A_98 = arith.constant 640 : i32
    %mul3A_99 = arith.muli %arg1, %mul3A_98 : i32
    %add3A_100 = arith.constant 512 : i32
    %add3A_101 = arith.addi %mul3A_99, %add3A_100 : i32
    "tpu.region"() ({
      %run_scoped3A_141 = tpu.sem_alloc : memref<!tpu.dma_semaphore, #tpu.memory_space<semaphore_mem>>
      %dma_start3A = arith.constant 0 : i32
      %dma_start3A_142 = tpu.memref_slice %arg9[%add3A_101, %dma_start3A] : memref<10240x128xf32, #tpu.memory_space<vmem_shared>> -> memref<128x128xf32, #tpu.memory_space<vmem_shared>>
      %dma_start3A_143 = arith.constant 0 : i32
      %dma_start3A_144 = tpu.memref_slice %arg9[%add3A_101, %dma_start3A_143] : memref<10240x128xf32, #tpu.memory_space<vmem_shared>> -> memref<128x128xf32, #tpu.memory_space<vmem_shared>>
      tpu.enqueue_dma source(%arg12 : memref<128x128xf32, #tpu.memory_space<vmem>>) target(%dma_start3A_144 : memref<128x128xf32, #tpu.memory_space<vmem_shared>>) target_semaphore(%run_scoped3A_141 : memref<!tpu.dma_semaphore, #tpu.memory_space<semaphore_mem>>)
      %dma_wait3A = arith.constant 0 : i32
      %dma_wait3A_145 = tpu.memref_slice %arg9[%add3A_101, %dma_wait3A] : memref<10240x128xf32, #tpu.memory_space<vmem_shared>> -> memref<128x128xf32, #tpu.memory_space<vmem_shared>>
      %dma_wait3A_146 = arith.constant 0 : i32
      %dma_wait3A_147 = tpu.memref_slice %arg9[%add3A_101, %dma_wait3A_146] : memref<10240x128xf32, #tpu.memory_space<vmem_shared>> -> memref<128x128xf32, #tpu.memory_space<vmem_shared>>
      tpu.wait_dma2 semaphore(%run_scoped3A_141 : memref<!tpu.dma_semaphore, #tpu.memory_space<semaphore_mem>>) src(%arg12 : memref<128x128xf32, #tpu.memory_space<vmem>>) dst(%dma_wait3A_147 : memref<128x128xf32, #tpu.memory_space<vmem_shared>>)
      tpu.yield
    }) : () -> ()
    %barrier3A_102 = arith.constant 0 : index
    tpu.barrier barrier_id(%barrier3A_102)
    %while3A_103 = arith.constant 0 : i32
    %while3A_104 = arith.constant 0 : i32
    "tpu.trace_stop"() : () -> ()
    "tpu.trace_start"() <{level = 10 : i32, message = "edges1"}> : () -> ()
    %while3A_105 = arith.subi %select_n3A_8, %while3A_103 : i32
    %while3A_106 = arith.addi %while3A_103, %while3A_105 : i32
    %while3A_107 = arith.constant 1 : i32
    %while3A_108 = arith.divsi %while3A_105, %while3A_107 : i32
    %while3A_109 = arith.muli %while3A_108, %while3A_107 : i32
    %while3A_110 = arith.addi %while3A_103, %while3A_109 : i32
    %while3A_111 = arith.constant 1 : i32
    %while3A_112 = scf.for %while3A_141 = %while3A_103 to %while3A_110 step %while3A_111 iter_args(%while3A_142 = %while3A_104) -> (i32)  : i32 {
      %add3A_143 = arith.addi %select_n3A, %while3A_141 : i32
      "tpu.region"() ({
        %run_scoped3A_166 = tpu.sem_alloc : memref<!tpu.dma_semaphore, #tpu.memory_space<semaphore_mem>>
        %dma_start3A_167 = arith.constant 0 : i32
        %dma_start3A_168 = arith.constant 0 : i32
        %dma_start3A_169 = tpu.memref_slice %arg6[%add3A_143, %dma_start3A_167, %dma_start3A_168] : memref<64x40x128xi32, #tpu.memory_space<hbm>> -> memref<1x40x128xi32, #tpu.memory_space<hbm>>
        %dma_start3A_170 = tpu.memref_squeeze %dma_start3A_169 : memref<1x40x128xi32, #tpu.memory_space<hbm>> -> memref<40x128xi32, #tpu.memory_space<hbm>>
        %dma_start3A_171 = arith.constant 0 : i32
        %dma_start3A_172 = arith.constant 0 : i32
        %dma_start3A_173 = tpu.memref_slice %arg6[%add3A_143, %dma_start3A_171, %dma_start3A_172] : memref<64x40x128xi32, #tpu.memory_space<hbm>> -> memref<1x40x128xi32, #tpu.memory_space<hbm>>
        %dma_start3A_174 = tpu.memref_squeeze %dma_start3A_173 : memref<1x40x128xi32, #tpu.memory_space<hbm>> -> memref<40x128xi32, #tpu.memory_space<hbm>>
        tpu.enqueue_dma source(%dma_start3A_174 : memref<40x128xi32, #tpu.memory_space<hbm>>) target(%arg10 : memref<40x128xi32, #tpu.memory_space<vmem>>) target_semaphore(%run_scoped3A_166 : memref<!tpu.dma_semaphore, #tpu.memory_space<semaphore_mem>>)
        %dma_wait3A = arith.constant 0 : i32
        %dma_wait3A_175 = arith.constant 0 : i32
        %dma_wait3A_176 = tpu.memref_slice %arg6[%add3A_143, %dma_wait3A, %dma_wait3A_175] : memref<64x40x128xi32, #tpu.memory_space<hbm>> -> memref<1x40x128xi32, #tpu.memory_space<hbm>>
        %dma_wait3A_177 = tpu.memref_squeeze %dma_wait3A_176 : memref<1x40x128xi32, #tpu.memory_space<hbm>> -> memref<40x128xi32, #tpu.memory_space<hbm>>
        %dma_wait3A_178 = arith.constant 0 : i32
        %dma_wait3A_179 = arith.constant 0 : i32
        %dma_wait3A_180 = tpu.memref_slice %arg6[%add3A_143, %dma_wait3A_178, %dma_wait3A_179] : memref<64x40x128xi32, #tpu.memory_space<hbm>> -> memref<1x40x128xi32, #tpu.memory_space<hbm>>
        %dma_wait3A_181 = tpu.memref_squeeze %dma_wait3A_180 : memref<1x40x128xi32, #tpu.memory_space<hbm>> -> memref<40x128xi32, #tpu.memory_space<hbm>>
        tpu.wait_dma2 semaphore(%run_scoped3A_166 : memref<!tpu.dma_semaphore, #tpu.memory_space<semaphore_mem>>) src(%dma_wait3A_181 : memref<40x128xi32, #tpu.memory_space<hbm>>) dst(%arg10 : memref<40x128xi32, #tpu.memory_space<vmem>>)
        tpu.yield
      }) : () -> ()
      %add3A_144 = arith.addi %select_n3A, %while3A_141 : i32
      "tpu.region"() ({
        %run_scoped3A_166 = tpu.sem_alloc : memref<!tpu.dma_semaphore, #tpu.memory_space<semaphore_mem>>
        %dma_start3A_167 = arith.constant 0 : i32
        %dma_start3A_168 = arith.constant 0 : i32
        %dma_start3A_169 = tpu.memref_slice %arg7[%add3A_144, %dma_start3A_167, %dma_start3A_168] : memref<64x40x128xi32, #tpu.memory_space<hbm>> -> memref<1x40x128xi32, #tpu.memory_space<hbm>>
        %dma_start3A_170 = tpu.memref_squeeze %dma_start3A_169 : memref<1x40x128xi32, #tpu.memory_space<hbm>> -> memref<40x128xi32, #tpu.memory_space<hbm>>
        %dma_start3A_171 = arith.constant 0 : i32
        %dma_start3A_172 = arith.constant 0 : i32
        %dma_start3A_173 = tpu.memref_slice %arg7[%add3A_144, %dma_start3A_171, %dma_start3A_172] : memref<64x40x128xi32, #tpu.memory_space<hbm>> -> memref<1x40x128xi32, #tpu.memory_space<hbm>>
        %dma_start3A_174 = tpu.memref_squeeze %dma_start3A_173 : memref<1x40x128xi32, #tpu.memory_space<hbm>> -> memref<40x128xi32, #tpu.memory_space<hbm>>
        tpu.enqueue_dma source(%dma_start3A_174 : memref<40x128xi32, #tpu.memory_space<hbm>>) target(%arg11 : memref<40x128xi32, #tpu.memory_space<vmem>>) target_semaphore(%run_scoped3A_166 : memref<!tpu.dma_semaphore, #tpu.memory_space<semaphore_mem>>)
        %dma_wait3A = arith.constant 0 : i32
        %dma_wait3A_175 = arith.constant 0 : i32
        %dma_wait3A_176 = tpu.memref_slice %arg7[%add3A_144, %dma_wait3A, %dma_wait3A_175] : memref<64x40x128xi32, #tpu.memory_space<hbm>> -> memref<1x40x128xi32, #tpu.memory_space<hbm>>
        %dma_wait3A_177 = tpu.memref_squeeze %dma_wait3A_176 : memref<1x40x128xi32, #tpu.memory_space<hbm>> -> memref<40x128xi32, #tpu.memory_space<hbm>>
        %dma_wait3A_178 = arith.constant 0 : i32
        %dma_wait3A_179 = arith.constant 0 : i32
        %dma_wait3A_180 = tpu.memref_slice %arg7[%add3A_144, %dma_wait3A_178, %dma_wait3A_179] : memref<64x40x128xi32, #tpu.memory_space<hbm>> -> memref<1x40x128xi32, #tpu.memory_space<hbm>>
        %dma_wait3A_181 = tpu.memref_squeeze %dma_wait3A_180 : memref<1x40x128xi32, #tpu.memory_space<hbm>> -> memref<40x128xi32, #tpu.memory_space<hbm>>
        tpu.wait_dma2 semaphore(%run_scoped3A_166 : memref<!tpu.dma_semaphore, #tpu.memory_space<semaphore_mem>>) src(%dma_wait3A_181 : memref<40x128xi32, #tpu.memory_space<hbm>>) dst(%arg11 : memref<40x128xi32, #tpu.memory_space<vmem>>)
        tpu.yield
      }) : () -> ()
      %dma_start3A = arith.constant 0 : i32
      %dma_start3A_145 = arith.constant 0 : i32
      %dma_start3A_146 = tpu.memref_slice %arg10[%dma_start3A, %dma_start3A_145] : memref<40x128xi32, #tpu.memory_space<vmem>> -> memref<1x128xi32, #tpu.memory_space<vmem>>
      %dma_start3A_147 = tpu.memref_squeeze %dma_start3A_146 : memref<1x128xi32, #tpu.memory_space<vmem>> -> memref<128xi32, #tpu.memory_space<vmem>>
      %dma_start3A_148 = arith.constant 0 : i32
      %dma_start3A_149 = arith.constant 0 : i32
      %dma_start3A_150 = tpu.memref_slice %arg3[%dma_start3A_148, %dma_start3A_149] : memref<10240x128xf32, #tpu.memory_space<hbm>> -> memref<10240x128xf32, #tpu.memory_space<hbm>>
      tpu.enqueue_indirect_dma source(%dma_start3A_150 : memref<10240x128xf32, #tpu.memory_space<hbm>>) target(%arg12 : memref<128x128xf32, #tpu.memory_space<vmem>>) offsets(%dma_start3A_147 : memref<128xi32, #tpu.memory_space<vmem>>) semaphore(%arg14 : memref<!tpu.dma_semaphore, #tpu.memory_space<semaphore_mem>>)
      %dma_start3A_151 = arith.constant 1 : i32
      %dma_start3A_152 = arith.constant 0 : i32
      %dma_start3A_153 = tpu.memref_slice %arg10[%dma_start3A_151, %dma_start3A_152] : memref<40x128xi32, #tpu.memory_space<vmem>> -> memref<1x128xi32, #tpu.memory_space<vmem>>
      %dma_start3A_154 = tpu.memref_squeeze %dma_start3A_153 : memref<1x128xi32, #tpu.memory_space<vmem>> -> memref<128xi32, #tpu.memory_space<vmem>>
      %dma_start3A_155 = arith.constant 0 : i32
      %dma_start3A_156 = arith.constant 0 : i32
      %dma_start3A_157 = tpu.memref_slice %arg3[%dma_start3A_155, %dma_start3A_156] : memref<10240x128xf32, #tpu.memory_space<hbm>> -> memref<10240x128xf32, #tpu.memory_space<hbm>>
      tpu.enqueue_indirect_dma source(%dma_start3A_157 : memref<10240x128xf32, #tpu.memory_space<hbm>>) target(%arg13 : memref<128x128xf32, #tpu.memory_space<vmem>>) offsets(%dma_start3A_154 : memref<128xi32, #tpu.memory_space<vmem>>) semaphore(%arg15 : memref<!tpu.dma_semaphore, #tpu.memory_space<semaphore_mem>>)
      %scan3A_158 = arith.constant 0 : i32
      %scan3A_159 = arith.constant 0 : i32
      %scan3A_160 = arith.constant 20 : i32
      %scan3A_161 = arith.addi %scan3A_159, %scan3A_160 : i32
      %scan3A_162 = arith.constant 1 : i32
      %scan3A_163 = scf.for %scan3A_166 = %scan3A_159 to %scan3A_161 step %scan3A_162 iter_args(%scan3A_167 = %scan3A_158) -> (i32)  : i32 {
        %mul3A_168 = arith.constant 2 : i32
        %mul3A_169 = arith.muli %mul3A_168, %scan3A_166 : i32
        %mul3A_170 = arith.constant 2 : i32
        %mul3A_171 = arith.muli %mul3A_170, %scan3A_166 : i32
        %add3A_172 = arith.constant 1 : i32
        %add3A_173 = arith.addi %mul3A_171, %add3A_172 : i32
        %dma_wait3A = arith.constant 0 : i32
        %dma_wait3A_174 = tpu.memref_slice %arg10[%mul3A_169, %dma_wait3A] : memref<40x128xi32, #tpu.memory_space<vmem>> -> memref<1x128xi32, #tpu.memory_space<vmem>>
        %dma_wait3A_175 = tpu.memref_squeeze %dma_wait3A_174 : memref<1x128xi32, #tpu.memory_space<vmem>> -> memref<128xi32, #tpu.memory_space<vmem>>
        %dma_wait3A_176 = arith.constant 0 : i32
        %dma_wait3A_177 = arith.constant 0 : i32
        %dma_wait3A_178 = tpu.memref_slice %arg3[%dma_wait3A_176, %dma_wait3A_177] : memref<10240x128xf32, #tpu.memory_space<hbm>> -> memref<10240x128xf32, #tpu.memory_space<hbm>>
        tpu.wait_indirect_dma semaphore(%arg14 : memref<!tpu.dma_semaphore, #tpu.memory_space<semaphore_mem>>) src(%dma_wait3A_178 : memref<10240x128xf32, #tpu.memory_space<hbm>>) dst(%arg12 : memref<128x128xf32, #tpu.memory_space<vmem>>)
        %dma_start3A_179 = arith.constant 0 : i32
        %dma_start3A_180 = tpu.memref_slice %arg11[%mul3A_169, %dma_start3A_179] : memref<40x128xi32, #tpu.memory_space<vmem>> -> memref<1x128xi32, #tpu.memory_space<vmem>>
        %dma_start3A_181 = tpu.memref_squeeze %dma_start3A_180 : memref<1x128xi32, #tpu.memory_space<vmem>> -> memref<128xi32, #tpu.memory_space<vmem>>
        %dma_start3A_182 = arith.constant 0 : i32
        %dma_start3A_183 = arith.constant 0 : i32
        %dma_start3A_184 = tpu.memref_slice %arg9[%dma_start3A_182, %dma_start3A_183] : memref<10240x128xf32, #tpu.memory_space<vmem_shared>> -> memref<10240x128xf32, #tpu.memory_space<vmem_shared>>
        tpu.enqueue_indirect_dma source(%arg12 : memref<128x128xf32, #tpu.memory_space<vmem>>) target(%dma_start3A_184 : memref<10240x128xf32, #tpu.memory_space<vmem_shared>>) offsets(%dma_start3A_181 : memref<128xi32, #tpu.memory_space<vmem>>) semaphore(%arg16 : memref<!tpu.dma_semaphore, #tpu.memory_space<semaphore_mem>>) {add = true}
        %dma_wait3A_185 = arith.constant 0 : i32
        %dma_wait3A_186 = tpu.memref_slice %arg10[%add3A_173, %dma_wait3A_185] : memref<40x128xi32, #tpu.memory_space<vmem>> -> memref<1x128xi32, #tpu.memory_space<vmem>>
        %dma_wait3A_187 = tpu.memref_squeeze %dma_wait3A_186 : memref<1x128xi32, #tpu.memory_space<vmem>> -> memref<128xi32, #tpu.memory_space<vmem>>
        %dma_wait3A_188 = arith.constant 0 : i32
        %dma_wait3A_189 = arith.constant 0 : i32
        %dma_wait3A_190 = tpu.memref_slice %arg3[%dma_wait3A_188, %dma_wait3A_189] : memref<10240x128xf32, #tpu.memory_space<hbm>> -> memref<10240x128xf32, #tpu.memory_space<hbm>>
        tpu.wait_indirect_dma semaphore(%arg15 : memref<!tpu.dma_semaphore, #tpu.memory_space<semaphore_mem>>) src(%dma_wait3A_190 : memref<10240x128xf32, #tpu.memory_space<hbm>>) dst(%arg13 : memref<128x128xf32, #tpu.memory_space<vmem>>)
        %dma_start3A_191 = arith.constant 0 : i32
        %dma_start3A_192 = tpu.memref_slice %arg11[%add3A_173, %dma_start3A_191] : memref<40x128xi32, #tpu.memory_space<vmem>> -> memref<1x128xi32, #tpu.memory_space<vmem>>
        %dma_start3A_193 = tpu.memref_squeeze %dma_start3A_192 : memref<1x128xi32, #tpu.memory_space<vmem>> -> memref<128xi32, #tpu.memory_space<vmem>>
        %dma_start3A_194 = arith.constant 0 : i32
        %dma_start3A_195 = arith.constant 0 : i32
        %dma_start3A_196 = tpu.memref_slice %arg9[%dma_start3A_194, %dma_start3A_195] : memref<10240x128xf32, #tpu.memory_space<vmem_shared>> -> memref<10240x128xf32, #tpu.memory_space<vmem_shared>>
        tpu.enqueue_indirect_dma source(%arg13 : memref<128x128xf32, #tpu.memory_space<vmem>>) target(%dma_start3A_196 : memref<10240x128xf32, #tpu.memory_space<vmem_shared>>) offsets(%dma_start3A_193 : memref<128xi32, #tpu.memory_space<vmem>>) semaphore(%arg17 : memref<!tpu.dma_semaphore, #tpu.memory_space<semaphore_mem>>) {add = true}
        %dma_wait3A_197 = arith.constant 0 : i32
        %dma_wait3A_198 = tpu.memref_slice %arg11[%mul3A_169, %dma_wait3A_197] : memref<40x128xi32, #tpu.memory_space<vmem>> -> memref<1x128xi32, #tpu.memory_space<vmem>>
        %dma_wait3A_199 = tpu.memref_squeeze %dma_wait3A_198 : memref<1x128xi32, #tpu.memory_space<vmem>> -> memref<128xi32, #tpu.memory_space<vmem>>
        %dma_wait3A_200 = arith.constant 0 : i32
        %dma_wait3A_201 = arith.constant 0 : i32
        %dma_wait3A_202 = tpu.memref_slice %arg9[%dma_wait3A_200, %dma_wait3A_201] : memref<10240x128xf32, #tpu.memory_space<vmem_shared>> -> memref<10240x128xf32, #tpu.memory_space<vmem_shared>>
        tpu.wait_indirect_dma semaphore(%arg16 : memref<!tpu.dma_semaphore, #tpu.memory_space<semaphore_mem>>) src(%arg12 : memref<128x128xf32, #tpu.memory_space<vmem>>) dst(%dma_wait3A_202 : memref<10240x128xf32, #tpu.memory_space<vmem_shared>>)
        %add3A_203 = arith.constant 2 : i32
        %add3A_204 = arith.addi %mul3A_169, %add3A_203 : i32
        %lt3A = arith.constant 40 : i32
        %lt3A_205 = arith.cmpi slt, %add3A_204, %lt3A : i32
        %convert_element_type3A = arith.extui %lt3A_205 : i1 to i32
        %cond3A = arith.constant 0 : i32
        %cond3A_206 = arith.cmpi ne, %convert_element_type3A, %cond3A : i32
        scf.if %cond3A_206 {
          %add3A_221 = arith.constant 2 : i32
          %add3A_222 = arith.addi %mul3A_169, %add3A_221 : i32
          %dma_start3A_223 = arith.constant 0 : i32
          %dma_start3A_224 = tpu.memref_slice %arg10[%add3A_222, %dma_start3A_223] : memref<40x128xi32, #tpu.memory_space<vmem>> -> memref<1x128xi32, #tpu.memory_space<vmem>>
          %dma_start3A_225 = tpu.memref_squeeze %dma_start3A_224 : memref<1x128xi32, #tpu.memory_space<vmem>> -> memref<128xi32, #tpu.memory_space<vmem>>
          %dma_start3A_226 = arith.constant 0 : i32
          %dma_start3A_227 = arith.constant 0 : i32
          %dma_start3A_228 = tpu.memref_slice %arg3[%dma_start3A_226, %dma_start3A_227] : memref<10240x128xf32, #tpu.memory_space<hbm>> -> memref<10240x128xf32, #tpu.memory_space<hbm>>
          tpu.enqueue_indirect_dma source(%dma_start3A_228 : memref<10240x128xf32, #tpu.memory_space<hbm>>) target(%arg12 : memref<128x128xf32, #tpu.memory_space<vmem>>) offsets(%dma_start3A_225 : memref<128xi32, #tpu.memory_space<vmem>>) semaphore(%arg14 : memref<!tpu.dma_semaphore, #tpu.memory_space<semaphore_mem>>)
        } else {
        }
        %dma_wait3A_207 = arith.constant 0 : i32
        %dma_wait3A_208 = tpu.memref_slice %arg11[%add3A_173, %dma_wait3A_207] : memref<40x128xi32, #tpu.memory_space<vmem>> -> memref<1x128xi32, #tpu.memory_space<vmem>>
        %dma_wait3A_209 = tpu.memref_squeeze %dma_wait3A_208 : memref<1x128xi32, #tpu.memory_space<vmem>> -> memref<128xi32, #tpu.memory_space<vmem>>
        %dma_wait3A_210 = arith.constant 0 : i32
        %dma_wait3A_211 = arith.constant 0 : i32
        %dma_wait3A_212 = tpu.memref_slice %arg9[%dma_wait3A_210, %dma_wait3A_211] : memref<10240x128xf32, #tpu.memory_space<vmem_shared>> -> memref<10240x128xf32, #tpu.memory_space<vmem_shared>>
        tpu.wait_indirect_dma semaphore(%arg17 : memref<!tpu.dma_semaphore, #tpu.memory_space<semaphore_mem>>) src(%arg13 : memref<128x128xf32, #tpu.memory_space<vmem>>) dst(%dma_wait3A_212 : memref<10240x128xf32, #tpu.memory_space<vmem_shared>>)
        %add3A_213 = arith.constant 2 : i32
        %add3A_214 = arith.addi %add3A_173, %add3A_213 : i32
        %lt3A_215 = arith.constant 40 : i32
        %lt3A_216 = arith.cmpi slt, %add3A_214, %lt3A_215 : i32
        %convert_element_type3A_217 = arith.extui %lt3A_216 : i1 to i32
        %cond3A_218 = arith.constant 0 : i32
        %cond3A_219 = arith.cmpi ne, %convert_element_type3A_217, %cond3A_218 : i32
        scf.if %cond3A_219 {
          %add3A_221 = arith.constant 2 : i32
          %add3A_222 = arith.addi %add3A_173, %add3A_221 : i32
          %dma_start3A_223 = arith.constant 0 : i32
          %dma_start3A_224 = tpu.memref_slice %arg10[%add3A_222, %dma_start3A_223] : memref<40x128xi32, #tpu.memory_space<vmem>> -> memref<1x128xi32, #tpu.memory_space<vmem>>
          %dma_start3A_225 = tpu.memref_squeeze %dma_start3A_224 : memref<1x128xi32, #tpu.memory_space<vmem>> -> memref<128xi32, #tpu.memory_space<vmem>>
          %dma_start3A_226 = arith.constant 0 : i32
          %dma_start3A_227 = arith.constant 0 : i32
          %dma_start3A_228 = tpu.memref_slice %arg3[%dma_start3A_226, %dma_start3A_227] : memref<10240x128xf32, #tpu.memory_space<hbm>> -> memref<10240x128xf32, #tpu.memory_space<hbm>>
          tpu.enqueue_indirect_dma source(%dma_start3A_228 : memref<10240x128xf32, #tpu.memory_space<hbm>>) target(%arg13 : memref<128x128xf32, #tpu.memory_space<vmem>>) offsets(%dma_start3A_225 : memref<128xi32, #tpu.memory_space<vmem>>) semaphore(%arg15 : memref<!tpu.dma_semaphore, #tpu.memory_space<semaphore_mem>>)
        } else {
        }
        %scan3A_220 = arith.constant 0 : i32
        scf.yield %scan3A_220 : i32
      }
      %scan3A_164 = arith.constant 20 : i32
      %while3A_165 = arith.constant 0 : i32
      scf.yield %while3A_165 : i32
    }
    %while3A_113 = arith.constant 1 : i32
    %while3A_114 = scf.for %while3A_141 = %while3A_110 to %while3A_106 step %while3A_113 iter_args(%while3A_142 = %while3A_112) -> (i32)  : i32 {
      %add3A_143 = arith.addi %select_n3A, %while3A_141 : i32
      "tpu.region"() ({
        %run_scoped3A_166 = tpu.sem_alloc : memref<!tpu.dma_semaphore, #tpu.memory_space<semaphore_mem>>
        %dma_start3A_167 = arith.constant 0 : i32
        %dma_start3A_168 = arith.constant 0 : i32
        %dma_start3A_169 = tpu.memref_slice %arg6[%add3A_143, %dma_start3A_167, %dma_start3A_168] : memref<64x40x128xi32, #tpu.memory_space<hbm>> -> memref<1x40x128xi32, #tpu.memory_space<hbm>>
        %dma_start3A_170 = tpu.memref_squeeze %dma_start3A_169 : memref<1x40x128xi32, #tpu.memory_space<hbm>> -> memref<40x128xi32, #tpu.memory_space<hbm>>
        %dma_start3A_171 = arith.constant 0 : i32
        %dma_start3A_172 = arith.constant 0 : i32
        %dma_start3A_173 = tpu.memref_slice %arg6[%add3A_143, %dma_start3A_171, %dma_start3A_172] : memref<64x40x128xi32, #tpu.memory_space<hbm>> -> memref<1x40x128xi32, #tpu.memory_space<hbm>>
        %dma_start3A_174 = tpu.memref_squeeze %dma_start3A_173 : memref<1x40x128xi32, #tpu.memory_space<hbm>> -> memref<40x128xi32, #tpu.memory_space<hbm>>
        tpu.enqueue_dma source(%dma_start3A_174 : memref<40x128xi32, #tpu.memory_space<hbm>>) target(%arg10 : memref<40x128xi32, #tpu.memory_space<vmem>>) target_semaphore(%run_scoped3A_166 : memref<!tpu.dma_semaphore, #tpu.memory_space<semaphore_mem>>)
        %dma_wait3A = arith.constant 0 : i32
        %dma_wait3A_175 = arith.constant 0 : i32
        %dma_wait3A_176 = tpu.memref_slice %arg6[%add3A_143, %dma_wait3A, %dma_wait3A_175] : memref<64x40x128xi32, #tpu.memory_space<hbm>> -> memref<1x40x128xi32, #tpu.memory_space<hbm>>
        %dma_wait3A_177 = tpu.memref_squeeze %dma_wait3A_176 : memref<1x40x128xi32, #tpu.memory_space<hbm>> -> memref<40x128xi32, #tpu.memory_space<hbm>>
        %dma_wait3A_178 = arith.constant 0 : i32
        %dma_wait3A_179 = arith.constant 0 : i32
        %dma_wait3A_180 = tpu.memref_slice %arg6[%add3A_143, %dma_wait3A_178, %dma_wait3A_179] : memref<64x40x128xi32, #tpu.memory_space<hbm>> -> memref<1x40x128xi32, #tpu.memory_space<hbm>>
        %dma_wait3A_181 = tpu.memref_squeeze %dma_wait3A_180 : memref<1x40x128xi32, #tpu.memory_space<hbm>> -> memref<40x128xi32, #tpu.memory_space<hbm>>
        tpu.wait_dma2 semaphore(%run_scoped3A_166 : memref<!tpu.dma_semaphore, #tpu.memory_space<semaphore_mem>>) src(%dma_wait3A_181 : memref<40x128xi32, #tpu.memory_space<hbm>>) dst(%arg10 : memref<40x128xi32, #tpu.memory_space<vmem>>)
        tpu.yield
      }) : () -> ()
      %add3A_144 = arith.addi %select_n3A, %while3A_141 : i32
      "tpu.region"() ({
        %run_scoped3A_166 = tpu.sem_alloc : memref<!tpu.dma_semaphore, #tpu.memory_space<semaphore_mem>>
        %dma_start3A_167 = arith.constant 0 : i32
        %dma_start3A_168 = arith.constant 0 : i32
        %dma_start3A_169 = tpu.memref_slice %arg7[%add3A_144, %dma_start3A_167, %dma_start3A_168] : memref<64x40x128xi32, #tpu.memory_space<hbm>> -> memref<1x40x128xi32, #tpu.memory_space<hbm>>
        %dma_start3A_170 = tpu.memref_squeeze %dma_start3A_169 : memref<1x40x128xi32, #tpu.memory_space<hbm>> -> memref<40x128xi32, #tpu.memory_space<hbm>>
        %dma_start3A_171 = arith.constant 0 : i32
        %dma_start3A_172 = arith.constant 0 : i32
        %dma_start3A_173 = tpu.memref_slice %arg7[%add3A_144, %dma_start3A_171, %dma_start3A_172] : memref<64x40x128xi32, #tpu.memory_space<hbm>> -> memref<1x40x128xi32, #tpu.memory_space<hbm>>
        %dma_start3A_174 = tpu.memref_squeeze %dma_start3A_173 : memref<1x40x128xi32, #tpu.memory_space<hbm>> -> memref<40x128xi32, #tpu.memory_space<hbm>>
        tpu.enqueue_dma source(%dma_start3A_174 : memref<40x128xi32, #tpu.memory_space<hbm>>) target(%arg11 : memref<40x128xi32, #tpu.memory_space<vmem>>) target_semaphore(%run_scoped3A_166 : memref<!tpu.dma_semaphore, #tpu.memory_space<semaphore_mem>>)
        %dma_wait3A = arith.constant 0 : i32
        %dma_wait3A_175 = arith.constant 0 : i32
        %dma_wait3A_176 = tpu.memref_slice %arg7[%add3A_144, %dma_wait3A, %dma_wait3A_175] : memref<64x40x128xi32, #tpu.memory_space<hbm>> -> memref<1x40x128xi32, #tpu.memory_space<hbm>>
        %dma_wait3A_177 = tpu.memref_squeeze %dma_wait3A_176 : memref<1x40x128xi32, #tpu.memory_space<hbm>> -> memref<40x128xi32, #tpu.memory_space<hbm>>
        %dma_wait3A_178 = arith.constant 0 : i32
        %dma_wait3A_179 = arith.constant 0 : i32
        %dma_wait3A_180 = tpu.memref_slice %arg7[%add3A_144, %dma_wait3A_178, %dma_wait3A_179] : memref<64x40x128xi32, #tpu.memory_space<hbm>> -> memref<1x40x128xi32, #tpu.memory_space<hbm>>
        %dma_wait3A_181 = tpu.memref_squeeze %dma_wait3A_180 : memref<1x40x128xi32, #tpu.memory_space<hbm>> -> memref<40x128xi32, #tpu.memory_space<hbm>>
        tpu.wait_dma2 semaphore(%run_scoped3A_166 : memref<!tpu.dma_semaphore, #tpu.memory_space<semaphore_mem>>) src(%dma_wait3A_181 : memref<40x128xi32, #tpu.memory_space<hbm>>) dst(%arg11 : memref<40x128xi32, #tpu.memory_space<vmem>>)
        tpu.yield
      }) : () -> ()
      %dma_start3A = arith.constant 0 : i32
      %dma_start3A_145 = arith.constant 0 : i32
      %dma_start3A_146 = tpu.memref_slice %arg10[%dma_start3A, %dma_start3A_145] : memref<40x128xi32, #tpu.memory_space<vmem>> -> memref<1x128xi32, #tpu.memory_space<vmem>>
      %dma_start3A_147 = tpu.memref_squeeze %dma_start3A_146 : memref<1x128xi32, #tpu.memory_space<vmem>> -> memref<128xi32, #tpu.memory_space<vmem>>
      %dma_start3A_148 = arith.constant 0 : i32
      %dma_start3A_149 = arith.constant 0 : i32
      %dma_start3A_150 = tpu.memref_slice %arg3[%dma_start3A_148, %dma_start3A_149] : memref<10240x128xf32, #tpu.memory_space<hbm>> -> memref<10240x128xf32, #tpu.memory_space<hbm>>
      tpu.enqueue_indirect_dma source(%dma_start3A_150 : memref<10240x128xf32, #tpu.memory_space<hbm>>) target(%arg12 : memref<128x128xf32, #tpu.memory_space<vmem>>) offsets(%dma_start3A_147 : memref<128xi32, #tpu.memory_space<vmem>>) semaphore(%arg14 : memref<!tpu.dma_semaphore, #tpu.memory_space<semaphore_mem>>)
      %dma_start3A_151 = arith.constant 1 : i32
      %dma_start3A_152 = arith.constant 0 : i32
      %dma_start3A_153 = tpu.memref_slice %arg10[%dma_start3A_151, %dma_start3A_152] : memref<40x128xi32, #tpu.memory_space<vmem>> -> memref<1x128xi32, #tpu.memory_space<vmem>>
      %dma_start3A_154 = tpu.memref_squeeze %dma_start3A_153 : memref<1x128xi32, #tpu.memory_space<vmem>> -> memref<128xi32, #tpu.memory_space<vmem>>
      %dma_start3A_155 = arith.constant 0 : i32
      %dma_start3A_156 = arith.constant 0 : i32
      %dma_start3A_157 = tpu.memref_slice %arg3[%dma_start3A_155, %dma_start3A_156] : memref<10240x128xf32, #tpu.memory_space<hbm>> -> memref<10240x128xf32, #tpu.memory_space<hbm>>
      tpu.enqueue_indirect_dma source(%dma_start3A_157 : memref<10240x128xf32, #tpu.memory_space<hbm>>) target(%arg13 : memref<128x128xf32, #tpu.memory_space<vmem>>) offsets(%dma_start3A_154 : memref<128xi32, #tpu.memory_space<vmem>>) semaphore(%arg15 : memref<!tpu.dma_semaphore, #tpu.memory_space<semaphore_mem>>)
      %scan3A_158 = arith.constant 0 : i32
      %scan3A_159 = arith.constant 0 : i32
      %scan3A_160 = arith.constant 20 : i32
      %scan3A_161 = arith.addi %scan3A_159, %scan3A_160 : i32
      %scan3A_162 = arith.constant 1 : i32
      %scan3A_163 = scf.for %scan3A_166 = %scan3A_159 to %scan3A_161 step %scan3A_162 iter_args(%scan3A_167 = %scan3A_158) -> (i32)  : i32 {
        %mul3A_168 = arith.constant 2 : i32
        %mul3A_169 = arith.muli %mul3A_168, %scan3A_166 : i32
        %mul3A_170 = arith.constant 2 : i32
        %mul3A_171 = arith.muli %mul3A_170, %scan3A_166 : i32
        %add3A_172 = arith.constant 1 : i32
        %add3A_173 = arith.addi %mul3A_171, %add3A_172 : i32
        %dma_wait3A = arith.constant 0 : i32
        %dma_wait3A_174 = tpu.memref_slice %arg10[%mul3A_169, %dma_wait3A] : memref<40x128xi32, #tpu.memory_space<vmem>> -> memref<1x128xi32, #tpu.memory_space<vmem>>
        %dma_wait3A_175 = tpu.memref_squeeze %dma_wait3A_174 : memref<1x128xi32, #tpu.memory_space<vmem>> -> memref<128xi32, #tpu.memory_space<vmem>>
        %dma_wait3A_176 = arith.constant 0 : i32
        %dma_wait3A_177 = arith.constant 0 : i32
        %dma_wait3A_178 = tpu.memref_slice %arg3[%dma_wait3A_176, %dma_wait3A_177] : memref<10240x128xf32, #tpu.memory_space<hbm>> -> memref<10240x128xf32, #tpu.memory_space<hbm>>
        tpu.wait_indirect_dma semaphore(%arg14 : memref<!tpu.dma_semaphore, #tpu.memory_space<semaphore_mem>>) src(%dma_wait3A_178 : memref<10240x128xf32, #tpu.memory_space<hbm>>) dst(%arg12 : memref<128x128xf32, #tpu.memory_space<vmem>>)
        %dma_start3A_179 = arith.constant 0 : i32
        %dma_start3A_180 = tpu.memref_slice %arg11[%mul3A_169, %dma_start3A_179] : memref<40x128xi32, #tpu.memory_space<vmem>> -> memref<1x128xi32, #tpu.memory_space<vmem>>
        %dma_start3A_181 = tpu.memref_squeeze %dma_start3A_180 : memref<1x128xi32, #tpu.memory_space<vmem>> -> memref<128xi32, #tpu.memory_space<vmem>>
        %dma_start3A_182 = arith.constant 0 : i32
        %dma_start3A_183 = arith.constant 0 : i32
        %dma_start3A_184 = tpu.memref_slice %arg9[%dma_start3A_182, %dma_start3A_183] : memref<10240x128xf32, #tpu.memory_space<vmem_shared>> -> memref<10240x128xf32, #tpu.memory_space<vmem_shared>>
        tpu.enqueue_indirect_dma source(%arg12 : memref<128x128xf32, #tpu.memory_space<vmem>>) target(%dma_start3A_184 : memref<10240x128xf32, #tpu.memory_space<vmem_shared>>) offsets(%dma_start3A_181 : memref<128xi32, #tpu.memory_space<vmem>>) semaphore(%arg16 : memref<!tpu.dma_semaphore, #tpu.memory_space<semaphore_mem>>) {add = true}
        %dma_wait3A_185 = arith.constant 0 : i32
        %dma_wait3A_186 = tpu.memref_slice %arg10[%add3A_173, %dma_wait3A_185] : memref<40x128xi32, #tpu.memory_space<vmem>> -> memref<1x128xi32, #tpu.memory_space<vmem>>
        %dma_wait3A_187 = tpu.memref_squeeze %dma_wait3A_186 : memref<1x128xi32, #tpu.memory_space<vmem>> -> memref<128xi32, #tpu.memory_space<vmem>>
        %dma_wait3A_188 = arith.constant 0 : i32
        %dma_wait3A_189 = arith.constant 0 : i32
        %dma_wait3A_190 = tpu.memref_slice %arg3[%dma_wait3A_188, %dma_wait3A_189] : memref<10240x128xf32, #tpu.memory_space<hbm>> -> memref<10240x128xf32, #tpu.memory_space<hbm>>
        tpu.wait_indirect_dma semaphore(%arg15 : memref<!tpu.dma_semaphore, #tpu.memory_space<semaphore_mem>>) src(%dma_wait3A_190 : memref<10240x128xf32, #tpu.memory_space<hbm>>) dst(%arg13 : memref<128x128xf32, #tpu.memory_space<vmem>>)
        %dma_start3A_191 = arith.constant 0 : i32
        %dma_start3A_192 = tpu.memref_slice %arg11[%add3A_173, %dma_start3A_191] : memref<40x128xi32, #tpu.memory_space<vmem>> -> memref<1x128xi32, #tpu.memory_space<vmem>>
        %dma_start3A_193 = tpu.memref_squeeze %dma_start3A_192 : memref<1x128xi32, #tpu.memory_space<vmem>> -> memref<128xi32, #tpu.memory_space<vmem>>
        %dma_start3A_194 = arith.constant 0 : i32
        %dma_start3A_195 = arith.constant 0 : i32
        %dma_start3A_196 = tpu.memref_slice %arg9[%dma_start3A_194, %dma_start3A_195] : memref<10240x128xf32, #tpu.memory_space<vmem_shared>> -> memref<10240x128xf32, #tpu.memory_space<vmem_shared>>
        tpu.enqueue_indirect_dma source(%arg13 : memref<128x128xf32, #tpu.memory_space<vmem>>) target(%dma_start3A_196 : memref<10240x128xf32, #tpu.memory_space<vmem_shared>>) offsets(%dma_start3A_193 : memref<128xi32, #tpu.memory_space<vmem>>) semaphore(%arg17 : memref<!tpu.dma_semaphore, #tpu.memory_space<semaphore_mem>>) {add = true}
        %dma_wait3A_197 = arith.constant 0 : i32
        %dma_wait3A_198 = tpu.memref_slice %arg11[%mul3A_169, %dma_wait3A_197] : memref<40x128xi32, #tpu.memory_space<vmem>> -> memref<1x128xi32, #tpu.memory_space<vmem>>
        %dma_wait3A_199 = tpu.memref_squeeze %dma_wait3A_198 : memref<1x128xi32, #tpu.memory_space<vmem>> -> memref<128xi32, #tpu.memory_space<vmem>>
        %dma_wait3A_200 = arith.constant 0 : i32
        %dma_wait3A_201 = arith.constant 0 : i32
        %dma_wait3A_202 = tpu.memref_slice %arg9[%dma_wait3A_200, %dma_wait3A_201] : memref<10240x128xf32, #tpu.memory_space<vmem_shared>> -> memref<10240x128xf32, #tpu.memory_space<vmem_shared>>
        tpu.wait_indirect_dma semaphore(%arg16 : memref<!tpu.dma_semaphore, #tpu.memory_space<semaphore_mem>>) src(%arg12 : memref<128x128xf32, #tpu.memory_space<vmem>>) dst(%dma_wait3A_202 : memref<10240x128xf32, #tpu.memory_space<vmem_shared>>)
        %add3A_203 = arith.constant 2 : i32
        %add3A_204 = arith.addi %mul3A_169, %add3A_203 : i32
        %lt3A = arith.constant 40 : i32
        %lt3A_205 = arith.cmpi slt, %add3A_204, %lt3A : i32
        %convert_element_type3A = arith.extui %lt3A_205 : i1 to i32
        %cond3A = arith.constant 0 : i32
        %cond3A_206 = arith.cmpi ne, %convert_element_type3A, %cond3A : i32
        scf.if %cond3A_206 {
          %add3A_221 = arith.constant 2 : i32
          %add3A_222 = arith.addi %mul3A_169, %add3A_221 : i32
          %dma_start3A_223 = arith.constant 0 : i32
          %dma_start3A_224 = tpu.memref_slice %arg10[%add3A_222, %dma_start3A_223] : memref<40x128xi32, #tpu.memory_space<vmem>> -> memref<1x128xi32, #tpu.memory_space<vmem>>
          %dma_start3A_225 = tpu.memref_squeeze %dma_start3A_224 : memref<1x128xi32, #tpu.memory_space<vmem>> -> memref<128xi32, #tpu.memory_space<vmem>>
          %dma_start3A_226 = arith.constant 0 : i32
          %dma_start3A_227 = arith.constant 0 : i32
          %dma_start3A_228 = tpu.memref_slice %arg3[%dma_start3A_226, %dma_start3A_227] : memref<10240x128xf32, #tpu.memory_space<hbm>> -> memref<10240x128xf32, #tpu.memory_space<hbm>>
          tpu.enqueue_indirect_dma source(%dma_start3A_228 : memref<10240x128xf32, #tpu.memory_space<hbm>>) target(%arg12 : memref<128x128xf32, #tpu.memory_space<vmem>>) offsets(%dma_start3A_225 : memref<128xi32, #tpu.memory_space<vmem>>) semaphore(%arg14 : memref<!tpu.dma_semaphore, #tpu.memory_space<semaphore_mem>>)
        } else {
        }
        %dma_wait3A_207 = arith.constant 0 : i32
        %dma_wait3A_208 = tpu.memref_slice %arg11[%add3A_173, %dma_wait3A_207] : memref<40x128xi32, #tpu.memory_space<vmem>> -> memref<1x128xi32, #tpu.memory_space<vmem>>
        %dma_wait3A_209 = tpu.memref_squeeze %dma_wait3A_208 : memref<1x128xi32, #tpu.memory_space<vmem>> -> memref<128xi32, #tpu.memory_space<vmem>>
        %dma_wait3A_210 = arith.constant 0 : i32
        %dma_wait3A_211 = arith.constant 0 : i32
        %dma_wait3A_212 = tpu.memref_slice %arg9[%dma_wait3A_210, %dma_wait3A_211] : memref<10240x128xf32, #tpu.memory_space<vmem_shared>> -> memref<10240x128xf32, #tpu.memory_space<vmem_shared>>
        tpu.wait_indirect_dma semaphore(%arg17 : memref<!tpu.dma_semaphore, #tpu.memory_space<semaphore_mem>>) src(%arg13 : memref<128x128xf32, #tpu.memory_space<vmem>>) dst(%dma_wait3A_212 : memref<10240x128xf32, #tpu.memory_space<vmem_shared>>)
        %add3A_213 = arith.constant 2 : i32
        %add3A_214 = arith.addi %add3A_173, %add3A_213 : i32
        %lt3A_215 = arith.constant 40 : i32
        %lt3A_216 = arith.cmpi slt, %add3A_214, %lt3A_215 : i32
        %convert_element_type3A_217 = arith.extui %lt3A_216 : i1 to i32
        %cond3A_218 = arith.constant 0 : i32
        %cond3A_219 = arith.cmpi ne, %convert_element_type3A_217, %cond3A_218 : i32
        scf.if %cond3A_219 {
          %add3A_221 = arith.constant 2 : i32
          %add3A_222 = arith.addi %add3A_173, %add3A_221 : i32
          %dma_start3A_223 = arith.constant 0 : i32
          %dma_start3A_224 = tpu.memref_slice %arg10[%add3A_222, %dma_start3A_223] : memref<40x128xi32, #tpu.memory_space<vmem>> -> memref<1x128xi32, #tpu.memory_space<vmem>>
          %dma_start3A_225 = tpu.memref_squeeze %dma_start3A_224 : memref<1x128xi32, #tpu.memory_space<vmem>> -> memref<128xi32, #tpu.memory_space<vmem>>
          %dma_start3A_226 = arith.constant 0 : i32
          %dma_start3A_227 = arith.constant 0 : i32
          %dma_start3A_228 = tpu.memref_slice %arg3[%dma_start3A_226, %dma_start3A_227] : memref<10240x128xf32, #tpu.memory_space<hbm>> -> memref<10240x128xf32, #tpu.memory_space<hbm>>
          tpu.enqueue_indirect_dma source(%dma_start3A_228 : memref<10240x128xf32, #tpu.memory_space<hbm>>) target(%arg13 : memref<128x128xf32, #tpu.memory_space<vmem>>) offsets(%dma_start3A_225 : memref<128xi32, #tpu.memory_space<vmem>>) semaphore(%arg15 : memref<!tpu.dma_semaphore, #tpu.memory_space<semaphore_mem>>)
        } else {
        }
        %scan3A_220 = arith.constant 0 : i32
        scf.yield %scan3A_220 : i32
      }
      %scan3A_164 = arith.constant 20 : i32
      %while3A_165 = arith.constant 0 : i32
      scf.yield %while3A_165 : i32
    }
    %barrier3A_115 = arith.constant 0 : index
    tpu.barrier barrier_id(%barrier3A_115)
    "tpu.trace_stop"() : () -> ()
    "tpu.trace_start"() <{level = 10 : i32, message = "rdout1"}> : () -> ()
    %mul3A_116 = arith.constant 640 : i32
    %mul3A_117 = arith.muli %arg1, %mul3A_116 : i32
    %add3A_118 = arith.constant 0 : i32
    %add3A_119 = arith.addi %mul3A_117, %add3A_118 : i32
    "tpu.region"() ({
      %run_scoped3A_141 = tpu.sem_alloc : memref<!tpu.dma_semaphore, #tpu.memory_space<semaphore_mem>>
      %dma_start3A = arith.constant 0 : i32
      %dma_start3A_142 = tpu.memref_slice %arg9[%add3A_119, %dma_start3A] : memref<10240x128xf32, #tpu.memory_space<vmem_shared>> -> memref<128x128xf32, #tpu.memory_space<vmem_shared>>
      %dma_start3A_143 = arith.constant 0 : i32
      %dma_start3A_144 = tpu.memref_slice %arg9[%add3A_119, %dma_start3A_143] : memref<10240x128xf32, #tpu.memory_space<vmem_shared>> -> memref<128x128xf32, #tpu.memory_space<vmem_shared>>
      tpu.enqueue_dma source(%dma_start3A_144 : memref<128x128xf32, #tpu.memory_space<vmem_shared>>) target(%arg12 : memref<128x128xf32, #tpu.memory_space<vmem>>) target_semaphore(%run_scoped3A_141 : memref<!tpu.dma_semaphore, #tpu.memory_space<semaphore_mem>>)
      %dma_wait3A = arith.constant 0 : i32
      %dma_wait3A_145 = tpu.memref_slice %arg9[%add3A_119, %dma_wait3A] : memref<10240x128xf32, #tpu.memory_space<vmem_shared>> -> memref<128x128xf32, #tpu.memory_space<vmem_shared>>
      %dma_wait3A_146 = arith.constant 0 : i32
      %dma_wait3A_147 = tpu.memref_slice %arg9[%add3A_119, %dma_wait3A_146] : memref<10240x128xf32, #tpu.memory_space<vmem_shared>> -> memref<128x128xf32, #tpu.memory_space<vmem_shared>>
      tpu.wait_dma2 semaphore(%run_scoped3A_141 : memref<!tpu.dma_semaphore, #tpu.memory_space<semaphore_mem>>) src(%dma_wait3A_147 : memref<128x128xf32, #tpu.memory_space<vmem_shared>>) dst(%arg12 : memref<128x128xf32, #tpu.memory_space<vmem>>)
      tpu.yield
    }) : () -> ()
    %run_scoped3A_120 = arith.constant 1 : i32
    "tpu.region"() ({
      %run_scoped3A_141 = tpu.sem_alloc : memref<!tpu.dma_semaphore, #tpu.memory_space<semaphore_mem>>
      %dma_start3A = arith.constant 0 : i32
      %dma_start3A_142 = arith.constant 0 : i32
      %dma_start3A_143 = tpu.memref_slice %arg8[%run_scoped3A_120, %arg0, %arg1, %dma_start3A, %dma_start3A_142] : memref<2x2x16x640x128xf32, #tpu.memory_space<hbm>> -> memref<1x1x1x128x128xf32, #tpu.memory_space<hbm>>
      %dma_start3A_144 = tpu.memref_squeeze %dma_start3A_143 : memref<1x1x1x128x128xf32, #tpu.memory_space<hbm>> -> memref<128x128xf32, #tpu.memory_space<hbm>>
      %dma_start3A_145 = arith.constant 0 : i32
      %dma_start3A_146 = arith.constant 0 : i32
      %dma_start3A_147 = tpu.memref_slice %arg8[%run_scoped3A_120, %arg0, %arg1, %dma_start3A_145, %dma_start3A_146] : memref<2x2x16x640x128xf32, #tpu.memory_space<hbm>> -> memref<1x1x1x128x128xf32, #tpu.memory_space<hbm>>
      %dma_start3A_148 = tpu.memref_squeeze %dma_start3A_147 : memref<1x1x1x128x128xf32, #tpu.memory_space<hbm>> -> memref<128x128xf32, #tpu.memory_space<hbm>>
      tpu.enqueue_dma source(%arg12 : memref<128x128xf32, #tpu.memory_space<vmem>>) target(%dma_start3A_148 : memref<128x128xf32, #tpu.memory_space<hbm>>) target_semaphore(%run_scoped3A_141 : memref<!tpu.dma_semaphore, #tpu.memory_space<semaphore_mem>>)
      %dma_wait3A = arith.constant 0 : i32
      %dma_wait3A_149 = arith.constant 0 : i32
      %dma_wait3A_150 = tpu.memref_slice %arg8[%run_scoped3A_120, %arg0, %arg1, %dma_wait3A, %dma_wait3A_149] : memref<2x2x16x640x128xf32, #tpu.memory_space<hbm>> -> memref<1x1x1x128x128xf32, #tpu.memory_space<hbm>>
      %dma_wait3A_151 = tpu.memref_squeeze %dma_wait3A_150 : memref<1x1x1x128x128xf32, #tpu.memory_space<hbm>> -> memref<128x128xf32, #tpu.memory_space<hbm>>
      %dma_wait3A_152 = arith.constant 0 : i32
      %dma_wait3A_153 = arith.constant 0 : i32
      %dma_wait3A_154 = tpu.memref_slice %arg8[%run_scoped3A_120, %arg0, %arg1, %dma_wait3A_152, %dma_wait3A_153] : memref<2x2x16x640x128xf32, #tpu.memory_space<hbm>> -> memref<1x1x1x128x128xf32, #tpu.memory_space<hbm>>
      %dma_wait3A_155 = tpu.memref_squeeze %dma_wait3A_154 : memref<1x1x1x128x128xf32, #tpu.memory_space<hbm>> -> memref<128x128xf32, #tpu.memory_space<hbm>>
      tpu.wait_dma2 semaphore(%run_scoped3A_141 : memref<!tpu.dma_semaphore, #tpu.memory_space<semaphore_mem>>) src(%arg12 : memref<128x128xf32, #tpu.memory_space<vmem>>) dst(%dma_wait3A_155 : memref<128x128xf32, #tpu.memory_space<hbm>>)
      tpu.yield
    }) : () -> ()
    %mul3A_121 = arith.constant 640 : i32
    %mul3A_122 = arith.muli %arg1, %mul3A_121 : i32
    %add3A_123 = arith.constant 128 : i32
    %add3A_124 = arith.addi %mul3A_122, %add3A_123 : i32
    "tpu.region"() ({
      %run_scoped3A_141 = tpu.sem_alloc : memref<!tpu.dma_semaphore, #tpu.memory_space<semaphore_mem>>
      %dma_start3A = arith.constant 0 : i32
      %dma_start3A_142 = tpu.memref_slice %arg9[%add3A_124, %dma_start3A] : memref<10240x128xf32, #tpu.memory_space<vmem_shared>> -> memref<128x128xf32, #tpu.memory_space<vmem_shared>>
      %dma_start3A_143 = arith.constant 0 : i32
      %dma_start3A_144 = tpu.memref_slice %arg9[%add3A_124, %dma_start3A_143] : memref<10240x128xf32, #tpu.memory_space<vmem_shared>> -> memref<128x128xf32, #tpu.memory_space<vmem_shared>>
      tpu.enqueue_dma source(%dma_start3A_144 : memref<128x128xf32, #tpu.memory_space<vmem_shared>>) target(%arg12 : memref<128x128xf32, #tpu.memory_space<vmem>>) target_semaphore(%run_scoped3A_141 : memref<!tpu.dma_semaphore, #tpu.memory_space<semaphore_mem>>)
      %dma_wait3A = arith.constant 0 : i32
      %dma_wait3A_145 = tpu.memref_slice %arg9[%add3A_124, %dma_wait3A] : memref<10240x128xf32, #tpu.memory_space<vmem_shared>> -> memref<128x128xf32, #tpu.memory_space<vmem_shared>>
      %dma_wait3A_146 = arith.constant 0 : i32
      %dma_wait3A_147 = tpu.memref_slice %arg9[%add3A_124, %dma_wait3A_146] : memref<10240x128xf32, #tpu.memory_space<vmem_shared>> -> memref<128x128xf32, #tpu.memory_space<vmem_shared>>
      tpu.wait_dma2 semaphore(%run_scoped3A_141 : memref<!tpu.dma_semaphore, #tpu.memory_space<semaphore_mem>>) src(%dma_wait3A_147 : memref<128x128xf32, #tpu.memory_space<vmem_shared>>) dst(%arg12 : memref<128x128xf32, #tpu.memory_space<vmem>>)
      tpu.yield
    }) : () -> ()
    %run_scoped3A_125 = arith.constant 1 : i32
    "tpu.region"() ({
      %run_scoped3A_141 = tpu.sem_alloc : memref<!tpu.dma_semaphore, #tpu.memory_space<semaphore_mem>>
      %dma_start3A = arith.constant 128 : i32
      %dma_start3A_142 = arith.constant 0 : i32
      %dma_start3A_143 = tpu.memref_slice %arg8[%run_scoped3A_125, %arg0, %arg1, %dma_start3A, %dma_start3A_142] : memref<2x2x16x640x128xf32, #tpu.memory_space<hbm>> -> memref<1x1x1x128x128xf32, #tpu.memory_space<hbm>>
      %dma_start3A_144 = tpu.memref_squeeze %dma_start3A_143 : memref<1x1x1x128x128xf32, #tpu.memory_space<hbm>> -> memref<128x128xf32, #tpu.memory_space<hbm>>
      %dma_start3A_145 = arith.constant 128 : i32
      %dma_start3A_146 = arith.constant 0 : i32
      %dma_start3A_147 = tpu.memref_slice %arg8[%run_scoped3A_125, %arg0, %arg1, %dma_start3A_145, %dma_start3A_146] : memref<2x2x16x640x128xf32, #tpu.memory_space<hbm>> -> memref<1x1x1x128x128xf32, #tpu.memory_space<hbm>>
      %dma_start3A_148 = tpu.memref_squeeze %dma_start3A_147 : memref<1x1x1x128x128xf32, #tpu.memory_space<hbm>> -> memref<128x128xf32, #tpu.memory_space<hbm>>
      tpu.enqueue_dma source(%arg12 : memref<128x128xf32, #tpu.memory_space<vmem>>) target(%dma_start3A_148 : memref<128x128xf32, #tpu.memory_space<hbm>>) target_semaphore(%run_scoped3A_141 : memref<!tpu.dma_semaphore, #tpu.memory_space<semaphore_mem>>)
      %dma_wait3A = arith.constant 128 : i32
      %dma_wait3A_149 = arith.constant 0 : i32
      %dma_wait3A_150 = tpu.memref_slice %arg8[%run_scoped3A_125, %arg0, %arg1, %dma_wait3A, %dma_wait3A_149] : memref<2x2x16x640x128xf32, #tpu.memory_space<hbm>> -> memref<1x1x1x128x128xf32, #tpu.memory_space<hbm>>
      %dma_wait3A_151 = tpu.memref_squeeze %dma_wait3A_150 : memref<1x1x1x128x128xf32, #tpu.memory_space<hbm>> -> memref<128x128xf32, #tpu.memory_space<hbm>>
      %dma_wait3A_152 = arith.constant 128 : i32
      %dma_wait3A_153 = arith.constant 0 : i32
      %dma_wait3A_154 = tpu.memref_slice %arg8[%run_scoped3A_125, %arg0, %arg1, %dma_wait3A_152, %dma_wait3A_153] : memref<2x2x16x640x128xf32, #tpu.memory_space<hbm>> -> memref<1x1x1x128x128xf32, #tpu.memory_space<hbm>>
      %dma_wait3A_155 = tpu.memref_squeeze %dma_wait3A_154 : memref<1x1x1x128x128xf32, #tpu.memory_space<hbm>> -> memref<128x128xf32, #tpu.memory_space<hbm>>
      tpu.wait_dma2 semaphore(%run_scoped3A_141 : memref<!tpu.dma_semaphore, #tpu.memory_space<semaphore_mem>>) src(%arg12 : memref<128x128xf32, #tpu.memory_space<vmem>>) dst(%dma_wait3A_155 : memref<128x128xf32, #tpu.memory_space<hbm>>)
      tpu.yield
    }) : () -> ()
    %mul3A_126 = arith.constant 640 : i32
    %mul3A_127 = arith.muli %arg1, %mul3A_126 : i32
    %add3A_128 = arith.constant 256 : i32
    %add3A_129 = arith.addi %mul3A_127, %add3A_128 : i32
    "tpu.region"() ({
      %run_scoped3A_141 = tpu.sem_alloc : memref<!tpu.dma_semaphore, #tpu.memory_space<semaphore_mem>>
      %dma_start3A = arith.constant 0 : i32
      %dma_start3A_142 = tpu.memref_slice %arg9[%add3A_129, %dma_start3A] : memref<10240x128xf32, #tpu.memory_space<vmem_shared>> -> memref<128x128xf32, #tpu.memory_space<vmem_shared>>
      %dma_start3A_143 = arith.constant 0 : i32
      %dma_start3A_144 = tpu.memref_slice %arg9[%add3A_129, %dma_start3A_143] : memref<10240x128xf32, #tpu.memory_space<vmem_shared>> -> memref<128x128xf32, #tpu.memory_space<vmem_shared>>
      tpu.enqueue_dma source(%dma_start3A_144 : memref<128x128xf32, #tpu.memory_space<vmem_shared>>) target(%arg12 : memref<128x128xf32, #tpu.memory_space<vmem>>) target_semaphore(%run_scoped3A_141 : memref<!tpu.dma_semaphore, #tpu.memory_space<semaphore_mem>>)
      %dma_wait3A = arith.constant 0 : i32
      %dma_wait3A_145 = tpu.memref_slice %arg9[%add3A_129, %dma_wait3A] : memref<10240x128xf32, #tpu.memory_space<vmem_shared>> -> memref<128x128xf32, #tpu.memory_space<vmem_shared>>
      %dma_wait3A_146 = arith.constant 0 : i32
      %dma_wait3A_147 = tpu.memref_slice %arg9[%add3A_129, %dma_wait3A_146] : memref<10240x128xf32, #tpu.memory_space<vmem_shared>> -> memref<128x128xf32, #tpu.memory_space<vmem_shared>>
      tpu.wait_dma2 semaphore(%run_scoped3A_141 : memref<!tpu.dma_semaphore, #tpu.memory_space<semaphore_mem>>) src(%dma_wait3A_147 : memref<128x128xf32, #tpu.memory_space<vmem_shared>>) dst(%arg12 : memref<128x128xf32, #tpu.memory_space<vmem>>)
      tpu.yield
    }) : () -> ()
    %run_scoped3A_130 = arith.constant 1 : i32
    "tpu.region"() ({
      %run_scoped3A_141 = tpu.sem_alloc : memref<!tpu.dma_semaphore, #tpu.memory_space<semaphore_mem>>
      %dma_start3A = arith.constant 256 : i32
      %dma_start3A_142 = arith.constant 0 : i32
      %dma_start3A_143 = tpu.memref_slice %arg8[%run_scoped3A_130, %arg0, %arg1, %dma_start3A, %dma_start3A_142] : memref<2x2x16x640x128xf32, #tpu.memory_space<hbm>> -> memref<1x1x1x128x128xf32, #tpu.memory_space<hbm>>
      %dma_start3A_144 = tpu.memref_squeeze %dma_start3A_143 : memref<1x1x1x128x128xf32, #tpu.memory_space<hbm>> -> memref<128x128xf32, #tpu.memory_space<hbm>>
      %dma_start3A_145 = arith.constant 256 : i32
      %dma_start3A_146 = arith.constant 0 : i32
      %dma_start3A_147 = tpu.memref_slice %arg8[%run_scoped3A_130, %arg0, %arg1, %dma_start3A_145, %dma_start3A_146] : memref<2x2x16x640x128xf32, #tpu.memory_space<hbm>> -> memref<1x1x1x128x128xf32, #tpu.memory_space<hbm>>
      %dma_start3A_148 = tpu.memref_squeeze %dma_start3A_147 : memref<1x1x1x128x128xf32, #tpu.memory_space<hbm>> -> memref<128x128xf32, #tpu.memory_space<hbm>>
      tpu.enqueue_dma source(%arg12 : memref<128x128xf32, #tpu.memory_space<vmem>>) target(%dma_start3A_148 : memref<128x128xf32, #tpu.memory_space<hbm>>) target_semaphore(%run_scoped3A_141 : memref<!tpu.dma_semaphore, #tpu.memory_space<semaphore_mem>>)
      %dma_wait3A = arith.constant 256 : i32
      %dma_wait3A_149 = arith.constant 0 : i32
      %dma_wait3A_150 = tpu.memref_slice %arg8[%run_scoped3A_130, %arg0, %arg1, %dma_wait3A, %dma_wait3A_149] : memref<2x2x16x640x128xf32, #tpu.memory_space<hbm>> -> memref<1x1x1x128x128xf32, #tpu.memory_space<hbm>>
      %dma_wait3A_151 = tpu.memref_squeeze %dma_wait3A_150 : memref<1x1x1x128x128xf32, #tpu.memory_space<hbm>> -> memref<128x128xf32, #tpu.memory_space<hbm>>
      %dma_wait3A_152 = arith.constant 256 : i32
      %dma_wait3A_153 = arith.constant 0 : i32
      %dma_wait3A_154 = tpu.memref_slice %arg8[%run_scoped3A_130, %arg0, %arg1, %dma_wait3A_152, %dma_wait3A_153] : memref<2x2x16x640x128xf32, #tpu.memory_space<hbm>> -> memref<1x1x1x128x128xf32, #tpu.memory_space<hbm>>
      %dma_wait3A_155 = tpu.memref_squeeze %dma_wait3A_154 : memref<1x1x1x128x128xf32, #tpu.memory_space<hbm>> -> memref<128x128xf32, #tpu.memory_space<hbm>>
      tpu.wait_dma2 semaphore(%run_scoped3A_141 : memref<!tpu.dma_semaphore, #tpu.memory_space<semaphore_mem>>) src(%arg12 : memref<128x128xf32, #tpu.memory_space<vmem>>) dst(%dma_wait3A_155 : memref<128x128xf32, #tpu.memory_space<hbm>>)
      tpu.yield
    }) : () -> ()
    %mul3A_131 = arith.constant 640 : i32
    %mul3A_132 = arith.muli %arg1, %mul3A_131 : i32
    %add3A_133 = arith.constant 384 : i32
    %add3A_134 = arith.addi %mul3A_132, %add3A_133 : i32
    "tpu.region"() ({
      %run_scoped3A_141 = tpu.sem_alloc : memref<!tpu.dma_semaphore, #tpu.memory_space<semaphore_mem>>
      %dma_start3A = arith.constant 0 : i32
      %dma_start3A_142 = tpu.memref_slice %arg9[%add3A_134, %dma_start3A] : memref<10240x128xf32, #tpu.memory_space<vmem_shared>> -> memref<128x128xf32, #tpu.memory_space<vmem_shared>>
      %dma_start3A_143 = arith.constant 0 : i32
      %dma_start3A_144 = tpu.memref_slice %arg9[%add3A_134, %dma_start3A_143] : memref<10240x128xf32, #tpu.memory_space<vmem_shared>> -> memref<128x128xf32, #tpu.memory_space<vmem_shared>>
      tpu.enqueue_dma source(%dma_start3A_144 : memref<128x128xf32, #tpu.memory_space<vmem_shared>>) target(%arg12 : memref<128x128xf32, #tpu.memory_space<vmem>>) target_semaphore(%run_scoped3A_141 : memref<!tpu.dma_semaphore, #tpu.memory_space<semaphore_mem>>)
      %dma_wait3A = arith.constant 0 : i32
      %dma_wait3A_145 = tpu.memref_slice %arg9[%add3A_134, %dma_wait3A] : memref<10240x128xf32, #tpu.memory_space<vmem_shared>> -> memref<128x128xf32, #tpu.memory_space<vmem_shared>>
      %dma_wait3A_146 = arith.constant 0 : i32
      %dma_wait3A_147 = tpu.memref_slice %arg9[%add3A_134, %dma_wait3A_146] : memref<10240x128xf32, #tpu.memory_space<vmem_shared>> -> memref<128x128xf32, #tpu.memory_space<vmem_shared>>
      tpu.wait_dma2 semaphore(%run_scoped3A_141 : memref<!tpu.dma_semaphore, #tpu.memory_space<semaphore_mem>>) src(%dma_wait3A_147 : memref<128x128xf32, #tpu.memory_space<vmem_shared>>) dst(%arg12 : memref<128x128xf32, #tpu.memory_space<vmem>>)
      tpu.yield
    }) : () -> ()
    %run_scoped3A_135 = arith.constant 1 : i32
    "tpu.region"() ({
      %run_scoped3A_141 = tpu.sem_alloc : memref<!tpu.dma_semaphore, #tpu.memory_space<semaphore_mem>>
      %dma_start3A = arith.constant 384 : i32
      %dma_start3A_142 = arith.constant 0 : i32
      %dma_start3A_143 = tpu.memref_slice %arg8[%run_scoped3A_135, %arg0, %arg1, %dma_start3A, %dma_start3A_142] : memref<2x2x16x640x128xf32, #tpu.memory_space<hbm>> -> memref<1x1x1x128x128xf32, #tpu.memory_space<hbm>>
      %dma_start3A_144 = tpu.memref_squeeze %dma_start3A_143 : memref<1x1x1x128x128xf32, #tpu.memory_space<hbm>> -> memref<128x128xf32, #tpu.memory_space<hbm>>
      %dma_start3A_145 = arith.constant 384 : i32
      %dma_start3A_146 = arith.constant 0 : i32
      %dma_start3A_147 = tpu.memref_slice %arg8[%run_scoped3A_135, %arg0, %arg1, %dma_start3A_145, %dma_start3A_146] : memref<2x2x16x640x128xf32, #tpu.memory_space<hbm>> -> memref<1x1x1x128x128xf32, #tpu.memory_space<hbm>>
      %dma_start3A_148 = tpu.memref_squeeze %dma_start3A_147 : memref<1x1x1x128x128xf32, #tpu.memory_space<hbm>> -> memref<128x128xf32, #tpu.memory_space<hbm>>
      tpu.enqueue_dma source(%arg12 : memref<128x128xf32, #tpu.memory_space<vmem>>) target(%dma_start3A_148 : memref<128x128xf32, #tpu.memory_space<hbm>>) target_semaphore(%run_scoped3A_141 : memref<!tpu.dma_semaphore, #tpu.memory_space<semaphore_mem>>)
      %dma_wait3A = arith.constant 384 : i32
      %dma_wait3A_149 = arith.constant 0 : i32
      %dma_wait3A_150 = tpu.memref_slice %arg8[%run_scoped3A_135, %arg0, %arg1, %dma_wait3A, %dma_wait3A_149] : memref<2x2x16x640x128xf32, #tpu.memory_space<hbm>> -> memref<1x1x1x128x128xf32, #tpu.memory_space<hbm>>
      %dma_wait3A_151 = tpu.memref_squeeze %dma_wait3A_150 : memref<1x1x1x128x128xf32, #tpu.memory_space<hbm>> -> memref<128x128xf32, #tpu.memory_space<hbm>>
      %dma_wait3A_152 = arith.constant 384 : i32
      %dma_wait3A_153 = arith.constant 0 : i32
      %dma_wait3A_154 = tpu.memref_slice %arg8[%run_scoped3A_135, %arg0, %arg1, %dma_wait3A_152, %dma_wait3A_153] : memref<2x2x16x640x128xf32, #tpu.memory_space<hbm>> -> memref<1x1x1x128x128xf32, #tpu.memory_space<hbm>>
      %dma_wait3A_155 = tpu.memref_squeeze %dma_wait3A_154 : memref<1x1x1x128x128xf32, #tpu.memory_space<hbm>> -> memref<128x128xf32, #tpu.memory_space<hbm>>
      tpu.wait_dma2 semaphore(%run_scoped3A_141 : memref<!tpu.dma_semaphore, #tpu.memory_space<semaphore_mem>>) src(%arg12 : memref<128x128xf32, #tpu.memory_space<vmem>>) dst(%dma_wait3A_155 : memref<128x128xf32, #tpu.memory_space<hbm>>)
      tpu.yield
    }) : () -> ()
    %mul3A_136 = arith.constant 640 : i32
    %mul3A_137 = arith.muli %arg1, %mul3A_136 : i32
    %add3A_138 = arith.constant 512 : i32
    %add3A_139 = arith.addi %mul3A_137, %add3A_138 : i32
    "tpu.region"() ({
      %run_scoped3A_141 = tpu.sem_alloc : memref<!tpu.dma_semaphore, #tpu.memory_space<semaphore_mem>>
      %dma_start3A = arith.constant 0 : i32
      %dma_start3A_142 = tpu.memref_slice %arg9[%add3A_139, %dma_start3A] : memref<10240x128xf32, #tpu.memory_space<vmem_shared>> -> memref<128x128xf32, #tpu.memory_space<vmem_shared>>
      %dma_start3A_143 = arith.constant 0 : i32
      %dma_start3A_144 = tpu.memref_slice %arg9[%add3A_139, %dma_start3A_143] : memref<10240x128xf32, #tpu.memory_space<vmem_shared>> -> memref<128x128xf32, #tpu.memory_space<vmem_shared>>
      tpu.enqueue_dma source(%dma_start3A_144 : memref<128x128xf32, #tpu.memory_space<vmem_shared>>) target(%arg12 : memref<128x128xf32, #tpu.memory_space<vmem>>) target_semaphore(%run_scoped3A_141 : memref<!tpu.dma_semaphore, #tpu.memory_space<semaphore_mem>>)
      %dma_wait3A = arith.constant 0 : i32
      %dma_wait3A_145 = tpu.memref_slice %arg9[%add3A_139, %dma_wait3A] : memref<10240x128xf32, #tpu.memory_space<vmem_shared>> -> memref<128x128xf32, #tpu.memory_space<vmem_shared>>
      %dma_wait3A_146 = arith.constant 0 : i32
      %dma_wait3A_147 = tpu.memref_slice %arg9[%add3A_139, %dma_wait3A_146] : memref<10240x128xf32, #tpu.memory_space<vmem_shared>> -> memref<128x128xf32, #tpu.memory_space<vmem_shared>>
      tpu.wait_dma2 semaphore(%run_scoped3A_141 : memref<!tpu.dma_semaphore, #tpu.memory_space<semaphore_mem>>) src(%dma_wait3A_147 : memref<128x128xf32, #tpu.memory_space<vmem_shared>>) dst(%arg12 : memref<128x128xf32, #tpu.memory_space<vmem>>)
      tpu.yield
    }) : () -> ()
    %run_scoped3A_140 = arith.constant 1 : i32
    "tpu.region"() ({
      %run_scoped3A_141 = tpu.sem_alloc : memref<!tpu.dma_semaphore, #tpu.memory_space<semaphore_mem>>
      %dma_start3A = arith.constant 512 : i32
      %dma_start3A_142 = arith.constant 0 : i32
      %dma_start3A_143 = tpu.memref_slice %arg8[%run_scoped3A_140, %arg0, %arg1, %dma_start3A, %dma_start3A_142] : memref<2x2x16x640x128xf32, #tpu.memory_space<hbm>> -> memref<1x1x1x128x128xf32, #tpu.memory_space<hbm>>
      %dma_start3A_144 = tpu.memref_squeeze %dma_start3A_143 : memref<1x1x1x128x128xf32, #tpu.memory_space<hbm>> -> memref<128x128xf32, #tpu.memory_space<hbm>>
      %dma_start3A_145 = arith.constant 512 : i32
      %dma_start3A_146 = arith.constant 0 : i32
      %dma_start3A_147 = tpu.memref_slice %arg8[%run_scoped3A_140, %arg0, %arg1, %dma_start3A_145, %dma_start3A_146] : memref<2x2x16x640x128xf32, #tpu.memory_space<hbm>> -> memref<1x1x1x128x128xf32, #tpu.memory_space<hbm>>
      %dma_start3A_148 = tpu.memref_squeeze %dma_start3A_147 : memref<1x1x1x128x128xf32, #tpu.memory_space<hbm>> -> memref<128x128xf32, #tpu.memory_space<hbm>>
      tpu.enqueue_dma source(%arg12 : memref<128x128xf32, #tpu.memory_space<vmem>>) target(%dma_start3A_148 : memref<128x128xf32, #tpu.memory_space<hbm>>) target_semaphore(%run_scoped3A_141 : memref<!tpu.dma_semaphore, #tpu.memory_space<semaphore_mem>>)
      %dma_wait3A = arith.constant 512 : i32
      %dma_wait3A_149 = arith.constant 0 : i32
      %dma_wait3A_150 = tpu.memref_slice %arg8[%run_scoped3A_140, %arg0, %arg1, %dma_wait3A, %dma_wait3A_149] : memref<2x2x16x640x128xf32, #tpu.memory_space<hbm>> -> memref<1x1x1x128x128xf32, #tpu.memory_space<hbm>>
      %dma_wait3A_151 = tpu.memref_squeeze %dma_wait3A_150 : memref<1x1x1x128x128xf32, #tpu.memory_space<hbm>> -> memref<128x128xf32, #tpu.memory_space<hbm>>
      %dma_wait3A_152 = arith.constant 512 : i32
      %dma_wait3A_153 = arith.constant 0 : i32
      %dma_wait3A_154 = tpu.memref_slice %arg8[%run_scoped3A_140, %arg0, %arg1, %dma_wait3A_152, %dma_wait3A_153] : memref<2x2x16x640x128xf32, #tpu.memory_space<hbm>> -> memref<1x1x1x128x128xf32, #tpu.memory_space<hbm>>
      %dma_wait3A_155 = tpu.memref_squeeze %dma_wait3A_154 : memref<1x1x1x128x128xf32, #tpu.memory_space<hbm>> -> memref<128x128xf32, #tpu.memory_space<hbm>>
      tpu.wait_dma2 semaphore(%run_scoped3A_141 : memref<!tpu.dma_semaphore, #tpu.memory_space<semaphore_mem>>) src(%arg12 : memref<128x128xf32, #tpu.memory_space<vmem>>) dst(%dma_wait3A_155 : memref<128x128xf32, #tpu.memory_space<hbm>>)
      tpu.yield
    }) : () -> ()
    "tpu.trace_stop"() : () -> ()
    return
  }
}

#map = affine_map<(d0, d1) -> (0, 0, 0)>
module attributes {stable_mosaic.version = 14 : i64} {
  func.func @_deg_kernel(%arg0: i32, %arg1: i32, %arg2: memref<32x320x128xi32, #tpu.memory_space<hbm>>, %arg3: memref<2x16x40960xf32, #tpu.memory_space<hbm>>, %arg4: memref<40960xf32, #tpu.memory_space<vmem>>, %arg5: memref<320x128xi32, #tpu.memory_space<vmem>>) attributes {dimension_semantics = [#tpu.dimension_semantics<core_parallel>, #tpu.dimension_semantics<subcore_parallel>], iteration_bounds = array<i64: 2, 16>, scalar_prefetch = 0 : i64, scratch_operands = 2 : i64, tpu.core_type = #tpu.core_type<sc_vector_subcore>, window_params = [{transform_indices = #map}, {transform_indices = #map}]} {
    %mul3A = arith.constant 16 : i32
    %mul3A_0 = arith.muli %arg0, %mul3A : i32
    %add3A = arith.addi %mul3A_0, %arg1 : i32
    %broadcast_in_dim3A = arith.constant 0.000000e+00 : f32
    %broadcast_in_dim3A_1 = vector.broadcast %broadcast_in_dim3A : f32 to vector<16xf32>
    %scan3A = arith.constant 0 : i32
    %scan3A_2 = arith.constant 0 : i32
    %scan3A_3 = arith.constant 2560 : i32
    %scan3A_4 = arith.addi %scan3A_2, %scan3A_3 : i32
    %scan3A_5 = arith.constant 1 : i32
    %scan3A_6 = scf.for %scan3A_17 = %scan3A_2 to %scan3A_4 step %scan3A_5 iter_args(%scan3A_18 = %scan3A) -> (i32)  : i32 {
      %mul3A_19 = arith.constant 16 : i32
      %mul3A_20 = arith.muli %scan3A_17, %mul3A_19 : i32
      %swap3A = arith.index_cast %mul3A_20 : i32 to index
      %swap3A_21 = tpu.vector_load %arg4[%swap3A] {strides = array<i32>} : memref<40960xf32, #tpu.memory_space<vmem>>, vector<16xf32>,
      tpu.vector_store %arg4[%swap3A], %broadcast_in_dim3A_1 {strides = array<i32>} : memref<40960xf32, #tpu.memory_space<vmem>>, vector<16xf32>,
      %scan3A_22 = arith.constant 0 : i32
      scf.yield %scan3A_22 : i32
    }
    %scan3A_7 = arith.constant 2560 : i32
    "tpu.region"() ({
      %run_scoped3A = tpu.sem_alloc : memref<!tpu.dma_semaphore, #tpu.memory_space<semaphore_mem>>
      %dma_start3A = arith.constant 0 : i32
      %dma_start3A_17 = arith.constant 0 : i32
      %dma_start3A_18 = tpu.memref_slice %arg2[%add3A, %dma_start3A, %dma_start3A_17] : memref<32x320x128xi32, #tpu.memory_space<hbm>> -> memref<1x320x128xi32, #tpu.memory_space<hbm>>
      %dma_start3A_19 = tpu.memref_squeeze %dma_start3A_18 : memref<1x320x128xi32, #tpu.memory_space<hbm>> -> memref<320x128xi32, #tpu.memory_space<hbm>>
      %dma_start3A_20 = arith.constant 0 : i32
      %dma_start3A_21 = arith.constant 0 : i32
      %dma_start3A_22 = tpu.memref_slice %arg2[%add3A, %dma_start3A_20, %dma_start3A_21] : memref<32x320x128xi32, #tpu.memory_space<hbm>> -> memref<1x320x128xi32, #tpu.memory_space<hbm>>
      %dma_start3A_23 = tpu.memref_squeeze %dma_start3A_22 : memref<1x320x128xi32, #tpu.memory_space<hbm>> -> memref<320x128xi32, #tpu.memory_space<hbm>>
      tpu.enqueue_dma source(%dma_start3A_23 : memref<320x128xi32, #tpu.memory_space<hbm>>) target(%arg5 : memref<320x128xi32, #tpu.memory_space<vmem>>) target_semaphore(%run_scoped3A : memref<!tpu.dma_semaphore, #tpu.memory_space<semaphore_mem>>)
      %dma_wait3A = arith.constant 0 : i32
      %dma_wait3A_24 = arith.constant 0 : i32
      %dma_wait3A_25 = tpu.memref_slice %arg2[%add3A, %dma_wait3A, %dma_wait3A_24] : memref<32x320x128xi32, #tpu.memory_space<hbm>> -> memref<1x320x128xi32, #tpu.memory_space<hbm>>
      %dma_wait3A_26 = tpu.memref_squeeze %dma_wait3A_25 : memref<1x320x128xi32, #tpu.memory_space<hbm>> -> memref<320x128xi32, #tpu.memory_space<hbm>>
      %dma_wait3A_27 = arith.constant 0 : i32
      %dma_wait3A_28 = arith.constant 0 : i32
      %dma_wait3A_29 = tpu.memref_slice %arg2[%add3A, %dma_wait3A_27, %dma_wait3A_28] : memref<32x320x128xi32, #tpu.memory_space<hbm>> -> memref<1x320x128xi32, #tpu.memory_space<hbm>>
      %dma_wait3A_30 = tpu.memref_squeeze %dma_wait3A_29 : memref<1x320x128xi32, #tpu.memory_space<hbm>> -> memref<320x128xi32, #tpu.memory_space<hbm>>
      tpu.wait_dma2 semaphore(%run_scoped3A : memref<!tpu.dma_semaphore, #tpu.memory_space<semaphore_mem>>) src(%dma_wait3A_30 : memref<320x128xi32, #tpu.memory_space<hbm>>) dst(%arg5 : memref<320x128xi32, #tpu.memory_space<vmem>>)
      tpu.yield
    }) : () -> ()
    %broadcast_in_dim3A_8 = arith.constant 1.000000e+00 : f32
    %broadcast_in_dim3A_9 = vector.broadcast %broadcast_in_dim3A_8 : f32 to vector<16xf32>
    %scan3A_10 = arith.constant 0 : i32
    %scan3A_11 = arith.constant 0 : i32
    %scan3A_12 = arith.constant 320 : i32
    %scan3A_13 = arith.addi %scan3A_11, %scan3A_12 : i32
    %scan3A_14 = arith.constant 1 : i32
    %scan3A_15 = scf.for %scan3A_17 = %scan3A_11 to %scan3A_13 step %scan3A_14 iter_args(%scan3A_18 = %scan3A_10) -> (i32)  : i32 {
      %get3A = arith.index_cast %scan3A_17 : i32 to index
      %get3A_19 = arith.constant 0 : index
      %get3A_20 = tpu.vector_load %arg5[%get3A, %get3A_19] {strides = array<i32>} : memref<320x128xi32, #tpu.memory_space<vmem>>, vector<16xi32>,
      tpu.vector_store_idx %arg4[%get3A_20], %broadcast_in_dim3A_9 {add = true} : memref<40960xf32, #tpu.memory_space<vmem>>[vector<16xi32>], vector<16xf32>,
      %get3A_21 = arith.index_cast %scan3A_17 : i32 to index
      %get3A_22 = arith.constant 16 : index
      %get3A_23 = tpu.vector_load %arg5[%get3A_21, %get3A_22] {strides = array<i32>} : memref<320x128xi32, #tpu.memory_space<vmem>>, vector<16xi32>,
      tpu.vector_store_idx %arg4[%get3A_23], %broadcast_in_dim3A_9 {add = true} : memref<40960xf32, #tpu.memory_space<vmem>>[vector<16xi32>], vector<16xf32>,
      %get3A_24 = arith.index_cast %scan3A_17 : i32 to index
      %get3A_25 = arith.constant 32 : index
      %get3A_26 = tpu.vector_load %arg5[%get3A_24, %get3A_25] {strides = array<i32>} : memref<320x128xi32, #tpu.memory_space<vmem>>, vector<16xi32>,
      tpu.vector_store_idx %arg4[%get3A_26], %broadcast_in_dim3A_9 {add = true} : memref<40960xf32, #tpu.memory_space<vmem>>[vector<16xi32>], vector<16xf32>,
      %get3A_27 = arith.index_cast %scan3A_17 : i32 to index
      %get3A_28 = arith.constant 48 : index
      %get3A_29 = tpu.vector_load %arg5[%get3A_27, %get3A_28] {strides = array<i32>} : memref<320x128xi32, #tpu.memory_space<vmem>>, vector<16xi32>,
      tpu.vector_store_idx %arg4[%get3A_29], %broadcast_in_dim3A_9 {add = true} : memref<40960xf32, #tpu.memory_space<vmem>>[vector<16xi32>], vector<16xf32>,
      %get3A_30 = arith.index_cast %scan3A_17 : i32 to index
      %get3A_31 = arith.constant 64 : index
      %get3A_32 = tpu.vector_load %arg5[%get3A_30, %get3A_31] {strides = array<i32>} : memref<320x128xi32, #tpu.memory_space<vmem>>, vector<16xi32>,
      tpu.vector_store_idx %arg4[%get3A_32], %broadcast_in_dim3A_9 {add = true} : memref<40960xf32, #tpu.memory_space<vmem>>[vector<16xi32>], vector<16xf32>,
      %get3A_33 = arith.index_cast %scan3A_17 : i32 to index
      %get3A_34 = arith.constant 80 : index
      %get3A_35 = tpu.vector_load %arg5[%get3A_33, %get3A_34] {strides = array<i32>} : memref<320x128xi32, #tpu.memory_space<vmem>>, vector<16xi32>,
      tpu.vector_store_idx %arg4[%get3A_35], %broadcast_in_dim3A_9 {add = true} : memref<40960xf32, #tpu.memory_space<vmem>>[vector<16xi32>], vector<16xf32>,
      %get3A_36 = arith.index_cast %scan3A_17 : i32 to index
      %get3A_37 = arith.constant 96 : index
      %get3A_38 = tpu.vector_load %arg5[%get3A_36, %get3A_37] {strides = array<i32>} : memref<320x128xi32, #tpu.memory_space<vmem>>, vector<16xi32>,
      tpu.vector_store_idx %arg4[%get3A_38], %broadcast_in_dim3A_9 {add = true} : memref<40960xf32, #tpu.memory_space<vmem>>[vector<16xi32>], vector<16xf32>,
      %get3A_39 = arith.index_cast %scan3A_17 : i32 to index
      %get3A_40 = arith.constant 112 : index
      %get3A_41 = tpu.vector_load %arg5[%get3A_39, %get3A_40] {strides = array<i32>} : memref<320x128xi32, #tpu.memory_space<vmem>>, vector<16xi32>,
      tpu.vector_store_idx %arg4[%get3A_41], %broadcast_in_dim3A_9 {add = true} : memref<40960xf32, #tpu.memory_space<vmem>>[vector<16xi32>], vector<16xf32>,
      %scan3A_42 = arith.constant 0 : i32
      scf.yield %scan3A_42 : i32
    }
    %scan3A_16 = arith.constant 320 : i32
    "tpu.region"() ({
      %run_scoped3A = tpu.sem_alloc : memref<!tpu.dma_semaphore, #tpu.memory_space<semaphore_mem>>
      %dma_start3A = arith.constant 0 : i32
      %dma_start3A_17 = tpu.memref_slice %arg3[%arg0, %arg1, %dma_start3A] : memref<2x16x40960xf32, #tpu.memory_space<hbm>> -> memref<1x1x40960xf32, #tpu.memory_space<hbm>>
      %dma_start3A_18 = tpu.memref_squeeze %dma_start3A_17 : memref<1x1x40960xf32, #tpu.memory_space<hbm>> -> memref<40960xf32, #tpu.memory_space<hbm>>
      %dma_start3A_19 = arith.constant 0 : i32
      %dma_start3A_20 = tpu.memref_slice %arg3[%arg0, %arg1, %dma_start3A_19] : memref<2x16x40960xf32, #tpu.memory_space<hbm>> -> memref<1x1x40960xf32, #tpu.memory_space<hbm>>
      %dma_start3A_21 = tpu.memref_squeeze %dma_start3A_20 : memref<1x1x40960xf32, #tpu.memory_space<hbm>> -> memref<40960xf32, #tpu.memory_space<hbm>>
      tpu.enqueue_dma source(%arg4 : memref<40960xf32, #tpu.memory_space<vmem>>) target(%dma_start3A_21 : memref<40960xf32, #tpu.memory_space<hbm>>) target_semaphore(%run_scoped3A : memref<!tpu.dma_semaphore, #tpu.memory_space<semaphore_mem>>)
      %dma_wait3A = arith.constant 0 : i32
      %dma_wait3A_22 = tpu.memref_slice %arg3[%arg0, %arg1, %dma_wait3A] : memref<2x16x40960xf32, #tpu.memory_space<hbm>> -> memref<1x1x40960xf32, #tpu.memory_space<hbm>>
      %dma_wait3A_23 = tpu.memref_squeeze %dma_wait3A_22 : memref<1x1x40960xf32, #tpu.memory_space<hbm>> -> memref<40960xf32, #tpu.memory_space<hbm>>
      %dma_wait3A_24 = arith.constant 0 : i32
      %dma_wait3A_25 = tpu.memref_slice %arg3[%arg0, %arg1, %dma_wait3A_24] : memref<2x16x40960xf32, #tpu.memory_space<hbm>> -> memref<1x1x40960xf32, #tpu.memory_space<hbm>>
      %dma_wait3A_26 = tpu.memref_squeeze %dma_wait3A_25 : memref<1x1x40960xf32, #tpu.memory_space<hbm>> -> memref<40960xf32, #tpu.memory_space<hbm>>
      tpu.wait_dma2 semaphore(%run_scoped3A : memref<!tpu.dma_semaphore, #tpu.memory_space<semaphore_mem>>) src(%arg4 : memref<40960xf32, #tpu.memory_space<vmem>>) dst(%dma_wait3A_26 : memref<40960xf32, #tpu.memory_space<hbm>>)
      tpu.yield
    }) : () -> ()
    return
  }
}

#map = affine_map<(d0, d1) -> (0, 0)>
#map1 = affine_map<(d0, d1) -> (0, 0, 0)>
#map2 = affine_map<(d0, d1) -> (0, 0, 0, 0, 0)>
module attributes {stable_mosaic.version = 14 : i64} {
  func.func @_spmm_kernel(%arg0: i32, %arg1: i32, %arg2: memref<10240x128xf32, #tpu.memory_space<hbm>>, %arg3: memref<10240x128xf32, #tpu.memory_space<hbm>>, %arg4: memref<64x40x128xi32, #tpu.memory_space<hbm>>, %arg5: memref<64x40x128xi32, #tpu.memory_space<hbm>>, %arg6: memref<64x40x128xi32, #tpu.memory_space<hbm>>, %arg7: memref<64x40x128xi32, #tpu.memory_space<hbm>>, %arg8: memref<2x2x16x640x128xf32, #tpu.memory_space<hbm>>, %arg9: memref<10240x128xf32, #tpu.memory_space<vmem_shared>>, %arg10: memref<40x128xi32, #tpu.memory_space<vmem>>, %arg11: memref<40x128xi32, #tpu.memory_space<vmem>>, %arg12: memref<128x128xf32, #tpu.memory_space<vmem>>, %arg13: memref<128x128xf32, #tpu.memory_space<vmem>>, %arg14: memref<!tpu.dma_semaphore, #tpu.memory_space<semaphore_mem>>, %arg15: memref<!tpu.dma_semaphore, #tpu.memory_space<semaphore_mem>>, %arg16: memref<!tpu.dma_semaphore, #tpu.memory_space<semaphore_mem>>, %arg17: memref<!tpu.dma_semaphore, #tpu.memory_space<semaphore_mem>>) attributes {dimension_semantics = [#tpu.dimension_semantics<core_parallel>, #tpu.dimension_semantics<subcore_parallel>], iteration_bounds = array<i64: 2, 16>, scalar_prefetch = 0 : i64, scratch_operands = 9 : i64, tpu.core_type = #tpu.core_type<sc_vector_subcore>, window_params = [{transform_indices = #map}, {transform_indices = #map}, {transform_indices = #map1}, {transform_indices = #map1}, {transform_indices = #map1}, {transform_indices = #map1}, {transform_indices = #map2}]} {
    %eq3A = arith.constant 0 : i32
    %eq3A_0 = arith.cmpi eq, %arg0, %eq3A : i32
    %mul3A = arith.constant 2 : i32
    %mul3A_1 = arith.muli %mul3A, %arg1 : i32
    %mul3A_2 = arith.constant 2 : i32
    %mul3A_3 = arith.muli %mul3A_2, %arg1 : i32
    %add3A = arith.constant 32 : i32
    %add3A_4 = arith.addi %add3A, %mul3A_3 : i32
    %select_n3A = arith.select %eq3A_0, %mul3A_1, %add3A_4 : i32
    %eq3A_5 = arith.constant 0 : i32
    %eq3A_6 = arith.cmpi eq, %arg0, %eq3A_5 : i32
    %jit3A = arith.constant 2 : i32
    %jit3A_7 = arith.constant 2 : i32
    %select_n3A_8 = arith.select %eq3A_6, %jit3A, %jit3A_7 : i32
    %broadcast_in_dim3A = arith.constant 0.000000e+00 : f32
    "tpu.trace_start"() <{level = 10 : i32, message = "zero0"}> : () -> ()
    %broadcast_in_dim3A_9 = vector.broadcast %broadcast_in_dim3A : f32 to vector<16xf32>
    %scan3A = arith.constant 0 : i32
    %scan3A_10 = arith.constant 0 : i32
    %scan3A_11 = arith.constant 128 : i32
    %scan3A_12 = arith.addi %scan3A_10, %scan3A_11 : i32
    %scan3A_13 = arith.constant 1 : i32
    %scan3A_14 = scf.for %scan3A_141 = %scan3A_10 to %scan3A_12 step %scan3A_13 iter_args(%scan3A_142 = %scan3A) -> (i32)  : i32 {
      %swap3A = arith.index_cast %scan3A_141 : i32 to index
      %swap3A_143 = arith.constant 0 : index
      %swap3A_144 = tpu.vector_load %arg12[%swap3A, %swap3A_143] {strides = array<i32>} : memref<128x128xf32, #tpu.memory_space<vmem>>, vector<1x16xf32>,
      %swap3A_145 = vector.shape_cast %swap3A_144 : vector<1x16xf32> to vector<16xf32>
      %swap3A_146 = vector.shape_cast %broadcast_in_dim3A_9 : vector<16xf32> to vector<1x16xf32>
      tpu.vector_store %arg12[%swap3A, %swap3A_143], %swap3A_146 {strides = array<i32>} : memref<128x128xf32, #tpu.memory_space<vmem>>, vector<1x16xf32>,
      %swap3A_147 = arith.index_cast %scan3A_141 : i32 to index
      %swap3A_148 = arith.constant 16 : index
      %swap3A_149 = tpu.vector_load %arg12[%swap3A_147, %swap3A_148] {strides = array<i32>} : memref<128x128xf32, #tpu.memory_space<vmem>>, vector<1x16xf32>,
      %swap3A_150 = vector.shape_cast %swap3A_149 : vector<1x16xf32> to vector<16xf32>
      %swap3A_151 = vector.shape_cast %broadcast_in_dim3A_9 : vector<16xf32> to vector<1x16xf32>
      tpu.vector_store %arg12[%swap3A_147, %swap3A_148], %swap3A_151 {strides = array<i32>} : memref<128x128xf32, #tpu.memory_space<vmem>>, vector<1x16xf32>,
      %swap3A_152 = arith.index_cast %scan3A_141 : i32 to index
      %swap3A_153 = arith.constant 32 : index
      %swap3A_154 = tpu.vector_load %arg12[%swap3A_152, %swap3A_153] {strides = array<i32>} : memref<128x128xf32, #tpu.memory_space<vmem>>, vector<1x16xf32>,
      %swap3A_155 = vector.shape_cast %swap3A_154 : vector<1x16xf32> to vector<16xf32>
      %swap3A_156 = vector.shape_cast %broadcast_in_dim3A_9 : vector<16xf32> to vector<1x16xf32>
      tpu.vector_store %arg12[%swap3A_152, %swap3A_153], %swap3A_156 {strides = array<i32>} : memref<128x128xf32, #tpu.memory_space<vmem>>, vector<1x16xf32>,
      %swap3A_157 = arith.index_cast %scan3A_141 : i32 to index
      %swap3A_158 = arith.constant 48 : index
      %swap3A_159 = tpu.vector_load %arg12[%swap3A_157, %swap3A_158] {strides = array<i32>} : memref<128x128xf32, #tpu.memory_space<vmem>>, vector<1x16xf32>,
      %swap3A_160 = vector.shape_cast %swap3A_159 : vector<1x16xf32> to vector<16xf32>
      %swap3A_161 = vector.shape_cast %broadcast_in_dim3A_9 : vector<16xf32> to vector<1x16xf32>
      tpu.vector_store %arg12[%swap3A_157, %swap3A_158], %swap3A_161 {strides = array<i32>} : memref<128x128xf32, #tpu.memory_space<vmem>>, vector<1x16xf32>,
      %swap3A_162 = arith.index_cast %scan3A_141 : i32 to index
      %swap3A_163 = arith.constant 64 : index
      %swap3A_164 = tpu.vector_load %arg12[%swap3A_162, %swap3A_163] {strides = array<i32>} : memref<128x128xf32, #tpu.memory_space<vmem>>, vector<1x16xf32>,
      %swap3A_165 = vector.shape_cast %swap3A_164 : vector<1x16xf32> to vector<16xf32>
      %swap3A_166 = vector.shape_cast %broadcast_in_dim3A_9 : vector<16xf32> to vector<1x16xf32>
      tpu.vector_store %arg12[%swap3A_162, %swap3A_163], %swap3A_166 {strides = array<i32>} : memref<128x128xf32, #tpu.memory_space<vmem>>, vector<1x16xf32>,
      %swap3A_167 = arith.index_cast %scan3A_141 : i32 to index
      %swap3A_168 = arith.constant 80 : index
      %swap3A_169 = tpu.vector_load %arg12[%swap3A_167, %swap3A_168] {strides = array<i32>} : memref<128x128xf32, #tpu.memory_space<vmem>>, vector<1x16xf32>,
      %swap3A_170 = vector.shape_cast %swap3A_169 : vector<1x16xf32> to vector<16xf32>
      %swap3A_171 = vector.shape_cast %broadcast_in_dim3A_9 : vector<16xf32> to vector<1x16xf32>
      tpu.vector_store %arg12[%swap3A_167, %swap3A_168], %swap3A_171 {strides = array<i32>} : memref<128x128xf32, #tpu.memory_space<vmem>>, vector<1x16xf32>,
      %swap3A_172 = arith.index_cast %scan3A_141 : i32 to index
      %swap3A_173 = arith.constant 96 : index
      %swap3A_174 = tpu.vector_load %arg12[%swap3A_172, %swap3A_173] {strides = array<i32>} : memref<128x128xf32, #tpu.memory_space<vmem>>, vector<1x16xf32>,
      %swap3A_175 = vector.shape_cast %swap3A_174 : vector<1x16xf32> to vector<16xf32>
      %swap3A_176 = vector.shape_cast %broadcast_in_dim3A_9 : vector<16xf32> to vector<1x16xf32>
      tpu.vector_store %arg12[%swap3A_172, %swap3A_173], %swap3A_176 {strides = array<i32>} : memref<128x128xf32, #tpu.memory_space<vmem>>, vector<1x16xf32>,
      %swap3A_177 = arith.index_cast %scan3A_141 : i32 to index
      %swap3A_178 = arith.constant 112 : index
      %swap3A_179 = tpu.vector_load %arg12[%swap3A_177, %swap3A_178] {strides = array<i32>} : memref<128x128xf32, #tpu.memory_space<vmem>>, vector<1x16xf32>,
      %swap3A_180 = vector.shape_cast %swap3A_179 : vector<1x16xf32> to vector<16xf32>
      %swap3A_181 = vector.shape_cast %broadcast_in_dim3A_9 : vector<16xf32> to vector<1x16xf32>
      tpu.vector_store %arg12[%swap3A_177, %swap3A_178], %swap3A_181 {strides = array<i32>} : memref<128x128xf32, #tpu.memory_space<vmem>>, vector<1x16xf32>,
      %scan3A_182 = arith.constant 0 : i32
      scf.yield %scan3A_182 : i32
    }
    %scan3A_15 = arith.constant 128 : i32
    %mul3A_16 = arith.constant 640 : i32
    %mul3A_17 = arith.muli %arg1, %mul3A_16 : i32
    %add3A_18 = arith.constant 0 : i32
    %add3A_19 = arith.addi %mul3A_17, %add3A_18 : i32
    "tpu.region"() ({
      %run_scoped3A_141 = tpu.sem_alloc : memref<!tpu.dma_semaphore, #tpu.memory_space<semaphore_mem>>
      %dma_start3A = arith.constant 0 : i32
      %dma_start3A_142 = tpu.memref_slice %arg9[%add3A_19, %dma_start3A] : memref<10240x128xf32, #tpu.memory_space<vmem_shared>> -> memref<128x128xf32, #tpu.memory_space<vmem_shared>>
      %dma_start3A_143 = arith.constant 0 : i32
      %dma_start3A_144 = tpu.memref_slice %arg9[%add3A_19, %dma_start3A_143] : memref<10240x128xf32, #tpu.memory_space<vmem_shared>> -> memref<128x128xf32, #tpu.memory_space<vmem_shared>>
      tpu.enqueue_dma source(%arg12 : memref<128x128xf32, #tpu.memory_space<vmem>>) target(%dma_start3A_144 : memref<128x128xf32, #tpu.memory_space<vmem_shared>>) target_semaphore(%run_scoped3A_141 : memref<!tpu.dma_semaphore, #tpu.memory_space<semaphore_mem>>)
      %dma_wait3A = arith.constant 0 : i32
      %dma_wait3A_145 = tpu.memref_slice %arg9[%add3A_19, %dma_wait3A] : memref<10240x128xf32, #tpu.memory_space<vmem_shared>> -> memref<128x128xf32, #tpu.memory_space<vmem_shared>>
      %dma_wait3A_146 = arith.constant 0 : i32
      %dma_wait3A_147 = tpu.memref_slice %arg9[%add3A_19, %dma_wait3A_146] : memref<10240x128xf32, #tpu.memory_space<vmem_shared>> -> memref<128x128xf32, #tpu.memory_space<vmem_shared>>
      tpu.wait_dma2 semaphore(%run_scoped3A_141 : memref<!tpu.dma_semaphore, #tpu.memory_space<semaphore_mem>>) src(%arg12 : memref<128x128xf32, #tpu.memory_space<vmem>>) dst(%dma_wait3A_147 : memref<128x128xf32, #tpu.memory_space<vmem_shared>>)
      tpu.yield
    }) : () -> ()
    %mul3A_20 = arith.constant 640 : i32
    %mul3A_21 = arith.muli %arg1, %mul3A_20 : i32
    %add3A_22 = arith.constant 128 : i32
    %add3A_23 = arith.addi %mul3A_21, %add3A_22 : i32
    "tpu.region"() ({
      %run_scoped3A_141 = tpu.sem_alloc : memref<!tpu.dma_semaphore, #tpu.memory_space<semaphore_mem>>
      %dma_start3A = arith.constant 0 : i32
      %dma_start3A_142 = tpu.memref_slice %arg9[%add3A_23, %dma_start3A] : memref<10240x128xf32, #tpu.memory_space<vmem_shared>> -> memref<128x128xf32, #tpu.memory_space<vmem_shared>>
      %dma_start3A_143 = arith.constant 0 : i32
      %dma_start3A_144 = tpu.memref_slice %arg9[%add3A_23, %dma_start3A_143] : memref<10240x128xf32, #tpu.memory_space<vmem_shared>> -> memref<128x128xf32, #tpu.memory_space<vmem_shared>>
      tpu.enqueue_dma source(%arg12 : memref<128x128xf32, #tpu.memory_space<vmem>>) target(%dma_start3A_144 : memref<128x128xf32, #tpu.memory_space<vmem_shared>>) target_semaphore(%run_scoped3A_141 : memref<!tpu.dma_semaphore, #tpu.memory_space<semaphore_mem>>)
      %dma_wait3A = arith.constant 0 : i32
      %dma_wait3A_145 = tpu.memref_slice %arg9[%add3A_23, %dma_wait3A] : memref<10240x128xf32, #tpu.memory_space<vmem_shared>> -> memref<128x128xf32, #tpu.memory_space<vmem_shared>>
      %dma_wait3A_146 = arith.constant 0 : i32
      %dma_wait3A_147 = tpu.memref_slice %arg9[%add3A_23, %dma_wait3A_146] : memref<10240x128xf32, #tpu.memory_space<vmem_shared>> -> memref<128x128xf32, #tpu.memory_space<vmem_shared>>
      tpu.wait_dma2 semaphore(%run_scoped3A_141 : memref<!tpu.dma_semaphore, #tpu.memory_space<semaphore_mem>>) src(%arg12 : memref<128x128xf32, #tpu.memory_space<vmem>>) dst(%dma_wait3A_147 : memref<128x128xf32, #tpu.memory_space<vmem_shared>>)
      tpu.yield
    }) : () -> ()
    %mul3A_24 = arith.constant 640 : i32
    %mul3A_25 = arith.muli %arg1, %mul3A_24 : i32
    %add3A_26 = arith.constant 256 : i32
    %add3A_27 = arith.addi %mul3A_25, %add3A_26 : i32
    "tpu.region"() ({
      %run_scoped3A_141 = tpu.sem_alloc : memref<!tpu.dma_semaphore, #tpu.memory_space<semaphore_mem>>
      %dma_start3A = arith.constant 0 : i32
      %dma_start3A_142 = tpu.memref_slice %arg9[%add3A_27, %dma_start3A] : memref<10240x128xf32, #tpu.memory_space<vmem_shared>> -> memref<128x128xf32, #tpu.memory_space<vmem_shared>>
      %dma_start3A_143 = arith.constant 0 : i32
      %dma_start3A_144 = tpu.memref_slice %arg9[%add3A_27, %dma_start3A_143] : memref<10240x128xf32, #tpu.memory_space<vmem_shared>> -> memref<128x128xf32, #tpu.memory_space<vmem_shared>>
      tpu.enqueue_dma source(%arg12 : memref<128x128xf32, #tpu.memory_space<vmem>>) target(%dma_start3A_144 : memref<128x128xf32, #tpu.memory_space<vmem_shared>>) target_semaphore(%run_scoped3A_141 : memref<!tpu.dma_semaphore, #tpu.memory_space<semaphore_mem>>)
      %dma_wait3A = arith.constant 0 : i32
      %dma_wait3A_145 = tpu.memref_slice %arg9[%add3A_27, %dma_wait3A] : memref<10240x128xf32, #tpu.memory_space<vmem_shared>> -> memref<128x128xf32, #tpu.memory_space<vmem_shared>>
      %dma_wait3A_146 = arith.constant 0 : i32
      %dma_wait3A_147 = tpu.memref_slice %arg9[%add3A_27, %dma_wait3A_146] : memref<10240x128xf32, #tpu.memory_space<vmem_shared>> -> memref<128x128xf32, #tpu.memory_space<vmem_shared>>
      tpu.wait_dma2 semaphore(%run_scoped3A_141 : memref<!tpu.dma_semaphore, #tpu.memory_space<semaphore_mem>>) src(%arg12 : memref<128x128xf32, #tpu.memory_space<vmem>>) dst(%dma_wait3A_147 : memref<128x128xf32, #tpu.memory_space<vmem_shared>>)
      tpu.yield
    }) : () -> ()
    %mul3A_28 = arith.constant 640 : i32
    %mul3A_29 = arith.muli %arg1, %mul3A_28 : i32
    %add3A_30 = arith.constant 384 : i32
    %add3A_31 = arith.addi %mul3A_29, %add3A_30 : i32
    "tpu.region"() ({
      %run_scoped3A_141 = tpu.sem_alloc : memref<!tpu.dma_semaphore, #tpu.memory_space<semaphore_mem>>
      %dma_start3A = arith.constant 0 : i32
      %dma_start3A_142 = tpu.memref_slice %arg9[%add3A_31, %dma_start3A] : memref<10240x128xf32, #tpu.memory_space<vmem_shared>> -> memref<128x128xf32, #tpu.memory_space<vmem_shared>>
      %dma_start3A_143 = arith.constant 0 : i32
      %dma_start3A_144 = tpu.memref_slice %arg9[%add3A_31, %dma_start3A_143] : memref<10240x128xf32, #tpu.memory_space<vmem_shared>> -> memref<128x128xf32, #tpu.memory_space<vmem_shared>>
      tpu.enqueue_dma source(%arg12 : memref<128x128xf32, #tpu.memory_space<vmem>>) target(%dma_start3A_144 : memref<128x128xf32, #tpu.memory_space<vmem_shared>>) target_semaphore(%run_scoped3A_141 : memref<!tpu.dma_semaphore, #tpu.memory_space<semaphore_mem>>)
      %dma_wait3A = arith.constant 0 : i32
      %dma_wait3A_145 = tpu.memref_slice %arg9[%add3A_31, %dma_wait3A] : memref<10240x128xf32, #tpu.memory_space<vmem_shared>> -> memref<128x128xf32, #tpu.memory_space<vmem_shared>>
      %dma_wait3A_146 = arith.constant 0 : i32
      %dma_wait3A_147 = tpu.memref_slice %arg9[%add3A_31, %dma_wait3A_146] : memref<10240x128xf32, #tpu.memory_space<vmem_shared>> -> memref<128x128xf32, #tpu.memory_space<vmem_shared>>
      tpu.wait_dma2 semaphore(%run_scoped3A_141 : memref<!tpu.dma_semaphore, #tpu.memory_space<semaphore_mem>>) src(%arg12 : memref<128x128xf32, #tpu.memory_space<vmem>>) dst(%dma_wait3A_147 : memref<128x128xf32, #tpu.memory_space<vmem_shared>>)
      tpu.yield
    }) : () -> ()
    %mul3A_32 = arith.constant 640 : i32
    %mul3A_33 = arith.muli %arg1, %mul3A_32 : i32
    %add3A_34 = arith.constant 512 : i32
    %add3A_35 = arith.addi %mul3A_33, %add3A_34 : i32
    "tpu.region"() ({
      %run_scoped3A_141 = tpu.sem_alloc : memref<!tpu.dma_semaphore, #tpu.memory_space<semaphore_mem>>
      %dma_start3A = arith.constant 0 : i32
      %dma_start3A_142 = tpu.memref_slice %arg9[%add3A_35, %dma_start3A] : memref<10240x128xf32, #tpu.memory_space<vmem_shared>> -> memref<128x128xf32, #tpu.memory_space<vmem_shared>>
      %dma_start3A_143 = arith.constant 0 : i32
      %dma_start3A_144 = tpu.memref_slice %arg9[%add3A_35, %dma_start3A_143] : memref<10240x128xf32, #tpu.memory_space<vmem_shared>> -> memref<128x128xf32, #tpu.memory_space<vmem_shared>>
      tpu.enqueue_dma source(%arg12 : memref<128x128xf32, #tpu.memory_space<vmem>>) target(%dma_start3A_144 : memref<128x128xf32, #tpu.memory_space<vmem_shared>>) target_semaphore(%run_scoped3A_141 : memref<!tpu.dma_semaphore, #tpu.memory_space<semaphore_mem>>)
      %dma_wait3A = arith.constant 0 : i32
      %dma_wait3A_145 = tpu.memref_slice %arg9[%add3A_35, %dma_wait3A] : memref<10240x128xf32, #tpu.memory_space<vmem_shared>> -> memref<128x128xf32, #tpu.memory_space<vmem_shared>>
      %dma_wait3A_146 = arith.constant 0 : i32
      %dma_wait3A_147 = tpu.memref_slice %arg9[%add3A_35, %dma_wait3A_146] : memref<10240x128xf32, #tpu.memory_space<vmem_shared>> -> memref<128x128xf32, #tpu.memory_space<vmem_shared>>
      tpu.wait_dma2 semaphore(%run_scoped3A_141 : memref<!tpu.dma_semaphore, #tpu.memory_space<semaphore_mem>>) src(%arg12 : memref<128x128xf32, #tpu.memory_space<vmem>>) dst(%dma_wait3A_147 : memref<128x128xf32, #tpu.memory_space<vmem_shared>>)
      tpu.yield
    }) : () -> ()
    %barrier3A = arith.constant 0 : index
    tpu.barrier barrier_id(%barrier3A)
    %while3A = arith.constant 0 : i32
    %while3A_36 = arith.constant 0 : i32
    "tpu.trace_stop"() : () -> ()
    "tpu.trace_start"() <{level = 10 : i32, message = "edges0"}> : () -> ()
    %while3A_37 = arith.subi %select_n3A_8, %while3A : i32
    %while3A_38 = arith.addi %while3A, %while3A_37 : i32
    %while3A_39 = arith.constant 1 : i32
    %while3A_40 = arith.divsi %while3A_37, %while3A_39 : i32
    %while3A_41 = arith.muli %while3A_40, %while3A_39 : i32
    %while3A_42 = arith.addi %while3A, %while3A_41 : i32
    %while3A_43 = arith.constant 1 : i32
    %while3A_44 = scf.for %while3A_141 = %while3A to %while3A_42 step %while3A_43 iter_args(%while3A_142 = %while3A_36) -> (i32)  : i32 {
      %add3A_143 = arith.addi %select_n3A, %while3A_141 : i32
      "tpu.region"() ({
        %run_scoped3A_166 = tpu.sem_alloc : memref<!tpu.dma_semaphore, #tpu.memory_space<semaphore_mem>>
        %dma_start3A_167 = arith.constant 0 : i32
        %dma_start3A_168 = arith.constant 0 : i32
        %dma_start3A_169 = tpu.memref_slice %arg4[%add3A_143, %dma_start3A_167, %dma_start3A_168] : memref<64x40x128xi32, #tpu.memory_space<hbm>> -> memref<1x40x128xi32, #tpu.memory_space<hbm>>
        %dma_start3A_170 = tpu.memref_squeeze %dma_start3A_169 : memref<1x40x128xi32, #tpu.memory_space<hbm>> -> memref<40x128xi32, #tpu.memory_space<hbm>>
        %dma_start3A_171 = arith.constant 0 : i32
        %dma_start3A_172 = arith.constant 0 : i32
        %dma_start3A_173 = tpu.memref_slice %arg4[%add3A_143, %dma_start3A_171, %dma_start3A_172] : memref<64x40x128xi32, #tpu.memory_space<hbm>> -> memref<1x40x128xi32, #tpu.memory_space<hbm>>
        %dma_start3A_174 = tpu.memref_squeeze %dma_start3A_173 : memref<1x40x128xi32, #tpu.memory_space<hbm>> -> memref<40x128xi32, #tpu.memory_space<hbm>>
        tpu.enqueue_dma source(%dma_start3A_174 : memref<40x128xi32, #tpu.memory_space<hbm>>) target(%arg10 : memref<40x128xi32, #tpu.memory_space<vmem>>) target_semaphore(%run_scoped3A_166 : memref<!tpu.dma_semaphore, #tpu.memory_space<semaphore_mem>>)
        %dma_wait3A = arith.constant 0 : i32
        %dma_wait3A_175 = arith.constant 0 : i32
        %dma_wait3A_176 = tpu.memref_slice %arg4[%add3A_143, %dma_wait3A, %dma_wait3A_175] : memref<64x40x128xi32, #tpu.memory_space<hbm>> -> memref<1x40x128xi32, #tpu.memory_space<hbm>>
        %dma_wait3A_177 = tpu.memref_squeeze %dma_wait3A_176 : memref<1x40x128xi32, #tpu.memory_space<hbm>> -> memref<40x128xi32, #tpu.memory_space<hbm>>
        %dma_wait3A_178 = arith.constant 0 : i32
        %dma_wait3A_179 = arith.constant 0 : i32
        %dma_wait3A_180 = tpu.memref_slice %arg4[%add3A_143, %dma_wait3A_178, %dma_wait3A_179] : memref<64x40x128xi32, #tpu.memory_space<hbm>> -> memref<1x40x128xi32, #tpu.memory_space<hbm>>
        %dma_wait3A_181 = tpu.memref_squeeze %dma_wait3A_180 : memref<1x40x128xi32, #tpu.memory_space<hbm>> -> memref<40x128xi32, #tpu.memory_space<hbm>>
        tpu.wait_dma2 semaphore(%run_scoped3A_166 : memref<!tpu.dma_semaphore, #tpu.memory_space<semaphore_mem>>) src(%dma_wait3A_181 : memref<40x128xi32, #tpu.memory_space<hbm>>) dst(%arg10 : memref<40x128xi32, #tpu.memory_space<vmem>>)
        tpu.yield
      }) : () -> ()
      %add3A_144 = arith.addi %select_n3A, %while3A_141 : i32
      "tpu.region"() ({
        %run_scoped3A_166 = tpu.sem_alloc : memref<!tpu.dma_semaphore, #tpu.memory_space<semaphore_mem>>
        %dma_start3A_167 = arith.constant 0 : i32
        %dma_start3A_168 = arith.constant 0 : i32
        %dma_start3A_169 = tpu.memref_slice %arg5[%add3A_144, %dma_start3A_167, %dma_start3A_168] : memref<64x40x128xi32, #tpu.memory_space<hbm>> -> memref<1x40x128xi32, #tpu.memory_space<hbm>>
        %dma_start3A_170 = tpu.memref_squeeze %dma_start3A_169 : memref<1x40x128xi32, #tpu.memory_space<hbm>> -> memref<40x128xi32, #tpu.memory_space<hbm>>
        %dma_start3A_171 = arith.constant 0 : i32
        %dma_start3A_172 = arith.constant 0 : i32
        %dma_start3A_173 = tpu.memref_slice %arg5[%add3A_144, %dma_start3A_171, %dma_start3A_172] : memref<64x40x128xi32, #tpu.memory_space<hbm>> -> memref<1x40x128xi32, #tpu.memory_space<hbm>>
        %dma_start3A_174 = tpu.memref_squeeze %dma_start3A_173 : memref<1x40x128xi32, #tpu.memory_space<hbm>> -> memref<40x128xi32, #tpu.memory_space<hbm>>
        tpu.enqueue_dma source(%dma_start3A_174 : memref<40x128xi32, #tpu.memory_space<hbm>>) target(%arg11 : memref<40x128xi32, #tpu.memory_space<vmem>>) target_semaphore(%run_scoped3A_166 : memref<!tpu.dma_semaphore, #tpu.memory_space<semaphore_mem>>)
        %dma_wait3A = arith.constant 0 : i32
        %dma_wait3A_175 = arith.constant 0 : i32
        %dma_wait3A_176 = tpu.memref_slice %arg5[%add3A_144, %dma_wait3A, %dma_wait3A_175] : memref<64x40x128xi32, #tpu.memory_space<hbm>> -> memref<1x40x128xi32, #tpu.memory_space<hbm>>
        %dma_wait3A_177 = tpu.memref_squeeze %dma_wait3A_176 : memref<1x40x128xi32, #tpu.memory_space<hbm>> -> memref<40x128xi32, #tpu.memory_space<hbm>>
        %dma_wait3A_178 = arith.constant 0 : i32
        %dma_wait3A_179 = arith.constant 0 : i32
        %dma_wait3A_180 = tpu.memref_slice %arg5[%add3A_144, %dma_wait3A_178, %dma_wait3A_179] : memref<64x40x128xi32, #tpu.memory_space<hbm>> -> memref<1x40x128xi32, #tpu.memory_space<hbm>>
        %dma_wait3A_181 = tpu.memref_squeeze %dma_wait3A_180 : memref<1x40x128xi32, #tpu.memory_space<hbm>> -> memref<40x128xi32, #tpu.memory_space<hbm>>
        tpu.wait_dma2 semaphore(%run_scoped3A_166 : memref<!tpu.dma_semaphore, #tpu.memory_space<semaphore_mem>>) src(%dma_wait3A_181 : memref<40x128xi32, #tpu.memory_space<hbm>>) dst(%arg11 : memref<40x128xi32, #tpu.memory_space<vmem>>)
        tpu.yield
      }) : () -> ()
      %dma_start3A = arith.constant 0 : i32
      %dma_start3A_145 = arith.constant 0 : i32
      %dma_start3A_146 = tpu.memref_slice %arg10[%dma_start3A, %dma_start3A_145] : memref<40x128xi32, #tpu.memory_space<vmem>> -> memref<1x128xi32, #tpu.memory_space<vmem>>
      %dma_start3A_147 = tpu.memref_squeeze %dma_start3A_146 : memref<1x128xi32, #tpu.memory_space<vmem>> -> memref<128xi32, #tpu.memory_space<vmem>>
      %dma_start3A_148 = arith.constant 0 : i32
      %dma_start3A_149 = arith.constant 0 : i32
      %dma_start3A_150 = tpu.memref_slice %arg2[%dma_start3A_148, %dma_start3A_149] : memref<10240x128xf32, #tpu.memory_space<hbm>> -> memref<10240x128xf32, #tpu.memory_space<hbm>>
      tpu.enqueue_indirect_dma source(%dma_start3A_150 : memref<10240x128xf32, #tpu.memory_space<hbm>>) target(%arg12 : memref<128x128xf32, #tpu.memory_space<vmem>>) offsets(%dma_start3A_147 : memref<128xi32, #tpu.memory_space<vmem>>) semaphore(%arg14 : memref<!tpu.dma_semaphore, #tpu.memory_space<semaphore_mem>>)
      %dma_start3A_151 = arith.constant 1 : i32
      %dma_start3A_152 = arith.constant 0 : i32
      %dma_start3A_153 = tpu.memref_slice %arg10[%dma_start3A_151, %dma_start3A_152] : memref<40x128xi32, #tpu.memory_space<vmem>> -> memref<1x128xi32, #tpu.memory_space<vmem>>
      %dma_start3A_154 = tpu.memref_squeeze %dma_start3A_153 : memref<1x128xi32, #tpu.memory_space<vmem>> -> memref<128xi32, #tpu.memory_space<vmem>>
      %dma_start3A_155 = arith.constant 0 : i32
      %dma_start3A_156 = arith.constant 0 : i32
      %dma_start3A_157 = tpu.memref_slice %arg2[%dma_start3A_155, %dma_start3A_156] : memref<10240x128xf32, #tpu.memory_space<hbm>> -> memref<10240x128xf32, #tpu.memory_space<hbm>>
      tpu.enqueue_indirect_dma source(%dma_start3A_157 : memref<10240x128xf32, #tpu.memory_space<hbm>>) target(%arg13 : memref<128x128xf32, #tpu.memory_space<vmem>>) offsets(%dma_start3A_154 : memref<128xi32, #tpu.memory_space<vmem>>) semaphore(%arg15 : memref<!tpu.dma_semaphore, #tpu.memory_space<semaphore_mem>>)
      %scan3A_158 = arith.constant 0 : i32
      %scan3A_159 = arith.constant 0 : i32
      %scan3A_160 = arith.constant 20 : i32
      %scan3A_161 = arith.addi %scan3A_159, %scan3A_160 : i32
      %scan3A_162 = arith.constant 1 : i32
      %scan3A_163 = scf.for %scan3A_166 = %scan3A_159 to %scan3A_161 step %scan3A_162 iter_args(%scan3A_167 = %scan3A_158) -> (i32)  : i32 {
        %mul3A_168 = arith.constant 2 : i32
        %mul3A_169 = arith.muli %mul3A_168, %scan3A_166 : i32
        %mul3A_170 = arith.constant 2 : i32
        %mul3A_171 = arith.muli %mul3A_170, %scan3A_166 : i32
        %add3A_172 = arith.constant 1 : i32
        %add3A_173 = arith.addi %mul3A_171, %add3A_172 : i32
        %dma_wait3A = arith.constant 0 : i32
        %dma_wait3A_174 = tpu.memref_slice %arg10[%mul3A_169, %dma_wait3A] : memref<40x128xi32, #tpu.memory_space<vmem>> -> memref<1x128xi32, #tpu.memory_space<vmem>>
        %dma_wait3A_175 = tpu.memref_squeeze %dma_wait3A_174 : memref<1x128xi32, #tpu.memory_space<vmem>> -> memref<128xi32, #tpu.memory_space<vmem>>
        %dma_wait3A_176 = arith.constant 0 : i32
        %dma_wait3A_177 = arith.constant 0 : i32
        %dma_wait3A_178 = tpu.memref_slice %arg2[%dma_wait3A_176, %dma_wait3A_177] : memref<10240x128xf32, #tpu.memory_space<hbm>> -> memref<10240x128xf32, #tpu.memory_space<hbm>>
        tpu.wait_indirect_dma semaphore(%arg14 : memref<!tpu.dma_semaphore, #tpu.memory_space<semaphore_mem>>) src(%dma_wait3A_178 : memref<10240x128xf32, #tpu.memory_space<hbm>>) dst(%arg12 : memref<128x128xf32, #tpu.memory_space<vmem>>)
        %dma_start3A_179 = arith.constant 0 : i32
        %dma_start3A_180 = tpu.memref_slice %arg11[%mul3A_169, %dma_start3A_179] : memref<40x128xi32, #tpu.memory_space<vmem>> -> memref<1x128xi32, #tpu.memory_space<vmem>>
        %dma_start3A_181 = tpu.memref_squeeze %dma_start3A_180 : memref<1x128xi32, #tpu.memory_space<vmem>> -> memref<128xi32, #tpu.memory_space<vmem>>
        %dma_start3A_182 = arith.constant 0 : i32
        %dma_start3A_183 = arith.constant 0 : i32
        %dma_start3A_184 = tpu.memref_slice %arg9[%dma_start3A_182, %dma_start3A_183] : memref<10240x128xf32, #tpu.memory_space<vmem_shared>> -> memref<10240x128xf32, #tpu.memory_space<vmem_shared>>
        tpu.enqueue_indirect_dma source(%arg12 : memref<128x128xf32, #tpu.memory_space<vmem>>) target(%dma_start3A_184 : memref<10240x128xf32, #tpu.memory_space<vmem_shared>>) offsets(%dma_start3A_181 : memref<128xi32, #tpu.memory_space<vmem>>) semaphore(%arg16 : memref<!tpu.dma_semaphore, #tpu.memory_space<semaphore_mem>>) {add = true}
        %dma_wait3A_185 = arith.constant 0 : i32
        %dma_wait3A_186 = tpu.memref_slice %arg10[%add3A_173, %dma_wait3A_185] : memref<40x128xi32, #tpu.memory_space<vmem>> -> memref<1x128xi32, #tpu.memory_space<vmem>>
        %dma_wait3A_187 = tpu.memref_squeeze %dma_wait3A_186 : memref<1x128xi32, #tpu.memory_space<vmem>> -> memref<128xi32, #tpu.memory_space<vmem>>
        %dma_wait3A_188 = arith.constant 0 : i32
        %dma_wait3A_189 = arith.constant 0 : i32
        %dma_wait3A_190 = tpu.memref_slice %arg2[%dma_wait3A_188, %dma_wait3A_189] : memref<10240x128xf32, #tpu.memory_space<hbm>> -> memref<10240x128xf32, #tpu.memory_space<hbm>>
        tpu.wait_indirect_dma semaphore(%arg15 : memref<!tpu.dma_semaphore, #tpu.memory_space<semaphore_mem>>) src(%dma_wait3A_190 : memref<10240x128xf32, #tpu.memory_space<hbm>>) dst(%arg13 : memref<128x128xf32, #tpu.memory_space<vmem>>)
        %dma_start3A_191 = arith.constant 0 : i32
        %dma_start3A_192 = tpu.memref_slice %arg11[%add3A_173, %dma_start3A_191] : memref<40x128xi32, #tpu.memory_space<vmem>> -> memref<1x128xi32, #tpu.memory_space<vmem>>
        %dma_start3A_193 = tpu.memref_squeeze %dma_start3A_192 : memref<1x128xi32, #tpu.memory_space<vmem>> -> memref<128xi32, #tpu.memory_space<vmem>>
        %dma_start3A_194 = arith.constant 0 : i32
        %dma_start3A_195 = arith.constant 0 : i32
        %dma_start3A_196 = tpu.memref_slice %arg9[%dma_start3A_194, %dma_start3A_195] : memref<10240x128xf32, #tpu.memory_space<vmem_shared>> -> memref<10240x128xf32, #tpu.memory_space<vmem_shared>>
        tpu.enqueue_indirect_dma source(%arg13 : memref<128x128xf32, #tpu.memory_space<vmem>>) target(%dma_start3A_196 : memref<10240x128xf32, #tpu.memory_space<vmem_shared>>) offsets(%dma_start3A_193 : memref<128xi32, #tpu.memory_space<vmem>>) semaphore(%arg17 : memref<!tpu.dma_semaphore, #tpu.memory_space<semaphore_mem>>) {add = true}
        %dma_wait3A_197 = arith.constant 0 : i32
        %dma_wait3A_198 = tpu.memref_slice %arg11[%mul3A_169, %dma_wait3A_197] : memref<40x128xi32, #tpu.memory_space<vmem>> -> memref<1x128xi32, #tpu.memory_space<vmem>>
        %dma_wait3A_199 = tpu.memref_squeeze %dma_wait3A_198 : memref<1x128xi32, #tpu.memory_space<vmem>> -> memref<128xi32, #tpu.memory_space<vmem>>
        %dma_wait3A_200 = arith.constant 0 : i32
        %dma_wait3A_201 = arith.constant 0 : i32
        %dma_wait3A_202 = tpu.memref_slice %arg9[%dma_wait3A_200, %dma_wait3A_201] : memref<10240x128xf32, #tpu.memory_space<vmem_shared>> -> memref<10240x128xf32, #tpu.memory_space<vmem_shared>>
        tpu.wait_indirect_dma semaphore(%arg16 : memref<!tpu.dma_semaphore, #tpu.memory_space<semaphore_mem>>) src(%arg12 : memref<128x128xf32, #tpu.memory_space<vmem>>) dst(%dma_wait3A_202 : memref<10240x128xf32, #tpu.memory_space<vmem_shared>>)
        %add3A_203 = arith.constant 2 : i32
        %add3A_204 = arith.addi %mul3A_169, %add3A_203 : i32
        %lt3A = arith.constant 40 : i32
        %lt3A_205 = arith.cmpi slt, %add3A_204, %lt3A : i32
        %convert_element_type3A = arith.extui %lt3A_205 : i1 to i32
        %cond3A = arith.constant 0 : i32
        %cond3A_206 = arith.cmpi ne, %convert_element_type3A, %cond3A : i32
        scf.if %cond3A_206 {
          %add3A_221 = arith.constant 2 : i32
          %add3A_222 = arith.addi %mul3A_169, %add3A_221 : i32
          %dma_start3A_223 = arith.constant 0 : i32
          %dma_start3A_224 = tpu.memref_slice %arg10[%add3A_222, %dma_start3A_223] : memref<40x128xi32, #tpu.memory_space<vmem>> -> memref<1x128xi32, #tpu.memory_space<vmem>>
          %dma_start3A_225 = tpu.memref_squeeze %dma_start3A_224 : memref<1x128xi32, #tpu.memory_space<vmem>> -> memref<128xi32, #tpu.memory_space<vmem>>
          %dma_start3A_226 = arith.constant 0 : i32
          %dma_start3A_227 = arith.constant 0 : i32
          %dma_start3A_228 = tpu.memref_slice %arg2[%dma_start3A_226, %dma_start3A_227] : memref<10240x128xf32, #tpu.memory_space<hbm>> -> memref<10240x128xf32, #tpu.memory_space<hbm>>
          tpu.enqueue_indirect_dma source(%dma_start3A_228 : memref<10240x128xf32, #tpu.memory_space<hbm>>) target(%arg12 : memref<128x128xf32, #tpu.memory_space<vmem>>) offsets(%dma_start3A_225 : memref<128xi32, #tpu.memory_space<vmem>>) semaphore(%arg14 : memref<!tpu.dma_semaphore, #tpu.memory_space<semaphore_mem>>)
        } else {
        }
        %dma_wait3A_207 = arith.constant 0 : i32
        %dma_wait3A_208 = tpu.memref_slice %arg11[%add3A_173, %dma_wait3A_207] : memref<40x128xi32, #tpu.memory_space<vmem>> -> memref<1x128xi32, #tpu.memory_space<vmem>>
        %dma_wait3A_209 = tpu.memref_squeeze %dma_wait3A_208 : memref<1x128xi32, #tpu.memory_space<vmem>> -> memref<128xi32, #tpu.memory_space<vmem>>
        %dma_wait3A_210 = arith.constant 0 : i32
        %dma_wait3A_211 = arith.constant 0 : i32
        %dma_wait3A_212 = tpu.memref_slice %arg9[%dma_wait3A_210, %dma_wait3A_211] : memref<10240x128xf32, #tpu.memory_space<vmem_shared>> -> memref<10240x128xf32, #tpu.memory_space<vmem_shared>>
        tpu.wait_indirect_dma semaphore(%arg17 : memref<!tpu.dma_semaphore, #tpu.memory_space<semaphore_mem>>) src(%arg13 : memref<128x128xf32, #tpu.memory_space<vmem>>) dst(%dma_wait3A_212 : memref<10240x128xf32, #tpu.memory_space<vmem_shared>>)
        %add3A_213 = arith.constant 2 : i32
        %add3A_214 = arith.addi %add3A_173, %add3A_213 : i32
        %lt3A_215 = arith.constant 40 : i32
        %lt3A_216 = arith.cmpi slt, %add3A_214, %lt3A_215 : i32
        %convert_element_type3A_217 = arith.extui %lt3A_216 : i1 to i32
        %cond3A_218 = arith.constant 0 : i32
        %cond3A_219 = arith.cmpi ne, %convert_element_type3A_217, %cond3A_218 : i32
        scf.if %cond3A_219 {
          %add3A_221 = arith.constant 2 : i32
          %add3A_222 = arith.addi %add3A_173, %add3A_221 : i32
          %dma_start3A_223 = arith.constant 0 : i32
          %dma_start3A_224 = tpu.memref_slice %arg10[%add3A_222, %dma_start3A_223] : memref<40x128xi32, #tpu.memory_space<vmem>> -> memref<1x128xi32, #tpu.memory_space<vmem>>
          %dma_start3A_225 = tpu.memref_squeeze %dma_start3A_224 : memref<1x128xi32, #tpu.memory_space<vmem>> -> memref<128xi32, #tpu.memory_space<vmem>>
          %dma_start3A_226 = arith.constant 0 : i32
          %dma_start3A_227 = arith.constant 0 : i32
          %dma_start3A_228 = tpu.memref_slice %arg2[%dma_start3A_226, %dma_start3A_227] : memref<10240x128xf32, #tpu.memory_space<hbm>> -> memref<10240x128xf32, #tpu.memory_space<hbm>>
          tpu.enqueue_indirect_dma source(%dma_start3A_228 : memref<10240x128xf32, #tpu.memory_space<hbm>>) target(%arg13 : memref<128x128xf32, #tpu.memory_space<vmem>>) offsets(%dma_start3A_225 : memref<128xi32, #tpu.memory_space<vmem>>) semaphore(%arg15 : memref<!tpu.dma_semaphore, #tpu.memory_space<semaphore_mem>>)
        } else {
        }
        %scan3A_220 = arith.constant 0 : i32
        scf.yield %scan3A_220 : i32
      }
      %scan3A_164 = arith.constant 20 : i32
      %while3A_165 = arith.constant 0 : i32
      scf.yield %while3A_165 : i32
    }
    %while3A_45 = arith.constant 1 : i32
    %while3A_46 = scf.for %while3A_141 = %while3A_42 to %while3A_38 step %while3A_45 iter_args(%while3A_142 = %while3A_44) -> (i32)  : i32 {
      %add3A_143 = arith.addi %select_n3A, %while3A_141 : i32
      "tpu.region"() ({
        %run_scoped3A_166 = tpu.sem_alloc : memref<!tpu.dma_semaphore, #tpu.memory_space<semaphore_mem>>
        %dma_start3A_167 = arith.constant 0 : i32
        %dma_start3A_168 = arith.constant 0 : i32
        %dma_start3A_169 = tpu.memref_slice %arg4[%add3A_143, %dma_start3A_167, %dma_start3A_168] : memref<64x40x128xi32, #tpu.memory_space<hbm>> -> memref<1x40x128xi32, #tpu.memory_space<hbm>>
        %dma_start3A_170 = tpu.memref_squeeze %dma_start3A_169 : memref<1x40x128xi32, #tpu.memory_space<hbm>> -> memref<40x128xi32, #tpu.memory_space<hbm>>
        %dma_start3A_171 = arith.constant 0 : i32
        %dma_start3A_172 = arith.constant 0 : i32
        %dma_start3A_173 = tpu.memref_slice %arg4[%add3A_143, %dma_start3A_171, %dma_start3A_172] : memref<64x40x128xi32, #tpu.memory_space<hbm>> -> memref<1x40x128xi32, #tpu.memory_space<hbm>>
        %dma_start3A_174 = tpu.memref_squeeze %dma_start3A_173 : memref<1x40x128xi32, #tpu.memory_space<hbm>> -> memref<40x128xi32, #tpu.memory_space<hbm>>
        tpu.enqueue_dma source(%dma_start3A_174 : memref<40x128xi32, #tpu.memory_space<hbm>>) target(%arg10 : memref<40x128xi32, #tpu.memory_space<vmem>>) target_semaphore(%run_scoped3A_166 : memref<!tpu.dma_semaphore, #tpu.memory_space<semaphore_mem>>)
        %dma_wait3A = arith.constant 0 : i32
        %dma_wait3A_175 = arith.constant 0 : i32
        %dma_wait3A_176 = tpu.memref_slice %arg4[%add3A_143, %dma_wait3A, %dma_wait3A_175] : memref<64x40x128xi32, #tpu.memory_space<hbm>> -> memref<1x40x128xi32, #tpu.memory_space<hbm>>
        %dma_wait3A_177 = tpu.memref_squeeze %dma_wait3A_176 : memref<1x40x128xi32, #tpu.memory_space<hbm>> -> memref<40x128xi32, #tpu.memory_space<hbm>>
        %dma_wait3A_178 = arith.constant 0 : i32
        %dma_wait3A_179 = arith.constant 0 : i32
        %dma_wait3A_180 = tpu.memref_slice %arg4[%add3A_143, %dma_wait3A_178, %dma_wait3A_179] : memref<64x40x128xi32, #tpu.memory_space<hbm>> -> memref<1x40x128xi32, #tpu.memory_space<hbm>>
        %dma_wait3A_181 = tpu.memref_squeeze %dma_wait3A_180 : memref<1x40x128xi32, #tpu.memory_space<hbm>> -> memref<40x128xi32, #tpu.memory_space<hbm>>
        tpu.wait_dma2 semaphore(%run_scoped3A_166 : memref<!tpu.dma_semaphore, #tpu.memory_space<semaphore_mem>>) src(%dma_wait3A_181 : memref<40x128xi32, #tpu.memory_space<hbm>>) dst(%arg10 : memref<40x128xi32, #tpu.memory_space<vmem>>)
        tpu.yield
      }) : () -> ()
      %add3A_144 = arith.addi %select_n3A, %while3A_141 : i32
      "tpu.region"() ({
        %run_scoped3A_166 = tpu.sem_alloc : memref<!tpu.dma_semaphore, #tpu.memory_space<semaphore_mem>>
        %dma_start3A_167 = arith.constant 0 : i32
        %dma_start3A_168 = arith.constant 0 : i32
        %dma_start3A_169 = tpu.memref_slice %arg5[%add3A_144, %dma_start3A_167, %dma_start3A_168] : memref<64x40x128xi32, #tpu.memory_space<hbm>> -> memref<1x40x128xi32, #tpu.memory_space<hbm>>
        %dma_start3A_170 = tpu.memref_squeeze %dma_start3A_169 : memref<1x40x128xi32, #tpu.memory_space<hbm>> -> memref<40x128xi32, #tpu.memory_space<hbm>>
        %dma_start3A_171 = arith.constant 0 : i32
        %dma_start3A_172 = arith.constant 0 : i32
        %dma_start3A_173 = tpu.memref_slice %arg5[%add3A_144, %dma_start3A_171, %dma_start3A_172] : memref<64x40x128xi32, #tpu.memory_space<hbm>> -> memref<1x40x128xi32, #tpu.memory_space<hbm>>
        %dma_start3A_174 = tpu.memref_squeeze %dma_start3A_173 : memref<1x40x128xi32, #tpu.memory_space<hbm>> -> memref<40x128xi32, #tpu.memory_space<hbm>>
        tpu.enqueue_dma source(%dma_start3A_174 : memref<40x128xi32, #tpu.memory_space<hbm>>) target(%arg11 : memref<40x128xi32, #tpu.memory_space<vmem>>) target_semaphore(%run_scoped3A_166 : memref<!tpu.dma_semaphore, #tpu.memory_space<semaphore_mem>>)
        %dma_wait3A = arith.constant 0 : i32
        %dma_wait3A_175 = arith.constant 0 : i32
        %dma_wait3A_176 = tpu.memref_slice %arg5[%add3A_144, %dma_wait3A, %dma_wait3A_175] : memref<64x40x128xi32, #tpu.memory_space<hbm>> -> memref<1x40x128xi32, #tpu.memory_space<hbm>>
        %dma_wait3A_177 = tpu.memref_squeeze %dma_wait3A_176 : memref<1x40x128xi32, #tpu.memory_space<hbm>> -> memref<40x128xi32, #tpu.memory_space<hbm>>
        %dma_wait3A_178 = arith.constant 0 : i32
        %dma_wait3A_179 = arith.constant 0 : i32
        %dma_wait3A_180 = tpu.memref_slice %arg5[%add3A_144, %dma_wait3A_178, %dma_wait3A_179] : memref<64x40x128xi32, #tpu.memory_space<hbm>> -> memref<1x40x128xi32, #tpu.memory_space<hbm>>
        %dma_wait3A_181 = tpu.memref_squeeze %dma_wait3A_180 : memref<1x40x128xi32, #tpu.memory_space<hbm>> -> memref<40x128xi32, #tpu.memory_space<hbm>>
        tpu.wait_dma2 semaphore(%run_scoped3A_166 : memref<!tpu.dma_semaphore, #tpu.memory_space<semaphore_mem>>) src(%dma_wait3A_181 : memref<40x128xi32, #tpu.memory_space<hbm>>) dst(%arg11 : memref<40x128xi32, #tpu.memory_space<vmem>>)
        tpu.yield
      }) : () -> ()
      %dma_start3A = arith.constant 0 : i32
      %dma_start3A_145 = arith.constant 0 : i32
      %dma_start3A_146 = tpu.memref_slice %arg10[%dma_start3A, %dma_start3A_145] : memref<40x128xi32, #tpu.memory_space<vmem>> -> memref<1x128xi32, #tpu.memory_space<vmem>>
      %dma_start3A_147 = tpu.memref_squeeze %dma_start3A_146 : memref<1x128xi32, #tpu.memory_space<vmem>> -> memref<128xi32, #tpu.memory_space<vmem>>
      %dma_start3A_148 = arith.constant 0 : i32
      %dma_start3A_149 = arith.constant 0 : i32
      %dma_start3A_150 = tpu.memref_slice %arg2[%dma_start3A_148, %dma_start3A_149] : memref<10240x128xf32, #tpu.memory_space<hbm>> -> memref<10240x128xf32, #tpu.memory_space<hbm>>
      tpu.enqueue_indirect_dma source(%dma_start3A_150 : memref<10240x128xf32, #tpu.memory_space<hbm>>) target(%arg12 : memref<128x128xf32, #tpu.memory_space<vmem>>) offsets(%dma_start3A_147 : memref<128xi32, #tpu.memory_space<vmem>>) semaphore(%arg14 : memref<!tpu.dma_semaphore, #tpu.memory_space<semaphore_mem>>)
      %dma_start3A_151 = arith.constant 1 : i32
      %dma_start3A_152 = arith.constant 0 : i32
      %dma_start3A_153 = tpu.memref_slice %arg10[%dma_start3A_151, %dma_start3A_152] : memref<40x128xi32, #tpu.memory_space<vmem>> -> memref<1x128xi32, #tpu.memory_space<vmem>>
      %dma_start3A_154 = tpu.memref_squeeze %dma_start3A_153 : memref<1x128xi32, #tpu.memory_space<vmem>> -> memref<128xi32, #tpu.memory_space<vmem>>
      %dma_start3A_155 = arith.constant 0 : i32
      %dma_start3A_156 = arith.constant 0 : i32
      %dma_start3A_157 = tpu.memref_slice %arg2[%dma_start3A_155, %dma_start3A_156] : memref<10240x128xf32, #tpu.memory_space<hbm>> -> memref<10240x128xf32, #tpu.memory_space<hbm>>
      tpu.enqueue_indirect_dma source(%dma_start3A_157 : memref<10240x128xf32, #tpu.memory_space<hbm>>) target(%arg13 : memref<128x128xf32, #tpu.memory_space<vmem>>) offsets(%dma_start3A_154 : memref<128xi32, #tpu.memory_space<vmem>>) semaphore(%arg15 : memref<!tpu.dma_semaphore, #tpu.memory_space<semaphore_mem>>)
      %scan3A_158 = arith.constant 0 : i32
      %scan3A_159 = arith.constant 0 : i32
      %scan3A_160 = arith.constant 20 : i32
      %scan3A_161 = arith.addi %scan3A_159, %scan3A_160 : i32
      %scan3A_162 = arith.constant 1 : i32
      %scan3A_163 = scf.for %scan3A_166 = %scan3A_159 to %scan3A_161 step %scan3A_162 iter_args(%scan3A_167 = %scan3A_158) -> (i32)  : i32 {
        %mul3A_168 = arith.constant 2 : i32
        %mul3A_169 = arith.muli %mul3A_168, %scan3A_166 : i32
        %mul3A_170 = arith.constant 2 : i32
        %mul3A_171 = arith.muli %mul3A_170, %scan3A_166 : i32
        %add3A_172 = arith.constant 1 : i32
        %add3A_173 = arith.addi %mul3A_171, %add3A_172 : i32
        %dma_wait3A = arith.constant 0 : i32
        %dma_wait3A_174 = tpu.memref_slice %arg10[%mul3A_169, %dma_wait3A] : memref<40x128xi32, #tpu.memory_space<vmem>> -> memref<1x128xi32, #tpu.memory_space<vmem>>
        %dma_wait3A_175 = tpu.memref_squeeze %dma_wait3A_174 : memref<1x128xi32, #tpu.memory_space<vmem>> -> memref<128xi32, #tpu.memory_space<vmem>>
        %dma_wait3A_176 = arith.constant 0 : i32
        %dma_wait3A_177 = arith.constant 0 : i32
        %dma_wait3A_178 = tpu.memref_slice %arg2[%dma_wait3A_176, %dma_wait3A_177] : memref<10240x128xf32, #tpu.memory_space<hbm>> -> memref<10240x128xf32, #tpu.memory_space<hbm>>
        tpu.wait_indirect_dma semaphore(%arg14 : memref<!tpu.dma_semaphore, #tpu.memory_space<semaphore_mem>>) src(%dma_wait3A_178 : memref<10240x128xf32, #tpu.memory_space<hbm>>) dst(%arg12 : memref<128x128xf32, #tpu.memory_space<vmem>>)
        %dma_start3A_179 = arith.constant 0 : i32
        %dma_start3A_180 = tpu.memref_slice %arg11[%mul3A_169, %dma_start3A_179] : memref<40x128xi32, #tpu.memory_space<vmem>> -> memref<1x128xi32, #tpu.memory_space<vmem>>
        %dma_start3A_181 = tpu.memref_squeeze %dma_start3A_180 : memref<1x128xi32, #tpu.memory_space<vmem>> -> memref<128xi32, #tpu.memory_space<vmem>>
        %dma_start3A_182 = arith.constant 0 : i32
        %dma_start3A_183 = arith.constant 0 : i32
        %dma_start3A_184 = tpu.memref_slice %arg9[%dma_start3A_182, %dma_start3A_183] : memref<10240x128xf32, #tpu.memory_space<vmem_shared>> -> memref<10240x128xf32, #tpu.memory_space<vmem_shared>>
        tpu.enqueue_indirect_dma source(%arg12 : memref<128x128xf32, #tpu.memory_space<vmem>>) target(%dma_start3A_184 : memref<10240x128xf32, #tpu.memory_space<vmem_shared>>) offsets(%dma_start3A_181 : memref<128xi32, #tpu.memory_space<vmem>>) semaphore(%arg16 : memref<!tpu.dma_semaphore, #tpu.memory_space<semaphore_mem>>) {add = true}
        %dma_wait3A_185 = arith.constant 0 : i32
        %dma_wait3A_186 = tpu.memref_slice %arg10[%add3A_173, %dma_wait3A_185] : memref<40x128xi32, #tpu.memory_space<vmem>> -> memref<1x128xi32, #tpu.memory_space<vmem>>
        %dma_wait3A_187 = tpu.memref_squeeze %dma_wait3A_186 : memref<1x128xi32, #tpu.memory_space<vmem>> -> memref<128xi32, #tpu.memory_space<vmem>>
        %dma_wait3A_188 = arith.constant 0 : i32
        %dma_wait3A_189 = arith.constant 0 : i32
        %dma_wait3A_190 = tpu.memref_slice %arg2[%dma_wait3A_188, %dma_wait3A_189] : memref<10240x128xf32, #tpu.memory_space<hbm>> -> memref<10240x128xf32, #tpu.memory_space<hbm>>
        tpu.wait_indirect_dma semaphore(%arg15 : memref<!tpu.dma_semaphore, #tpu.memory_space<semaphore_mem>>) src(%dma_wait3A_190 : memref<10240x128xf32, #tpu.memory_space<hbm>>) dst(%arg13 : memref<128x128xf32, #tpu.memory_space<vmem>>)
        %dma_start3A_191 = arith.constant 0 : i32
        %dma_start3A_192 = tpu.memref_slice %arg11[%add3A_173, %dma_start3A_191] : memref<40x128xi32, #tpu.memory_space<vmem>> -> memref<1x128xi32, #tpu.memory_space<vmem>>
        %dma_start3A_193 = tpu.memref_squeeze %dma_start3A_192 : memref<1x128xi32, #tpu.memory_space<vmem>> -> memref<128xi32, #tpu.memory_space<vmem>>
        %dma_start3A_194 = arith.constant 0 : i32
        %dma_start3A_195 = arith.constant 0 : i32
        %dma_start3A_196 = tpu.memref_slice %arg9[%dma_start3A_194, %dma_start3A_195] : memref<10240x128xf32, #tpu.memory_space<vmem_shared>> -> memref<10240x128xf32, #tpu.memory_space<vmem_shared>>
        tpu.enqueue_indirect_dma source(%arg13 : memref<128x128xf32, #tpu.memory_space<vmem>>) target(%dma_start3A_196 : memref<10240x128xf32, #tpu.memory_space<vmem_shared>>) offsets(%dma_start3A_193 : memref<128xi32, #tpu.memory_space<vmem>>) semaphore(%arg17 : memref<!tpu.dma_semaphore, #tpu.memory_space<semaphore_mem>>) {add = true}
        %dma_wait3A_197 = arith.constant 0 : i32
        %dma_wait3A_198 = tpu.memref_slice %arg11[%mul3A_169, %dma_wait3A_197] : memref<40x128xi32, #tpu.memory_space<vmem>> -> memref<1x128xi32, #tpu.memory_space<vmem>>
        %dma_wait3A_199 = tpu.memref_squeeze %dma_wait3A_198 : memref<1x128xi32, #tpu.memory_space<vmem>> -> memref<128xi32, #tpu.memory_space<vmem>>
        %dma_wait3A_200 = arith.constant 0 : i32
        %dma_wait3A_201 = arith.constant 0 : i32
        %dma_wait3A_202 = tpu.memref_slice %arg9[%dma_wait3A_200, %dma_wait3A_201] : memref<10240x128xf32, #tpu.memory_space<vmem_shared>> -> memref<10240x128xf32, #tpu.memory_space<vmem_shared>>
        tpu.wait_indirect_dma semaphore(%arg16 : memref<!tpu.dma_semaphore, #tpu.memory_space<semaphore_mem>>) src(%arg12 : memref<128x128xf32, #tpu.memory_space<vmem>>) dst(%dma_wait3A_202 : memref<10240x128xf32, #tpu.memory_space<vmem_shared>>)
        %add3A_203 = arith.constant 2 : i32
        %add3A_204 = arith.addi %mul3A_169, %add3A_203 : i32
        %lt3A = arith.constant 40 : i32
        %lt3A_205 = arith.cmpi slt, %add3A_204, %lt3A : i32
        %convert_element_type3A = arith.extui %lt3A_205 : i1 to i32
        %cond3A = arith.constant 0 : i32
        %cond3A_206 = arith.cmpi ne, %convert_element_type3A, %cond3A : i32
        scf.if %cond3A_206 {
          %add3A_221 = arith.constant 2 : i32
          %add3A_222 = arith.addi %mul3A_169, %add3A_221 : i32
          %dma_start3A_223 = arith.constant 0 : i32
          %dma_start3A_224 = tpu.memref_slice %arg10[%add3A_222, %dma_start3A_223] : memref<40x128xi32, #tpu.memory_space<vmem>> -> memref<1x128xi32, #tpu.memory_space<vmem>>
          %dma_start3A_225 = tpu.memref_squeeze %dma_start3A_224 : memref<1x128xi32, #tpu.memory_space<vmem>> -> memref<128xi32, #tpu.memory_space<vmem>>
          %dma_start3A_226 = arith.constant 0 : i32
          %dma_start3A_227 = arith.constant 0 : i32
          %dma_start3A_228 = tpu.memref_slice %arg2[%dma_start3A_226, %dma_start3A_227] : memref<10240x128xf32, #tpu.memory_space<hbm>> -> memref<10240x128xf32, #tpu.memory_space<hbm>>
          tpu.enqueue_indirect_dma source(%dma_start3A_228 : memref<10240x128xf32, #tpu.memory_space<hbm>>) target(%arg12 : memref<128x128xf32, #tpu.memory_space<vmem>>) offsets(%dma_start3A_225 : memref<128xi32, #tpu.memory_space<vmem>>) semaphore(%arg14 : memref<!tpu.dma_semaphore, #tpu.memory_space<semaphore_mem>>)
        } else {
        }
        %dma_wait3A_207 = arith.constant 0 : i32
        %dma_wait3A_208 = tpu.memref_slice %arg11[%add3A_173, %dma_wait3A_207] : memref<40x128xi32, #tpu.memory_space<vmem>> -> memref<1x128xi32, #tpu.memory_space<vmem>>
        %dma_wait3A_209 = tpu.memref_squeeze %dma_wait3A_208 : memref<1x128xi32, #tpu.memory_space<vmem>> -> memref<128xi32, #tpu.memory_space<vmem>>
        %dma_wait3A_210 = arith.constant 0 : i32
        %dma_wait3A_211 = arith.constant 0 : i32
        %dma_wait3A_212 = tpu.memref_slice %arg9[%dma_wait3A_210, %dma_wait3A_211] : memref<10240x128xf32, #tpu.memory_space<vmem_shared>> -> memref<10240x128xf32, #tpu.memory_space<vmem_shared>>
        tpu.wait_indirect_dma semaphore(%arg17 : memref<!tpu.dma_semaphore, #tpu.memory_space<semaphore_mem>>) src(%arg13 : memref<128x128xf32, #tpu.memory_space<vmem>>) dst(%dma_wait3A_212 : memref<10240x128xf32, #tpu.memory_space<vmem_shared>>)
        %add3A_213 = arith.constant 2 : i32
        %add3A_214 = arith.addi %add3A_173, %add3A_213 : i32
        %lt3A_215 = arith.constant 40 : i32
        %lt3A_216 = arith.cmpi slt, %add3A_214, %lt3A_215 : i32
        %convert_element_type3A_217 = arith.extui %lt3A_216 : i1 to i32
        %cond3A_218 = arith.constant 0 : i32
        %cond3A_219 = arith.cmpi ne, %convert_element_type3A_217, %cond3A_218 : i32
        scf.if %cond3A_219 {
          %add3A_221 = arith.constant 2 : i32
          %add3A_222 = arith.addi %add3A_173, %add3A_221 : i32
          %dma_start3A_223 = arith.constant 0 : i32
          %dma_start3A_224 = tpu.memref_slice %arg10[%add3A_222, %dma_start3A_223] : memref<40x128xi32, #tpu.memory_space<vmem>> -> memref<1x128xi32, #tpu.memory_space<vmem>>
          %dma_start3A_225 = tpu.memref_squeeze %dma_start3A_224 : memref<1x128xi32, #tpu.memory_space<vmem>> -> memref<128xi32, #tpu.memory_space<vmem>>
          %dma_start3A_226 = arith.constant 0 : i32
          %dma_start3A_227 = arith.constant 0 : i32
          %dma_start3A_228 = tpu.memref_slice %arg2[%dma_start3A_226, %dma_start3A_227] : memref<10240x128xf32, #tpu.memory_space<hbm>> -> memref<10240x128xf32, #tpu.memory_space<hbm>>
          tpu.enqueue_indirect_dma source(%dma_start3A_228 : memref<10240x128xf32, #tpu.memory_space<hbm>>) target(%arg13 : memref<128x128xf32, #tpu.memory_space<vmem>>) offsets(%dma_start3A_225 : memref<128xi32, #tpu.memory_space<vmem>>) semaphore(%arg15 : memref<!tpu.dma_semaphore, #tpu.memory_space<semaphore_mem>>)
        } else {
        }
        %scan3A_220 = arith.constant 0 : i32
        scf.yield %scan3A_220 : i32
      }
      %scan3A_164 = arith.constant 20 : i32
      %while3A_165 = arith.constant 0 : i32
      scf.yield %while3A_165 : i32
    }
    %barrier3A_47 = arith.constant 0 : index
    tpu.barrier barrier_id(%barrier3A_47)
    "tpu.trace_stop"() : () -> ()
    "tpu.trace_start"() <{level = 10 : i32, message = "rdout0"}> : () -> ()
    %mul3A_48 = arith.constant 640 : i32
    %mul3A_49 = arith.muli %arg1, %mul3A_48 : i32
    %add3A_50 = arith.constant 0 : i32
    %add3A_51 = arith.addi %mul3A_49, %add3A_50 : i32
    "tpu.region"() ({
      %run_scoped3A_141 = tpu.sem_alloc : memref<!tpu.dma_semaphore, #tpu.memory_space<semaphore_mem>>
      %dma_start3A = arith.constant 0 : i32
      %dma_start3A_142 = tpu.memref_slice %arg9[%add3A_51, %dma_start3A] : memref<10240x128xf32, #tpu.memory_space<vmem_shared>> -> memref<128x128xf32, #tpu.memory_space<vmem_shared>>
      %dma_start3A_143 = arith.constant 0 : i32
      %dma_start3A_144 = tpu.memref_slice %arg9[%add3A_51, %dma_start3A_143] : memref<10240x128xf32, #tpu.memory_space<vmem_shared>> -> memref<128x128xf32, #tpu.memory_space<vmem_shared>>
      tpu.enqueue_dma source(%dma_start3A_144 : memref<128x128xf32, #tpu.memory_space<vmem_shared>>) target(%arg12 : memref<128x128xf32, #tpu.memory_space<vmem>>) target_semaphore(%run_scoped3A_141 : memref<!tpu.dma_semaphore, #tpu.memory_space<semaphore_mem>>)
      %dma_wait3A = arith.constant 0 : i32
      %dma_wait3A_145 = tpu.memref_slice %arg9[%add3A_51, %dma_wait3A] : memref<10240x128xf32, #tpu.memory_space<vmem_shared>> -> memref<128x128xf32, #tpu.memory_space<vmem_shared>>
      %dma_wait3A_146 = arith.constant 0 : i32
      %dma_wait3A_147 = tpu.memref_slice %arg9[%add3A_51, %dma_wait3A_146] : memref<10240x128xf32, #tpu.memory_space<vmem_shared>> -> memref<128x128xf32, #tpu.memory_space<vmem_shared>>
      tpu.wait_dma2 semaphore(%run_scoped3A_141 : memref<!tpu.dma_semaphore, #tpu.memory_space<semaphore_mem>>) src(%dma_wait3A_147 : memref<128x128xf32, #tpu.memory_space<vmem_shared>>) dst(%arg12 : memref<128x128xf32, #tpu.memory_space<vmem>>)
      tpu.yield
    }) : () -> ()
    %run_scoped3A = arith.constant 0 : i32
    "tpu.region"() ({
      %run_scoped3A_141 = tpu.sem_alloc : memref<!tpu.dma_semaphore, #tpu.memory_space<semaphore_mem>>
      %dma_start3A = arith.constant 0 : i32
      %dma_start3A_142 = arith.constant 0 : i32
      %dma_start3A_143 = tpu.memref_slice %arg8[%run_scoped3A, %arg0, %arg1, %dma_start3A, %dma_start3A_142] : memref<2x2x16x640x128xf32, #tpu.memory_space<hbm>> -> memref<1x1x1x128x128xf32, #tpu.memory_space<hbm>>
      %dma_start3A_144 = tpu.memref_squeeze %dma_start3A_143 : memref<1x1x1x128x128xf32, #tpu.memory_space<hbm>> -> memref<128x128xf32, #tpu.memory_space<hbm>>
      %dma_start3A_145 = arith.constant 0 : i32
      %dma_start3A_146 = arith.constant 0 : i32
      %dma_start3A_147 = tpu.memref_slice %arg8[%run_scoped3A, %arg0, %arg1, %dma_start3A_145, %dma_start3A_146] : memref<2x2x16x640x128xf32, #tpu.memory_space<hbm>> -> memref<1x1x1x128x128xf32, #tpu.memory_space<hbm>>
      %dma_start3A_148 = tpu.memref_squeeze %dma_start3A_147 : memref<1x1x1x128x128xf32, #tpu.memory_space<hbm>> -> memref<128x128xf32, #tpu.memory_space<hbm>>
      tpu.enqueue_dma source(%arg12 : memref<128x128xf32, #tpu.memory_space<vmem>>) target(%dma_start3A_148 : memref<128x128xf32, #tpu.memory_space<hbm>>) target_semaphore(%run_scoped3A_141 : memref<!tpu.dma_semaphore, #tpu.memory_space<semaphore_mem>>)
      %dma_wait3A = arith.constant 0 : i32
      %dma_wait3A_149 = arith.constant 0 : i32
      %dma_wait3A_150 = tpu.memref_slice %arg8[%run_scoped3A, %arg0, %arg1, %dma_wait3A, %dma_wait3A_149] : memref<2x2x16x640x128xf32, #tpu.memory_space<hbm>> -> memref<1x1x1x128x128xf32, #tpu.memory_space<hbm>>
      %dma_wait3A_151 = tpu.memref_squeeze %dma_wait3A_150 : memref<1x1x1x128x128xf32, #tpu.memory_space<hbm>> -> memref<128x128xf32, #tpu.memory_space<hbm>>
      %dma_wait3A_152 = arith.constant 0 : i32
      %dma_wait3A_153 = arith.constant 0 : i32
      %dma_wait3A_154 = tpu.memref_slice %arg8[%run_scoped3A, %arg0, %arg1, %dma_wait3A_152, %dma_wait3A_153] : memref<2x2x16x640x128xf32, #tpu.memory_space<hbm>> -> memref<1x1x1x128x128xf32, #tpu.memory_space<hbm>>
      %dma_wait3A_155 = tpu.memref_squeeze %dma_wait3A_154 : memref<1x1x1x128x128xf32, #tpu.memory_space<hbm>> -> memref<128x128xf32, #tpu.memory_space<hbm>>
      tpu.wait_dma2 semaphore(%run_scoped3A_141 : memref<!tpu.dma_semaphore, #tpu.memory_space<semaphore_mem>>) src(%arg12 : memref<128x128xf32, #tpu.memory_space<vmem>>) dst(%dma_wait3A_155 : memref<128x128xf32, #tpu.memory_space<hbm>>)
      tpu.yield
    }) : () -> ()
    %mul3A_52 = arith.constant 640 : i32
    %mul3A_53 = arith.muli %arg1, %mul3A_52 : i32
    %add3A_54 = arith.constant 128 : i32
    %add3A_55 = arith.addi %mul3A_53, %add3A_54 : i32
    "tpu.region"() ({
      %run_scoped3A_141 = tpu.sem_alloc : memref<!tpu.dma_semaphore, #tpu.memory_space<semaphore_mem>>
      %dma_start3A = arith.constant 0 : i32
      %dma_start3A_142 = tpu.memref_slice %arg9[%add3A_55, %dma_start3A] : memref<10240x128xf32, #tpu.memory_space<vmem_shared>> -> memref<128x128xf32, #tpu.memory_space<vmem_shared>>
      %dma_start3A_143 = arith.constant 0 : i32
      %dma_start3A_144 = tpu.memref_slice %arg9[%add3A_55, %dma_start3A_143] : memref<10240x128xf32, #tpu.memory_space<vmem_shared>> -> memref<128x128xf32, #tpu.memory_space<vmem_shared>>
      tpu.enqueue_dma source(%dma_start3A_144 : memref<128x128xf32, #tpu.memory_space<vmem_shared>>) target(%arg12 : memref<128x128xf32, #tpu.memory_space<vmem>>) target_semaphore(%run_scoped3A_141 : memref<!tpu.dma_semaphore, #tpu.memory_space<semaphore_mem>>)
      %dma_wait3A = arith.constant 0 : i32
      %dma_wait3A_145 = tpu.memref_slice %arg9[%add3A_55, %dma_wait3A] : memref<10240x128xf32, #tpu.memory_space<vmem_shared>> -> memref<128x128xf32, #tpu.memory_space<vmem_shared>>
      %dma_wait3A_146 = arith.constant 0 : i32
      %dma_wait3A_147 = tpu.memref_slice %arg9[%add3A_55, %dma_wait3A_146] : memref<10240x128xf32, #tpu.memory_space<vmem_shared>> -> memref<128x128xf32, #tpu.memory_space<vmem_shared>>
      tpu.wait_dma2 semaphore(%run_scoped3A_141 : memref<!tpu.dma_semaphore, #tpu.memory_space<semaphore_mem>>) src(%dma_wait3A_147 : memref<128x128xf32, #tpu.memory_space<vmem_shared>>) dst(%arg12 : memref<128x128xf32, #tpu.memory_space<vmem>>)
      tpu.yield
    }) : () -> ()
    %run_scoped3A_56 = arith.constant 0 : i32
    "tpu.region"() ({
      %run_scoped3A_141 = tpu.sem_alloc : memref<!tpu.dma_semaphore, #tpu.memory_space<semaphore_mem>>
      %dma_start3A = arith.constant 128 : i32
      %dma_start3A_142 = arith.constant 0 : i32
      %dma_start3A_143 = tpu.memref_slice %arg8[%run_scoped3A_56, %arg0, %arg1, %dma_start3A, %dma_start3A_142] : memref<2x2x16x640x128xf32, #tpu.memory_space<hbm>> -> memref<1x1x1x128x128xf32, #tpu.memory_space<hbm>>
      %dma_start3A_144 = tpu.memref_squeeze %dma_start3A_143 : memref<1x1x1x128x128xf32, #tpu.memory_space<hbm>> -> memref<128x128xf32, #tpu.memory_space<hbm>>
      %dma_start3A_145 = arith.constant 128 : i32
      %dma_start3A_146 = arith.constant 0 : i32
      %dma_start3A_147 = tpu.memref_slice %arg8[%run_scoped3A_56, %arg0, %arg1, %dma_start3A_145, %dma_start3A_146] : memref<2x2x16x640x128xf32, #tpu.memory_space<hbm>> -> memref<1x1x1x128x128xf32, #tpu.memory_space<hbm>>
      %dma_start3A_148 = tpu.memref_squeeze %dma_start3A_147 : memref<1x1x1x128x128xf32, #tpu.memory_space<hbm>> -> memref<128x128xf32, #tpu.memory_space<hbm>>
      tpu.enqueue_dma source(%arg12 : memref<128x128xf32, #tpu.memory_space<vmem>>) target(%dma_start3A_148 : memref<128x128xf32, #tpu.memory_space<hbm>>) target_semaphore(%run_scoped3A_141 : memref<!tpu.dma_semaphore, #tpu.memory_space<semaphore_mem>>)
      %dma_wait3A = arith.constant 128 : i32
      %dma_wait3A_149 = arith.constant 0 : i32
      %dma_wait3A_150 = tpu.memref_slice %arg8[%run_scoped3A_56, %arg0, %arg1, %dma_wait3A, %dma_wait3A_149] : memref<2x2x16x640x128xf32, #tpu.memory_space<hbm>> -> memref<1x1x1x128x128xf32, #tpu.memory_space<hbm>>
      %dma_wait3A_151 = tpu.memref_squeeze %dma_wait3A_150 : memref<1x1x1x128x128xf32, #tpu.memory_space<hbm>> -> memref<128x128xf32, #tpu.memory_space<hbm>>
      %dma_wait3A_152 = arith.constant 128 : i32
      %dma_wait3A_153 = arith.constant 0 : i32
      %dma_wait3A_154 = tpu.memref_slice %arg8[%run_scoped3A_56, %arg0, %arg1, %dma_wait3A_152, %dma_wait3A_153] : memref<2x2x16x640x128xf32, #tpu.memory_space<hbm>> -> memref<1x1x1x128x128xf32, #tpu.memory_space<hbm>>
      %dma_wait3A_155 = tpu.memref_squeeze %dma_wait3A_154 : memref<1x1x1x128x128xf32, #tpu.memory_space<hbm>> -> memref<128x128xf32, #tpu.memory_space<hbm>>
      tpu.wait_dma2 semaphore(%run_scoped3A_141 : memref<!tpu.dma_semaphore, #tpu.memory_space<semaphore_mem>>) src(%arg12 : memref<128x128xf32, #tpu.memory_space<vmem>>) dst(%dma_wait3A_155 : memref<128x128xf32, #tpu.memory_space<hbm>>)
      tpu.yield
    }) : () -> ()
    %mul3A_57 = arith.constant 640 : i32
    %mul3A_58 = arith.muli %arg1, %mul3A_57 : i32
    %add3A_59 = arith.constant 256 : i32
    %add3A_60 = arith.addi %mul3A_58, %add3A_59 : i32
    "tpu.region"() ({
      %run_scoped3A_141 = tpu.sem_alloc : memref<!tpu.dma_semaphore, #tpu.memory_space<semaphore_mem>>
      %dma_start3A = arith.constant 0 : i32
      %dma_start3A_142 = tpu.memref_slice %arg9[%add3A_60, %dma_start3A] : memref<10240x128xf32, #tpu.memory_space<vmem_shared>> -> memref<128x128xf32, #tpu.memory_space<vmem_shared>>
      %dma_start3A_143 = arith.constant 0 : i32
      %dma_start3A_144 = tpu.memref_slice %arg9[%add3A_60, %dma_start3A_143] : memref<10240x128xf32, #tpu.memory_space<vmem_shared>> -> memref<128x128xf32, #tpu.memory_space<vmem_shared>>
      tpu.enqueue_dma source(%dma_start3A_144 : memref<128x128xf32, #tpu.memory_space<vmem_shared>>) target(%arg12 : memref<128x128xf32, #tpu.memory_space<vmem>>) target_semaphore(%run_scoped3A_141 : memref<!tpu.dma_semaphore, #tpu.memory_space<semaphore_mem>>)
      %dma_wait3A = arith.constant 0 : i32
      %dma_wait3A_145 = tpu.memref_slice %arg9[%add3A_60, %dma_wait3A] : memref<10240x128xf32, #tpu.memory_space<vmem_shared>> -> memref<128x128xf32, #tpu.memory_space<vmem_shared>>
      %dma_wait3A_146 = arith.constant 0 : i32
      %dma_wait3A_147 = tpu.memref_slice %arg9[%add3A_60, %dma_wait3A_146] : memref<10240x128xf32, #tpu.memory_space<vmem_shared>> -> memref<128x128xf32, #tpu.memory_space<vmem_shared>>
      tpu.wait_dma2 semaphore(%run_scoped3A_141 : memref<!tpu.dma_semaphore, #tpu.memory_space<semaphore_mem>>) src(%dma_wait3A_147 : memref<128x128xf32, #tpu.memory_space<vmem_shared>>) dst(%arg12 : memref<128x128xf32, #tpu.memory_space<vmem>>)
      tpu.yield
    }) : () -> ()
    %run_scoped3A_61 = arith.constant 0 : i32
    "tpu.region"() ({
      %run_scoped3A_141 = tpu.sem_alloc : memref<!tpu.dma_semaphore, #tpu.memory_space<semaphore_mem>>
      %dma_start3A = arith.constant 256 : i32
      %dma_start3A_142 = arith.constant 0 : i32
      %dma_start3A_143 = tpu.memref_slice %arg8[%run_scoped3A_61, %arg0, %arg1, %dma_start3A, %dma_start3A_142] : memref<2x2x16x640x128xf32, #tpu.memory_space<hbm>> -> memref<1x1x1x128x128xf32, #tpu.memory_space<hbm>>
      %dma_start3A_144 = tpu.memref_squeeze %dma_start3A_143 : memref<1x1x1x128x128xf32, #tpu.memory_space<hbm>> -> memref<128x128xf32, #tpu.memory_space<hbm>>
      %dma_start3A_145 = arith.constant 256 : i32
      %dma_start3A_146 = arith.constant 0 : i32
      %dma_start3A_147 = tpu.memref_slice %arg8[%run_scoped3A_61, %arg0, %arg1, %dma_start3A_145, %dma_start3A_146] : memref<2x2x16x640x128xf32, #tpu.memory_space<hbm>> -> memref<1x1x1x128x128xf32, #tpu.memory_space<hbm>>
      %dma_start3A_148 = tpu.memref_squeeze %dma_start3A_147 : memref<1x1x1x128x128xf32, #tpu.memory_space<hbm>> -> memref<128x128xf32, #tpu.memory_space<hbm>>
      tpu.enqueue_dma source(%arg12 : memref<128x128xf32, #tpu.memory_space<vmem>>) target(%dma_start3A_148 : memref<128x128xf32, #tpu.memory_space<hbm>>) target_semaphore(%run_scoped3A_141 : memref<!tpu.dma_semaphore, #tpu.memory_space<semaphore_mem>>)
      %dma_wait3A = arith.constant 256 : i32
      %dma_wait3A_149 = arith.constant 0 : i32
      %dma_wait3A_150 = tpu.memref_slice %arg8[%run_scoped3A_61, %arg0, %arg1, %dma_wait3A, %dma_wait3A_149] : memref<2x2x16x640x128xf32, #tpu.memory_space<hbm>> -> memref<1x1x1x128x128xf32, #tpu.memory_space<hbm>>
      %dma_wait3A_151 = tpu.memref_squeeze %dma_wait3A_150 : memref<1x1x1x128x128xf32, #tpu.memory_space<hbm>> -> memref<128x128xf32, #tpu.memory_space<hbm>>
      %dma_wait3A_152 = arith.constant 256 : i32
      %dma_wait3A_153 = arith.constant 0 : i32
      %dma_wait3A_154 = tpu.memref_slice %arg8[%run_scoped3A_61, %arg0, %arg1, %dma_wait3A_152, %dma_wait3A_153] : memref<2x2x16x640x128xf32, #tpu.memory_space<hbm>> -> memref<1x1x1x128x128xf32, #tpu.memory_space<hbm>>
      %dma_wait3A_155 = tpu.memref_squeeze %dma_wait3A_154 : memref<1x1x1x128x128xf32, #tpu.memory_space<hbm>> -> memref<128x128xf32, #tpu.memory_space<hbm>>
      tpu.wait_dma2 semaphore(%run_scoped3A_141 : memref<!tpu.dma_semaphore, #tpu.memory_space<semaphore_mem>>) src(%arg12 : memref<128x128xf32, #tpu.memory_space<vmem>>) dst(%dma_wait3A_155 : memref<128x128xf32, #tpu.memory_space<hbm>>)
      tpu.yield
    }) : () -> ()
    %mul3A_62 = arith.constant 640 : i32
    %mul3A_63 = arith.muli %arg1, %mul3A_62 : i32
    %add3A_64 = arith.constant 384 : i32
    %add3A_65 = arith.addi %mul3A_63, %add3A_64 : i32
    "tpu.region"() ({
      %run_scoped3A_141 = tpu.sem_alloc : memref<!tpu.dma_semaphore, #tpu.memory_space<semaphore_mem>>
      %dma_start3A = arith.constant 0 : i32
      %dma_start3A_142 = tpu.memref_slice %arg9[%add3A_65, %dma_start3A] : memref<10240x128xf32, #tpu.memory_space<vmem_shared>> -> memref<128x128xf32, #tpu.memory_space<vmem_shared>>
      %dma_start3A_143 = arith.constant 0 : i32
      %dma_start3A_144 = tpu.memref_slice %arg9[%add3A_65, %dma_start3A_143] : memref<10240x128xf32, #tpu.memory_space<vmem_shared>> -> memref<128x128xf32, #tpu.memory_space<vmem_shared>>
      tpu.enqueue_dma source(%dma_start3A_144 : memref<128x128xf32, #tpu.memory_space<vmem_shared>>) target(%arg12 : memref<128x128xf32, #tpu.memory_space<vmem>>) target_semaphore(%run_scoped3A_141 : memref<!tpu.dma_semaphore, #tpu.memory_space<semaphore_mem>>)
      %dma_wait3A = arith.constant 0 : i32
      %dma_wait3A_145 = tpu.memref_slice %arg9[%add3A_65, %dma_wait3A] : memref<10240x128xf32, #tpu.memory_space<vmem_shared>> -> memref<128x128xf32, #tpu.memory_space<vmem_shared>>
      %dma_wait3A_146 = arith.constant 0 : i32
      %dma_wait3A_147 = tpu.memref_slice %arg9[%add3A_65, %dma_wait3A_146] : memref<10240x128xf32, #tpu.memory_space<vmem_shared>> -> memref<128x128xf32, #tpu.memory_space<vmem_shared>>
      tpu.wait_dma2 semaphore(%run_scoped3A_141 : memref<!tpu.dma_semaphore, #tpu.memory_space<semaphore_mem>>) src(%dma_wait3A_147 : memref<128x128xf32, #tpu.memory_space<vmem_shared>>) dst(%arg12 : memref<128x128xf32, #tpu.memory_space<vmem>>)
      tpu.yield
    }) : () -> ()
    %run_scoped3A_66 = arith.constant 0 : i32
    "tpu.region"() ({
      %run_scoped3A_141 = tpu.sem_alloc : memref<!tpu.dma_semaphore, #tpu.memory_space<semaphore_mem>>
      %dma_start3A = arith.constant 384 : i32
      %dma_start3A_142 = arith.constant 0 : i32
      %dma_start3A_143 = tpu.memref_slice %arg8[%run_scoped3A_66, %arg0, %arg1, %dma_start3A, %dma_start3A_142] : memref<2x2x16x640x128xf32, #tpu.memory_space<hbm>> -> memref<1x1x1x128x128xf32, #tpu.memory_space<hbm>>
      %dma_start3A_144 = tpu.memref_squeeze %dma_start3A_143 : memref<1x1x1x128x128xf32, #tpu.memory_space<hbm>> -> memref<128x128xf32, #tpu.memory_space<hbm>>
      %dma_start3A_145 = arith.constant 384 : i32
      %dma_start3A_146 = arith.constant 0 : i32
      %dma_start3A_147 = tpu.memref_slice %arg8[%run_scoped3A_66, %arg0, %arg1, %dma_start3A_145, %dma_start3A_146] : memref<2x2x16x640x128xf32, #tpu.memory_space<hbm>> -> memref<1x1x1x128x128xf32, #tpu.memory_space<hbm>>
      %dma_start3A_148 = tpu.memref_squeeze %dma_start3A_147 : memref<1x1x1x128x128xf32, #tpu.memory_space<hbm>> -> memref<128x128xf32, #tpu.memory_space<hbm>>
      tpu.enqueue_dma source(%arg12 : memref<128x128xf32, #tpu.memory_space<vmem>>) target(%dma_start3A_148 : memref<128x128xf32, #tpu.memory_space<hbm>>) target_semaphore(%run_scoped3A_141 : memref<!tpu.dma_semaphore, #tpu.memory_space<semaphore_mem>>)
      %dma_wait3A = arith.constant 384 : i32
      %dma_wait3A_149 = arith.constant 0 : i32
      %dma_wait3A_150 = tpu.memref_slice %arg8[%run_scoped3A_66, %arg0, %arg1, %dma_wait3A, %dma_wait3A_149] : memref<2x2x16x640x128xf32, #tpu.memory_space<hbm>> -> memref<1x1x1x128x128xf32, #tpu.memory_space<hbm>>
      %dma_wait3A_151 = tpu.memref_squeeze %dma_wait3A_150 : memref<1x1x1x128x128xf32, #tpu.memory_space<hbm>> -> memref<128x128xf32, #tpu.memory_space<hbm>>
      %dma_wait3A_152 = arith.constant 384 : i32
      %dma_wait3A_153 = arith.constant 0 : i32
      %dma_wait3A_154 = tpu.memref_slice %arg8[%run_scoped3A_66, %arg0, %arg1, %dma_wait3A_152, %dma_wait3A_153] : memref<2x2x16x640x128xf32, #tpu.memory_space<hbm>> -> memref<1x1x1x128x128xf32, #tpu.memory_space<hbm>>
      %dma_wait3A_155 = tpu.memref_squeeze %dma_wait3A_154 : memref<1x1x1x128x128xf32, #tpu.memory_space<hbm>> -> memref<128x128xf32, #tpu.memory_space<hbm>>
      tpu.wait_dma2 semaphore(%run_scoped3A_141 : memref<!tpu.dma_semaphore, #tpu.memory_space<semaphore_mem>>) src(%arg12 : memref<128x128xf32, #tpu.memory_space<vmem>>) dst(%dma_wait3A_155 : memref<128x128xf32, #tpu.memory_space<hbm>>)
      tpu.yield
    }) : () -> ()
    %mul3A_67 = arith.constant 640 : i32
    %mul3A_68 = arith.muli %arg1, %mul3A_67 : i32
    %add3A_69 = arith.constant 512 : i32
    %add3A_70 = arith.addi %mul3A_68, %add3A_69 : i32
    "tpu.region"() ({
      %run_scoped3A_141 = tpu.sem_alloc : memref<!tpu.dma_semaphore, #tpu.memory_space<semaphore_mem>>
      %dma_start3A = arith.constant 0 : i32
      %dma_start3A_142 = tpu.memref_slice %arg9[%add3A_70, %dma_start3A] : memref<10240x128xf32, #tpu.memory_space<vmem_shared>> -> memref<128x128xf32, #tpu.memory_space<vmem_shared>>
      %dma_start3A_143 = arith.constant 0 : i32
      %dma_start3A_144 = tpu.memref_slice %arg9[%add3A_70, %dma_start3A_143] : memref<10240x128xf32, #tpu.memory_space<vmem_shared>> -> memref<128x128xf32, #tpu.memory_space<vmem_shared>>
      tpu.enqueue_dma source(%dma_start3A_144 : memref<128x128xf32, #tpu.memory_space<vmem_shared>>) target(%arg12 : memref<128x128xf32, #tpu.memory_space<vmem>>) target_semaphore(%run_scoped3A_141 : memref<!tpu.dma_semaphore, #tpu.memory_space<semaphore_mem>>)
      %dma_wait3A = arith.constant 0 : i32
      %dma_wait3A_145 = tpu.memref_slice %arg9[%add3A_70, %dma_wait3A] : memref<10240x128xf32, #tpu.memory_space<vmem_shared>> -> memref<128x128xf32, #tpu.memory_space<vmem_shared>>
      %dma_wait3A_146 = arith.constant 0 : i32
      %dma_wait3A_147 = tpu.memref_slice %arg9[%add3A_70, %dma_wait3A_146] : memref<10240x128xf32, #tpu.memory_space<vmem_shared>> -> memref<128x128xf32, #tpu.memory_space<vmem_shared>>
      tpu.wait_dma2 semaphore(%run_scoped3A_141 : memref<!tpu.dma_semaphore, #tpu.memory_space<semaphore_mem>>) src(%dma_wait3A_147 : memref<128x128xf32, #tpu.memory_space<vmem_shared>>) dst(%arg12 : memref<128x128xf32, #tpu.memory_space<vmem>>)
      tpu.yield
    }) : () -> ()
    %run_scoped3A_71 = arith.constant 0 : i32
    "tpu.region"() ({
      %run_scoped3A_141 = tpu.sem_alloc : memref<!tpu.dma_semaphore, #tpu.memory_space<semaphore_mem>>
      %dma_start3A = arith.constant 512 : i32
      %dma_start3A_142 = arith.constant 0 : i32
      %dma_start3A_143 = tpu.memref_slice %arg8[%run_scoped3A_71, %arg0, %arg1, %dma_start3A, %dma_start3A_142] : memref<2x2x16x640x128xf32, #tpu.memory_space<hbm>> -> memref<1x1x1x128x128xf32, #tpu.memory_space<hbm>>
      %dma_start3A_144 = tpu.memref_squeeze %dma_start3A_143 : memref<1x1x1x128x128xf32, #tpu.memory_space<hbm>> -> memref<128x128xf32, #tpu.memory_space<hbm>>
      %dma_start3A_145 = arith.constant 512 : i32
      %dma_start3A_146 = arith.constant 0 : i32
      %dma_start3A_147 = tpu.memref_slice %arg8[%run_scoped3A_71, %arg0, %arg1, %dma_start3A_145, %dma_start3A_146] : memref<2x2x16x640x128xf32, #tpu.memory_space<hbm>> -> memref<1x1x1x128x128xf32, #tpu.memory_space<hbm>>
      %dma_start3A_148 = tpu.memref_squeeze %dma_start3A_147 : memref<1x1x1x128x128xf32, #tpu.memory_space<hbm>> -> memref<128x128xf32, #tpu.memory_space<hbm>>
      tpu.enqueue_dma source(%arg12 : memref<128x128xf32, #tpu.memory_space<vmem>>) target(%dma_start3A_148 : memref<128x128xf32, #tpu.memory_space<hbm>>) target_semaphore(%run_scoped3A_141 : memref<!tpu.dma_semaphore, #tpu.memory_space<semaphore_mem>>)
      %dma_wait3A = arith.constant 512 : i32
      %dma_wait3A_149 = arith.constant 0 : i32
      %dma_wait3A_150 = tpu.memref_slice %arg8[%run_scoped3A_71, %arg0, %arg1, %dma_wait3A, %dma_wait3A_149] : memref<2x2x16x640x128xf32, #tpu.memory_space<hbm>> -> memref<1x1x1x128x128xf32, #tpu.memory_space<hbm>>
      %dma_wait3A_151 = tpu.memref_squeeze %dma_wait3A_150 : memref<1x1x1x128x128xf32, #tpu.memory_space<hbm>> -> memref<128x128xf32, #tpu.memory_space<hbm>>
      %dma_wait3A_152 = arith.constant 512 : i32
      %dma_wait3A_153 = arith.constant 0 : i32
      %dma_wait3A_154 = tpu.memref_slice %arg8[%run_scoped3A_71, %arg0, %arg1, %dma_wait3A_152, %dma_wait3A_153] : memref<2x2x16x640x128xf32, #tpu.memory_space<hbm>> -> memref<1x1x1x128x128xf32, #tpu.memory_space<hbm>>
      %dma_wait3A_155 = tpu.memref_squeeze %dma_wait3A_154 : memref<1x1x1x128x128xf32, #tpu.memory_space<hbm>> -> memref<128x128xf32, #tpu.memory_space<hbm>>
      tpu.wait_dma2 semaphore(%run_scoped3A_141 : memref<!tpu.dma_semaphore, #tpu.memory_space<semaphore_mem>>) src(%arg12 : memref<128x128xf32, #tpu.memory_space<vmem>>) dst(%dma_wait3A_155 : memref<128x128xf32, #tpu.memory_space<hbm>>)
      tpu.yield
    }) : () -> ()
    %barrier3A_72 = arith.constant 0 : index
    tpu.barrier barrier_id(%barrier3A_72)
    %broadcast_in_dim3A_73 = arith.constant 0.000000e+00 : f32
    "tpu.trace_stop"() : () -> ()
    "tpu.trace_start"() <{level = 10 : i32, message = "zero1"}> : () -> ()
    %broadcast_in_dim3A_74 = vector.broadcast %broadcast_in_dim3A_73 : f32 to vector<16xf32>
    %scan3A_75 = arith.constant 0 : i32
    %scan3A_76 = arith.constant 0 : i32
    %scan3A_77 = arith.constant 128 : i32
    %scan3A_78 = arith.addi %scan3A_76, %scan3A_77 : i32
    %scan3A_79 = arith.constant 1 : i32
    %scan3A_80 = scf.for %scan3A_141 = %scan3A_76 to %scan3A_78 step %scan3A_79 iter_args(%scan3A_142 = %scan3A_75) -> (i32)  : i32 {
      %swap3A = arith.index_cast %scan3A_141 : i32 to index
      %swap3A_143 = arith.constant 0 : index
      %swap3A_144 = tpu.vector_load %arg12[%swap3A, %swap3A_143] {strides = array<i32>} : memref<128x128xf32, #tpu.memory_space<vmem>>, vector<1x16xf32>,
      %swap3A_145 = vector.shape_cast %swap3A_144 : vector<1x16xf32> to vector<16xf32>
      %swap3A_146 = vector.shape_cast %broadcast_in_dim3A_74 : vector<16xf32> to vector<1x16xf32>
      tpu.vector_store %arg12[%swap3A, %swap3A_143], %swap3A_146 {strides = array<i32>} : memref<128x128xf32, #tpu.memory_space<vmem>>, vector<1x16xf32>,
      %swap3A_147 = arith.index_cast %scan3A_141 : i32 to index
      %swap3A_148 = arith.constant 16 : index
      %swap3A_149 = tpu.vector_load %arg12[%swap3A_147, %swap3A_148] {strides = array<i32>} : memref<128x128xf32, #tpu.memory_space<vmem>>, vector<1x16xf32>,
      %swap3A_150 = vector.shape_cast %swap3A_149 : vector<1x16xf32> to vector<16xf32>
      %swap3A_151 = vector.shape_cast %broadcast_in_dim3A_74 : vector<16xf32> to vector<1x16xf32>
      tpu.vector_store %arg12[%swap3A_147, %swap3A_148], %swap3A_151 {strides = array<i32>} : memref<128x128xf32, #tpu.memory_space<vmem>>, vector<1x16xf32>,
      %swap3A_152 = arith.index_cast %scan3A_141 : i32 to index
      %swap3A_153 = arith.constant 32 : index
      %swap3A_154 = tpu.vector_load %arg12[%swap3A_152, %swap3A_153] {strides = array<i32>} : memref<128x128xf32, #tpu.memory_space<vmem>>, vector<1x16xf32>,
      %swap3A_155 = vector.shape_cast %swap3A_154 : vector<1x16xf32> to vector<16xf32>
      %swap3A_156 = vector.shape_cast %broadcast_in_dim3A_74 : vector<16xf32> to vector<1x16xf32>
      tpu.vector_store %arg12[%swap3A_152, %swap3A_153], %swap3A_156 {strides = array<i32>} : memref<128x128xf32, #tpu.memory_space<vmem>>, vector<1x16xf32>,
      %swap3A_157 = arith.index_cast %scan3A_141 : i32 to index
      %swap3A_158 = arith.constant 48 : index
      %swap3A_159 = tpu.vector_load %arg12[%swap3A_157, %swap3A_158] {strides = array<i32>} : memref<128x128xf32, #tpu.memory_space<vmem>>, vector<1x16xf32>,
      %swap3A_160 = vector.shape_cast %swap3A_159 : vector<1x16xf32> to vector<16xf32>
      %swap3A_161 = vector.shape_cast %broadcast_in_dim3A_74 : vector<16xf32> to vector<1x16xf32>
      tpu.vector_store %arg12[%swap3A_157, %swap3A_158], %swap3A_161 {strides = array<i32>} : memref<128x128xf32, #tpu.memory_space<vmem>>, vector<1x16xf32>,
      %swap3A_162 = arith.index_cast %scan3A_141 : i32 to index
      %swap3A_163 = arith.constant 64 : index
      %swap3A_164 = tpu.vector_load %arg12[%swap3A_162, %swap3A_163] {strides = array<i32>} : memref<128x128xf32, #tpu.memory_space<vmem>>, vector<1x16xf32>,
      %swap3A_165 = vector.shape_cast %swap3A_164 : vector<1x16xf32> to vector<16xf32>
      %swap3A_166 = vector.shape_cast %broadcast_in_dim3A_74 : vector<16xf32> to vector<1x16xf32>
      tpu.vector_store %arg12[%swap3A_162, %swap3A_163], %swap3A_166 {strides = array<i32>} : memref<128x128xf32, #tpu.memory_space<vmem>>, vector<1x16xf32>,
      %swap3A_167 = arith.index_cast %scan3A_141 : i32 to index
      %swap3A_168 = arith.constant 80 : index
      %swap3A_169 = tpu.vector_load %arg12[%swap3A_167, %swap3A_168] {strides = array<i32>} : memref<128x128xf32, #tpu.memory_space<vmem>>, vector<1x16xf32>,
      %swap3A_170 = vector.shape_cast %swap3A_169 : vector<1x16xf32> to vector<16xf32>
      %swap3A_171 = vector.shape_cast %broadcast_in_dim3A_74 : vector<16xf32> to vector<1x16xf32>
      tpu.vector_store %arg12[%swap3A_167, %swap3A_168], %swap3A_171 {strides = array<i32>} : memref<128x128xf32, #tpu.memory_space<vmem>>, vector<1x16xf32>,
      %swap3A_172 = arith.index_cast %scan3A_141 : i32 to index
      %swap3A_173 = arith.constant 96 : index
      %swap3A_174 = tpu.vector_load %arg12[%swap3A_172, %swap3A_173] {strides = array<i32>} : memref<128x128xf32, #tpu.memory_space<vmem>>, vector<1x16xf32>,
      %swap3A_175 = vector.shape_cast %swap3A_174 : vector<1x16xf32> to vector<16xf32>
      %swap3A_176 = vector.shape_cast %broadcast_in_dim3A_74 : vector<16xf32> to vector<1x16xf32>
      tpu.vector_store %arg12[%swap3A_172, %swap3A_173], %swap3A_176 {strides = array<i32>} : memref<128x128xf32, #tpu.memory_space<vmem>>, vector<1x16xf32>,
      %swap3A_177 = arith.index_cast %scan3A_141 : i32 to index
      %swap3A_178 = arith.constant 112 : index
      %swap3A_179 = tpu.vector_load %arg12[%swap3A_177, %swap3A_178] {strides = array<i32>} : memref<128x128xf32, #tpu.memory_space<vmem>>, vector<1x16xf32>,
      %swap3A_180 = vector.shape_cast %swap3A_179 : vector<1x16xf32> to vector<16xf32>
      %swap3A_181 = vector.shape_cast %broadcast_in_dim3A_74 : vector<16xf32> to vector<1x16xf32>
      tpu.vector_store %arg12[%swap3A_177, %swap3A_178], %swap3A_181 {strides = array<i32>} : memref<128x128xf32, #tpu.memory_space<vmem>>, vector<1x16xf32>,
      %scan3A_182 = arith.constant 0 : i32
      scf.yield %scan3A_182 : i32
    }
    %scan3A_81 = arith.constant 128 : i32
    %mul3A_82 = arith.constant 640 : i32
    %mul3A_83 = arith.muli %arg1, %mul3A_82 : i32
    %add3A_84 = arith.constant 0 : i32
    %add3A_85 = arith.addi %mul3A_83, %add3A_84 : i32
    "tpu.region"() ({
      %run_scoped3A_141 = tpu.sem_alloc : memref<!tpu.dma_semaphore, #tpu.memory_space<semaphore_mem>>
      %dma_start3A = arith.constant 0 : i32
      %dma_start3A_142 = tpu.memref_slice %arg9[%add3A_85, %dma_start3A] : memref<10240x128xf32, #tpu.memory_space<vmem_shared>> -> memref<128x128xf32, #tpu.memory_space<vmem_shared>>
      %dma_start3A_143 = arith.constant 0 : i32
      %dma_start3A_144 = tpu.memref_slice %arg9[%add3A_85, %dma_start3A_143] : memref<10240x128xf32, #tpu.memory_space<vmem_shared>> -> memref<128x128xf32, #tpu.memory_space<vmem_shared>>
      tpu.enqueue_dma source(%arg12 : memref<128x128xf32, #tpu.memory_space<vmem>>) target(%dma_start3A_144 : memref<128x128xf32, #tpu.memory_space<vmem_shared>>) target_semaphore(%run_scoped3A_141 : memref<!tpu.dma_semaphore, #tpu.memory_space<semaphore_mem>>)
      %dma_wait3A = arith.constant 0 : i32
      %dma_wait3A_145 = tpu.memref_slice %arg9[%add3A_85, %dma_wait3A] : memref<10240x128xf32, #tpu.memory_space<vmem_shared>> -> memref<128x128xf32, #tpu.memory_space<vmem_shared>>
      %dma_wait3A_146 = arith.constant 0 : i32
      %dma_wait3A_147 = tpu.memref_slice %arg9[%add3A_85, %dma_wait3A_146] : memref<10240x128xf32, #tpu.memory_space<vmem_shared>> -> memref<128x128xf32, #tpu.memory_space<vmem_shared>>
      tpu.wait_dma2 semaphore(%run_scoped3A_141 : memref<!tpu.dma_semaphore, #tpu.memory_space<semaphore_mem>>) src(%arg12 : memref<128x128xf32, #tpu.memory_space<vmem>>) dst(%dma_wait3A_147 : memref<128x128xf32, #tpu.memory_space<vmem_shared>>)
      tpu.yield
    }) : () -> ()
    %mul3A_86 = arith.constant 640 : i32
    %mul3A_87 = arith.muli %arg1, %mul3A_86 : i32
    %add3A_88 = arith.constant 128 : i32
    %add3A_89 = arith.addi %mul3A_87, %add3A_88 : i32
    "tpu.region"() ({
      %run_scoped3A_141 = tpu.sem_alloc : memref<!tpu.dma_semaphore, #tpu.memory_space<semaphore_mem>>
      %dma_start3A = arith.constant 0 : i32
      %dma_start3A_142 = tpu.memref_slice %arg9[%add3A_89, %dma_start3A] : memref<10240x128xf32, #tpu.memory_space<vmem_shared>> -> memref<128x128xf32, #tpu.memory_space<vmem_shared>>
      %dma_start3A_143 = arith.constant 0 : i32
      %dma_start3A_144 = tpu.memref_slice %arg9[%add3A_89, %dma_start3A_143] : memref<10240x128xf32, #tpu.memory_space<vmem_shared>> -> memref<128x128xf32, #tpu.memory_space<vmem_shared>>
      tpu.enqueue_dma source(%arg12 : memref<128x128xf32, #tpu.memory_space<vmem>>) target(%dma_start3A_144 : memref<128x128xf32, #tpu.memory_space<vmem_shared>>) target_semaphore(%run_scoped3A_141 : memref<!tpu.dma_semaphore, #tpu.memory_space<semaphore_mem>>)
      %dma_wait3A = arith.constant 0 : i32
      %dma_wait3A_145 = tpu.memref_slice %arg9[%add3A_89, %dma_wait3A] : memref<10240x128xf32, #tpu.memory_space<vmem_shared>> -> memref<128x128xf32, #tpu.memory_space<vmem_shared>>
      %dma_wait3A_146 = arith.constant 0 : i32
      %dma_wait3A_147 = tpu.memref_slice %arg9[%add3A_89, %dma_wait3A_146] : memref<10240x128xf32, #tpu.memory_space<vmem_shared>> -> memref<128x128xf32, #tpu.memory_space<vmem_shared>>
      tpu.wait_dma2 semaphore(%run_scoped3A_141 : memref<!tpu.dma_semaphore, #tpu.memory_space<semaphore_mem>>) src(%arg12 : memref<128x128xf32, #tpu.memory_space<vmem>>) dst(%dma_wait3A_147 : memref<128x128xf32, #tpu.memory_space<vmem_shared>>)
      tpu.yield
    }) : () -> ()
    %mul3A_90 = arith.constant 640 : i32
    %mul3A_91 = arith.muli %arg1, %mul3A_90 : i32
    %add3A_92 = arith.constant 256 : i32
    %add3A_93 = arith.addi %mul3A_91, %add3A_92 : i32
    "tpu.region"() ({
      %run_scoped3A_141 = tpu.sem_alloc : memref<!tpu.dma_semaphore, #tpu.memory_space<semaphore_mem>>
      %dma_start3A = arith.constant 0 : i32
      %dma_start3A_142 = tpu.memref_slice %arg9[%add3A_93, %dma_start3A] : memref<10240x128xf32, #tpu.memory_space<vmem_shared>> -> memref<128x128xf32, #tpu.memory_space<vmem_shared>>
      %dma_start3A_143 = arith.constant 0 : i32
      %dma_start3A_144 = tpu.memref_slice %arg9[%add3A_93, %dma_start3A_143] : memref<10240x128xf32, #tpu.memory_space<vmem_shared>> -> memref<128x128xf32, #tpu.memory_space<vmem_shared>>
      tpu.enqueue_dma source(%arg12 : memref<128x128xf32, #tpu.memory_space<vmem>>) target(%dma_start3A_144 : memref<128x128xf32, #tpu.memory_space<vmem_shared>>) target_semaphore(%run_scoped3A_141 : memref<!tpu.dma_semaphore, #tpu.memory_space<semaphore_mem>>)
      %dma_wait3A = arith.constant 0 : i32
      %dma_wait3A_145 = tpu.memref_slice %arg9[%add3A_93, %dma_wait3A] : memref<10240x128xf32, #tpu.memory_space<vmem_shared>> -> memref<128x128xf32, #tpu.memory_space<vmem_shared>>
      %dma_wait3A_146 = arith.constant 0 : i32
      %dma_wait3A_147 = tpu.memref_slice %arg9[%add3A_93, %dma_wait3A_146] : memref<10240x128xf32, #tpu.memory_space<vmem_shared>> -> memref<128x128xf32, #tpu.memory_space<vmem_shared>>
      tpu.wait_dma2 semaphore(%run_scoped3A_141 : memref<!tpu.dma_semaphore, #tpu.memory_space<semaphore_mem>>) src(%arg12 : memref<128x128xf32, #tpu.memory_space<vmem>>) dst(%dma_wait3A_147 : memref<128x128xf32, #tpu.memory_space<vmem_shared>>)
      tpu.yield
    }) : () -> ()
    %mul3A_94 = arith.constant 640 : i32
    %mul3A_95 = arith.muli %arg1, %mul3A_94 : i32
    %add3A_96 = arith.constant 384 : i32
    %add3A_97 = arith.addi %mul3A_95, %add3A_96 : i32
    "tpu.region"() ({
      %run_scoped3A_141 = tpu.sem_alloc : memref<!tpu.dma_semaphore, #tpu.memory_space<semaphore_mem>>
      %dma_start3A = arith.constant 0 : i32
      %dma_start3A_142 = tpu.memref_slice %arg9[%add3A_97, %dma_start3A] : memref<10240x128xf32, #tpu.memory_space<vmem_shared>> -> memref<128x128xf32, #tpu.memory_space<vmem_shared>>
      %dma_start3A_143 = arith.constant 0 : i32
      %dma_start3A_144 = tpu.memref_slice %arg9[%add3A_97, %dma_start3A_143] : memref<10240x128xf32, #tpu.memory_space<vmem_shared>> -> memref<128x128xf32, #tpu.memory_space<vmem_shared>>
      tpu.enqueue_dma source(%arg12 : memref<128x128xf32, #tpu.memory_space<vmem>>) target(%dma_start3A_144 : memref<128x128xf32, #tpu.memory_space<vmem_shared>>) target_semaphore(%run_scoped3A_141 : memref<!tpu.dma_semaphore, #tpu.memory_space<semaphore_mem>>)
      %dma_wait3A = arith.constant 0 : i32
      %dma_wait3A_145 = tpu.memref_slice %arg9[%add3A_97, %dma_wait3A] : memref<10240x128xf32, #tpu.memory_space<vmem_shared>> -> memref<128x128xf32, #tpu.memory_space<vmem_shared>>
      %dma_wait3A_146 = arith.constant 0 : i32
      %dma_wait3A_147 = tpu.memref_slice %arg9[%add3A_97, %dma_wait3A_146] : memref<10240x128xf32, #tpu.memory_space<vmem_shared>> -> memref<128x128xf32, #tpu.memory_space<vmem_shared>>
      tpu.wait_dma2 semaphore(%run_scoped3A_141 : memref<!tpu.dma_semaphore, #tpu.memory_space<semaphore_mem>>) src(%arg12 : memref<128x128xf32, #tpu.memory_space<vmem>>) dst(%dma_wait3A_147 : memref<128x128xf32, #tpu.memory_space<vmem_shared>>)
      tpu.yield
    }) : () -> ()
    %mul3A_98 = arith.constant 640 : i32
    %mul3A_99 = arith.muli %arg1, %mul3A_98 : i32
    %add3A_100 = arith.constant 512 : i32
    %add3A_101 = arith.addi %mul3A_99, %add3A_100 : i32
    "tpu.region"() ({
      %run_scoped3A_141 = tpu.sem_alloc : memref<!tpu.dma_semaphore, #tpu.memory_space<semaphore_mem>>
      %dma_start3A = arith.constant 0 : i32
      %dma_start3A_142 = tpu.memref_slice %arg9[%add3A_101, %dma_start3A] : memref<10240x128xf32, #tpu.memory_space<vmem_shared>> -> memref<128x128xf32, #tpu.memory_space<vmem_shared>>
      %dma_start3A_143 = arith.constant 0 : i32
      %dma_start3A_144 = tpu.memref_slice %arg9[%add3A_101, %dma_start3A_143] : memref<10240x128xf32, #tpu.memory_space<vmem_shared>> -> memref<128x128xf32, #tpu.memory_space<vmem_shared>>
      tpu.enqueue_dma source(%arg12 : memref<128x128xf32, #tpu.memory_space<vmem>>) target(%dma_start3A_144 : memref<128x128xf32, #tpu.memory_space<vmem_shared>>) target_semaphore(%run_scoped3A_141 : memref<!tpu.dma_semaphore, #tpu.memory_space<semaphore_mem>>)
      %dma_wait3A = arith.constant 0 : i32
      %dma_wait3A_145 = tpu.memref_slice %arg9[%add3A_101, %dma_wait3A] : memref<10240x128xf32, #tpu.memory_space<vmem_shared>> -> memref<128x128xf32, #tpu.memory_space<vmem_shared>>
      %dma_wait3A_146 = arith.constant 0 : i32
      %dma_wait3A_147 = tpu.memref_slice %arg9[%add3A_101, %dma_wait3A_146] : memref<10240x128xf32, #tpu.memory_space<vmem_shared>> -> memref<128x128xf32, #tpu.memory_space<vmem_shared>>
      tpu.wait_dma2 semaphore(%run_scoped3A_141 : memref<!tpu.dma_semaphore, #tpu.memory_space<semaphore_mem>>) src(%arg12 : memref<128x128xf32, #tpu.memory_space<vmem>>) dst(%dma_wait3A_147 : memref<128x128xf32, #tpu.memory_space<vmem_shared>>)
      tpu.yield
    }) : () -> ()
    %barrier3A_102 = arith.constant 0 : index
    tpu.barrier barrier_id(%barrier3A_102)
    %while3A_103 = arith.constant 0 : i32
    %while3A_104 = arith.constant 0 : i32
    "tpu.trace_stop"() : () -> ()
    "tpu.trace_start"() <{level = 10 : i32, message = "edges1"}> : () -> ()
    %while3A_105 = arith.subi %select_n3A_8, %while3A_103 : i32
    %while3A_106 = arith.addi %while3A_103, %while3A_105 : i32
    %while3A_107 = arith.constant 1 : i32
    %while3A_108 = arith.divsi %while3A_105, %while3A_107 : i32
    %while3A_109 = arith.muli %while3A_108, %while3A_107 : i32
    %while3A_110 = arith.addi %while3A_103, %while3A_109 : i32
    %while3A_111 = arith.constant 1 : i32
    %while3A_112 = scf.for %while3A_141 = %while3A_103 to %while3A_110 step %while3A_111 iter_args(%while3A_142 = %while3A_104) -> (i32)  : i32 {
      %add3A_143 = arith.addi %select_n3A, %while3A_141 : i32
      "tpu.region"() ({
        %run_scoped3A_166 = tpu.sem_alloc : memref<!tpu.dma_semaphore, #tpu.memory_space<semaphore_mem>>
        %dma_start3A_167 = arith.constant 0 : i32
        %dma_start3A_168 = arith.constant 0 : i32
        %dma_start3A_169 = tpu.memref_slice %arg6[%add3A_143, %dma_start3A_167, %dma_start3A_168] : memref<64x40x128xi32, #tpu.memory_space<hbm>> -> memref<1x40x128xi32, #tpu.memory_space<hbm>>
        %dma_start3A_170 = tpu.memref_squeeze %dma_start3A_169 : memref<1x40x128xi32, #tpu.memory_space<hbm>> -> memref<40x128xi32, #tpu.memory_space<hbm>>
        %dma_start3A_171 = arith.constant 0 : i32
        %dma_start3A_172 = arith.constant 0 : i32
        %dma_start3A_173 = tpu.memref_slice %arg6[%add3A_143, %dma_start3A_171, %dma_start3A_172] : memref<64x40x128xi32, #tpu.memory_space<hbm>> -> memref<1x40x128xi32, #tpu.memory_space<hbm>>
        %dma_start3A_174 = tpu.memref_squeeze %dma_start3A_173 : memref<1x40x128xi32, #tpu.memory_space<hbm>> -> memref<40x128xi32, #tpu.memory_space<hbm>>
        tpu.enqueue_dma source(%dma_start3A_174 : memref<40x128xi32, #tpu.memory_space<hbm>>) target(%arg10 : memref<40x128xi32, #tpu.memory_space<vmem>>) target_semaphore(%run_scoped3A_166 : memref<!tpu.dma_semaphore, #tpu.memory_space<semaphore_mem>>)
        %dma_wait3A = arith.constant 0 : i32
        %dma_wait3A_175 = arith.constant 0 : i32
        %dma_wait3A_176 = tpu.memref_slice %arg6[%add3A_143, %dma_wait3A, %dma_wait3A_175] : memref<64x40x128xi32, #tpu.memory_space<hbm>> -> memref<1x40x128xi32, #tpu.memory_space<hbm>>
        %dma_wait3A_177 = tpu.memref_squeeze %dma_wait3A_176 : memref<1x40x128xi32, #tpu.memory_space<hbm>> -> memref<40x128xi32, #tpu.memory_space<hbm>>
        %dma_wait3A_178 = arith.constant 0 : i32
        %dma_wait3A_179 = arith.constant 0 : i32
        %dma_wait3A_180 = tpu.memref_slice %arg6[%add3A_143, %dma_wait3A_178, %dma_wait3A_179] : memref<64x40x128xi32, #tpu.memory_space<hbm>> -> memref<1x40x128xi32, #tpu.memory_space<hbm>>
        %dma_wait3A_181 = tpu.memref_squeeze %dma_wait3A_180 : memref<1x40x128xi32, #tpu.memory_space<hbm>> -> memref<40x128xi32, #tpu.memory_space<hbm>>
        tpu.wait_dma2 semaphore(%run_scoped3A_166 : memref<!tpu.dma_semaphore, #tpu.memory_space<semaphore_mem>>) src(%dma_wait3A_181 : memref<40x128xi32, #tpu.memory_space<hbm>>) dst(%arg10 : memref<40x128xi32, #tpu.memory_space<vmem>>)
        tpu.yield
      }) : () -> ()
      %add3A_144 = arith.addi %select_n3A, %while3A_141 : i32
      "tpu.region"() ({
        %run_scoped3A_166 = tpu.sem_alloc : memref<!tpu.dma_semaphore, #tpu.memory_space<semaphore_mem>>
        %dma_start3A_167 = arith.constant 0 : i32
        %dma_start3A_168 = arith.constant 0 : i32
        %dma_start3A_169 = tpu.memref_slice %arg7[%add3A_144, %dma_start3A_167, %dma_start3A_168] : memref<64x40x128xi32, #tpu.memory_space<hbm>> -> memref<1x40x128xi32, #tpu.memory_space<hbm>>
        %dma_start3A_170 = tpu.memref_squeeze %dma_start3A_169 : memref<1x40x128xi32, #tpu.memory_space<hbm>> -> memref<40x128xi32, #tpu.memory_space<hbm>>
        %dma_start3A_171 = arith.constant 0 : i32
        %dma_start3A_172 = arith.constant 0 : i32
        %dma_start3A_173 = tpu.memref_slice %arg7[%add3A_144, %dma_start3A_171, %dma_start3A_172] : memref<64x40x128xi32, #tpu.memory_space<hbm>> -> memref<1x40x128xi32, #tpu.memory_space<hbm>>
        %dma_start3A_174 = tpu.memref_squeeze %dma_start3A_173 : memref<1x40x128xi32, #tpu.memory_space<hbm>> -> memref<40x128xi32, #tpu.memory_space<hbm>>
        tpu.enqueue_dma source(%dma_start3A_174 : memref<40x128xi32, #tpu.memory_space<hbm>>) target(%arg11 : memref<40x128xi32, #tpu.memory_space<vmem>>) target_semaphore(%run_scoped3A_166 : memref<!tpu.dma_semaphore, #tpu.memory_space<semaphore_mem>>)
        %dma_wait3A = arith.constant 0 : i32
        %dma_wait3A_175 = arith.constant 0 : i32
        %dma_wait3A_176 = tpu.memref_slice %arg7[%add3A_144, %dma_wait3A, %dma_wait3A_175] : memref<64x40x128xi32, #tpu.memory_space<hbm>> -> memref<1x40x128xi32, #tpu.memory_space<hbm>>
        %dma_wait3A_177 = tpu.memref_squeeze %dma_wait3A_176 : memref<1x40x128xi32, #tpu.memory_space<hbm>> -> memref<40x128xi32, #tpu.memory_space<hbm>>
        %dma_wait3A_178 = arith.constant 0 : i32
        %dma_wait3A_179 = arith.constant 0 : i32
        %dma_wait3A_180 = tpu.memref_slice %arg7[%add3A_144, %dma_wait3A_178, %dma_wait3A_179] : memref<64x40x128xi32, #tpu.memory_space<hbm>> -> memref<1x40x128xi32, #tpu.memory_space<hbm>>
        %dma_wait3A_181 = tpu.memref_squeeze %dma_wait3A_180 : memref<1x40x128xi32, #tpu.memory_space<hbm>> -> memref<40x128xi32, #tpu.memory_space<hbm>>
        tpu.wait_dma2 semaphore(%run_scoped3A_166 : memref<!tpu.dma_semaphore, #tpu.memory_space<semaphore_mem>>) src(%dma_wait3A_181 : memref<40x128xi32, #tpu.memory_space<hbm>>) dst(%arg11 : memref<40x128xi32, #tpu.memory_space<vmem>>)
        tpu.yield
      }) : () -> ()
      %dma_start3A = arith.constant 0 : i32
      %dma_start3A_145 = arith.constant 0 : i32
      %dma_start3A_146 = tpu.memref_slice %arg10[%dma_start3A, %dma_start3A_145] : memref<40x128xi32, #tpu.memory_space<vmem>> -> memref<1x128xi32, #tpu.memory_space<vmem>>
      %dma_start3A_147 = tpu.memref_squeeze %dma_start3A_146 : memref<1x128xi32, #tpu.memory_space<vmem>> -> memref<128xi32, #tpu.memory_space<vmem>>
      %dma_start3A_148 = arith.constant 0 : i32
      %dma_start3A_149 = arith.constant 0 : i32
      %dma_start3A_150 = tpu.memref_slice %arg3[%dma_start3A_148, %dma_start3A_149] : memref<10240x128xf32, #tpu.memory_space<hbm>> -> memref<10240x128xf32, #tpu.memory_space<hbm>>
      tpu.enqueue_indirect_dma source(%dma_start3A_150 : memref<10240x128xf32, #tpu.memory_space<hbm>>) target(%arg12 : memref<128x128xf32, #tpu.memory_space<vmem>>) offsets(%dma_start3A_147 : memref<128xi32, #tpu.memory_space<vmem>>) semaphore(%arg14 : memref<!tpu.dma_semaphore, #tpu.memory_space<semaphore_mem>>)
      %dma_start3A_151 = arith.constant 1 : i32
      %dma_start3A_152 = arith.constant 0 : i32
      %dma_start3A_153 = tpu.memref_slice %arg10[%dma_start3A_151, %dma_start3A_152] : memref<40x128xi32, #tpu.memory_space<vmem>> -> memref<1x128xi32, #tpu.memory_space<vmem>>
      %dma_start3A_154 = tpu.memref_squeeze %dma_start3A_153 : memref<1x128xi32, #tpu.memory_space<vmem>> -> memref<128xi32, #tpu.memory_space<vmem>>
      %dma_start3A_155 = arith.constant 0 : i32
      %dma_start3A_156 = arith.constant 0 : i32
      %dma_start3A_157 = tpu.memref_slice %arg3[%dma_start3A_155, %dma_start3A_156] : memref<10240x128xf32, #tpu.memory_space<hbm>> -> memref<10240x128xf32, #tpu.memory_space<hbm>>
      tpu.enqueue_indirect_dma source(%dma_start3A_157 : memref<10240x128xf32, #tpu.memory_space<hbm>>) target(%arg13 : memref<128x128xf32, #tpu.memory_space<vmem>>) offsets(%dma_start3A_154 : memref<128xi32, #tpu.memory_space<vmem>>) semaphore(%arg15 : memref<!tpu.dma_semaphore, #tpu.memory_space<semaphore_mem>>)
      %scan3A_158 = arith.constant 0 : i32
      %scan3A_159 = arith.constant 0 : i32
      %scan3A_160 = arith.constant 20 : i32
      %scan3A_161 = arith.addi %scan3A_159, %scan3A_160 : i32
      %scan3A_162 = arith.constant 1 : i32
      %scan3A_163 = scf.for %scan3A_166 = %scan3A_159 to %scan3A_161 step %scan3A_162 iter_args(%scan3A_167 = %scan3A_158) -> (i32)  : i32 {
        %mul3A_168 = arith.constant 2 : i32
        %mul3A_169 = arith.muli %mul3A_168, %scan3A_166 : i32
        %mul3A_170 = arith.constant 2 : i32
        %mul3A_171 = arith.muli %mul3A_170, %scan3A_166 : i32
        %add3A_172 = arith.constant 1 : i32
        %add3A_173 = arith.addi %mul3A_171, %add3A_172 : i32
        %dma_wait3A = arith.constant 0 : i32
        %dma_wait3A_174 = tpu.memref_slice %arg10[%mul3A_169, %dma_wait3A] : memref<40x128xi32, #tpu.memory_space<vmem>> -> memref<1x128xi32, #tpu.memory_space<vmem>>
        %dma_wait3A_175 = tpu.memref_squeeze %dma_wait3A_174 : memref<1x128xi32, #tpu.memory_space<vmem>> -> memref<128xi32, #tpu.memory_space<vmem>>
        %dma_wait3A_176 = arith.constant 0 : i32
        %dma_wait3A_177 = arith.constant 0 : i32
        %dma_wait3A_178 = tpu.memref_slice %arg3[%dma_wait3A_176, %dma_wait3A_177] : memref<10240x128xf32, #tpu.memory_space<hbm>> -> memref<10240x128xf32, #tpu.memory_space<hbm>>
        tpu.wait_indirect_dma semaphore(%arg14 : memref<!tpu.dma_semaphore, #tpu.memory_space<semaphore_mem>>) src(%dma_wait3A_178 : memref<10240x128xf32, #tpu.memory_space<hbm>>) dst(%arg12 : memref<128x128xf32, #tpu.memory_space<vmem>>)
        %dma_start3A_179 = arith.constant 0 : i32
        %dma_start3A_180 = tpu.memref_slice %arg11[%mul3A_169, %dma_start3A_179] : memref<40x128xi32, #tpu.memory_space<vmem>> -> memref<1x128xi32, #tpu.memory_space<vmem>>
        %dma_start3A_181 = tpu.memref_squeeze %dma_start3A_180 : memref<1x128xi32, #tpu.memory_space<vmem>> -> memref<128xi32, #tpu.memory_space<vmem>>
        %dma_start3A_182 = arith.constant 0 : i32
        %dma_start3A_183 = arith.constant 0 : i32
        %dma_start3A_184 = tpu.memref_slice %arg9[%dma_start3A_182, %dma_start3A_183] : memref<10240x128xf32, #tpu.memory_space<vmem_shared>> -> memref<10240x128xf32, #tpu.memory_space<vmem_shared>>
        tpu.enqueue_indirect_dma source(%arg12 : memref<128x128xf32, #tpu.memory_space<vmem>>) target(%dma_start3A_184 : memref<10240x128xf32, #tpu.memory_space<vmem_shared>>) offsets(%dma_start3A_181 : memref<128xi32, #tpu.memory_space<vmem>>) semaphore(%arg16 : memref<!tpu.dma_semaphore, #tpu.memory_space<semaphore_mem>>) {add = true}
        %dma_wait3A_185 = arith.constant 0 : i32
        %dma_wait3A_186 = tpu.memref_slice %arg10[%add3A_173, %dma_wait3A_185] : memref<40x128xi32, #tpu.memory_space<vmem>> -> memref<1x128xi32, #tpu.memory_space<vmem>>
        %dma_wait3A_187 = tpu.memref_squeeze %dma_wait3A_186 : memref<1x128xi32, #tpu.memory_space<vmem>> -> memref<128xi32, #tpu.memory_space<vmem>>
        %dma_wait3A_188 = arith.constant 0 : i32
        %dma_wait3A_189 = arith.constant 0 : i32
        %dma_wait3A_190 = tpu.memref_slice %arg3[%dma_wait3A_188, %dma_wait3A_189] : memref<10240x128xf32, #tpu.memory_space<hbm>> -> memref<10240x128xf32, #tpu.memory_space<hbm>>
        tpu.wait_indirect_dma semaphore(%arg15 : memref<!tpu.dma_semaphore, #tpu.memory_space<semaphore_mem>>) src(%dma_wait3A_190 : memref<10240x128xf32, #tpu.memory_space<hbm>>) dst(%arg13 : memref<128x128xf32, #tpu.memory_space<vmem>>)
        %dma_start3A_191 = arith.constant 0 : i32
        %dma_start3A_192 = tpu.memref_slice %arg11[%add3A_173, %dma_start3A_191] : memref<40x128xi32, #tpu.memory_space<vmem>> -> memref<1x128xi32, #tpu.memory_space<vmem>>
        %dma_start3A_193 = tpu.memref_squeeze %dma_start3A_192 : memref<1x128xi32, #tpu.memory_space<vmem>> -> memref<128xi32, #tpu.memory_space<vmem>>
        %dma_start3A_194 = arith.constant 0 : i32
        %dma_start3A_195 = arith.constant 0 : i32
        %dma_start3A_196 = tpu.memref_slice %arg9[%dma_start3A_194, %dma_start3A_195] : memref<10240x128xf32, #tpu.memory_space<vmem_shared>> -> memref<10240x128xf32, #tpu.memory_space<vmem_shared>>
        tpu.enqueue_indirect_dma source(%arg13 : memref<128x128xf32, #tpu.memory_space<vmem>>) target(%dma_start3A_196 : memref<10240x128xf32, #tpu.memory_space<vmem_shared>>) offsets(%dma_start3A_193 : memref<128xi32, #tpu.memory_space<vmem>>) semaphore(%arg17 : memref<!tpu.dma_semaphore, #tpu.memory_space<semaphore_mem>>) {add = true}
        %dma_wait3A_197 = arith.constant 0 : i32
        %dma_wait3A_198 = tpu.memref_slice %arg11[%mul3A_169, %dma_wait3A_197] : memref<40x128xi32, #tpu.memory_space<vmem>> -> memref<1x128xi32, #tpu.memory_space<vmem>>
        %dma_wait3A_199 = tpu.memref_squeeze %dma_wait3A_198 : memref<1x128xi32, #tpu.memory_space<vmem>> -> memref<128xi32, #tpu.memory_space<vmem>>
        %dma_wait3A_200 = arith.constant 0 : i32
        %dma_wait3A_201 = arith.constant 0 : i32
        %dma_wait3A_202 = tpu.memref_slice %arg9[%dma_wait3A_200, %dma_wait3A_201] : memref<10240x128xf32, #tpu.memory_space<vmem_shared>> -> memref<10240x128xf32, #tpu.memory_space<vmem_shared>>
        tpu.wait_indirect_dma semaphore(%arg16 : memref<!tpu.dma_semaphore, #tpu.memory_space<semaphore_mem>>) src(%arg12 : memref<128x128xf32, #tpu.memory_space<vmem>>) dst(%dma_wait3A_202 : memref<10240x128xf32, #tpu.memory_space<vmem_shared>>)
        %add3A_203 = arith.constant 2 : i32
        %add3A_204 = arith.addi %mul3A_169, %add3A_203 : i32
        %lt3A = arith.constant 40 : i32
        %lt3A_205 = arith.cmpi slt, %add3A_204, %lt3A : i32
        %convert_element_type3A = arith.extui %lt3A_205 : i1 to i32
        %cond3A = arith.constant 0 : i32
        %cond3A_206 = arith.cmpi ne, %convert_element_type3A, %cond3A : i32
        scf.if %cond3A_206 {
          %add3A_221 = arith.constant 2 : i32
          %add3A_222 = arith.addi %mul3A_169, %add3A_221 : i32
          %dma_start3A_223 = arith.constant 0 : i32
          %dma_start3A_224 = tpu.memref_slice %arg10[%add3A_222, %dma_start3A_223] : memref<40x128xi32, #tpu.memory_space<vmem>> -> memref<1x128xi32, #tpu.memory_space<vmem>>
          %dma_start3A_225 = tpu.memref_squeeze %dma_start3A_224 : memref<1x128xi32, #tpu.memory_space<vmem>> -> memref<128xi32, #tpu.memory_space<vmem>>
          %dma_start3A_226 = arith.constant 0 : i32
          %dma_start3A_227 = arith.constant 0 : i32
          %dma_start3A_228 = tpu.memref_slice %arg3[%dma_start3A_226, %dma_start3A_227] : memref<10240x128xf32, #tpu.memory_space<hbm>> -> memref<10240x128xf32, #tpu.memory_space<hbm>>
          tpu.enqueue_indirect_dma source(%dma_start3A_228 : memref<10240x128xf32, #tpu.memory_space<hbm>>) target(%arg12 : memref<128x128xf32, #tpu.memory_space<vmem>>) offsets(%dma_start3A_225 : memref<128xi32, #tpu.memory_space<vmem>>) semaphore(%arg14 : memref<!tpu.dma_semaphore, #tpu.memory_space<semaphore_mem>>)
        } else {
        }
        %dma_wait3A_207 = arith.constant 0 : i32
        %dma_wait3A_208 = tpu.memref_slice %arg11[%add3A_173, %dma_wait3A_207] : memref<40x128xi32, #tpu.memory_space<vmem>> -> memref<1x128xi32, #tpu.memory_space<vmem>>
        %dma_wait3A_209 = tpu.memref_squeeze %dma_wait3A_208 : memref<1x128xi32, #tpu.memory_space<vmem>> -> memref<128xi32, #tpu.memory_space<vmem>>
        %dma_wait3A_210 = arith.constant 0 : i32
        %dma_wait3A_211 = arith.constant 0 : i32
        %dma_wait3A_212 = tpu.memref_slice %arg9[%dma_wait3A_210, %dma_wait3A_211] : memref<10240x128xf32, #tpu.memory_space<vmem_shared>> -> memref<10240x128xf32, #tpu.memory_space<vmem_shared>>
        tpu.wait_indirect_dma semaphore(%arg17 : memref<!tpu.dma_semaphore, #tpu.memory_space<semaphore_mem>>) src(%arg13 : memref<128x128xf32, #tpu.memory_space<vmem>>) dst(%dma_wait3A_212 : memref<10240x128xf32, #tpu.memory_space<vmem_shared>>)
        %add3A_213 = arith.constant 2 : i32
        %add3A_214 = arith.addi %add3A_173, %add3A_213 : i32
        %lt3A_215 = arith.constant 40 : i32
        %lt3A_216 = arith.cmpi slt, %add3A_214, %lt3A_215 : i32
        %convert_element_type3A_217 = arith.extui %lt3A_216 : i1 to i32
        %cond3A_218 = arith.constant 0 : i32
        %cond3A_219 = arith.cmpi ne, %convert_element_type3A_217, %cond3A_218 : i32
        scf.if %cond3A_219 {
          %add3A_221 = arith.constant 2 : i32
          %add3A_222 = arith.addi %add3A_173, %add3A_221 : i32
          %dma_start3A_223 = arith.constant 0 : i32
          %dma_start3A_224 = tpu.memref_slice %arg10[%add3A_222, %dma_start3A_223] : memref<40x128xi32, #tpu.memory_space<vmem>> -> memref<1x128xi32, #tpu.memory_space<vmem>>
          %dma_start3A_225 = tpu.memref_squeeze %dma_start3A_224 : memref<1x128xi32, #tpu.memory_space<vmem>> -> memref<128xi32, #tpu.memory_space<vmem>>
          %dma_start3A_226 = arith.constant 0 : i32
          %dma_start3A_227 = arith.constant 0 : i32
          %dma_start3A_228 = tpu.memref_slice %arg3[%dma_start3A_226, %dma_start3A_227] : memref<10240x128xf32, #tpu.memory_space<hbm>> -> memref<10240x128xf32, #tpu.memory_space<hbm>>
          tpu.enqueue_indirect_dma source(%dma_start3A_228 : memref<10240x128xf32, #tpu.memory_space<hbm>>) target(%arg13 : memref<128x128xf32, #tpu.memory_space<vmem>>) offsets(%dma_start3A_225 : memref<128xi32, #tpu.memory_space<vmem>>) semaphore(%arg15 : memref<!tpu.dma_semaphore, #tpu.memory_space<semaphore_mem>>)
        } else {
        }
        %scan3A_220 = arith.constant 0 : i32
        scf.yield %scan3A_220 : i32
      }
      %scan3A_164 = arith.constant 20 : i32
      %while3A_165 = arith.constant 0 : i32
      scf.yield %while3A_165 : i32
    }
    %while3A_113 = arith.constant 1 : i32
    %while3A_114 = scf.for %while3A_141 = %while3A_110 to %while3A_106 step %while3A_113 iter_args(%while3A_142 = %while3A_112) -> (i32)  : i32 {
      %add3A_143 = arith.addi %select_n3A, %while3A_141 : i32
      "tpu.region"() ({
        %run_scoped3A_166 = tpu.sem_alloc : memref<!tpu.dma_semaphore, #tpu.memory_space<semaphore_mem>>
        %dma_start3A_167 = arith.constant 0 : i32
        %dma_start3A_168 = arith.constant 0 : i32
        %dma_start3A_169 = tpu.memref_slice %arg6[%add3A_143, %dma_start3A_167, %dma_start3A_168] : memref<64x40x128xi32, #tpu.memory_space<hbm>> -> memref<1x40x128xi32, #tpu.memory_space<hbm>>
        %dma_start3A_170 = tpu.memref_squeeze %dma_start3A_169 : memref<1x40x128xi32, #tpu.memory_space<hbm>> -> memref<40x128xi32, #tpu.memory_space<hbm>>
        %dma_start3A_171 = arith.constant 0 : i32
        %dma_start3A_172 = arith.constant 0 : i32
        %dma_start3A_173 = tpu.memref_slice %arg6[%add3A_143, %dma_start3A_171, %dma_start3A_172] : memref<64x40x128xi32, #tpu.memory_space<hbm>> -> memref<1x40x128xi32, #tpu.memory_space<hbm>>
        %dma_start3A_174 = tpu.memref_squeeze %dma_start3A_173 : memref<1x40x128xi32, #tpu.memory_space<hbm>> -> memref<40x128xi32, #tpu.memory_space<hbm>>
        tpu.enqueue_dma source(%dma_start3A_174 : memref<40x128xi32, #tpu.memory_space<hbm>>) target(%arg10 : memref<40x128xi32, #tpu.memory_space<vmem>>) target_semaphore(%run_scoped3A_166 : memref<!tpu.dma_semaphore, #tpu.memory_space<semaphore_mem>>)
        %dma_wait3A = arith.constant 0 : i32
        %dma_wait3A_175 = arith.constant 0 : i32
        %dma_wait3A_176 = tpu.memref_slice %arg6[%add3A_143, %dma_wait3A, %dma_wait3A_175] : memref<64x40x128xi32, #tpu.memory_space<hbm>> -> memref<1x40x128xi32, #tpu.memory_space<hbm>>
        %dma_wait3A_177 = tpu.memref_squeeze %dma_wait3A_176 : memref<1x40x128xi32, #tpu.memory_space<hbm>> -> memref<40x128xi32, #tpu.memory_space<hbm>>
        %dma_wait3A_178 = arith.constant 0 : i32
        %dma_wait3A_179 = arith.constant 0 : i32
        %dma_wait3A_180 = tpu.memref_slice %arg6[%add3A_143, %dma_wait3A_178, %dma_wait3A_179] : memref<64x40x128xi32, #tpu.memory_space<hbm>> -> memref<1x40x128xi32, #tpu.memory_space<hbm>>
        %dma_wait3A_181 = tpu.memref_squeeze %dma_wait3A_180 : memref<1x40x128xi32, #tpu.memory_space<hbm>> -> memref<40x128xi32, #tpu.memory_space<hbm>>
        tpu.wait_dma2 semaphore(%run_scoped3A_166 : memref<!tpu.dma_semaphore, #tpu.memory_space<semaphore_mem>>) src(%dma_wait3A_181 : memref<40x128xi32, #tpu.memory_space<hbm>>) dst(%arg10 : memref<40x128xi32, #tpu.memory_space<vmem>>)
        tpu.yield
      }) : () -> ()
      %add3A_144 = arith.addi %select_n3A, %while3A_141 : i32
      "tpu.region"() ({
        %run_scoped3A_166 = tpu.sem_alloc : memref<!tpu.dma_semaphore, #tpu.memory_space<semaphore_mem>>
        %dma_start3A_167 = arith.constant 0 : i32
        %dma_start3A_168 = arith.constant 0 : i32
        %dma_start3A_169 = tpu.memref_slice %arg7[%add3A_144, %dma_start3A_167, %dma_start3A_168] : memref<64x40x128xi32, #tpu.memory_space<hbm>> -> memref<1x40x128xi32, #tpu.memory_space<hbm>>
        %dma_start3A_170 = tpu.memref_squeeze %dma_start3A_169 : memref<1x40x128xi32, #tpu.memory_space<hbm>> -> memref<40x128xi32, #tpu.memory_space<hbm>>
        %dma_start3A_171 = arith.constant 0 : i32
        %dma_start3A_172 = arith.constant 0 : i32
        %dma_start3A_173 = tpu.memref_slice %arg7[%add3A_144, %dma_start3A_171, %dma_start3A_172] : memref<64x40x128xi32, #tpu.memory_space<hbm>> -> memref<1x40x128xi32, #tpu.memory_space<hbm>>
        %dma_start3A_174 = tpu.memref_squeeze %dma_start3A_173 : memref<1x40x128xi32, #tpu.memory_space<hbm>> -> memref<40x128xi32, #tpu.memory_space<hbm>>
        tpu.enqueue_dma source(%dma_start3A_174 : memref<40x128xi32, #tpu.memory_space<hbm>>) target(%arg11 : memref<40x128xi32, #tpu.memory_space<vmem>>) target_semaphore(%run_scoped3A_166 : memref<!tpu.dma_semaphore, #tpu.memory_space<semaphore_mem>>)
        %dma_wait3A = arith.constant 0 : i32
        %dma_wait3A_175 = arith.constant 0 : i32
        %dma_wait3A_176 = tpu.memref_slice %arg7[%add3A_144, %dma_wait3A, %dma_wait3A_175] : memref<64x40x128xi32, #tpu.memory_space<hbm>> -> memref<1x40x128xi32, #tpu.memory_space<hbm>>
        %dma_wait3A_177 = tpu.memref_squeeze %dma_wait3A_176 : memref<1x40x128xi32, #tpu.memory_space<hbm>> -> memref<40x128xi32, #tpu.memory_space<hbm>>
        %dma_wait3A_178 = arith.constant 0 : i32
        %dma_wait3A_179 = arith.constant 0 : i32
        %dma_wait3A_180 = tpu.memref_slice %arg7[%add3A_144, %dma_wait3A_178, %dma_wait3A_179] : memref<64x40x128xi32, #tpu.memory_space<hbm>> -> memref<1x40x128xi32, #tpu.memory_space<hbm>>
        %dma_wait3A_181 = tpu.memref_squeeze %dma_wait3A_180 : memref<1x40x128xi32, #tpu.memory_space<hbm>> -> memref<40x128xi32, #tpu.memory_space<hbm>>
        tpu.wait_dma2 semaphore(%run_scoped3A_166 : memref<!tpu.dma_semaphore, #tpu.memory_space<semaphore_mem>>) src(%dma_wait3A_181 : memref<40x128xi32, #tpu.memory_space<hbm>>) dst(%arg11 : memref<40x128xi32, #tpu.memory_space<vmem>>)
        tpu.yield
      }) : () -> ()
      %dma_start3A = arith.constant 0 : i32
      %dma_start3A_145 = arith.constant 0 : i32
      %dma_start3A_146 = tpu.memref_slice %arg10[%dma_start3A, %dma_start3A_145] : memref<40x128xi32, #tpu.memory_space<vmem>> -> memref<1x128xi32, #tpu.memory_space<vmem>>
      %dma_start3A_147 = tpu.memref_squeeze %dma_start3A_146 : memref<1x128xi32, #tpu.memory_space<vmem>> -> memref<128xi32, #tpu.memory_space<vmem>>
      %dma_start3A_148 = arith.constant 0 : i32
      %dma_start3A_149 = arith.constant 0 : i32
      %dma_start3A_150 = tpu.memref_slice %arg3[%dma_start3A_148, %dma_start3A_149] : memref<10240x128xf32, #tpu.memory_space<hbm>> -> memref<10240x128xf32, #tpu.memory_space<hbm>>
      tpu.enqueue_indirect_dma source(%dma_start3A_150 : memref<10240x128xf32, #tpu.memory_space<hbm>>) target(%arg12 : memref<128x128xf32, #tpu.memory_space<vmem>>) offsets(%dma_start3A_147 : memref<128xi32, #tpu.memory_space<vmem>>) semaphore(%arg14 : memref<!tpu.dma_semaphore, #tpu.memory_space<semaphore_mem>>)
      %dma_start3A_151 = arith.constant 1 : i32
      %dma_start3A_152 = arith.constant 0 : i32
      %dma_start3A_153 = tpu.memref_slice %arg10[%dma_start3A_151, %dma_start3A_152] : memref<40x128xi32, #tpu.memory_space<vmem>> -> memref<1x128xi32, #tpu.memory_space<vmem>>
      %dma_start3A_154 = tpu.memref_squeeze %dma_start3A_153 : memref<1x128xi32, #tpu.memory_space<vmem>> -> memref<128xi32, #tpu.memory_space<vmem>>
      %dma_start3A_155 = arith.constant 0 : i32
      %dma_start3A_156 = arith.constant 0 : i32
      %dma_start3A_157 = tpu.memref_slice %arg3[%dma_start3A_155, %dma_start3A_156] : memref<10240x128xf32, #tpu.memory_space<hbm>> -> memref<10240x128xf32, #tpu.memory_space<hbm>>
      tpu.enqueue_indirect_dma source(%dma_start3A_157 : memref<10240x128xf32, #tpu.memory_space<hbm>>) target(%arg13 : memref<128x128xf32, #tpu.memory_space<vmem>>) offsets(%dma_start3A_154 : memref<128xi32, #tpu.memory_space<vmem>>) semaphore(%arg15 : memref<!tpu.dma_semaphore, #tpu.memory_space<semaphore_mem>>)
      %scan3A_158 = arith.constant 0 : i32
      %scan3A_159 = arith.constant 0 : i32
      %scan3A_160 = arith.constant 20 : i32
      %scan3A_161 = arith.addi %scan3A_159, %scan3A_160 : i32
      %scan3A_162 = arith.constant 1 : i32
      %scan3A_163 = scf.for %scan3A_166 = %scan3A_159 to %scan3A_161 step %scan3A_162 iter_args(%scan3A_167 = %scan3A_158) -> (i32)  : i32 {
        %mul3A_168 = arith.constant 2 : i32
        %mul3A_169 = arith.muli %mul3A_168, %scan3A_166 : i32
        %mul3A_170 = arith.constant 2 : i32
        %mul3A_171 = arith.muli %mul3A_170, %scan3A_166 : i32
        %add3A_172 = arith.constant 1 : i32
        %add3A_173 = arith.addi %mul3A_171, %add3A_172 : i32
        %dma_wait3A = arith.constant 0 : i32
        %dma_wait3A_174 = tpu.memref_slice %arg10[%mul3A_169, %dma_wait3A] : memref<40x128xi32, #tpu.memory_space<vmem>> -> memref<1x128xi32, #tpu.memory_space<vmem>>
        %dma_wait3A_175 = tpu.memref_squeeze %dma_wait3A_174 : memref<1x128xi32, #tpu.memory_space<vmem>> -> memref<128xi32, #tpu.memory_space<vmem>>
        %dma_wait3A_176 = arith.constant 0 : i32
        %dma_wait3A_177 = arith.constant 0 : i32
        %dma_wait3A_178 = tpu.memref_slice %arg3[%dma_wait3A_176, %dma_wait3A_177] : memref<10240x128xf32, #tpu.memory_space<hbm>> -> memref<10240x128xf32, #tpu.memory_space<hbm>>
        tpu.wait_indirect_dma semaphore(%arg14 : memref<!tpu.dma_semaphore, #tpu.memory_space<semaphore_mem>>) src(%dma_wait3A_178 : memref<10240x128xf32, #tpu.memory_space<hbm>>) dst(%arg12 : memref<128x128xf32, #tpu.memory_space<vmem>>)
        %dma_start3A_179 = arith.constant 0 : i32
        %dma_start3A_180 = tpu.memref_slice %arg11[%mul3A_169, %dma_start3A_179] : memref<40x128xi32, #tpu.memory_space<vmem>> -> memref<1x128xi32, #tpu.memory_space<vmem>>
        %dma_start3A_181 = tpu.memref_squeeze %dma_start3A_180 : memref<1x128xi32, #tpu.memory_space<vmem>> -> memref<128xi32, #tpu.memory_space<vmem>>
        %dma_start3A_182 = arith.constant 0 : i32
        %dma_start3A_183 = arith.constant 0 : i32
        %dma_start3A_184 = tpu.memref_slice %arg9[%dma_start3A_182, %dma_start3A_183] : memref<10240x128xf32, #tpu.memory_space<vmem_shared>> -> memref<10240x128xf32, #tpu.memory_space<vmem_shared>>
        tpu.enqueue_indirect_dma source(%arg12 : memref<128x128xf32, #tpu.memory_space<vmem>>) target(%dma_start3A_184 : memref<10240x128xf32, #tpu.memory_space<vmem_shared>>) offsets(%dma_start3A_181 : memref<128xi32, #tpu.memory_space<vmem>>) semaphore(%arg16 : memref<!tpu.dma_semaphore, #tpu.memory_space<semaphore_mem>>) {add = true}
        %dma_wait3A_185 = arith.constant 0 : i32
        %dma_wait3A_186 = tpu.memref_slice %arg10[%add3A_173, %dma_wait3A_185] : memref<40x128xi32, #tpu.memory_space<vmem>> -> memref<1x128xi32, #tpu.memory_space<vmem>>
        %dma_wait3A_187 = tpu.memref_squeeze %dma_wait3A_186 : memref<1x128xi32, #tpu.memory_space<vmem>> -> memref<128xi32, #tpu.memory_space<vmem>>
        %dma_wait3A_188 = arith.constant 0 : i32
        %dma_wait3A_189 = arith.constant 0 : i32
        %dma_wait3A_190 = tpu.memref_slice %arg3[%dma_wait3A_188, %dma_wait3A_189] : memref<10240x128xf32, #tpu.memory_space<hbm>> -> memref<10240x128xf32, #tpu.memory_space<hbm>>
        tpu.wait_indirect_dma semaphore(%arg15 : memref<!tpu.dma_semaphore, #tpu.memory_space<semaphore_mem>>) src(%dma_wait3A_190 : memref<10240x128xf32, #tpu.memory_space<hbm>>) dst(%arg13 : memref<128x128xf32, #tpu.memory_space<vmem>>)
        %dma_start3A_191 = arith.constant 0 : i32
        %dma_start3A_192 = tpu.memref_slice %arg11[%add3A_173, %dma_start3A_191] : memref<40x128xi32, #tpu.memory_space<vmem>> -> memref<1x128xi32, #tpu.memory_space<vmem>>
        %dma_start3A_193 = tpu.memref_squeeze %dma_start3A_192 : memref<1x128xi32, #tpu.memory_space<vmem>> -> memref<128xi32, #tpu.memory_space<vmem>>
        %dma_start3A_194 = arith.constant 0 : i32
        %dma_start3A_195 = arith.constant 0 : i32
        %dma_start3A_196 = tpu.memref_slice %arg9[%dma_start3A_194, %dma_start3A_195] : memref<10240x128xf32, #tpu.memory_space<vmem_shared>> -> memref<10240x128xf32, #tpu.memory_space<vmem_shared>>
        tpu.enqueue_indirect_dma source(%arg13 : memref<128x128xf32, #tpu.memory_space<vmem>>) target(%dma_start3A_196 : memref<10240x128xf32, #tpu.memory_space<vmem_shared>>) offsets(%dma_start3A_193 : memref<128xi32, #tpu.memory_space<vmem>>) semaphore(%arg17 : memref<!tpu.dma_semaphore, #tpu.memory_space<semaphore_mem>>) {add = true}
        %dma_wait3A_197 = arith.constant 0 : i32
        %dma_wait3A_198 = tpu.memref_slice %arg11[%mul3A_169, %dma_wait3A_197] : memref<40x128xi32, #tpu.memory_space<vmem>> -> memref<1x128xi32, #tpu.memory_space<vmem>>
        %dma_wait3A_199 = tpu.memref_squeeze %dma_wait3A_198 : memref<1x128xi32, #tpu.memory_space<vmem>> -> memref<128xi32, #tpu.memory_space<vmem>>
        %dma_wait3A_200 = arith.constant 0 : i32
        %dma_wait3A_201 = arith.constant 0 : i32
        %dma_wait3A_202 = tpu.memref_slice %arg9[%dma_wait3A_200, %dma_wait3A_201] : memref<10240x128xf32, #tpu.memory_space<vmem_shared>> -> memref<10240x128xf32, #tpu.memory_space<vmem_shared>>
        tpu.wait_indirect_dma semaphore(%arg16 : memref<!tpu.dma_semaphore, #tpu.memory_space<semaphore_mem>>) src(%arg12 : memref<128x128xf32, #tpu.memory_space<vmem>>) dst(%dma_wait3A_202 : memref<10240x128xf32, #tpu.memory_space<vmem_shared>>)
        %add3A_203 = arith.constant 2 : i32
        %add3A_204 = arith.addi %mul3A_169, %add3A_203 : i32
        %lt3A = arith.constant 40 : i32
        %lt3A_205 = arith.cmpi slt, %add3A_204, %lt3A : i32
        %convert_element_type3A = arith.extui %lt3A_205 : i1 to i32
        %cond3A = arith.constant 0 : i32
        %cond3A_206 = arith.cmpi ne, %convert_element_type3A, %cond3A : i32
        scf.if %cond3A_206 {
          %add3A_221 = arith.constant 2 : i32
          %add3A_222 = arith.addi %mul3A_169, %add3A_221 : i32
          %dma_start3A_223 = arith.constant 0 : i32
          %dma_start3A_224 = tpu.memref_slice %arg10[%add3A_222, %dma_start3A_223] : memref<40x128xi32, #tpu.memory_space<vmem>> -> memref<1x128xi32, #tpu.memory_space<vmem>>
          %dma_start3A_225 = tpu.memref_squeeze %dma_start3A_224 : memref<1x128xi32, #tpu.memory_space<vmem>> -> memref<128xi32, #tpu.memory_space<vmem>>
          %dma_start3A_226 = arith.constant 0 : i32
          %dma_start3A_227 = arith.constant 0 : i32
          %dma_start3A_228 = tpu.memref_slice %arg3[%dma_start3A_226, %dma_start3A_227] : memref<10240x128xf32, #tpu.memory_space<hbm>> -> memref<10240x128xf32, #tpu.memory_space<hbm>>
          tpu.enqueue_indirect_dma source(%dma_start3A_228 : memref<10240x128xf32, #tpu.memory_space<hbm>>) target(%arg12 : memref<128x128xf32, #tpu.memory_space<vmem>>) offsets(%dma_start3A_225 : memref<128xi32, #tpu.memory_space<vmem>>) semaphore(%arg14 : memref<!tpu.dma_semaphore, #tpu.memory_space<semaphore_mem>>)
        } else {
        }
        %dma_wait3A_207 = arith.constant 0 : i32
        %dma_wait3A_208 = tpu.memref_slice %arg11[%add3A_173, %dma_wait3A_207] : memref<40x128xi32, #tpu.memory_space<vmem>> -> memref<1x128xi32, #tpu.memory_space<vmem>>
        %dma_wait3A_209 = tpu.memref_squeeze %dma_wait3A_208 : memref<1x128xi32, #tpu.memory_space<vmem>> -> memref<128xi32, #tpu.memory_space<vmem>>
        %dma_wait3A_210 = arith.constant 0 : i32
        %dma_wait3A_211 = arith.constant 0 : i32
        %dma_wait3A_212 = tpu.memref_slice %arg9[%dma_wait3A_210, %dma_wait3A_211] : memref<10240x128xf32, #tpu.memory_space<vmem_shared>> -> memref<10240x128xf32, #tpu.memory_space<vmem_shared>>
        tpu.wait_indirect_dma semaphore(%arg17 : memref<!tpu.dma_semaphore, #tpu.memory_space<semaphore_mem>>) src(%arg13 : memref<128x128xf32, #tpu.memory_space<vmem>>) dst(%dma_wait3A_212 : memref<10240x128xf32, #tpu.memory_space<vmem_shared>>)
        %add3A_213 = arith.constant 2 : i32
        %add3A_214 = arith.addi %add3A_173, %add3A_213 : i32
        %lt3A_215 = arith.constant 40 : i32
        %lt3A_216 = arith.cmpi slt, %add3A_214, %lt3A_215 : i32
        %convert_element_type3A_217 = arith.extui %lt3A_216 : i1 to i32
        %cond3A_218 = arith.constant 0 : i32
        %cond3A_219 = arith.cmpi ne, %convert_element_type3A_217, %cond3A_218 : i32
        scf.if %cond3A_219 {
          %add3A_221 = arith.constant 2 : i32
          %add3A_222 = arith.addi %add3A_173, %add3A_221 : i32
          %dma_start3A_223 = arith.constant 0 : i32
          %dma_start3A_224 = tpu.memref_slice %arg10[%add3A_222, %dma_start3A_223] : memref<40x128xi32, #tpu.memory_space<vmem>> -> memref<1x128xi32, #tpu.memory_space<vmem>>
          %dma_start3A_225 = tpu.memref_squeeze %dma_start3A_224 : memref<1x128xi32, #tpu.memory_space<vmem>> -> memref<128xi32, #tpu.memory_space<vmem>>
          %dma_start3A_226 = arith.constant 0 : i32
          %dma_start3A_227 = arith.constant 0 : i32
          %dma_start3A_228 = tpu.memref_slice %arg3[%dma_start3A_226, %dma_start3A_227] : memref<10240x128xf32, #tpu.memory_space<hbm>> -> memref<10240x128xf32, #tpu.memory_space<hbm>>
          tpu.enqueue_indirect_dma source(%dma_start3A_228 : memref<10240x128xf32, #tpu.memory_space<hbm>>) target(%arg13 : memref<128x128xf32, #tpu.memory_space<vmem>>) offsets(%dma_start3A_225 : memref<128xi32, #tpu.memory_space<vmem>>) semaphore(%arg15 : memref<!tpu.dma_semaphore, #tpu.memory_space<semaphore_mem>>)
        } else {
        }
        %scan3A_220 = arith.constant 0 : i32
        scf.yield %scan3A_220 : i32
      }
      %scan3A_164 = arith.constant 20 : i32
      %while3A_165 = arith.constant 0 : i32
      scf.yield %while3A_165 : i32
    }
    %barrier3A_115 = arith.constant 0 : index
    tpu.barrier barrier_id(%barrier3A_115)
    "tpu.trace_stop"() : () -> ()
    "tpu.trace_start"() <{level = 10 : i32, message = "rdout1"}> : () -> ()
    %mul3A_116 = arith.constant 640 : i32
    %mul3A_117 = arith.muli %arg1, %mul3A_116 : i32
    %add3A_118 = arith.constant 0 : i32
    %add3A_119 = arith.addi %mul3A_117, %add3A_118 : i32
    "tpu.region"() ({
      %run_scoped3A_141 = tpu.sem_alloc : memref<!tpu.dma_semaphore, #tpu.memory_space<semaphore_mem>>
      %dma_start3A = arith.constant 0 : i32
      %dma_start3A_142 = tpu.memref_slice %arg9[%add3A_119, %dma_start3A] : memref<10240x128xf32, #tpu.memory_space<vmem_shared>> -> memref<128x128xf32, #tpu.memory_space<vmem_shared>>
      %dma_start3A_143 = arith.constant 0 : i32
      %dma_start3A_144 = tpu.memref_slice %arg9[%add3A_119, %dma_start3A_143] : memref<10240x128xf32, #tpu.memory_space<vmem_shared>> -> memref<128x128xf32, #tpu.memory_space<vmem_shared>>
      tpu.enqueue_dma source(%dma_start3A_144 : memref<128x128xf32, #tpu.memory_space<vmem_shared>>) target(%arg12 : memref<128x128xf32, #tpu.memory_space<vmem>>) target_semaphore(%run_scoped3A_141 : memref<!tpu.dma_semaphore, #tpu.memory_space<semaphore_mem>>)
      %dma_wait3A = arith.constant 0 : i32
      %dma_wait3A_145 = tpu.memref_slice %arg9[%add3A_119, %dma_wait3A] : memref<10240x128xf32, #tpu.memory_space<vmem_shared>> -> memref<128x128xf32, #tpu.memory_space<vmem_shared>>
      %dma_wait3A_146 = arith.constant 0 : i32
      %dma_wait3A_147 = tpu.memref_slice %arg9[%add3A_119, %dma_wait3A_146] : memref<10240x128xf32, #tpu.memory_space<vmem_shared>> -> memref<128x128xf32, #tpu.memory_space<vmem_shared>>
      tpu.wait_dma2 semaphore(%run_scoped3A_141 : memref<!tpu.dma_semaphore, #tpu.memory_space<semaphore_mem>>) src(%dma_wait3A_147 : memref<128x128xf32, #tpu.memory_space<vmem_shared>>) dst(%arg12 : memref<128x128xf32, #tpu.memory_space<vmem>>)
      tpu.yield
    }) : () -> ()
    %run_scoped3A_120 = arith.constant 1 : i32
    "tpu.region"() ({
      %run_scoped3A_141 = tpu.sem_alloc : memref<!tpu.dma_semaphore, #tpu.memory_space<semaphore_mem>>
      %dma_start3A = arith.constant 0 : i32
      %dma_start3A_142 = arith.constant 0 : i32
      %dma_start3A_143 = tpu.memref_slice %arg8[%run_scoped3A_120, %arg0, %arg1, %dma_start3A, %dma_start3A_142] : memref<2x2x16x640x128xf32, #tpu.memory_space<hbm>> -> memref<1x1x1x128x128xf32, #tpu.memory_space<hbm>>
      %dma_start3A_144 = tpu.memref_squeeze %dma_start3A_143 : memref<1x1x1x128x128xf32, #tpu.memory_space<hbm>> -> memref<128x128xf32, #tpu.memory_space<hbm>>
      %dma_start3A_145 = arith.constant 0 : i32
      %dma_start3A_146 = arith.constant 0 : i32
      %dma_start3A_147 = tpu.memref_slice %arg8[%run_scoped3A_120, %arg0, %arg1, %dma_start3A_145, %dma_start3A_146] : memref<2x2x16x640x128xf32, #tpu.memory_space<hbm>> -> memref<1x1x1x128x128xf32, #tpu.memory_space<hbm>>
      %dma_start3A_148 = tpu.memref_squeeze %dma_start3A_147 : memref<1x1x1x128x128xf32, #tpu.memory_space<hbm>> -> memref<128x128xf32, #tpu.memory_space<hbm>>
      tpu.enqueue_dma source(%arg12 : memref<128x128xf32, #tpu.memory_space<vmem>>) target(%dma_start3A_148 : memref<128x128xf32, #tpu.memory_space<hbm>>) target_semaphore(%run_scoped3A_141 : memref<!tpu.dma_semaphore, #tpu.memory_space<semaphore_mem>>)
      %dma_wait3A = arith.constant 0 : i32
      %dma_wait3A_149 = arith.constant 0 : i32
      %dma_wait3A_150 = tpu.memref_slice %arg8[%run_scoped3A_120, %arg0, %arg1, %dma_wait3A, %dma_wait3A_149] : memref<2x2x16x640x128xf32, #tpu.memory_space<hbm>> -> memref<1x1x1x128x128xf32, #tpu.memory_space<hbm>>
      %dma_wait3A_151 = tpu.memref_squeeze %dma_wait3A_150 : memref<1x1x1x128x128xf32, #tpu.memory_space<hbm>> -> memref<128x128xf32, #tpu.memory_space<hbm>>
      %dma_wait3A_152 = arith.constant 0 : i32
      %dma_wait3A_153 = arith.constant 0 : i32
      %dma_wait3A_154 = tpu.memref_slice %arg8[%run_scoped3A_120, %arg0, %arg1, %dma_wait3A_152, %dma_wait3A_153] : memref<2x2x16x640x128xf32, #tpu.memory_space<hbm>> -> memref<1x1x1x128x128xf32, #tpu.memory_space<hbm>>
      %dma_wait3A_155 = tpu.memref_squeeze %dma_wait3A_154 : memref<1x1x1x128x128xf32, #tpu.memory_space<hbm>> -> memref<128x128xf32, #tpu.memory_space<hbm>>
      tpu.wait_dma2 semaphore(%run_scoped3A_141 : memref<!tpu.dma_semaphore, #tpu.memory_space<semaphore_mem>>) src(%arg12 : memref<128x128xf32, #tpu.memory_space<vmem>>) dst(%dma_wait3A_155 : memref<128x128xf32, #tpu.memory_space<hbm>>)
      tpu.yield
    }) : () -> ()
    %mul3A_121 = arith.constant 640 : i32
    %mul3A_122 = arith.muli %arg1, %mul3A_121 : i32
    %add3A_123 = arith.constant 128 : i32
    %add3A_124 = arith.addi %mul3A_122, %add3A_123 : i32
    "tpu.region"() ({
      %run_scoped3A_141 = tpu.sem_alloc : memref<!tpu.dma_semaphore, #tpu.memory_space<semaphore_mem>>
      %dma_start3A = arith.constant 0 : i32
      %dma_start3A_142 = tpu.memref_slice %arg9[%add3A_124, %dma_start3A] : memref<10240x128xf32, #tpu.memory_space<vmem_shared>> -> memref<128x128xf32, #tpu.memory_space<vmem_shared>>
      %dma_start3A_143 = arith.constant 0 : i32
      %dma_start3A_144 = tpu.memref_slice %arg9[%add3A_124, %dma_start3A_143] : memref<10240x128xf32, #tpu.memory_space<vmem_shared>> -> memref<128x128xf32, #tpu.memory_space<vmem_shared>>
      tpu.enqueue_dma source(%dma_start3A_144 : memref<128x128xf32, #tpu.memory_space<vmem_shared>>) target(%arg12 : memref<128x128xf32, #tpu.memory_space<vmem>>) target_semaphore(%run_scoped3A_141 : memref<!tpu.dma_semaphore, #tpu.memory_space<semaphore_mem>>)
      %dma_wait3A = arith.constant 0 : i32
      %dma_wait3A_145 = tpu.memref_slice %arg9[%add3A_124, %dma_wait3A] : memref<10240x128xf32, #tpu.memory_space<vmem_shared>> -> memref<128x128xf32, #tpu.memory_space<vmem_shared>>
      %dma_wait3A_146 = arith.constant 0 : i32
      %dma_wait3A_147 = tpu.memref_slice %arg9[%add3A_124, %dma_wait3A_146] : memref<10240x128xf32, #tpu.memory_space<vmem_shared>> -> memref<128x128xf32, #tpu.memory_space<vmem_shared>>
      tpu.wait_dma2 semaphore(%run_scoped3A_141 : memref<!tpu.dma_semaphore, #tpu.memory_space<semaphore_mem>>) src(%dma_wait3A_147 : memref<128x128xf32, #tpu.memory_space<vmem_shared>>) dst(%arg12 : memref<128x128xf32, #tpu.memory_space<vmem>>)
      tpu.yield
    }) : () -> ()
    %run_scoped3A_125 = arith.constant 1 : i32
    "tpu.region"() ({
      %run_scoped3A_141 = tpu.sem_alloc : memref<!tpu.dma_semaphore, #tpu.memory_space<semaphore_mem>>
      %dma_start3A = arith.constant 128 : i32
      %dma_start3A_142 = arith.constant 0 : i32
      %dma_start3A_143 = tpu.memref_slice %arg8[%run_scoped3A_125, %arg0, %arg1, %dma_start3A, %dma_start3A_142] : memref<2x2x16x640x128xf32, #tpu.memory_space<hbm>> -> memref<1x1x1x128x128xf32, #tpu.memory_space<hbm>>
      %dma_start3A_144 = tpu.memref_squeeze %dma_start3A_143 : memref<1x1x1x128x128xf32, #tpu.memory_space<hbm>> -> memref<128x128xf32, #tpu.memory_space<hbm>>
      %dma_start3A_145 = arith.constant 128 : i32
      %dma_start3A_146 = arith.constant 0 : i32
      %dma_start3A_147 = tpu.memref_slice %arg8[%run_scoped3A_125, %arg0, %arg1, %dma_start3A_145, %dma_start3A_146] : memref<2x2x16x640x128xf32, #tpu.memory_space<hbm>> -> memref<1x1x1x128x128xf32, #tpu.memory_space<hbm>>
      %dma_start3A_148 = tpu.memref_squeeze %dma_start3A_147 : memref<1x1x1x128x128xf32, #tpu.memory_space<hbm>> -> memref<128x128xf32, #tpu.memory_space<hbm>>
      tpu.enqueue_dma source(%arg12 : memref<128x128xf32, #tpu.memory_space<vmem>>) target(%dma_start3A_148 : memref<128x128xf32, #tpu.memory_space<hbm>>) target_semaphore(%run_scoped3A_141 : memref<!tpu.dma_semaphore, #tpu.memory_space<semaphore_mem>>)
      %dma_wait3A = arith.constant 128 : i32
      %dma_wait3A_149 = arith.constant 0 : i32
      %dma_wait3A_150 = tpu.memref_slice %arg8[%run_scoped3A_125, %arg0, %arg1, %dma_wait3A, %dma_wait3A_149] : memref<2x2x16x640x128xf32, #tpu.memory_space<hbm>> -> memref<1x1x1x128x128xf32, #tpu.memory_space<hbm>>
      %dma_wait3A_151 = tpu.memref_squeeze %dma_wait3A_150 : memref<1x1x1x128x128xf32, #tpu.memory_space<hbm>> -> memref<128x128xf32, #tpu.memory_space<hbm>>
      %dma_wait3A_152 = arith.constant 128 : i32
      %dma_wait3A_153 = arith.constant 0 : i32
      %dma_wait3A_154 = tpu.memref_slice %arg8[%run_scoped3A_125, %arg0, %arg1, %dma_wait3A_152, %dma_wait3A_153] : memref<2x2x16x640x128xf32, #tpu.memory_space<hbm>> -> memref<1x1x1x128x128xf32, #tpu.memory_space<hbm>>
      %dma_wait3A_155 = tpu.memref_squeeze %dma_wait3A_154 : memref<1x1x1x128x128xf32, #tpu.memory_space<hbm>> -> memref<128x128xf32, #tpu.memory_space<hbm>>
      tpu.wait_dma2 semaphore(%run_scoped3A_141 : memref<!tpu.dma_semaphore, #tpu.memory_space<semaphore_mem>>) src(%arg12 : memref<128x128xf32, #tpu.memory_space<vmem>>) dst(%dma_wait3A_155 : memref<128x128xf32, #tpu.memory_space<hbm>>)
      tpu.yield
    }) : () -> ()
    %mul3A_126 = arith.constant 640 : i32
    %mul3A_127 = arith.muli %arg1, %mul3A_126 : i32
    %add3A_128 = arith.constant 256 : i32
    %add3A_129 = arith.addi %mul3A_127, %add3A_128 : i32
    "tpu.region"() ({
      %run_scoped3A_141 = tpu.sem_alloc : memref<!tpu.dma_semaphore, #tpu.memory_space<semaphore_mem>>
      %dma_start3A = arith.constant 0 : i32
      %dma_start3A_142 = tpu.memref_slice %arg9[%add3A_129, %dma_start3A] : memref<10240x128xf32, #tpu.memory_space<vmem_shared>> -> memref<128x128xf32, #tpu.memory_space<vmem_shared>>
      %dma_start3A_143 = arith.constant 0 : i32
      %dma_start3A_144 = tpu.memref_slice %arg9[%add3A_129, %dma_start3A_143] : memref<10240x128xf32, #tpu.memory_space<vmem_shared>> -> memref<128x128xf32, #tpu.memory_space<vmem_shared>>
      tpu.enqueue_dma source(%dma_start3A_144 : memref<128x128xf32, #tpu.memory_space<vmem_shared>>) target(%arg12 : memref<128x128xf32, #tpu.memory_space<vmem>>) target_semaphore(%run_scoped3A_141 : memref<!tpu.dma_semaphore, #tpu.memory_space<semaphore_mem>>)
      %dma_wait3A = arith.constant 0 : i32
      %dma_wait3A_145 = tpu.memref_slice %arg9[%add3A_129, %dma_wait3A] : memref<10240x128xf32, #tpu.memory_space<vmem_shared>> -> memref<128x128xf32, #tpu.memory_space<vmem_shared>>
      %dma_wait3A_146 = arith.constant 0 : i32
      %dma_wait3A_147 = tpu.memref_slice %arg9[%add3A_129, %dma_wait3A_146] : memref<10240x128xf32, #tpu.memory_space<vmem_shared>> -> memref<128x128xf32, #tpu.memory_space<vmem_shared>>
      tpu.wait_dma2 semaphore(%run_scoped3A_141 : memref<!tpu.dma_semaphore, #tpu.memory_space<semaphore_mem>>) src(%dma_wait3A_147 : memref<128x128xf32, #tpu.memory_space<vmem_shared>>) dst(%arg12 : memref<128x128xf32, #tpu.memory_space<vmem>>)
      tpu.yield
    }) : () -> ()
    %run_scoped3A_130 = arith.constant 1 : i32
    "tpu.region"() ({
      %run_scoped3A_141 = tpu.sem_alloc : memref<!tpu.dma_semaphore, #tpu.memory_space<semaphore_mem>>
      %dma_start3A = arith.constant 256 : i32
      %dma_start3A_142 = arith.constant 0 : i32
      %dma_start3A_143 = tpu.memref_slice %arg8[%run_scoped3A_130, %arg0, %arg1, %dma_start3A, %dma_start3A_142] : memref<2x2x16x640x128xf32, #tpu.memory_space<hbm>> -> memref<1x1x1x128x128xf32, #tpu.memory_space<hbm>>
      %dma_start3A_144 = tpu.memref_squeeze %dma_start3A_143 : memref<1x1x1x128x128xf32, #tpu.memory_space<hbm>> -> memref<128x128xf32, #tpu.memory_space<hbm>>
      %dma_start3A_145 = arith.constant 256 : i32
      %dma_start3A_146 = arith.constant 0 : i32
      %dma_start3A_147 = tpu.memref_slice %arg8[%run_scoped3A_130, %arg0, %arg1, %dma_start3A_145, %dma_start3A_146] : memref<2x2x16x640x128xf32, #tpu.memory_space<hbm>> -> memref<1x1x1x128x128xf32, #tpu.memory_space<hbm>>
      %dma_start3A_148 = tpu.memref_squeeze %dma_start3A_147 : memref<1x1x1x128x128xf32, #tpu.memory_space<hbm>> -> memref<128x128xf32, #tpu.memory_space<hbm>>
      tpu.enqueue_dma source(%arg12 : memref<128x128xf32, #tpu.memory_space<vmem>>) target(%dma_start3A_148 : memref<128x128xf32, #tpu.memory_space<hbm>>) target_semaphore(%run_scoped3A_141 : memref<!tpu.dma_semaphore, #tpu.memory_space<semaphore_mem>>)
      %dma_wait3A = arith.constant 256 : i32
      %dma_wait3A_149 = arith.constant 0 : i32
      %dma_wait3A_150 = tpu.memref_slice %arg8[%run_scoped3A_130, %arg0, %arg1, %dma_wait3A, %dma_wait3A_149] : memref<2x2x16x640x128xf32, #tpu.memory_space<hbm>> -> memref<1x1x1x128x128xf32, #tpu.memory_space<hbm>>
      %dma_wait3A_151 = tpu.memref_squeeze %dma_wait3A_150 : memref<1x1x1x128x128xf32, #tpu.memory_space<hbm>> -> memref<128x128xf32, #tpu.memory_space<hbm>>
      %dma_wait3A_152 = arith.constant 256 : i32
      %dma_wait3A_153 = arith.constant 0 : i32
      %dma_wait3A_154 = tpu.memref_slice %arg8[%run_scoped3A_130, %arg0, %arg1, %dma_wait3A_152, %dma_wait3A_153] : memref<2x2x16x640x128xf32, #tpu.memory_space<hbm>> -> memref<1x1x1x128x128xf32, #tpu.memory_space<hbm>>
      %dma_wait3A_155 = tpu.memref_squeeze %dma_wait3A_154 : memref<1x1x1x128x128xf32, #tpu.memory_space<hbm>> -> memref<128x128xf32, #tpu.memory_space<hbm>>
      tpu.wait_dma2 semaphore(%run_scoped3A_141 : memref<!tpu.dma_semaphore, #tpu.memory_space<semaphore_mem>>) src(%arg12 : memref<128x128xf32, #tpu.memory_space<vmem>>) dst(%dma_wait3A_155 : memref<128x128xf32, #tpu.memory_space<hbm>>)
      tpu.yield
    }) : () -> ()
    %mul3A_131 = arith.constant 640 : i32
    %mul3A_132 = arith.muli %arg1, %mul3A_131 : i32
    %add3A_133 = arith.constant 384 : i32
    %add3A_134 = arith.addi %mul3A_132, %add3A_133 : i32
    "tpu.region"() ({
      %run_scoped3A_141 = tpu.sem_alloc : memref<!tpu.dma_semaphore, #tpu.memory_space<semaphore_mem>>
      %dma_start3A = arith.constant 0 : i32
      %dma_start3A_142 = tpu.memref_slice %arg9[%add3A_134, %dma_start3A] : memref<10240x128xf32, #tpu.memory_space<vmem_shared>> -> memref<128x128xf32, #tpu.memory_space<vmem_shared>>
      %dma_start3A_143 = arith.constant 0 : i32
      %dma_start3A_144 = tpu.memref_slice %arg9[%add3A_134, %dma_start3A_143] : memref<10240x128xf32, #tpu.memory_space<vmem_shared>> -> memref<128x128xf32, #tpu.memory_space<vmem_shared>>
      tpu.enqueue_dma source(%dma_start3A_144 : memref<128x128xf32, #tpu.memory_space<vmem_shared>>) target(%arg12 : memref<128x128xf32, #tpu.memory_space<vmem>>) target_semaphore(%run_scoped3A_141 : memref<!tpu.dma_semaphore, #tpu.memory_space<semaphore_mem>>)
      %dma_wait3A = arith.constant 0 : i32
      %dma_wait3A_145 = tpu.memref_slice %arg9[%add3A_134, %dma_wait3A] : memref<10240x128xf32, #tpu.memory_space<vmem_shared>> -> memref<128x128xf32, #tpu.memory_space<vmem_shared>>
      %dma_wait3A_146 = arith.constant 0 : i32
      %dma_wait3A_147 = tpu.memref_slice %arg9[%add3A_134, %dma_wait3A_146] : memref<10240x128xf32, #tpu.memory_space<vmem_shared>> -> memref<128x128xf32, #tpu.memory_space<vmem_shared>>
      tpu.wait_dma2 semaphore(%run_scoped3A_141 : memref<!tpu.dma_semaphore, #tpu.memory_space<semaphore_mem>>) src(%dma_wait3A_147 : memref<128x128xf32, #tpu.memory_space<vmem_shared>>) dst(%arg12 : memref<128x128xf32, #tpu.memory_space<vmem>>)
      tpu.yield
    }) : () -> ()
    %run_scoped3A_135 = arith.constant 1 : i32
    "tpu.region"() ({
      %run_scoped3A_141 = tpu.sem_alloc : memref<!tpu.dma_semaphore, #tpu.memory_space<semaphore_mem>>
      %dma_start3A = arith.constant 384 : i32
      %dma_start3A_142 = arith.constant 0 : i32
      %dma_start3A_143 = tpu.memref_slice %arg8[%run_scoped3A_135, %arg0, %arg1, %dma_start3A, %dma_start3A_142] : memref<2x2x16x640x128xf32, #tpu.memory_space<hbm>> -> memref<1x1x1x128x128xf32, #tpu.memory_space<hbm>>
      %dma_start3A_144 = tpu.memref_squeeze %dma_start3A_143 : memref<1x1x1x128x128xf32, #tpu.memory_space<hbm>> -> memref<128x128xf32, #tpu.memory_space<hbm>>
      %dma_start3A_145 = arith.constant 384 : i32
      %dma_start3A_146 = arith.constant 0 : i32
      %dma_start3A_147 = tpu.memref_slice %arg8[%run_scoped3A_135, %arg0, %arg1, %dma_start3A_145, %dma_start3A_146] : memref<2x2x16x640x128xf32, #tpu.memory_space<hbm>> -> memref<1x1x1x128x128xf32, #tpu.memory_space<hbm>>
      %dma_start3A_148 = tpu.memref_squeeze %dma_start3A_147 : memref<1x1x1x128x128xf32, #tpu.memory_space<hbm>> -> memref<128x128xf32, #tpu.memory_space<hbm>>
      tpu.enqueue_dma source(%arg12 : memref<128x128xf32, #tpu.memory_space<vmem>>) target(%dma_start3A_148 : memref<128x128xf32, #tpu.memory_space<hbm>>) target_semaphore(%run_scoped3A_141 : memref<!tpu.dma_semaphore, #tpu.memory_space<semaphore_mem>>)
      %dma_wait3A = arith.constant 384 : i32
      %dma_wait3A_149 = arith.constant 0 : i32
      %dma_wait3A_150 = tpu.memref_slice %arg8[%run_scoped3A_135, %arg0, %arg1, %dma_wait3A, %dma_wait3A_149] : memref<2x2x16x640x128xf32, #tpu.memory_space<hbm>> -> memref<1x1x1x128x128xf32, #tpu.memory_space<hbm>>
      %dma_wait3A_151 = tpu.memref_squeeze %dma_wait3A_150 : memref<1x1x1x128x128xf32, #tpu.memory_space<hbm>> -> memref<128x128xf32, #tpu.memory_space<hbm>>
      %dma_wait3A_152 = arith.constant 384 : i32
      %dma_wait3A_153 = arith.constant 0 : i32
      %dma_wait3A_154 = tpu.memref_slice %arg8[%run_scoped3A_135, %arg0, %arg1, %dma_wait3A_152, %dma_wait3A_153] : memref<2x2x16x640x128xf32, #tpu.memory_space<hbm>> -> memref<1x1x1x128x128xf32, #tpu.memory_space<hbm>>
      %dma_wait3A_155 = tpu.memref_squeeze %dma_wait3A_154 : memref<1x1x1x128x128xf32, #tpu.memory_space<hbm>> -> memref<128x128xf32, #tpu.memory_space<hbm>>
      tpu.wait_dma2 semaphore(%run_scoped3A_141 : memref<!tpu.dma_semaphore, #tpu.memory_space<semaphore_mem>>) src(%arg12 : memref<128x128xf32, #tpu.memory_space<vmem>>) dst(%dma_wait3A_155 : memref<128x128xf32, #tpu.memory_space<hbm>>)
      tpu.yield
    }) : () -> ()
    %mul3A_136 = arith.constant 640 : i32
    %mul3A_137 = arith.muli %arg1, %mul3A_136 : i32
    %add3A_138 = arith.constant 512 : i32
    %add3A_139 = arith.addi %mul3A_137, %add3A_138 : i32
    "tpu.region"() ({
      %run_scoped3A_141 = tpu.sem_alloc : memref<!tpu.dma_semaphore, #tpu.memory_space<semaphore_mem>>
      %dma_start3A = arith.constant 0 : i32
      %dma_start3A_142 = tpu.memref_slice %arg9[%add3A_139, %dma_start3A] : memref<10240x128xf32, #tpu.memory_space<vmem_shared>> -> memref<128x128xf32, #tpu.memory_space<vmem_shared>>
      %dma_start3A_143 = arith.constant 0 : i32
      %dma_start3A_144 = tpu.memref_slice %arg9[%add3A_139, %dma_start3A_143] : memref<10240x128xf32, #tpu.memory_space<vmem_shared>> -> memref<128x128xf32, #tpu.memory_space<vmem_shared>>
      tpu.enqueue_dma source(%dma_start3A_144 : memref<128x128xf32, #tpu.memory_space<vmem_shared>>) target(%arg12 : memref<128x128xf32, #tpu.memory_space<vmem>>) target_semaphore(%run_scoped3A_141 : memref<!tpu.dma_semaphore, #tpu.memory_space<semaphore_mem>>)
      %dma_wait3A = arith.constant 0 : i32
      %dma_wait3A_145 = tpu.memref_slice %arg9[%add3A_139, %dma_wait3A] : memref<10240x128xf32, #tpu.memory_space<vmem_shared>> -> memref<128x128xf32, #tpu.memory_space<vmem_shared>>
      %dma_wait3A_146 = arith.constant 0 : i32
      %dma_wait3A_147 = tpu.memref_slice %arg9[%add3A_139, %dma_wait3A_146] : memref<10240x128xf32, #tpu.memory_space<vmem_shared>> -> memref<128x128xf32, #tpu.memory_space<vmem_shared>>
      tpu.wait_dma2 semaphore(%run_scoped3A_141 : memref<!tpu.dma_semaphore, #tpu.memory_space<semaphore_mem>>) src(%dma_wait3A_147 : memref<128x128xf32, #tpu.memory_space<vmem_shared>>) dst(%arg12 : memref<128x128xf32, #tpu.memory_space<vmem>>)
      tpu.yield
    }) : () -> ()
    %run_scoped3A_140 = arith.constant 1 : i32
    "tpu.region"() ({
      %run_scoped3A_141 = tpu.sem_alloc : memref<!tpu.dma_semaphore, #tpu.memory_space<semaphore_mem>>
      %dma_start3A = arith.constant 512 : i32
      %dma_start3A_142 = arith.constant 0 : i32
      %dma_start3A_143 = tpu.memref_slice %arg8[%run_scoped3A_140, %arg0, %arg1, %dma_start3A, %dma_start3A_142] : memref<2x2x16x640x128xf32, #tpu.memory_space<hbm>> -> memref<1x1x1x128x128xf32, #tpu.memory_space<hbm>>
      %dma_start3A_144 = tpu.memref_squeeze %dma_start3A_143 : memref<1x1x1x128x128xf32, #tpu.memory_space<hbm>> -> memref<128x128xf32, #tpu.memory_space<hbm>>
      %dma_start3A_145 = arith.constant 512 : i32
      %dma_start3A_146 = arith.constant 0 : i32
      %dma_start3A_147 = tpu.memref_slice %arg8[%run_scoped3A_140, %arg0, %arg1, %dma_start3A_145, %dma_start3A_146] : memref<2x2x16x640x128xf32, #tpu.memory_space<hbm>> -> memref<1x1x1x128x128xf32, #tpu.memory_space<hbm>>
      %dma_start3A_148 = tpu.memref_squeeze %dma_start3A_147 : memref<1x1x1x128x128xf32, #tpu.memory_space<hbm>> -> memref<128x128xf32, #tpu.memory_space<hbm>>
      tpu.enqueue_dma source(%arg12 : memref<128x128xf32, #tpu.memory_space<vmem>>) target(%dma_start3A_148 : memref<128x128xf32, #tpu.memory_space<hbm>>) target_semaphore(%run_scoped3A_141 : memref<!tpu.dma_semaphore, #tpu.memory_space<semaphore_mem>>)
      %dma_wait3A = arith.constant 512 : i32
      %dma_wait3A_149 = arith.constant 0 : i32
      %dma_wait3A_150 = tpu.memref_slice %arg8[%run_scoped3A_140, %arg0, %arg1, %dma_wait3A, %dma_wait3A_149] : memref<2x2x16x640x128xf32, #tpu.memory_space<hbm>> -> memref<1x1x1x128x128xf32, #tpu.memory_space<hbm>>
      %dma_wait3A_151 = tpu.memref_squeeze %dma_wait3A_150 : memref<1x1x1x128x128xf32, #tpu.memory_space<hbm>> -> memref<128x128xf32, #tpu.memory_space<hbm>>
      %dma_wait3A_152 = arith.constant 512 : i32
      %dma_wait3A_153 = arith.constant 0 : i32
      %dma_wait3A_154 = tpu.memref_slice %arg8[%run_scoped3A_140, %arg0, %arg1, %dma_wait3A_152, %dma_wait3A_153] : memref<2x2x16x640x128xf32, #tpu.memory_space<hbm>> -> memref<1x1x1x128x128xf32, #tpu.memory_space<hbm>>
      %dma_wait3A_155 = tpu.memref_squeeze %dma_wait3A_154 : memref<1x1x1x128x128xf32, #tpu.memory_space<hbm>> -> memref<128x128xf32, #tpu.memory_space<hbm>>
      tpu.wait_dma2 semaphore(%run_scoped3A_141 : memref<!tpu.dma_semaphore, #tpu.memory_space<semaphore_mem>>) src(%arg12 : memref<128x128xf32, #tpu.memory_space<vmem>>) dst(%dma_wait3A_155 : memref<128x128xf32, #tpu.memory_space<hbm>>)
      tpu.yield
    }) : () -> ()
    "tpu.trace_stop"() : () -> ()
    return
  }
}

module attributes {stable_mosaic.version = 14 : i64} {
  func.func @_scale_body(%arg0: i32, %arg1: memref<640x128xf32, #tpu.memory_space<vmem>>, %arg2: memref<640x1xf32, #tpu.memory_space<vmem>>, %arg3: memref<640x1xf32, #tpu.memory_space<vmem>>, %arg4: memref<640x128xf32, #tpu.memory_space<vmem>>, %arg5: memref<640x128xf32, #tpu.memory_space<vmem>>) attributes {dimension_semantics = [#tpu.dimension_semantics<arbitrary>], iteration_bounds = array<i64: 16>, scalar_prefetch = 0 : i64, scratch_operands = 0 : i64, tpu.core_type = #tpu.core_type<tc>, window_params = [{transform_indices = @transform_0, window_bounds = array<i64: 640, 128>}, {transform_indices = @transform_1, window_bounds = array<i64: 640, 1>}, {transform_indices = @transform_2, window_bounds = array<i64: 640, 1>}, {transform_indices = @transform_3, window_bounds = array<i64: 640, 128>}, {transform_indices = @transform_4, window_bounds = array<i64: 640, 128>}]} {
    %get3A = arith.constant 0 : index
    %get3A_0 = arith.constant 0 : index
    %get3A_1 = vector.load %arg1[%get3A, %get3A_0] : memref<640x128xf32, #tpu.memory_space<vmem>>, vector<640x128xf32>
    %get3A_2 = arith.constant 0 : index
    %get3A_3 = arith.constant 0 : index
    %get3A_4 = vector.load %arg2[%get3A_2, %get3A_3] : memref<640x1xf32, #tpu.memory_space<vmem>>, vector<640x1xf32>
    %mul3A = vector.broadcast %get3A_4 : vector<640x1xf32> to vector<640x128xf32>
    %mul3A_5 = arith.mulf %get3A_1, %mul3A : vector<640x128xf32>
    %swap3A = arith.constant 0 : index
    %swap3A_6 = arith.constant 0 : index
    %swap3A_7 = vector.load %arg4[%swap3A, %swap3A_6] : memref<640x128xf32, #tpu.memory_space<vmem>>, vector<640x128xf32>
    tpu.vector_store %arg4[%swap3A, %swap3A_6], %mul3A_5 {strides = array<i32>} : memref<640x128xf32, #tpu.memory_space<vmem>>, vector<640x128xf32>,
    %get3A_8 = arith.constant 0 : index
    %get3A_9 = arith.constant 0 : index
    %get3A_10 = vector.load %arg3[%get3A_8, %get3A_9] : memref<640x1xf32, #tpu.memory_space<vmem>>, vector<640x1xf32>
    %mul3A_11 = vector.broadcast %get3A_10 : vector<640x1xf32> to vector<640x128xf32>
    %mul3A_12 = arith.mulf %get3A_1, %mul3A_11 : vector<640x128xf32>
    %swap3A_13 = arith.constant 0 : index
    %swap3A_14 = arith.constant 0 : index
    %swap3A_15 = vector.load %arg5[%swap3A_13, %swap3A_14] : memref<640x128xf32, #tpu.memory_space<vmem>>, vector<640x128xf32>
    tpu.vector_store %arg5[%swap3A_13, %swap3A_14], %mul3A_12 {strides = array<i32>} : memref<640x128xf32, #tpu.memory_space<vmem>>, vector<640x128xf32>,
    return
  }
  func.func @transform_0(%arg0: i32) -> (i32, i32) {
    %c0_i32 = arith.constant 0 : i32
    %c0_i32_0 = arith.constant 0 : i32
    return %arg0, %c0_i32 : i32, i32
  }
  func.func @transform_1(%arg0: i32) -> (i32, i32) {
    %c0_i32 = arith.constant 0 : i32
    %c0_i32_0 = arith.constant 0 : i32
    return %arg0, %c0_i32 : i32, i32
  }
  func.func @transform_2(%arg0: i32) -> (i32, i32) {
    %c0_i32 = arith.constant 0 : i32
    %c0_i32_0 = arith.constant 0 : i32
    return %arg0, %c0_i32 : i32, i32
  }
  func.func @transform_3(%arg0: i32) -> (i32, i32) {
    %c0_i32 = arith.constant 0 : i32
    %c0_i32_0 = arith.constant 0 : i32
    return %arg0, %c0_i32 : i32, i32
  }
  func.func @transform_4(%arg0: i32) -> (i32, i32) {
    %c0_i32 = arith.constant 0 : i32
    %c0_i32_0 = arith.constant 0 : i32
    return %arg0, %c0_i32 : i32, i32
  }
}

module attributes {stable_mosaic.version = 14 : i64} {
  func.func @_layer1_body(%arg0: i32, %arg1: memref<2x2x640x128xf32, #tpu.memory_space<vmem>>, %arg2: memref<640x1xf32, #tpu.memory_space<vmem>>, %arg3: memref<640x1xf32, #tpu.memory_space<vmem>>, %arg4: memref<640x1xf32, #tpu.memory_space<vmem>>, %arg5: memref<640x1xf32, #tpu.memory_space<vmem>>, %arg6: memref<128x128xf32, #tpu.memory_space<vmem>>, %arg7: memref<128x128xf32, #tpu.memory_space<vmem>>, %arg8: memref<1x128xf32, #tpu.memory_space<vmem>>, %arg9: memref<1x128xf32, #tpu.memory_space<vmem>>, %arg10: memref<640x128xf32, #tpu.memory_space<vmem>>, %arg11: memref<640x128xf32, #tpu.memory_space<vmem>>) attributes {dimension_semantics = [#tpu.dimension_semantics<arbitrary>], iteration_bounds = array<i64: 16>, scalar_prefetch = 0 : i64, scratch_operands = 0 : i64, tpu.core_type = #tpu.core_type<tc>, window_params = [{transform_indices = @transform_0, window_bounds = array<i64: 2, 2, 640, 128>}, {transform_indices = @transform_1, window_bounds = array<i64: 640, 1>}, {transform_indices = @transform_2, window_bounds = array<i64: 640, 1>}, {transform_indices = @transform_3, window_bounds = array<i64: 640, 1>}, {transform_indices = @transform_4, window_bounds = array<i64: 640, 1>}, {pipeline_mode = #tpu.pipeline_mode<synchronous>, transform_indices = @transform_5, window_bounds = array<i64: 128, 128>}, {pipeline_mode = #tpu.pipeline_mode<synchronous>, transform_indices = @transform_6, window_bounds = array<i64: 128, 128>}, {pipeline_mode = #tpu.pipeline_mode<synchronous>, transform_indices = @transform_7, window_bounds = array<i64: 1, 128>}, {pipeline_mode = #tpu.pipeline_mode<synchronous>, transform_indices = @transform_8, window_bounds = array<i64: 1, 128>}, {transform_indices = @transform_9, window_bounds = array<i64: 640, 128>}, {transform_indices = @transform_10, window_bounds = array<i64: 640, 128>}]} {
    %get3A = arith.constant 0 : index
    %get3A_0 = arith.constant 0 : index
    %get3A_1 = arith.constant 0 : index
    %get3A_2 = arith.constant 0 : index
    %get3A_3 = vector.load %arg1[%get3A, %get3A_0, %get3A_1, %get3A_2] : memref<2x2x640x128xf32, #tpu.memory_space<vmem>>, vector<1x1x640x128xf32>
    %get3A_4 = vector.shape_cast %get3A_3 : vector<1x1x640x128xf32> to vector<640x128xf32>
    %get3A_5 = arith.constant 0 : index
    %get3A_6 = arith.constant 1 : index
    %get3A_7 = arith.constant 0 : index
    %get3A_8 = arith.constant 0 : index
    %get3A_9 = vector.load %arg1[%get3A_5, %get3A_6, %get3A_7, %get3A_8] : memref<2x2x640x128xf32, #tpu.memory_space<vmem>>, vector<1x1x640x128xf32>
    %get3A_10 = vector.shape_cast %get3A_9 : vector<1x1x640x128xf32> to vector<640x128xf32>
    %add3A = arith.addf %get3A_4, %get3A_10 : vector<640x128xf32>
    %get3A_11 = arith.constant 0 : index
    %get3A_12 = arith.constant 0 : index
    %get3A_13 = vector.load %arg2[%get3A_11, %get3A_12] : memref<640x1xf32, #tpu.memory_space<vmem>>, vector<640x1xf32>
    %mul3A = vector.broadcast %get3A_13 : vector<640x1xf32> to vector<640x128xf32>
    %mul3A_14 = arith.mulf %add3A, %mul3A : vector<640x128xf32>
    %get3A_15 = arith.constant 1 : index
    %get3A_16 = arith.constant 0 : index
    %get3A_17 = arith.constant 0 : index
    %get3A_18 = arith.constant 0 : index
    %get3A_19 = vector.load %arg1[%get3A_15, %get3A_16, %get3A_17, %get3A_18] : memref<2x2x640x128xf32, #tpu.memory_space<vmem>>, vector<1x1x640x128xf32>
    %get3A_20 = vector.shape_cast %get3A_19 : vector<1x1x640x128xf32> to vector<640x128xf32>
    %get3A_21 = arith.constant 1 : index
    %get3A_22 = arith.constant 1 : index
    %get3A_23 = arith.constant 0 : index
    %get3A_24 = arith.constant 0 : index
    %get3A_25 = vector.load %arg1[%get3A_21, %get3A_22, %get3A_23, %get3A_24] : memref<2x2x640x128xf32, #tpu.memory_space<vmem>>, vector<1x1x640x128xf32>
    %get3A_26 = vector.shape_cast %get3A_25 : vector<1x1x640x128xf32> to vector<640x128xf32>
    %add3A_27 = arith.addf %get3A_20, %get3A_26 : vector<640x128xf32>
    %get3A_28 = arith.constant 0 : index
    %get3A_29 = arith.constant 0 : index
    %get3A_30 = vector.load %arg3[%get3A_28, %get3A_29] : memref<640x1xf32, #tpu.memory_space<vmem>>, vector<640x1xf32>
    %mul3A_31 = vector.broadcast %get3A_30 : vector<640x1xf32> to vector<640x128xf32>
    %mul3A_32 = arith.mulf %add3A_27, %mul3A_31 : vector<640x128xf32>
    %get3A_33 = arith.constant 0 : index
    %get3A_34 = arith.constant 0 : index
    %get3A_35 = vector.load %arg6[%get3A_33, %get3A_34] : memref<128x128xf32, #tpu.memory_space<vmem>>, vector<128x128xf32>
    %dot_general3A = arith.constant dense<0.000000e+00> : vector<640x128xf32>
    %dot_general3A_36 = tpu.matmul %mul3A_14, %get3A_35, %dot_general3A {dimension_numbers = #tpu.dot_dimension_numbers<[1], [0], [0], [1], [0, 0, 1, 1], [], []>, transpose_lhs_hint = false} : vector<640x128xf32>, vector<128x128xf32>, vector<640x128xf32> -> vector<640x128xf32>
    %get3A_37 = arith.constant 0 : index
    %get3A_38 = arith.constant 0 : index
    %get3A_39 = vector.load %arg8[%get3A_37, %get3A_38] : memref<1x128xf32, #tpu.memory_space<vmem>>, vector<1x128xf32>
    %add3A_40 = vector.broadcast %get3A_39 : vector<1x128xf32> to vector<640x128xf32>
    %add3A_41 = arith.addf %dot_general3A_36, %add3A_40 : vector<640x128xf32>
    %get3A_42 = arith.constant 0 : index
    %get3A_43 = arith.constant 0 : index
    %get3A_44 = vector.load %arg7[%get3A_42, %get3A_43] : memref<128x128xf32, #tpu.memory_space<vmem>>, vector<128x128xf32>
    %dot_general3A_45 = arith.constant dense<0.000000e+00> : vector<640x128xf32>
    %dot_general3A_46 = tpu.matmul %mul3A_32, %get3A_44, %dot_general3A_45 {dimension_numbers = #tpu.dot_dimension_numbers<[1], [0], [0], [1], [0, 0, 1, 1], [], []>, transpose_lhs_hint = false} : vector<640x128xf32>, vector<128x128xf32>, vector<640x128xf32> -> vector<640x128xf32>
    %add3A_47 = arith.addf %add3A_41, %dot_general3A_46 : vector<640x128xf32>
    %get3A_48 = arith.constant 0 : index
    %get3A_49 = arith.constant 0 : index
    %get3A_50 = vector.load %arg9[%get3A_48, %get3A_49] : memref<1x128xf32, #tpu.memory_space<vmem>>, vector<1x128xf32>
    %add3A_51 = vector.broadcast %get3A_50 : vector<1x128xf32> to vector<640x128xf32>
    %add3A_52 = arith.addf %add3A_47, %add3A_51 : vector<640x128xf32>
    %mul3A_53 = arith.constant 5.000000e-01 : f32
    %mul3A_54 = vector.broadcast %mul3A_53 : f32 to vector<640x128xf32>
    %mul3A_55 = arith.mulf %add3A_52, %mul3A_54 : vector<640x128xf32>
    %max3A = arith.constant 0.000000e+00 : f32
    %max3A_56 = vector.broadcast %max3A : f32 to vector<640x128xf32>
    %max3A_57 = arith.maximumf %mul3A_55, %max3A_56 : vector<640x128xf32>
    %get3A_58 = arith.constant 0 : index
    %get3A_59 = arith.constant 0 : index
    %get3A_60 = vector.load %arg4[%get3A_58, %get3A_59] : memref<640x1xf32, #tpu.memory_space<vmem>>, vector<640x1xf32>
    %mul3A_61 = vector.broadcast %get3A_60 : vector<640x1xf32> to vector<640x128xf32>
    %mul3A_62 = arith.mulf %max3A_57, %mul3A_61 : vector<640x128xf32>
    %swap3A = arith.constant 0 : index
    %swap3A_63 = arith.constant 0 : index
    %swap3A_64 = vector.load %arg10[%swap3A, %swap3A_63] : memref<640x128xf32, #tpu.memory_space<vmem>>, vector<640x128xf32>
    tpu.vector_store %arg10[%swap3A, %swap3A_63], %mul3A_62 {strides = array<i32>} : memref<640x128xf32, #tpu.memory_space<vmem>>, vector<640x128xf32>,
    %get3A_65 = arith.constant 0 : index
    %get3A_66 = arith.constant 0 : index
    %get3A_67 = vector.load %arg5[%get3A_65, %get3A_66] : memref<640x1xf32, #tpu.memory_space<vmem>>, vector<640x1xf32>
    %mul3A_68 = vector.broadcast %get3A_67 : vector<640x1xf32> to vector<640x128xf32>
    %mul3A_69 = arith.mulf %max3A_57, %mul3A_68 : vector<640x128xf32>
    %swap3A_70 = arith.constant 0 : index
    %swap3A_71 = arith.constant 0 : index
    %swap3A_72 = vector.load %arg11[%swap3A_70, %swap3A_71] : memref<640x128xf32, #tpu.memory_space<vmem>>, vector<640x128xf32>
    tpu.vector_store %arg11[%swap3A_70, %swap3A_71], %mul3A_69 {strides = array<i32>} : memref<640x128xf32, #tpu.memory_space<vmem>>, vector<640x128xf32>,
    return
  }
  func.func @transform_0(%arg0: i32) -> (i32, i32, i32, i32) {
    %c0_i32 = arith.constant 0 : i32
    %c0_i32_0 = arith.constant 0 : i32
    %c0_i32_1 = arith.constant 0 : i32
    %c0_i32_2 = arith.constant 0 : i32
    return %c0_i32, %c0_i32_0, %arg0, %c0_i32_1 : i32, i32, i32, i32
  }
  func.func @transform_1(%arg0: i32) -> (i32, i32) {
    %c0_i32 = arith.constant 0 : i32
    %c0_i32_0 = arith.constant 0 : i32
    return %arg0, %c0_i32 : i32, i32
  }
  func.func @transform_2(%arg0: i32) -> (i32, i32) {
    %c0_i32 = arith.constant 0 : i32
    %c0_i32_0 = arith.constant 0 : i32
    return %arg0, %c0_i32 : i32, i32
  }
  func.func @transform_3(%arg0: i32) -> (i32, i32) {
    %c0_i32 = arith.constant 0 : i32
    %c0_i32_0 = arith.constant 0 : i32
    return %arg0, %c0_i32 : i32, i32
  }
  func.func @transform_4(%arg0: i32) -> (i32, i32) {
    %c0_i32 = arith.constant 0 : i32
    %c0_i32_0 = arith.constant 0 : i32
    return %arg0, %c0_i32 : i32, i32
  }
  func.func @transform_5(%arg0: i32) -> (i32, i32) {
    %c0_i32 = arith.constant 0 : i32
    %c0_i32_0 = arith.constant 0 : i32
    %c0_i32_1 = arith.constant 0 : i32
    return %c0_i32, %c0_i32_0 : i32, i32
  }
  func.func @transform_6(%arg0: i32) -> (i32, i32) {
    %c0_i32 = arith.constant 0 : i32
    %c0_i32_0 = arith.constant 0 : i32
    %c0_i32_1 = arith.constant 0 : i32
    return %c0_i32, %c0_i32_0 : i32, i32
  }
  func.func @transform_7(%arg0: i32) -> (i32, i32) {
    %c0_i32 = arith.constant 0 : i32
    %c0_i32_0 = arith.constant 0 : i32
    %c0_i32_1 = arith.constant 0 : i32
    return %c0_i32, %c0_i32_0 : i32, i32
  }
  func.func @transform_8(%arg0: i32) -> (i32, i32) {
    %c0_i32 = arith.constant 0 : i32
    %c0_i32_0 = arith.constant 0 : i32
    %c0_i32_1 = arith.constant 0 : i32
    return %c0_i32, %c0_i32_0 : i32, i32
  }
  func.func @transform_9(%arg0: i32) -> (i32, i32) {
    %c0_i32 = arith.constant 0 : i32
    %c0_i32_0 = arith.constant 0 : i32
    return %arg0, %c0_i32 : i32, i32
  }
  func.func @transform_10(%arg0: i32) -> (i32, i32) {
    %c0_i32 = arith.constant 0 : i32
    %c0_i32_0 = arith.constant 0 : i32
    return %arg0, %c0_i32 : i32, i32
  }
}

module attributes {stable_mosaic.version = 14 : i64} {
  func.func @_layer2_body(%arg0: i32, %arg1: memref<2x2x640x128xf32, #tpu.memory_space<vmem>>, %arg2: memref<640x1xf32, #tpu.memory_space<vmem>>, %arg3: memref<640x1xf32, #tpu.memory_space<vmem>>, %arg4: memref<128x128xf32, #tpu.memory_space<vmem>>, %arg5: memref<128x128xf32, #tpu.memory_space<vmem>>, %arg6: memref<1x128xf32, #tpu.memory_space<vmem>>, %arg7: memref<1x128xf32, #tpu.memory_space<vmem>>, %arg8: memref<640x128xf32, #tpu.memory_space<vmem>>) attributes {dimension_semantics = [#tpu.dimension_semantics<arbitrary>], iteration_bounds = array<i64: 16>, scalar_prefetch = 0 : i64, scratch_operands = 0 : i64, tpu.core_type = #tpu.core_type<tc>, window_params = [{transform_indices = @transform_0, window_bounds = array<i64: 2, 2, 640, 128>}, {transform_indices = @transform_1, window_bounds = array<i64: 640, 1>}, {transform_indices = @transform_2, window_bounds = array<i64: 640, 1>}, {pipeline_mode = #tpu.pipeline_mode<synchronous>, transform_indices = @transform_3, window_bounds = array<i64: 128, 128>}, {pipeline_mode = #tpu.pipeline_mode<synchronous>, transform_indices = @transform_4, window_bounds = array<i64: 128, 128>}, {pipeline_mode = #tpu.pipeline_mode<synchronous>, transform_indices = @transform_5, window_bounds = array<i64: 1, 128>}, {pipeline_mode = #tpu.pipeline_mode<synchronous>, transform_indices = @transform_6, window_bounds = array<i64: 1, 128>}, {transform_indices = @transform_7, window_bounds = array<i64: 640, 128>}]} {
    %get3A = arith.constant 0 : index
    %get3A_0 = arith.constant 0 : index
    %get3A_1 = arith.constant 0 : index
    %get3A_2 = arith.constant 0 : index
    %get3A_3 = vector.load %arg1[%get3A, %get3A_0, %get3A_1, %get3A_2] : memref<2x2x640x128xf32, #tpu.memory_space<vmem>>, vector<1x1x640x128xf32>
    %get3A_4 = vector.shape_cast %get3A_3 : vector<1x1x640x128xf32> to vector<640x128xf32>
    %get3A_5 = arith.constant 0 : index
    %get3A_6 = arith.constant 1 : index
    %get3A_7 = arith.constant 0 : index
    %get3A_8 = arith.constant 0 : index
    %get3A_9 = vector.load %arg1[%get3A_5, %get3A_6, %get3A_7, %get3A_8] : memref<2x2x640x128xf32, #tpu.memory_space<vmem>>, vector<1x1x640x128xf32>
    %get3A_10 = vector.shape_cast %get3A_9 : vector<1x1x640x128xf32> to vector<640x128xf32>
    %add3A = arith.addf %get3A_4, %get3A_10 : vector<640x128xf32>
    %get3A_11 = arith.constant 0 : index
    %get3A_12 = arith.constant 0 : index
    %get3A_13 = vector.load %arg2[%get3A_11, %get3A_12] : memref<640x1xf32, #tpu.memory_space<vmem>>, vector<640x1xf32>
    %mul3A = vector.broadcast %get3A_13 : vector<640x1xf32> to vector<640x128xf32>
    %mul3A_14 = arith.mulf %add3A, %mul3A : vector<640x128xf32>
    %get3A_15 = arith.constant 1 : index
    %get3A_16 = arith.constant 0 : index
    %get3A_17 = arith.constant 0 : index
    %get3A_18 = arith.constant 0 : index
    %get3A_19 = vector.load %arg1[%get3A_15, %get3A_16, %get3A_17, %get3A_18] : memref<2x2x640x128xf32, #tpu.memory_space<vmem>>, vector<1x1x640x128xf32>
    %get3A_20 = vector.shape_cast %get3A_19 : vector<1x1x640x128xf32> to vector<640x128xf32>
    %get3A_21 = arith.constant 1 : index
    %get3A_22 = arith.constant 1 : index
    %get3A_23 = arith.constant 0 : index
    %get3A_24 = arith.constant 0 : index
    %get3A_25 = vector.load %arg1[%get3A_21, %get3A_22, %get3A_23, %get3A_24] : memref<2x2x640x128xf32, #tpu.memory_space<vmem>>, vector<1x1x640x128xf32>
    %get3A_26 = vector.shape_cast %get3A_25 : vector<1x1x640x128xf32> to vector<640x128xf32>
    %add3A_27 = arith.addf %get3A_20, %get3A_26 : vector<640x128xf32>
    %get3A_28 = arith.constant 0 : index
    %get3A_29 = arith.constant 0 : index
    %get3A_30 = vector.load %arg3[%get3A_28, %get3A_29] : memref<640x1xf32, #tpu.memory_space<vmem>>, vector<640x1xf32>
    %mul3A_31 = vector.broadcast %get3A_30 : vector<640x1xf32> to vector<640x128xf32>
    %mul3A_32 = arith.mulf %add3A_27, %mul3A_31 : vector<640x128xf32>
    %get3A_33 = arith.constant 0 : index
    %get3A_34 = arith.constant 0 : index
    %get3A_35 = vector.load %arg4[%get3A_33, %get3A_34] : memref<128x128xf32, #tpu.memory_space<vmem>>, vector<128x128xf32>
    %dot_general3A = arith.constant dense<0.000000e+00> : vector<640x128xf32>
    %dot_general3A_36 = tpu.matmul %mul3A_14, %get3A_35, %dot_general3A {dimension_numbers = #tpu.dot_dimension_numbers<[1], [0], [0], [1], [0, 0, 1, 1], [], []>, transpose_lhs_hint = false} : vector<640x128xf32>, vector<128x128xf32>, vector<640x128xf32> -> vector<640x128xf32>
    %get3A_37 = arith.constant 0 : index
    %get3A_38 = arith.constant 0 : index
    %get3A_39 = vector.load %arg6[%get3A_37, %get3A_38] : memref<1x128xf32, #tpu.memory_space<vmem>>, vector<1x128xf32>
    %add3A_40 = vector.broadcast %get3A_39 : vector<1x128xf32> to vector<640x128xf32>
    %add3A_41 = arith.addf %dot_general3A_36, %add3A_40 : vector<640x128xf32>
    %get3A_42 = arith.constant 0 : index
    %get3A_43 = arith.constant 0 : index
    %get3A_44 = vector.load %arg5[%get3A_42, %get3A_43] : memref<128x128xf32, #tpu.memory_space<vmem>>, vector<128x128xf32>
    %dot_general3A_45 = arith.constant dense<0.000000e+00> : vector<640x128xf32>
    %dot_general3A_46 = tpu.matmul %mul3A_32, %get3A_44, %dot_general3A_45 {dimension_numbers = #tpu.dot_dimension_numbers<[1], [0], [0], [1], [0, 0, 1, 1], [], []>, transpose_lhs_hint = false} : vector<640x128xf32>, vector<128x128xf32>, vector<640x128xf32> -> vector<640x128xf32>
    %add3A_47 = arith.addf %add3A_41, %dot_general3A_46 : vector<640x128xf32>
    %get3A_48 = arith.constant 0 : index
    %get3A_49 = arith.constant 0 : index
    %get3A_50 = vector.load %arg7[%get3A_48, %get3A_49] : memref<1x128xf32, #tpu.memory_space<vmem>>, vector<1x128xf32>
    %add3A_51 = vector.broadcast %get3A_50 : vector<1x128xf32> to vector<640x128xf32>
    %add3A_52 = arith.addf %add3A_47, %add3A_51 : vector<640x128xf32>
    %mul3A_53 = arith.constant 5.000000e-01 : f32
    %mul3A_54 = vector.broadcast %mul3A_53 : f32 to vector<640x128xf32>
    %mul3A_55 = arith.mulf %add3A_52, %mul3A_54 : vector<640x128xf32>
    %swap3A = arith.constant 0 : index
    %swap3A_56 = arith.constant 0 : index
    %swap3A_57 = vector.load %arg8[%swap3A, %swap3A_56] : memref<640x128xf32, #tpu.memory_space<vmem>>, vector<640x128xf32>
    tpu.vector_store %arg8[%swap3A, %swap3A_56], %mul3A_55 {strides = array<i32>} : memref<640x128xf32, #tpu.memory_space<vmem>>, vector<640x128xf32>,
    return
  }
  func.func @transform_0(%arg0: i32) -> (i32, i32, i32, i32) {
    %c0_i32 = arith.constant 0 : i32
    %c0_i32_0 = arith.constant 0 : i32
    %c0_i32_1 = arith.constant 0 : i32
    %c0_i32_2 = arith.constant 0 : i32
    return %c0_i32, %c0_i32_0, %arg0, %c0_i32_1 : i32, i32, i32, i32
  }
  func.func @transform_1(%arg0: i32) -> (i32, i32) {
    %c0_i32 = arith.constant 0 : i32
    %c0_i32_0 = arith.constant 0 : i32
    return %arg0, %c0_i32 : i32, i32
  }
  func.func @transform_2(%arg0: i32) -> (i32, i32) {
    %c0_i32 = arith.constant 0 : i32
    %c0_i32_0 = arith.constant 0 : i32
    return %arg0, %c0_i32 : i32, i32
  }
  func.func @transform_3(%arg0: i32) -> (i32, i32) {
    %c0_i32 = arith.constant 0 : i32
    %c0_i32_0 = arith.constant 0 : i32
    %c0_i32_1 = arith.constant 0 : i32
    return %c0_i32, %c0_i32_0 : i32, i32
  }
  func.func @transform_4(%arg0: i32) -> (i32, i32) {
    %c0_i32 = arith.constant 0 : i32
    %c0_i32_0 = arith.constant 0 : i32
    %c0_i32_1 = arith.constant 0 : i32
    return %c0_i32, %c0_i32_0 : i32, i32
  }
  func.func @transform_5(%arg0: i32) -> (i32, i32) {
    %c0_i32 = arith.constant 0 : i32
    %c0_i32_0 = arith.constant 0 : i32
    %c0_i32_1 = arith.constant 0 : i32
    return %c0_i32, %c0_i32_0 : i32, i32
  }
  func.func @transform_6(%arg0: i32) -> (i32, i32) {
    %c0_i32 = arith.constant 0 : i32
    %c0_i32_0 = arith.constant 0 : i32
    %c0_i32_1 = arith.constant 0 : i32
    return %c0_i32, %c0_i32_0 : i32, i32
  }
  func.func @transform_7(%arg0: i32) -> (i32, i32) {
    %c0_i32 = arith.constant 0 : i32
    %c0_i32_0 = arith.constant 0 : i32
    return %arg0, %c0_i32 : i32, i32
  }
}

</mosaic_0001>

<sc_bundles>
// kernel: kernel.11.cloned.1.call-start
scs
__scs_entry_jumppad:
0x0: {  	(pc) =	sbr.rel $0x88, $3  }
0x1: {  	(tag) =	ssettag $0x0;
	lr =	simm.s32 $0x1  }
0x2: {  	[smem:$0x3F96] =	sst lr;
	_ =	strace $0xD0000000  }
0x3: {  	_ = 	snop  }
0x4: {  	_ = 	snop  }
0x5: {  	_ = 	snop  }
0x6: {  	_ = 	snop  }
0x7: {  	_ = 	snop  }
__scs_overlays_trampoline_lowered:
0x8: {  	[smem:$0x3FA5] =	sst s0  }
0x9: {  	[smem:$0x3FA6] =	sst s1  }
0xa: {  	[smem:$0x3FA7] =	sst s2  }
0xb: {  	[smem:$0x3FA8] =	sst s3  }
0xc: {  	[smem:$0x3FA9] =	sst s4  }
0xd: {  	[smem:$0x3FAA] =	sst s5  }
0xe: {  	[smem:$0x3FAB] =	sst s6  }
0xf: {  	[smem:$0x3FAC] =	sst s7  }
0x10: {  	[smem:$0x3FAD] =	sst s8  }
0x11: {  	[smem:$0x3FAE] =	sst s9;
	s0 =	simm.s32 @!p0 $0x0  }
0x12: {  	s1 =	sld [smem:$0x3F94];
	s0 =	simm.s32 @p0 $0x1  }
0x13: {  	[smem:$0x3FAF] =	sst s0;
	s0 =	simm.s32 @!p1 $0x0  }
0x14: {  	s2 =	sld [smem:$0x3F93];
	s0 =	simm.s32 @p1 $0x1  }
0x15: {  	[smem:$0x3FB0] =	sst s0;
	s0 =	simm.s32 @!p2 $0x0  }
0x16: {  	s3 =	sld [smem:$0x3FDB];
	s0 =	simm.s32 @p2 $0x1  }
0x17: {  	s4 =	simm.s32 $0x1BF5;
	[smem:$0x3FB2] =	sst s0  }
0x18: {  	s0 =	sld [smem:$0x3F95];
	_ =	swait.ge [sflag:s4], $0x0  }
0x19: {  	s7 =	sld [smem:$0x3F96]  }
0x1a: {  	s8 =	sadd.s32 $0xFFFFE003, lr  }
0x1b: {  	s9 =	sadd.s32 $0xFFFFFEF7, lr;
	s5 =	simm.s32 $0xFFFFFFFF;
	p2 =	slt.u32 s8, $0xFFFFF086  }
0x1c: {  	p1 =	slt.u32 s9, $0xF7A;
	s5 =	simm.s32 @!p2 $0x0  }
0x1d: {  	s5 =	simm.s32 @p1 $0x1;
	p0 =	seq.s32 s7, s2  }
0x1e: {  	s7 =	smul.u32 @!p0 $0xF7A, s2;
	p2 =	seq.s32 @!p0 s5, $0x0  }
0x1f: {  	s9 =	smul.u32 $0xF7A, s1;
	s8 =	simm.s32 @!p0 $0x1BF5;
	p2 =	por !p2, p0  }
0x20: {  	[sflag:s8] =	ssyncset.s32 @!p0 $0xFFFFF086;
	s6 =	sadd.s32 @!p0 s3, s7;
	s7 =	simm.s32 @!p0 $0x108  }
0x21: {  	s3 =	sadd.s32 s3, s9;
	s6 =	sadd.s32 @!p0 $0x88, s6;
	s7 =	simm.s32 @p2 $0x1082  }
0x22: {  	[simem:s7], [sflag:s8] =	dma.local @!p0 [hbm:s6], $0xF7A  }
0x23: {  	s9 =	sor.u32 $0xD0000000, s2;
	s6 =	simm.s32 $0x108;
	_ =	swait.ge @!p0 [sflag:s8], $0x0  }
0x24: {  	s3 =	sadd.s32 $0x88, s3;
	s6 =	simm.s32 @!p1 $0x1082;
	[sflag:s4] =	ssyncset.s32 $0xFFFFF086  }
0x25: {  	[simem:s6], [sflag:s4] =	dma.local [hbm:s3], $0xF7A  }
0x26: {  	[smem:$0x3F96] =	sst s1;
	(tag) =	ssettag s2;
	_ =	strace s9  }
0x27: {  	s1 =	sld [smem:$0x3FA6]  }
0x28: {  	s2 =	sld [smem:$0x3FA7]  }
0x29: {  	s4 =	sld [smem:$0x3FA9]  }
0x2a: {  	p0 =	seq.s32 s5, $0x0;
	s5 =	sld [smem:$0x3FAA]  }
0x2b: {  	s6 =	sld [smem:$0x3FAB]  }
0x2c: {  	s7 =	sld [smem:$0x3FAC]  }
0x2d: {  	s3 =	simm.s32 $0x108;
	s8 =	sld [smem:$0x3FAD]  }
0x2e: {  	s3 =	simm.s32 @!p0 $0x1082;
	s9 =	sld [smem:$0x3FAE]  }
0x2f: {  	lr =	sadd.s32 s0, s3;
	s0 =	sld [smem:$0x3FA5]  }
0x30: {  	s3 =	sld [smem:$0x3FA8]  }
0x31: {  	[smem:$0x3FB1] =	sst s10  }
0x32: {  	s10 =	sld [smem:$0x3FAF];
	_ =	sdelay $0x3  }
0x33: {  	p0 =	seq.s32 s10, $0x1;
	s10 =	sld [smem:$0x3FB1];
	_ =	sdelay $0x3  }
0x34: {  	[smem:$0x3FB1] =	sst s10  }
0x35: {  	s10 =	sld [smem:$0x3FB0];
	_ =	sdelay $0x3  }
0x36: {  	p1 =	seq.s32 s10, $0x1;
	s10 =	sld [smem:$0x3FB1];
	_ =	sdelay $0x3  }
0x37: {  	[smem:$0x3FB1] =	sst s10  }
0x38: {  	s10 =	sld [smem:$0x3FB2]  }
0x39: {  	_ = 	snop;
	(pc) =	sbr.ind lr, $3  }
0x3a: {  	_ = 	snop  }
0x3b: {  	_ = 	snop  }
0x3c: {  	p2 =	seq.s32 s10, $0x1;
	s10 =	sld [smem:$0x3FB1]  }
0x3d: {  	_ =	shalt  }
0x3e: {  	_ =	shalt  }
0x3f: {  	_ =	shalt  }
0x40: {  	_ =	shalt  }
0x41: {  	_ =	shalt  }
0x42: {  	_ =	shalt  }
0x43: {  	_ =	shalt  }
0x44: {  	_ =	shalt  }
0x45: {  	_ =	shalt  }
0x46: {  	_ =	shalt  }
0x47: {  	_ =	shalt  }
0x48: {  	_ =	shalt  }
0x49: {  	_ =	shalt  }
0x4a: {  	_ =	shalt  }
0x4b: {  	_ =	shalt  }
0x4c: {  	_ =	shalt  }
0x4d: {  	_ =	shalt  }
0x4e: {  	_ =	shalt  }
0x4f: {  	_ =	shalt  }
0x50: {  	_ =	shalt  }
0x51: {  	_ =	shalt  }
0x52: {  	_ =	shalt  }
0x53: {  	_ =	shalt  }
0x54: {  	_ =	shalt  }
0x55: {  	_ =	shalt  }
0x56: {  	_ =	shalt  }
0x57: {  	_ =	shalt  }
0x58: {  	_ =	shalt  }
0x59: {  	_ =	shalt  }
0x5a: {  	_ =	shalt  }
0x5b: {  	_ =	shalt  }
0x5c: {  	_ =	shalt  }
0x5d: {  	_ =	shalt  }
0x5e: {  	_ =	shalt  }
0x5f: {  	_ =	shalt  }
0x60: {  	_ =	shalt  }
0x61: {  	_ =	shalt  }
0x62: {  	_ =	shalt  }
0x63: {  	_ =	shalt  }
0x64: {  	_ =	shalt  }
0x65: {  	_ =	shalt  }
0x66: {  	_ =	shalt  }
0x67: {  	_ =	shalt  }
0x68: {  	_ =	shalt  }
0x69: {  	_ =	shalt  }
0x6a: {  	_ =	shalt  }
0x6b: {  	_ =	shalt  }
0x6c: {  	_ =	shalt  }
0x6d: {  	_ =	shalt  }
0x6e: {  	_ =	shalt  }
0x6f: {  	_ =	shalt  }
0x70: {  	_ =	shalt  }
0x71: {  	_ =	shalt  }
0x72: {  	_ =	shalt  }
0x73: {  	_ =	shalt  }
0x74: {  	_ =	shalt  }
0x75: {  	_ =	shalt  }
0x76: {  	_ =	shalt  }
0x77: {  	_ =	shalt  }
0x78: {  	_ =	shalt  }
0x79: {  	_ =	shalt  }
0x7a: {  	_ =	shalt  }
0x7b: {  	_ =	shalt  }
0x7c: {  	_ =	shalt  }
0x7d: {  	_ =	shalt  }
0x7e: {  	_ =	shalt  }
0x7f: {  	_ =	shalt  }
0x80: {  	_ =	shalt  }
0x81: {  	_ =	shalt  }
0x82: {  	_ =	shalt  }
0x83: {  	_ =	shalt  }
0x84: {  	_ =	shalt  }
0x85: {  	_ =	shalt  }
0x86: {  	_ =	shalt  }
0x87: {  	_ =	shalt  }
.Lfunc_end0:
.L_simem_size_0:
called_computation.1_lowered:
.L_overlay_start_0:
0x88: {  	s2 =	sld [smem:$0x3FD9]  }
0x89: {  	s3 =	sld [smem:$0x3FFE];
	_ =	sdelay $0x1  }
0x8a: {  	s1 =	srdreg.scid  }
0x8b: {  	s0 =	sand.u32 $0x1, s1  }
0x8c: {  	s17 =	sshll.u32 s0, $0xA;
	s2 =	sadd.s32 s3, s2  }
0x8d: {  	s2 =	sadd.s32 s2, s17  }
0x8e: {  	[smem:$0x3FBD] =	sst s2  }
0x8f: {  	_ = 	snop  }
0x90: {  	s2 =	sld [smem:$0x3FD0];
	(tm) =	ssettm $0x1  }
0x91: {  	s18 =	sld [smem:$0x3FFB];
	_ =	sdelay $0x3  }
0x92: {  	_ =	strace s18  }
0x93: {  	s3 =	sld [smem:$0x3FFC];
	_ =	sdelay $0x3  }
0x94: {  	_ =	strace s3  }
0x95: {  	s3 =	sld [smem:$0x3FFD];
	_ =	sdelay $0x3  }
0x96: {  	_ =	strace s3  }
0x97: {  	_ =	strace $0x8FFFFFFF  }
0x98: {  	s19 =	sld [smem:$0x3FDB];
	_ =	sdelay $0x1  }
0x99: {  	s4 =	simm.s32 $_scs_section_size  }
0x9a: {  	s5 =	simm.s32 $_size__tile_overlayer_lowered;
	s6 =	simm.s32 $_tile_overlayer_lowered  }
0x9b: {  	s22 =	simm.s32 $0x1BFF;
	s21 =	sshll.u32 s6, $0x1;
	s3 =	sadd.s32 s4, s19  }
0x9c: {  	s7 =	simm.s32 $0x0;
	s20 =	sshll.u32 s5, $0x1;
	s5 =	sadd.s32 s21, s3  }
0x9d: {  	[timem:s7], [sflag:s22] =	dma.local [hbm:s5], s20  }
0x9e: {  	_ =	swait.ge [sflag:s22], s20  }
0x9f: {  	s4 =	ssub.s32 $0x0, s20;
	[sflag:s22] =	ssyncset.done $0x0  }
0xa0: {  	[sflag:s22] =	ssyncadd.s32 s4;
	_ =	sdelay $0x1  }
0xa1: {  	s23 =	simm.s32 $0x1B8B  }
0xa2: {  	_ =	swait.ge [sflag:s23], $0x1  }
0xa3: {  	[sflag:s23] =	ssyncset.done $0x0  }
0xa4: {  	s25 =	simm.s32 $0x1B8E;
	s24 =	sld [smem:$0x3FFE];
	[sflag:s23] =	ssyncadd.s32 $0xFFFFFFFF  }
0xa5: {  	s26 =	simm.s32 $execute0_lowered;
	[smem:$0x3FD2] =	sst s25  }
0xa6: {  	s5 =	sshll.u32 s26, $0x1;
	_ =	strace $0x80000049;
	[dreg:$0x1] =	wrdreg $0xFFFFFFFF  }
0xa7: {  	s28 =	simm.s32 $_size_execute0_lowered;
	s3 =	sadd.s32 s3, s5;
	[dreg:$0x0] =	wrdreg $0x0  }
0xa8: {  	s5 =	sshll.u32 s28, $0x1;
	[dreg:$0x2] =	wrdreg s3  }
0xa9: {  	[dreg:$0x3] =	wrdreg s5  }
0xaa: {  	[dreg:$0x4] =	wrdreg $0xC0  }
0xab: {  	_ =	task [dreg:s7], $0x5FFFF  }
0xac: {  	[dreg:$0x1] =	wrdreg $0xFFFFFFFF  }
0xad: {  	[dreg:$0x0] =	wrdreg $0x60  }
0xae: {  	[dreg:$0x2] =	wrdreg s24  }
0xaf: {  	[dreg:$0x3] =	wrdreg s2  }
0xb0: {  	[dreg:$0x4] =	wrdreg $0x0  }
0xb1: {  	[dreg:$0x5] =	wrdreg $0x9  }
0xb2: {  	_ =	task.clear_ibuf [dreg:s7], $0x6FFFF;
	_ =	strace $0x90000049  }
0xb3: {  	s29 =	simm.s32 $0x9;
	_ =	strace $0x80000051  }
0xb4: {  	_ =	swait.ge [sflag:s29], $0x1  }
0xb5: {  	[sflag:s29] =	ssyncadd.s32 $0xFFFFFFFF  }
0xb6: {  	_ =	strace $0x90000051  }
0xb7: {  	_ =	sfence  }
0xb8: {  	s30 =	sld [smem:$0x0];
	_ =	sdelay $0x2  }
0xb9: {  	s31 =	sshll.u32 s1, $0xD;
	s1 =	sshrl.u32 s1, $0x2  }
0xba: {  	s3 =	sand.u32 $0x4000, s31;
	s1 =	sadd.s32 s1, s30  }
0xbb: {  	s0 =	sor.u32 s3, s0;
	s1 =	sshll.u32 s1, $0x11  }
0xbc: {  	s0 =	sor.u32 s1, s0  }
0xbd: {  	s0 =	sadd.s32 $0x8F2B, s0  }
0xbe: {  	[sflag:s0] =	ssyncadd.remote.s32 $0x1  }
0xbf: {  	_ =	sfence.sel $0xFFFF  }
0xc0: {  	[dreg:$0x0] =	wrdreg $0xFFFFFFFF;
	(pc) =	sbr.abs _section_cstart, $3  }
0xc1: {  	[dreg:$0x1] =	wrdreg $0xFFFFFFFF  }
0xc2: {  	_ =	task.clear_ibuf [dreg:s7], $0x2FFFF;
	_ =	strace $0x9FFFFFFF  }
0xc3: {  	(tm) =	ssettm $0x7FFFFFFF  }
tec
execute0_lowered:
.L_overlay_start_1:
0x0: {  	(tag) =	ssettag $0x1  }
0x1: {  	s0 =	rddreg [dreg:$0x0]  }
0x2: {  	s2 =	rddreg [dreg:$0x1]  }
0x3: {  	s1 =	rddreg [dreg:$0x2]  }
0x4: {  	s3 =	srdreg.scid;
	s13 =	stileid.u32;
	s31 =	simm.s32 $0x16800  }
0x5: {  	s6 =	sand.u32 $0x1, s3;
	s3 =	simm.s32 $0x0;
	s8 =	smul.u32 $0x14000, s13  }
0x6: {  	s4 =	sadd.s32 $0x70400, s0;
	s5 =	sadd.s32 $0x98400, s0;
	s12 =	smul.u32 $0x50000, s13  }
0x7: {  	s9 =	sadd.s32 $0x66400, s0;
	s26 =	sshll.u32 s13, $0x1;
	s7 =	smul.u32 $0x140000, s6  }
0x8: {  	[smem:$0x7FF] =	sst s3;
	s11 =	ssub.s32 $0x2, s6;
	s6 =	sshll.u32 s6, $0x5  }
0x9: {  	s10 =	sadd.s32 $0x52400, s0;
	_ =	strace $0x8000004A;
	s6 =	sor.u32 s6, s26  }
0xa: {  	s25 =	sshrl.u32 s11, $0x1;
	s13 =	sshrl.u32 s12, $0x2;
	s6 =	smul.u32 $0x280, s6  }
0xb: {  	s7 =	sadd.s32 s8, s7;
	s8 =	sadd.s32 $0x5C400, s0;
	s12 =	sadd.s32 s13, s1  }
0xc: {  	s13 =	simm.s32 $0x3;
	s7 =	sshrl.u32 s7, $0x3;
	s22 =	sadd.s32 s9, s6  }
0xd: {  	s28 =	sadd.s32 $0x8000, s12;
	s23 =	sadd.s32 s10, s6;
	[dreg:$0xc] =	wrdreg s22  }
0xe: {  	s0 =	sadd.s32 s7, s0;
	s26 =	sadd.s32 s8, s6;
	[dreg:$0xd] =	wrdreg s23  }
0xf: {  	s24 =	sadd.s32 $0x280, s6;
	s6 =	sadd.s32 s2, s6;
	[dreg:$0x10] =	wrdreg s26  }
0x10: {  	s29 =	sadd.s32 $0xC000, s12;
	s14 =	sadd.s32 $0xC0400, s0;
	[dreg:$0x11] =	wrdreg s6  }
0x11: {  	s30 =	sadd.s32 $0x10000, s12;
	s15 =	sadd.s32 $0xC0C00, s0;
	[dreg:$0x4] =	wrdreg s14  }
0x12: {  	s7 =	ssub.s32 s11, s25;
	s16 =	sadd.s32 $0xC1400, s0;
	[dreg:$0x5] =	wrdreg s15  }
0x13: {  	s11 =	simm.s32 $0x2;
	s17 =	sadd.s32 $0xC1C00, s0;
	[dreg:$0x6] =	wrdreg s16  }
0x14: {  	s18 =	sadd.s32 $0xC2400, s0;
	s19 =	sadd.s32 $0x110400, s0;
	[dreg:$0x7] =	wrdreg s17  }
0x15: {  	s20 =	sadd.s32 $0x110C00, s0;
	s21 =	sadd.s32 $0x111400, s0;
	[dreg:$0x8] =	wrdreg s18  }
0x16: {  	s9 =	sadd.s32 s9, s24;
	s25 =	sadd.s32 s10, s24;
	[dreg:$0x9] =	wrdreg s19  }
0x17: {  	s22 =	sadd.s32 s2, s24;
	s23 =	sadd.s32 $0x111C00, s0;
	[dreg:$0xa] =	wrdreg s20  }
0x18: {  	s26 =	sadd.s32 $0x4000, s12;
	s2 =	simm.s32 $0x14000;
	[dreg:$0xb] =	wrdreg s21  }
0x19: {  	s6 =	simm.s32 $0x15400;
	s10 =	simm.s32 $0x1;
	[dreg:$0xe] =	wrdreg s9  }
0x1a: {  	[dreg:$0xf] =	wrdreg s25;
	s21 =	sadd.s32 s8, s24;
	s24 =	sadd.s32 $0x112400, s0  }
0x1b: {  	s25 =	smax.u32 s7, $0x1;
	s0 =	simm.s32 $0x5;
	s7 =	simm.s32 $0x80  }
0x1c: {  	s8 =	simm.s32 $0x14080;
	s9 =	simm.s32 $0x1A800;
	s14 =	simm.s32 $0x4  }
0x1d: {  	v0 =	vimm.f32 $0.0e+00;
	s15 =	simm.s32 $0x16700;
	s16 =	simm.s32 $0x16780;
	s17 =	simm.s32 $0x0  }
.LBB2_1:
0x1e: {  	_ =	strace $0x8000004B;
	s18 =	simm.s32 $0x0;
	s19 =	simm.s32 $0x200  }
.LBB2_2:
0x1f: {  	p0 =	sne.s32 s19, $0xFE00;
	[tilespmem:s18+$0x16870] =	vst v0  }
0x20: {  	[tilespmem:s18+$0x16800] =	vst v0  }
0x21: {  	[tilespmem:s18+$0x16810] =	vst v0  }
.Ltmp0:
0x22: {  	[tilespmem:s18+$0x16820] =	vst v0;
	(pc) =	sbr.rel @p0 .LBB2_2-.Ltmp0, $4  }
0x23: {  	[tilespmem:s18+$0x16830] =	vst v0  }
0x24: {  	[tilespmem:s18+$0x16840] =	vst v0  }
0x25: {  	[tilespmem:s18+$0x16850] =	vst v0  }
0x26: {  	[tilespmem:s18+$0x16860] =	vst v0;
	s18 =	sshra.s32 s19, $0x2;
	s19 =	sadd.s32 $0x200, s19  }
0x27: {  	[tilespmem:s18+$0x16870] =	vst v0  }
0x28: {  	[tilespmem:s18+$0x16800] =	vst v0  }
0x29: {  	[tilespmem:s18+$0x16810] =	vst v0  }
0x2a: {  	[tilespmem:s18+$0x16820] =	vst v0  }
0x2b: {  	[tilespmem:s18+$0x16830] =	vst v0  }
0x2c: {  	[tilespmem:s18+$0x16840] =	vst v0  }
0x2d: {  	[tilespmem:s18+$0x16850] =	vst v0  }
0x2e: {  	[tilespmem:s18+$0x16860] =	vst v0  }
0x2f: {  	[spmem:s12] =	stream.linear.scatter [tilespmem:s31], [sflag:$0x5], $0x4000, $0x200038;
	[tilespmem:$0x1E800] =	vst v63  }
0x30: {  	_ =	swait.ge [sflag:s0], $0x4000  }
0x31: {  	[sflag:s0] =	ssyncset.done $0x0  }
0x32: {  	[sflag:s0] =	ssyncadd.s32 $0xFFFFC000  }
0x33: {  	[spmem:s26] =	stream.linear.scatter [tilespmem:s31], [sflag:$0x5], $0x4000, $0x200038;
	[tilespmem:$0x1E800] =	vst v63  }
0x34: {  	_ =	swait.ge [sflag:s0], $0x4000  }
0x35: {  	[sflag:s0] =	ssyncset.done $0x0  }
0x36: {  	[sflag:s0] =	ssyncadd.s32 $0xFFFFC000  }
0x37: {  	[spmem:s28] =	stream.linear.scatter [tilespmem:s31], [sflag:$0x5], $0x4000, $0x200038;
	[tilespmem:$0x1E800] =	vst v63  }
0x38: {  	_ =	swait.ge [sflag:s0], $0x4000  }
0x39: {  	[sflag:s0] =	ssyncset.done $0x0  }
0x3a: {  	[sflag:s0] =	ssyncadd.s32 $0xFFFFC000  }
0x3b: {  	[spmem:s29] =	stream.linear.scatter [tilespmem:s31], [sflag:$0x5], $0x4000, $0x200038;
	[tilespmem:$0x1E800] =	vst v63  }
0x3c: {  	_ =	swait.ge [sflag:s0], $0x4000  }
0x3d: {  	[sflag:s0] =	ssyncset.done $0x0  }
0x3e: {  	[sflag:s0] =	ssyncadd.s32 $0xFFFFC000  }
0x3f: {  	[spmem:s30] =	stream.linear.scatter [tilespmem:s31], [sflag:$0x5], $0x4000, $0x200038;
	[tilespmem:$0x1E800] =	vst v63  }
0x40: {  	_ =	swait.ge [sflag:s0], $0x4000  }
0x41: {  	[sflag:s0] =	ssyncset.done $0x0  }
0x42: {  	[sflag:s0] =	ssyncadd.s32 $0xFFFFC000  }
0x43: {  	[bflag:$0x0] =	sbarrier.arrive $0xFFFF  }
0x44: {  	_ =	strace $0x9000004B  }
0x45: {  	_ =	strace $0x8000004C  }
0x46: {  	s18 =	simm.s32 $0x0;
	s19 =	rddreg [dreg:$0xc]  }
0x47: {  	[tilespmem:s2], [sflag:$0x5] =	stream.linear.gather [hbm4b:s19+s18], $0x1400, $0x200038;
	[tilespmem:$0x1E800] =	vst v63  }
0x48: {  	_ =	swait.ge [sflag:s0], $0x1400  }
0x49: {  	[sflag:s0] =	ssyncset.done $0x0  }
0x4a: {  	s20 =	rddreg [dreg:$0xd];
	[sflag:s0] =	ssyncadd.s32 $0xFFFFEC00  }
0x4b: {  	[tilespmem:s6], [sflag:$0x5] =	stream.linear.gather [hbm4b:s20+s18], $0x1400, $0x200038;
	[tilespmem:$0x1E800] =	vst v63  }
0x4c: {  	_ =	swait.ge [sflag:s0], $0x1400  }
0x4d: {  	[sflag:s0] =	ssyncset.done $0x0  }
0x4e: {  	[sflag:s0] =	ssyncadd.s32 $0xFFFFEC00  }
0x4f: {  	[tilespmem:s31], [sflag:$0x1] =	stream.indirect.gather [hbm4b:s4+s7], $0x80, s2, s7, $0x2000b8;
	[tilespmem:$0x1E800] =	vst v63  }
0x50: {  	_ = 	snop  }
0x51: {  	[tilespmem:s9], [sflag:$0x2] =	stream.indirect.gather [hbm4b:s4+s7], $0x80, s8, s7, $0x2000b8;
	[tilespmem:$0x1E800] =	vst v63  }
0x52: {  	_ =	swait.ge [sflag:s10], $0x4000  }
0x53: {  	[sflag:s10] =	ssyncset.done $0x0  }
0x54: {  	s20 =	simm.s32 $0x15400;
	[sflag:s10] =	ssyncadd.s32 $0xFFFFC000  }
0x55: {  	[spmem:s1] =	stream.indirect.scatter.add.f32 [tilespmem:s31], [sflag:$0x3], $0x80, s20, s7, $0x2000b8;
	[tilespmem:$0x1E800] =	vst v63  }
0x56: {  	_ =	swait.ge [sflag:s11], $0x4000  }
0x57: {  	[sflag:s11] =	ssyncset.done $0x0  }
0x58: {  	s19 =	simm.s32 $0x15480;
	[sflag:s11] =	ssyncadd.s32 $0xFFFFC000  }
0x59: {  	[spmem:s1] =	stream.indirect.scatter.add.f32 [tilespmem:s9], [sflag:$0x4], $0x80, s19, s7, $0x2000b8;
	[tilespmem:$0x1E800] =	vst v63  }
0x5a: {  	_ =	swait.ge [sflag:s13], $0x4000  }
0x5b: {  	[sflag:s13] =	ssyncset.done $0x0  }
0x5c: {  	s20 =	simm.s32 $0x14100;
	[sflag:s13] =	ssyncadd.s32 $0xFFFFC000  }
0x5d: {  	[tilespmem:s31], [sflag:$0x1] =	stream.indirect.gather [hbm4b:s4+s7], $0x80, s20, s7, $0x2000b8;
	[tilespmem:$0x1E800] =	vst v63  }
0x5e: {  	_ =	swait.ge [sflag:s14], $0x4000  }
0x5f: {  	[sflag:s14] =	ssyncset.done $0x0  }
0x60: {  	s18 =	simm.s32 $0x400;
	s19 =	simm.s32 $0x14180;
	[sflag:s14] =	ssyncadd.s32 $0xFFFFC000  }
.LBB2_4:
0x61: {  	[tilespmem:s9], [sflag:$0x2] =	stream.indirect.gather [hbm4b:s4+s7], $0x80, s19, s7, $0x2000b8;
	[tilespmem:$0x1E800] =	vst v63  }
0x62: {  	s19 =	smov.u32 s18  }
0x63: {  	p0 =	sne.s32 s18, $0x4800;
	s18 =	sadd.s32 $0x400, s18;
	_ =	swait.ge [sflag:s10], $0x4000  }
0x64: {  	s19 =	sshra.s32 s19, $0x2;
	[sflag:s10] =	ssyncset.done $0x0  }
0x65: {  	s20 =	sadd.s32 $0x15400, s19;
	[sflag:s10] =	ssyncadd.s32 $0xFFFFC000  }
0x66: {  	[spmem:s1] =	stream.indirect.scatter.add.f32 [tilespmem:s31], [sflag:$0x3], $0x80, s20, s7, $0x2000b8;
	[tilespmem:$0x1E800] =	vst v63  }
0x67: {  	_ =	swait.ge [sflag:s11], $0x4000  }
0x68: {  	[sflag:s11] =	ssyncset.done $0x0  }
0x69: {  	s20 =	sadd.s32 $0x15480, s19;
	[sflag:s11] =	ssyncadd.s32 $0xFFFFC000  }
0x6a: {  	[spmem:s1] =	stream.indirect.scatter.add.f32 [tilespmem:s9], [sflag:$0x4], $0x80, s20, s7, $0x2000b8;
	[tilespmem:$0x1E800] =	vst v63  }
0x6b: {  	_ =	swait.ge [sflag:s13], $0x4000  }
0x6c: {  	[sflag:s13] =	ssyncset.done $0x0  }
.Ltmp1:
0x6d: {  	s20 =	sadd.s32 $0x14100, s19;
	[sflag:s13] =	ssyncadd.s32 $0xFFFFC000;
	(pc) =	sbr.rel @p0 .LBB2_4-.Ltmp1, $4  }
0x6e: {  	[tilespmem:s31], [sflag:$0x1] =	stream.indirect.gather [hbm4b:s4+s7], $0x80, s20, s7, $0x2000b8;
	[tilespmem:$0x1E800] =	vst v63  }
0x6f: {  	_ =	swait.ge [sflag:s14], $0x4000  }
0x70: {  	[sflag:s14] =	ssyncset.done $0x0  }
0x71: {  	s19 =	sadd.s32 $0x14180, s19;
	[sflag:s14] =	ssyncadd.s32 $0xFFFFC000  }
0x72: {  	[tilespmem:s9], [sflag:$0x2] =	stream.indirect.gather [hbm4b:s4+s7], $0x80, s19, s7, $0x2000b8;
	[tilespmem:$0x1E800] =	vst v63  }
0x73: {  	_ =	swait.ge [sflag:s10], $0x4000  }
0x74: {  	[sflag:s10] =	ssyncset.done $0x0  }
0x75: {  	[sflag:s10] =	ssyncadd.s32 $0xFFFFC000  }
0x76: {  	[spmem:s1] =	stream.indirect.scatter.add.f32 [tilespmem:s31], [sflag:$0x3], $0x80, s15, s7, $0x2000b8;
	[tilespmem:$0x1E800] =	vst v63  }
0x77: {  	_ =	swait.ge [sflag:s11], $0x4000  }
0x78: {  	[sflag:s11] =	ssyncset.done $0x0  }
0x79: {  	[sflag:s11] =	ssyncadd.s32 $0xFFFFC000  }
0x7a: {  	[spmem:s1] =	stream.indirect.scatter.add.f32 [tilespmem:s9], [sflag:$0x4], $0x80, s16, s7, $0x2000b8;
	[tilespmem:$0x1E800] =	vst v63  }
0x7b: {  	_ =	swait.ge [sflag:s13], $0x4000  }
0x7c: {  	[sflag:s13] =	ssyncset.done $0x0  }
0x7d: {  	[sflag:s13] =	ssyncadd.s32 $0xFFFFC000  }
0x7e: {  	_ =	swait.ge [sflag:s14], $0x4000  }
0x7f: {  	[sflag:s14] =	ssyncset.done $0x0  }
0x80: {  	s18 =	simm.s32 $0x0;
	s20 =	rddreg [dreg:$0xe];
	[sflag:s14] =	ssyncadd.s32 $0xFFFFC000  }
0x81: {  	[tilespmem:s2], [sflag:$0x5] =	stream.linear.gather [hbm4b:s20+s18], $0x1400, $0x200038;
	[tilespmem:$0x1E800] =	vst v63  }
0x82: {  	_ =	swait.ge [sflag:s0], $0x1400  }
0x83: {  	[sflag:s0] =	ssyncset.done $0x0  }
0x84: {  	s20 =	rddreg [dreg:$0xf];
	[sflag:s0] =	ssyncadd.s32 $0xFFFFEC00  }
0x85: {  	[tilespmem:s6], [sflag:$0x5] =	stream.linear.gather [hbm4b:s20+s18], $0x1400, $0x200038;
	[tilespmem:$0x1E800] =	vst v63  }
0x86: {  	_ =	swait.ge [sflag:s0], $0x1400  }
0x87: {  	[sflag:s0] =	ssyncset.done $0x0  }
0x88: {  	[sflag:s0] =	ssyncadd.s32 $0xFFFFEC00  }
0x89: {  	[tilespmem:s31], [sflag:$0x1] =	stream.indirect.gather [hbm4b:s4+s7], $0x80, s2, s7, $0x2000b8;
	[tilespmem:$0x1E800] =	vst v63  }
0x8a: {  	_ = 	snop  }
0x8b: {  	[tilespmem:s9], [sflag:$0x2] =	stream.indirect.gather [hbm4b:s4+s7], $0x80, s8, s7, $0x2000b8;
	[tilespmem:$0x1E800] =	vst v63  }
0x8c: {  	_ =	swait.ge [sflag:s10], $0x4000  }
0x8d: {  	[sflag:s10] =	ssyncset.done $0x0  }
0x8e: {  	s20 =	simm.s32 $0x15400;
	[sflag:s10] =	ssyncadd.s32 $0xFFFFC000  }
0x8f: {  	[spmem:s1] =	stream.indirect.scatter.add.f32 [tilespmem:s31], [sflag:$0x3], $0x80, s20, s7, $0x2000b8;
	[tilespmem:$0x1E800] =	vst v63  }
0x90: {  	_ =	swait.ge [sflag:s11], $0x4000  }
0x91: {  	[sflag:s11] =	ssyncset.done $0x0  }
0x92: {  	s19 =	simm.s32 $0x15480;
	[sflag:s11] =	ssyncadd.s32 $0xFFFFC000  }
0x93: {  	[spmem:s1] =	stream.indirect.scatter.add.f32 [tilespmem:s9], [sflag:$0x4], $0x80, s19, s7, $0x2000b8;
	[tilespmem:$0x1E800] =	vst v63  }
0x94: {  	_ =	swait.ge [sflag:s13], $0x4000  }
0x95: {  	[sflag:s13] =	ssyncset.done $0x0  }
0x96: {  	s20 =	simm.s32 $0x14100;
	[sflag:s13] =	ssyncadd.s32 $0xFFFFC000  }
0x97: {  	[tilespmem:s31], [sflag:$0x1] =	stream.indirect.gather [hbm4b:s4+s7], $0x80, s20, s7, $0x2000b8;
	[tilespmem:$0x1E800] =	vst v63  }
0x98: {  	_ =	swait.ge [sflag:s14], $0x4000  }
0x99: {  	[sflag:s14] =	ssyncset.done $0x0  }
0x9a: {  	s18 =	simm.s32 $0x400;
	s19 =	simm.s32 $0x14180;
	[sflag:s14] =	ssyncadd.s32 $0xFFFFC000  }
.LBB2_6:
0x9b: {  	[tilespmem:s9], [sflag:$0x2] =	stream.indirect.gather [hbm4b:s4+s7], $0x80, s19, s7, $0x2000b8;
	[tilespmem:$0x1E800] =	vst v63  }
0x9c: {  	s19 =	smov.u32 s18  }
0x9d: {  	p0 =	sne.s32 s18, $0x4800;
	s18 =	sadd.s32 $0x400, s18;
	_ =	swait.ge [sflag:s10], $0x4000  }
0x9e: {  	s19 =	sshra.s32 s19, $0x2;
	[sflag:s10] =	ssyncset.done $0x0  }
0x9f: {  	s20 =	sadd.s32 $0x15400, s19;
	[sflag:s10] =	ssyncadd.s32 $0xFFFFC000  }
0xa0: {  	[spmem:s1] =	stream.indirect.scatter.add.f32 [tilespmem:s31], [sflag:$0x3], $0x80, s20, s7, $0x2000b8;
	[tilespmem:$0x1E800] =	vst v63  }
0xa1: {  	_ =	swait.ge [sflag:s11], $0x4000  }
0xa2: {  	[sflag:s11] =	ssyncset.done $0x0  }
0xa3: {  	s20 =	sadd.s32 $0x15480, s19;
	[sflag:s11] =	ssyncadd.s32 $0xFFFFC000  }
0xa4: {  	[spmem:s1] =	stream.indirect.scatter.add.f32 [tilespmem:s9], [sflag:$0x4], $0x80, s20, s7, $0x2000b8;
	[tilespmem:$0x1E800] =	vst v63  }
0xa5: {  	_ =	swait.ge [sflag:s13], $0x4000  }
0xa6: {  	[sflag:s13] =	ssyncset.done $0x0  }
.Ltmp2:
0xa7: {  	s20 =	sadd.s32 $0x14100, s19;
	[sflag:s13] =	ssyncadd.s32 $0xFFFFC000;
	(pc) =	sbr.rel @p0 .LBB2_6-.Ltmp2, $4  }
0xa8: {  	[tilespmem:s31], [sflag:$0x1] =	stream.indirect.gather [hbm4b:s4+s7], $0x80, s20, s7, $0x2000b8;
	[tilespmem:$0x1E800] =	vst v63  }
0xa9: {  	_ =	swait.ge [sflag:s14], $0x4000  }
0xaa: {  	[sflag:s14] =	ssyncset.done $0x0  }
0xab: {  	s19 =	sadd.s32 $0x14180, s19;
	[sflag:s14] =	ssyncadd.s32 $0xFFFFC000  }
0xac: {  	[tilespmem:s9], [sflag:$0x2] =	stream.indirect.gather [hbm4b:s4+s7], $0x80, s19, s7, $0x2000b8;
	[tilespmem:$0x1E800] =	vst v63  }
0xad: {  	_ =	swait.ge [sflag:s10], $0x4000  }
0xae: {  	[sflag:s10] =	ssyncset.done $0x0  }
0xaf: {  	[sflag:s10] =	ssyncadd.s32 $0xFFFFC000  }
0xb0: {  	[spmem:s1] =	stream.indirect.scatter.add.f32 [tilespmem:s31], [sflag:$0x3], $0x80, s15, s7, $0x2000b8;
	[tilespmem:$0x1E800] =	vst v63  }
0xb1: {  	_ =	swait.ge [sflag:s11], $0x4000  }
0xb2: {  	[sflag:s11] =	ssyncset.done $0x0  }
0xb3: {  	[sflag:s11] =	ssyncadd.s32 $0xFFFFC000  }
0xb4: {  	[spmem:s1] =	stream.indirect.scatter.add.f32 [tilespmem:s9], [sflag:$0x4], $0x80, s16, s7, $0x2000b8;
	[tilespmem:$0x1E800] =	vst v63  }
0xb5: {  	_ =	swait.ge [sflag:s13], $0x4000  }
0xb6: {  	[sflag:s13] =	ssyncset.done $0x0  }
0xb7: {  	[sflag:s13] =	ssyncadd.s32 $0xFFFFC000  }
0xb8: {  	_ =	swait.ge [sflag:s14], $0x4000  }
0xb9: {  	[sflag:s14] =	ssyncset.done $0x0  }
0xba: {  	[sflag:s14] =	ssyncadd.s32 $0xFFFFC000  }
0xbb: {  	[bflag:$0x0] =	sbarrier.arrive $0xFFFF  }
0xbc: {  	_ =	strace $0x9000004C  }
0xbd: {  	_ =	strace $0x8000004D  }
0xbe: {  	[tilespmem:s31], [sflag:$0x5] =	stream.linear.gather [spmem:s12], $0x4000, $0x200038;
	[tilespmem:$0x1E800] =	vst v63  }
0xbf: {  	_ =	swait.ge [sflag:s0], $0x4000  }
0xc0: {  	[sflag:s0] =	ssyncset.done $0x0  }
0xc1: {  	s18 =	simm.s32 $0x0;
	s20 =	rddreg [dreg:$0x4];
	[sflag:s0] =	ssyncadd.s32 $0xFFFFC000  }
0xc2: {  	[hbm4b:s20+s18] =	stream.linear.scatter [tilespmem:s31], [sflag:$0x5], $0x4000, $0x200038;
	[tilespmem:$0x1E800] =	vst v63  }
0xc3: {  	_ =	swait.ge [sflag:s0], $0x4000  }
0xc4: {  	[sflag:s0] =	ssyncset.done $0x0  }
0xc5: {  	[sflag:s0] =	ssyncadd.s32 $0xFFFFC000  }
0xc6: {  	[tilespmem:s31], [sflag:$0x5] =	stream.linear.gather [spmem:s26], $0x4000, $0x200038;
	[tilespmem:$0x1E800] =	vst v63  }
0xc7: {  	_ =	swait.ge [sflag:s0], $0x4000  }
0xc8: {  	[sflag:s0] =	ssyncset.done $0x0  }
0xc9: {  	s20 =	rddreg [dreg:$0x5];
	[sflag:s0] =	ssyncadd.s32 $0xFFFFC000  }
0xca: {  	[hbm4b:s20+s18] =	stream.linear.scatter [tilespmem:s31], [sflag:$0x5], $0x4000, $0x200038;
	[tilespmem:$0x1E800] =	vst v63  }
0xcb: {  	_ =	swait.ge [sflag:s0], $0x4000  }
0xcc: {  	[sflag:s0] =	ssyncset.done $0x0  }
0xcd: {  	[sflag:s0] =	ssyncadd.s32 $0xFFFFC000  }
0xce: {  	[tilespmem:s31], [sflag:$0x5] =	stream.linear.gather [spmem:s28], $0x4000, $0x200038;
	[tilespmem:$0x1E800] =	vst v63  }
0xcf: {  	_ =	swait.ge [sflag:s0], $0x4000  }
0xd0: {  	[sflag:s0] =	ssyncset.done $0x0  }
0xd1: {  	s20 =	rddreg [dreg:$0x6];
	[sflag:s0] =	ssyncadd.s32 $0xFFFFC000  }
0xd2: {  	[hbm4b:s20+s18] =	stream.linear.scatter [tilespmem:s31], [sflag:$0x5], $0x4000, $0x200038;
	[tilespmem:$0x1E800] =	vst v63  }
0xd3: {  	_ =	swait.ge [sflag:s0], $0x4000  }
0xd4: {  	[sflag:s0] =	ssyncset.done $0x0  }
0xd5: {  	[sflag:s0] =	ssyncadd.s32 $0xFFFFC000  }
0xd6: {  	[tilespmem:s31], [sflag:$0x5] =	stream.linear.gather [spmem:s29], $0x4000, $0x200038;
	[tilespmem:$0x1E800] =	vst v63  }
0xd7: {  	_ =	swait.ge [sflag:s0], $0x4000  }
0xd8: {  	[sflag:s0] =	ssyncset.done $0x0  }
0xd9: {  	s20 =	rddreg [dreg:$0x7];
	[sflag:s0] =	ssyncadd.s32 $0xFFFFC000  }
0xda: {  	[hbm4b:s20+s18] =	stream.linear.scatter [tilespmem:s31], [sflag:$0x5], $0x4000, $0x200038;
	[tilespmem:$0x1E800] =	vst v63  }
0xdb: {  	_ =	swait.ge [sflag:s0], $0x4000  }
0xdc: {  	[sflag:s0] =	ssyncset.done $0x0  }
0xdd: {  	[sflag:s0] =	ssyncadd.s32 $0xFFFFC000  }
0xde: {  	[tilespmem:s31], [sflag:$0x5] =	stream.linear.gather [spmem:s30], $0x4000, $0x200038;
	[tilespmem:$0x1E800] =	vst v63  }
0xdf: {  	_ =	swait.ge [sflag:s0], $0x4000  }
0xe0: {  	[sflag:s0] =	ssyncset.done $0x0  }
0xe1: {  	s20 =	rddreg [dreg:$0x8];
	[sflag:s0] =	ssyncadd.s32 $0xFFFFC000  }
0xe2: {  	[hbm4b:s20+s18] =	stream.linear.scatter [tilespmem:s31], [sflag:$0x5], $0x4000, $0x200038;
	[tilespmem:$0x1E800] =	vst v63  }
0xe3: {  	_ =	swait.ge [sflag:s0], $0x4000  }
0xe4: {  	[sflag:s0] =	ssyncset.done $0x0  }
0xe5: {  	[sflag:s0] =	ssyncadd.s32 $0xFFFFC000  }
0xe6: {  	[bflag:$0x0] =	sbarrier.arrive $0xFFFF  }
0xe7: {  	_ =	strace $0x9000004D  }
0xe8: {  	s19 =	simm.s32 $0x200;
	s18 =	simm.s32 $0x0;
	_ =	strace $0x8000004E  }
.LBB2_8:
0xe9: {  	p0 =	sne.s32 s19, $0xFE00;
	[tilespmem:s18+$0x16870] =	vst v0  }
0xea: {  	[tilespmem:s18+$0x16800] =	vst v0  }
0xeb: {  	[tilespmem:s18+$0x16810] =	vst v0  }
.Ltmp3:
0xec: {  	[tilespmem:s18+$0x16820] =	vst v0;
	(pc) =	sbr.rel @p0 .LBB2_8-.Ltmp3, $4  }
0xed: {  	[tilespmem:s18+$0x16830] =	vst v0  }
0xee: {  	[tilespmem:s18+$0x16840] =	vst v0  }
0xef: {  	[tilespmem:s18+$0x16850] =	vst v0  }
0xf0: {  	[tilespmem:s18+$0x16860] =	vst v0;
	s18 =	sshra.s32 s19, $0x2;
	s19 =	sadd.s32 $0x200, s19  }
0xf1: {  	[tilespmem:s18+$0x16870] =	vst v0  }
0xf2: {  	[tilespmem:s18+$0x16800] =	vst v0  }
0xf3: {  	[tilespmem:s18+$0x16810] =	vst v0  }
0xf4: {  	[tilespmem:s18+$0x16820] =	vst v0  }
0xf5: {  	[tilespmem:s18+$0x16830] =	vst v0  }
0xf6: {  	[tilespmem:s18+$0x16840] =	vst v0  }
0xf7: {  	[tilespmem:s18+$0x16850] =	vst v0  }
0xf8: {  	[tilespmem:s18+$0x16860] =	vst v0  }
0xf9: {  	[spmem:s12] =	stream.linear.scatter [tilespmem:s31], [sflag:$0x5], $0x4000, $0x200038;
	[tilespmem:$0x1E800] =	vst v63  }
0xfa: {  	_ =	swait.ge [sflag:s0], $0x4000  }
0xfb: {  	[sflag:s0] =	ssyncset.done $0x0  }
0xfc: {  	[sflag:s0] =	ssyncadd.s32 $0xFFFFC000  }
0xfd: {  	[spmem:s26] =	stream.linear.scatter [tilespmem:s31], [sflag:$0x5], $0x4000, $0x200038;
	[tilespmem:$0x1E800] =	vst v63  }
0xfe: {  	_ =	swait.ge [sflag:s0], $0x4000  }
0xff: {  	[sflag:s0] =	ssyncset.done $0x0  }
0x100: {  	[sflag:s0] =	ssyncadd.s32 $0xFFFFC000  }
0x101: {  	[spmem:s28] =	stream.linear.scatter [tilespmem:s31], [sflag:$0x5], $0x4000, $0x200038;
	[tilespmem:$0x1E800] =	vst v63  }
0x102: {  	_ =	swait.ge [sflag:s0], $0x4000  }
0x103: {  	[sflag:s0] =	ssyncset.done $0x0  }
0x104: {  	[sflag:s0] =	ssyncadd.s32 $0xFFFFC000  }
0x105: {  	[spmem:s29] =	stream.linear.scatter [tilespmem:s31], [sflag:$0x5], $0x4000, $0x200038;
	[tilespmem:$0x1E800] =	vst v63  }
0x106: {  	_ =	swait.ge [sflag:s0], $0x4000  }
0x107: {  	[sflag:s0] =	ssyncset.done $0x0  }
0x108: {  	[sflag:s0] =	ssyncadd.s32 $0xFFFFC000  }
0x109: {  	[spmem:s30] =	stream.linear.scatter [tilespmem:s31], [sflag:$0x5], $0x4000, $0x200038;
	[tilespmem:$0x1E800] =	vst v63  }
0x10a: {  	_ =	swait.ge [sflag:s0], $0x4000  }
0x10b: {  	[sflag:s0] =	ssyncset.done $0x0  }
0x10c: {  	[sflag:s0] =	ssyncadd.s32 $0xFFFFC000  }
0x10d: {  	[bflag:$0x0] =	sbarrier.arrive $0xFFFF  }
0x10e: {  	_ =	strace $0x9000004E  }
0x10f: {  	_ =	strace $0x8000004F  }
0x110: {  	s18 =	simm.s32 $0x0;
	s19 =	rddreg [dreg:$0x10]  }
0x111: {  	[tilespmem:s2], [sflag:$0x5] =	stream.linear.gather [hbm4b:s19+s18], $0x1400, $0x200038;
	[tilespmem:$0x1E800] =	vst v63  }
0x112: {  	_ =	swait.ge [sflag:s0], $0x1400  }
0x113: {  	[sflag:s0] =	ssyncset.done $0x0  }
0x114: {  	s20 =	rddreg [dreg:$0x11];
	[sflag:s0] =	ssyncadd.s32 $0xFFFFEC00  }
0x115: {  	[tilespmem:s6], [sflag:$0x5] =	stream.linear.gather [hbm4b:s20+s18], $0x1400, $0x200038;
	[tilespmem:$0x1E800] =	vst v63  }
0x116: {  	_ =	swait.ge [sflag:s0], $0x1400  }
0x117: {  	[sflag:s0] =	ssyncset.done $0x0  }
0x118: {  	[sflag:s0] =	ssyncadd.s32 $0xFFFFEC00  }
0x119: {  	[tilespmem:s31], [sflag:$0x1] =	stream.indirect.gather [hbm4b:s5+s7], $0x80, s2, s7, $0x2000b8;
	[tilespmem:$0x1E800] =	vst v63  }
0x11a: {  	_ = 	snop  }
0x11b: {  	[tilespmem:s9], [sflag:$0x2] =	stream.indirect.gather [hbm4b:s5+s7], $0x80, s8, s7, $0x2000b8;
	[tilespmem:$0x1E800] =	vst v63  }
0x11c: {  	_ =	swait.ge [sflag:s10], $0x4000  }
0x11d: {  	[sflag:s10] =	ssyncset.done $0x0  }
0x11e: {  	s20 =	simm.s32 $0x15400;
	[sflag:s10] =	ssyncadd.s32 $0xFFFFC000  }
0x11f: {  	[spmem:s1] =	stream.indirect.scatter.add.f32 [tilespmem:s31], [sflag:$0x3], $0x80, s20, s7, $0x2000b8;
	[tilespmem:$0x1E800] =	vst v63  }
0x120: {  	_ =	swait.ge [sflag:s11], $0x4000  }
0x121: {  	[sflag:s11] =	ssyncset.done $0x0  }
0x122: {  	s19 =	simm.s32 $0x15480;
	[sflag:s11] =	ssyncadd.s32 $0xFFFFC000  }
0x123: {  	[spmem:s1] =	stream.indirect.scatter.add.f32 [tilespmem:s9], [sflag:$0x4], $0x80, s19, s7, $0x2000b8;
	[tilespmem:$0x1E800] =	vst v63  }
0x124: {  	_ =	swait.ge [sflag:s13], $0x4000  }
0x125: {  	[sflag:s13] =	ssyncset.done $0x0  }
0x126: {  	s20 =	simm.s32 $0x14100;
	[sflag:s13] =	ssyncadd.s32 $0xFFFFC000  }
0x127: {  	[tilespmem:s31], [sflag:$0x1] =	stream.indirect.gather [hbm4b:s5+s7], $0x80, s20, s7, $0x2000b8;
	[tilespmem:$0x1E800] =	vst v63  }
0x128: {  	_ =	swait.ge [sflag:s14], $0x4000  }
0x129: {  	[sflag:s14] =	ssyncset.done $0x0  }
0x12a: {  	s18 =	simm.s32 $0x400;
	s19 =	simm.s32 $0x14180;
	[sflag:s14] =	ssyncadd.s32 $0xFFFFC000  }
.LBB2_10:
0x12b: {  	[tilespmem:s9], [sflag:$0x2] =	stream.indirect.gather [hbm4b:s5+s7], $0x80, s19, s7, $0x2000b8;
	[tilespmem:$0x1E800] =	vst v63  }
0x12c: {  	s19 =	smov.u32 s18  }
0x12d: {  	p0 =	sne.s32 s18, $0x4800;
	s18 =	sadd.s32 $0x400, s18;
	_ =	swait.ge [sflag:s10], $0x4000  }
0x12e: {  	s19 =	sshra.s32 s19, $0x2;
	[sflag:s10] =	ssyncset.done $0x0  }
0x12f: {  	s20 =	sadd.s32 $0x15400, s19;
	[sflag:s10] =	ssyncadd.s32 $0xFFFFC000  }
0x130: {  	[spmem:s1] =	stream.indirect.scatter.add.f32 [tilespmem:s31], [sflag:$0x3], $0x80, s20, s7, $0x2000b8;
	[tilespmem:$0x1E800] =	vst v63  }
0x131: {  	_ =	swait.ge [sflag:s11], $0x4000  }
0x132: {  	[sflag:s11] =	ssyncset.done $0x0  }
0x133: {  	s20 =	sadd.s32 $0x15480, s19;
	[sflag:s11] =	ssyncadd.s32 $0xFFFFC000  }
0x134: {  	[spmem:s1] =	stream.indirect.scatter.add.f32 [tilespmem:s9], [sflag:$0x4], $0x80, s20, s7, $0x2000b8;
	[tilespmem:$0x1E800] =	vst v63  }
0x135: {  	_ =	swait.ge [sflag:s13], $0x4000  }
0x136: {  	[sflag:s13] =	ssyncset.done $0x0  }
.Ltmp4:
0x137: {  	s20 =	sadd.s32 $0x14100, s19;
	[sflag:s13] =	ssyncadd.s32 $0xFFFFC000;
	(pc) =	sbr.rel @p0 .LBB2_10-.Ltmp4, $4  }
0x138: {  	[tilespmem:s31], [sflag:$0x1] =	stream.indirect.gather [hbm4b:s5+s7], $0x80, s20, s7, $0x2000b8;
	[tilespmem:$0x1E800] =	vst v63  }
0x139: {  	_ =	swait.ge [sflag:s14], $0x4000  }
0x13a: {  	[sflag:s14] =	ssyncset.done $0x0  }
0x13b: {  	s19 =	sadd.s32 $0x14180, s19;
	[sflag:s14] =	ssyncadd.s32 $0xFFFFC000  }
0x13c: {  	[tilespmem:s9], [sflag:$0x2] =	stream.indirect.gather [hbm4b:s5+s7], $0x80, s19, s7, $0x2000b8;
	[tilespmem:$0x1E800] =	vst v63  }
0x13d: {  	_ =	swait.ge [sflag:s10], $0x4000  }
0x13e: {  	[sflag:s10] =	ssyncset.done $0x0  }
0x13f: {  	[sflag:s10] =	ssyncadd.s32 $0xFFFFC000  }
0x140: {  	[spmem:s1] =	stream.indirect.scatter.add.f32 [tilespmem:s31], [sflag:$0x3], $0x80, s15, s7, $0x2000b8;
	[tilespmem:$0x1E800] =	vst v63  }
0x141: {  	_ =	swait.ge [sflag:s11], $0x4000  }
0x142: {  	[sflag:s11] =	ssyncset.done $0x0  }
0x143: {  	[sflag:s11] =	ssyncadd.s32 $0xFFFFC000  }
0x144: {  	[spmem:s1] =	stream.indirect.scatter.add.f32 [tilespmem:s9], [sflag:$0x4], $0x80, s16, s7, $0x2000b8;
	[tilespmem:$0x1E800] =	vst v63  }
0x145: {  	_ =	swait.ge [sflag:s13], $0x4000  }
0x146: {  	[sflag:s13] =	ssyncset.done $0x0  }
0x147: {  	[sflag:s13] =	ssyncadd.s32 $0xFFFFC000  }
0x148: {  	_ =	swait.ge [sflag:s14], $0x4000  }
0x149: {  	[sflag:s14] =	ssyncset.done $0x0  }
0x14a: {  	s18 =	simm.s32 $0x0;
	[sflag:s14] =	ssyncadd.s32 $0xFFFFC000  }
0x14b: {  	[tilespmem:s2], [sflag:$0x5] =	stream.linear.gather [hbm4b:s21+s18], $0x1400, $0x200038;
	[tilespmem:$0x1E800] =	vst v63  }
0x14c: {  	_ =	swait.ge [sflag:s0], $0x1400  }
0x14d: {  	[sflag:s0] =	ssyncset.done $0x0  }
0x14e: {  	[sflag:s0] =	ssyncadd.s32 $0xFFFFEC00  }
0x14f: {  	[tilespmem:s6], [sflag:$0x5] =	stream.linear.gather [hbm4b:s22+s18], $0x1400, $0x200038;
	[tilespmem:$0x1E800] =	vst v63  }
0x150: {  	_ =	swait.ge [sflag:s0], $0x1400  }
0x151: {  	[sflag:s0] =	ssyncset.done $0x0  }
0x152: {  	[sflag:s0] =	ssyncadd.s32 $0xFFFFEC00  }
0x153: {  	[tilespmem:s31], [sflag:$0x1] =	stream.indirect.gather [hbm4b:s5+s7], $0x80, s2, s7, $0x2000b8;
	[tilespmem:$0x1E800] =	vst v63  }
0x154: {  	_ = 	snop  }
0x155: {  	[tilespmem:s9], [sflag:$0x2] =	stream.indirect.gather [hbm4b:s5+s7], $0x80, s8, s7, $0x2000b8;
	[tilespmem:$0x1E800] =	vst v63  }
0x156: {  	_ =	swait.ge [sflag:s10], $0x4000  }
0x157: {  	[sflag:s10] =	ssyncset.done $0x0  }
0x158: {  	s20 =	simm.s32 $0x15400;
	[sflag:s10] =	ssyncadd.s32 $0xFFFFC000  }
0x159: {  	[spmem:s1] =	stream.indirect.scatter.add.f32 [tilespmem:s31], [sflag:$0x3], $0x80, s20, s7, $0x2000b8;
	[tilespmem:$0x1E800] =	vst v63  }
0x15a: {  	_ =	swait.ge [sflag:s11], $0x4000  }
0x15b: {  	[sflag:s11] =	ssyncset.done $0x0  }
0x15c: {  	s19 =	simm.s32 $0x15480;
	[sflag:s11] =	ssyncadd.s32 $0xFFFFC000  }
0x15d: {  	[spmem:s1] =	stream.indirect.scatter.add.f32 [tilespmem:s9], [sflag:$0x4], $0x80, s19, s7, $0x2000b8;
	[tilespmem:$0x1E800] =	vst v63  }
0x15e: {  	_ =	swait.ge [sflag:s13], $0x4000  }
0x15f: {  	[sflag:s13] =	ssyncset.done $0x0  }
0x160: {  	s20 =	simm.s32 $0x14100;
	[sflag:s13] =	ssyncadd.s32 $0xFFFFC000  }
0x161: {  	[tilespmem:s31], [sflag:$0x1] =	stream.indirect.gather [hbm4b:s5+s7], $0x80, s20, s7, $0x2000b8;
	[tilespmem:$0x1E800] =	vst v63  }
0x162: {  	_ =	swait.ge [sflag:s14], $0x4000  }
0x163: {  	[sflag:s14] =	ssyncset.done $0x0  }
0x164: {  	s18 =	simm.s32 $0x400;
	s19 =	simm.s32 $0x14180;
	[sflag:s14] =	ssyncadd.s32 $0xFFFFC000  }
.LBB2_12:
0x165: {  	[tilespmem:s9], [sflag:$0x2] =	stream.indirect.gather [hbm4b:s5+s7], $0x80, s19, s7, $0x2000b8;
	[tilespmem:$0x1E800] =	vst v63  }
0x166: {  	s19 =	smov.u32 s18  }
0x167: {  	p0 =	sne.s32 s18, $0x4800;
	s18 =	sadd.s32 $0x400, s18;
	_ =	swait.ge [sflag:s10], $0x4000  }
0x168: {  	s19 =	sshra.s32 s19, $0x2;
	[sflag:s10] =	ssyncset.done $0x0  }
0x169: {  	s20 =	sadd.s32 $0x15400, s19;
	[sflag:s10] =	ssyncadd.s32 $0xFFFFC000  }
0x16a: {  	[spmem:s1] =	stream.indirect.scatter.add.f32 [tilespmem:s31], [sflag:$0x3], $0x80, s20, s7, $0x2000b8;
	[tilespmem:$0x1E800] =	vst v63  }
0x16b: {  	_ =	swait.ge [sflag:s11], $0x4000  }
0x16c: {  	[sflag:s11] =	ssyncset.done $0x0  }
0x16d: {  	s20 =	sadd.s32 $0x15480, s19;
	[sflag:s11] =	ssyncadd.s32 $0xFFFFC000  }
0x16e: {  	[spmem:s1] =	stream.indirect.scatter.add.f32 [tilespmem:s9], [sflag:$0x4], $0x80, s20, s7, $0x2000b8;
	[tilespmem:$0x1E800] =	vst v63  }
0x16f: {  	_ =	swait.ge [sflag:s13], $0x4000  }
0x170: {  	[sflag:s13] =	ssyncset.done $0x0  }
.Ltmp5:
0x171: {  	s20 =	sadd.s32 $0x14100, s19;
	[sflag:s13] =	ssyncadd.s32 $0xFFFFC000;
	(pc) =	sbr.rel @p0 .LBB2_12-.Ltmp5, $4  }
0x172: {  	[tilespmem:s31], [sflag:$0x1] =	stream.indirect.gather [hbm4b:s5+s7], $0x80, s20, s7, $0x2000b8;
	[tilespmem:$0x1E800] =	vst v63  }
0x173: {  	_ =	swait.ge [sflag:s14], $0x4000  }
0x174: {  	[sflag:s14] =	ssyncset.done $0x0  }
0x175: {  	s19 =	sadd.s32 $0x14180, s19;
	[sflag:s14] =	ssyncadd.s32 $0xFFFFC000  }
0x176: {  	[tilespmem:s9], [sflag:$0x2] =	stream.indirect.gather [hbm4b:s5+s7], $0x80, s19, s7, $0x2000b8;
	[tilespmem:$0x1E800] =	vst v63  }
0x177: {  	_ =	swait.ge [sflag:s10], $0x4000  }
0x178: {  	[sflag:s10] =	ssyncset.done $0x0  }
0x179: {  	[sflag:s10] =	ssyncadd.s32 $0xFFFFC000  }
0x17a: {  	[spmem:s1] =	stream.indirect.scatter.add.f32 [tilespmem:s31], [sflag:$0x3], $0x80, s15, s7, $0x2000b8;
	[tilespmem:$0x1E800] =	vst v63  }
0x17b: {  	_ =	swait.ge [sflag:s11], $0x4000  }
0x17c: {  	[sflag:s11] =	ssyncset.done $0x0  }
0x17d: {  	[sflag:s11] =	ssyncadd.s32 $0xFFFFC000  }
0x17e: {  	[spmem:s1] =	stream.indirect.scatter.add.f32 [tilespmem:s9], [sflag:$0x4], $0x80, s16, s7, $0x2000b8;
	[tilespmem:$0x1E800] =	vst v63  }
0x17f: {  	_ =	swait.ge [sflag:s13], $0x4000  }
0x180: {  	[sflag:s13] =	ssyncset.done $0x0  }
0x181: {  	[sflag:s13] =	ssyncadd.s32 $0xFFFFC000  }
0x182: {  	_ =	swait.ge [sflag:s14], $0x4000  }
0x183: {  	[sflag:s14] =	ssyncset.done $0x0  }
0x184: {  	[sflag:s14] =	ssyncadd.s32 $0xFFFFC000  }
0x185: {  	[bflag:$0x0] =	sbarrier.arrive $0xFFFF  }
0x186: {  	_ =	strace $0x9000004F  }
0x187: {  	_ =	strace $0x80000050  }
0x188: {  	[tilespmem:s31], [sflag:$0x5] =	stream.linear.gather [spmem:s12], $0x4000, $0x200038;
	[tilespmem:$0x1E800] =	vst v63  }
0x189: {  	_ =	swait.ge [sflag:s0], $0x4000  }
0x18a: {  	[sflag:s0] =	ssyncset.done $0x0  }
0x18b: {  	s18 =	rddreg [dreg:$0x9];
	[sflag:s0] =	ssyncadd.s32 $0xFFFFC000  }
0x18c: {  	[hbm4b:s18+s3] =	stream.linear.scatter [tilespmem:s31], [sflag:$0x5], $0x4000, $0x200038;
	[tilespmem:$0x1E800] =	vst v63  }
0x18d: {  	_ =	swait.ge [sflag:s0], $0x4000  }
0x18e: {  	[sflag:s0] =	ssyncset.done $0x0  }
0x18f: {  	[sflag:s0] =	ssyncadd.s32 $0xFFFFC000  }
0x190: {  	[tilespmem:s31], [sflag:$0x5] =	stream.linear.gather [spmem:s26], $0x4000, $0x200038;
	[tilespmem:$0x1E800] =	vst v63  }
0x191: {  	_ =	swait.ge [sflag:s0], $0x4000  }
0x192: {  	[sflag:s0] =	ssyncset.done $0x0  }
0x193: {  	s19 =	rddreg [dreg:$0xa];
	[sflag:s0] =	ssyncadd.s32 $0xFFFFC000  }
0x194: {  	[hbm4b:s19+s3] =	stream.linear.scatter [tilespmem:s31], [sflag:$0x5], $0x4000, $0x200038;
	[tilespmem:$0x1E800] =	vst v63  }
0x195: {  	_ =	swait.ge [sflag:s0], $0x4000  }
0x196: {  	[sflag:s0] =	ssyncset.done $0x0  }
0x197: {  	[sflag:s0] =	ssyncadd.s32 $0xFFFFC000  }
0x198: {  	[tilespmem:s31], [sflag:$0x5] =	stream.linear.gather [spmem:s28], $0x4000, $0x200038;
	[tilespmem:$0x1E800] =	vst v63  }
0x199: {  	_ =	swait.ge [sflag:s0], $0x4000  }
0x19a: {  	[sflag:s0] =	ssyncset.done $0x0  }
0x19b: {  	s20 =	rddreg [dreg:$0xb];
	[sflag:s0] =	ssyncadd.s32 $0xFFFFC000  }
0x19c: {  	[hbm4b:s20+s3] =	stream.linear.scatter [tilespmem:s31], [sflag:$0x5], $0x4000, $0x200038;
	[tilespmem:$0x1E800] =	vst v63  }
0x19d: {  	_ =	swait.ge [sflag:s0], $0x4000  }
0x19e: {  	[sflag:s0] =	ssyncset.done $0x0  }
0x19f: {  	[sflag:s0] =	ssyncadd.s32 $0xFFFFC000  }
0x1a0: {  	[tilespmem:s31], [sflag:$0x5] =	stream.linear.gather [spmem:s29], $0x4000, $0x200038;
	[tilespmem:$0x1E800] =	vst v63  }
0x1a1: {  	_ =	swait.ge [sflag:s0], $0x4000  }
0x1a2: {  	[sflag:s0] =	ssyncset.done $0x0  }
0x1a3: {  	[sflag:s0] =	ssyncadd.s32 $0xFFFFC000  }
0x1a4: {  	[hbm4b:s23+s3] =	stream.linear.scatter [tilespmem:s31], [sflag:$0x5], $0x4000, $0x200038;
	[tilespmem:$0x1E800] =	vst v63  }
0x1a5: {  	_ =	swait.ge [sflag:s0], $0x4000  }
0x1a6: {  	[sflag:s0] =	ssyncset.done $0x0  }
0x1a7: {  	[sflag:s0] =	ssyncadd.s32 $0xFFFFC000  }
0x1a8: {  	[tilespmem:s31], [sflag:$0x5] =	stream.linear.gather [spmem:s30], $0x4000, $0x200038;
	[tilespmem:$0x1E800] =	vst v63  }
0x1a9: {  	_ =	swait.ge [sflag:s0], $0x4000  }
0x1aa: {  	s17 =	sadd.s32 $0x1, s17;
	[sflag:s0] =	ssyncset.done $0x0  }
0x1ab: {  	p0 =	sne.s32 s17, s25;
	[sflag:s0] =	ssyncadd.s32 $0xFFFFC000  }
0x1ac: {  	[hbm4b:s24+s3] =	stream.linear.scatter [tilespmem:s31], [sflag:$0x5], $0x4000, $0x200038;
	[tilespmem:$0x1E800] =	vst v63  }
.Ltmp6:
0x1ad: {  	_ = 	snop;
	(pc) =	sbr.rel @p0 .LBB2_1-.Ltmp6, $4  }
0x1ae: {  	_ =	swait.ge [sflag:s0], $0x4000  }
0x1af: {  	[sflag:s0] =	ssyncset.done $0x0  }
0x1b0: {  	[sflag:s0] =	ssyncadd.s32 $0xFFFFC000  }
0x1b1: {  	_ =	strace $0x90000050  }
0x1b2: {  	_ =	sfence.sel $0x180000  }
0x1b3: {  	[bflag:$0x0] =	sbarrier.arrive $0xFFFF  }
0x1b4: {  	_ =	strace $0x9000004A  }
0x1b5: {  	s0 =	stileid.u32;
	[bflag:$0x2] =	sbarrier.arrive $0xFFFF  }
0x1b6: {  	p0 =	sne.s32 s0, $0x0;
	s0 =	rddreg [dreg:$0x3]  }
0x1b7: {  	s0 =	sadd.s32 @!p0 $0x100000, s0  }
0x1b8: {  	[sflag:s0] =	ssyncadd.tile.s32 @!p0 $0x1;
	_ =	shalt  }
.Lfunc_end2:
_tile_overlayer_lowered:
.L_overlay_start_2:
0x1b9: {  	(tag) =	ssettag $0x2  }
0x1ba: {  	s0 =	rddreg [dreg:$0x0];
	s2 =	stileid.u32  }
0x1bb: {  	s1 =	rddreg [dreg:$0x1];
	p0 =	sne.s32 s2, $0x0  }
0x1bc: {  	s3 =	rddreg [dreg:$0x2];
	[bflag:$0x3] =	sbarrier.arrive $0xFFFF;
	s2 =	simm.s32 @!p0 $0x1C05  }
0x1bd: {  	[timem:s3], [sflag:s2] =	dma.local @!p0 [hbm:s0], s1  }
0x1be: {  	s0 =	simm.s32 @!p0 $0x5  }
0x1bf: {  	_ =	swait.ge @!p0 [sflag:s0], s1  }
0x1c0: {  	s1 =	ssub.s32 @!p0 $0x0, s1;
	[sflag:s0] =	ssyncset.done @!p0 $0x0  }
0x1c1: {  	[sflag:s0] =	ssyncadd.s32 @!p0 s1  }
0x1c2: {  	[bflag:$0x3] =	sbarrier.arrive $0xFFFF  }
0x1c3: {  	_ =	shalt  }

// kernel: kernel.14.cloned.1.call-start
scs
__scs_entry_jumppad:
0x0: {  	(pc) =	sbr.rel $0x88, $3  }
0x1: {  	(tag) =	ssettag $0x0;
	lr =	simm.s32 $0x1  }
0x2: {  	[smem:$0x3F96] =	sst lr;
	_ =	strace $0xD0000000  }
0x3: {  	_ = 	snop  }
0x4: {  	_ = 	snop  }
0x5: {  	_ = 	snop  }
0x6: {  	_ = 	snop  }
0x7: {  	_ = 	snop  }
__scs_overlays_trampoline_lowered:
0x8: {  	[smem:$0x3FA5] =	sst s0  }
0x9: {  	[smem:$0x3FA6] =	sst s1  }
0xa: {  	[smem:$0x3FA7] =	sst s2  }
0xb: {  	[smem:$0x3FA8] =	sst s3  }
0xc: {  	[smem:$0x3FA9] =	sst s4  }
0xd: {  	[smem:$0x3FAA] =	sst s5  }
0xe: {  	[smem:$0x3FAB] =	sst s6  }
0xf: {  	[smem:$0x3FAC] =	sst s7  }
0x10: {  	[smem:$0x3FAD] =	sst s8  }
0x11: {  	[smem:$0x3FAE] =	sst s9;
	s0 =	simm.s32 @!p0 $0x0  }
0x12: {  	s1 =	sld [smem:$0x3F94];
	s0 =	simm.s32 @p0 $0x1  }
0x13: {  	[smem:$0x3FAF] =	sst s0;
	s0 =	simm.s32 @!p1 $0x0  }
0x14: {  	s2 =	sld [smem:$0x3F93];
	s0 =	simm.s32 @p1 $0x1  }
0x15: {  	[smem:$0x3FB0] =	sst s0;
	s0 =	simm.s32 @!p2 $0x0  }
0x16: {  	s3 =	sld [smem:$0x3FDB];
	s0 =	simm.s32 @p2 $0x1  }
0x17: {  	s4 =	simm.s32 $0x1BF5;
	[smem:$0x3FB2] =	sst s0  }
0x18: {  	s0 =	sld [smem:$0x3F95];
	_ =	swait.ge [sflag:s4], $0x0  }
0x19: {  	s7 =	sld [smem:$0x3F96]  }
0x1a: {  	s8 =	sadd.s32 $0xFFFFE003, lr  }
0x1b: {  	s9 =	sadd.s32 $0xFFFFFEF7, lr;
	s5 =	simm.s32 $0xFFFFFFFF;
	p2 =	slt.u32 s8, $0xFFFFF086  }
0x1c: {  	p1 =	slt.u32 s9, $0xF7A;
	s5 =	simm.s32 @!p2 $0x0  }
0x1d: {  	s5 =	simm.s32 @p1 $0x1;
	p0 =	seq.s32 s7, s2  }
0x1e: {  	s7 =	smul.u32 @!p0 $0xF7A, s2;
	p2 =	seq.s32 @!p0 s5, $0x0  }
0x1f: {  	s9 =	smul.u32 $0xF7A, s1;
	s8 =	simm.s32 @!p0 $0x1BF5;
	p2 =	por !p2, p0  }
0x20: {  	[sflag:s8] =	ssyncset.s32 @!p0 $0xFFFFF086;
	s6 =	sadd.s32 @!p0 s3, s7;
	s7 =	simm.s32 @!p0 $0x108  }
0x21: {  	s3 =	sadd.s32 s3, s9;
	s6 =	sadd.s32 @!p0 $0x88, s6;
	s7 =	simm.s32 @p2 $0x1082  }
0x22: {  	[simem:s7], [sflag:s8] =	dma.local @!p0 [hbm:s6], $0xF7A  }
0x23: {  	s9 =	sor.u32 $0xD0000000, s2;
	s6 =	simm.s32 $0x108;
	_ =	swait.ge @!p0 [sflag:s8], $0x0  }
0x24: {  	s3 =	sadd.s32 $0x88, s3;
	s6 =	simm.s32 @!p1 $0x1082;
	[sflag:s4] =	ssyncset.s32 $0xFFFFF086  }
0x25: {  	[simem:s6], [sflag:s4] =	dma.local [hbm:s3], $0xF7A  }
0x26: {  	[smem:$0x3F96] =	sst s1;
	(tag) =	ssettag s2;
	_ =	strace s9  }
0x27: {  	s1 =	sld [smem:$0x3FA6]  }
0x28: {  	s2 =	sld [smem:$0x3FA7]  }
0x29: {  	s4 =	sld [smem:$0x3FA9]  }
0x2a: {  	p0 =	seq.s32 s5, $0x0;
	s5 =	sld [smem:$0x3FAA]  }
0x2b: {  	s6 =	sld [smem:$0x3FAB]  }
0x2c: {  	s7 =	sld [smem:$0x3FAC]  }
0x2d: {  	s3 =	simm.s32 $0x108;
	s8 =	sld [smem:$0x3FAD]  }
0x2e: {  	s3 =	simm.s32 @!p0 $0x1082;
	s9 =	sld [smem:$0x3FAE]  }
0x2f: {  	lr =	sadd.s32 s0, s3;
	s0 =	sld [smem:$0x3FA5]  }
0x30: {  	s3 =	sld [smem:$0x3FA8]  }
0x31: {  	[smem:$0x3FB1] =	sst s10  }
0x32: {  	s10 =	sld [smem:$0x3FAF];
	_ =	sdelay $0x3  }
0x33: {  	p0 =	seq.s32 s10, $0x1;
	s10 =	sld [smem:$0x3FB1];
	_ =	sdelay $0x3  }
0x34: {  	[smem:$0x3FB1] =	sst s10  }
0x35: {  	s10 =	sld [smem:$0x3FB0];
	_ =	sdelay $0x3  }
0x36: {  	p1 =	seq.s32 s10, $0x1;
	s10 =	sld [smem:$0x3FB1];
	_ =	sdelay $0x3  }
0x37: {  	[smem:$0x3FB1] =	sst s10  }
0x38: {  	s10 =	sld [smem:$0x3FB2]  }
0x39: {  	_ = 	snop;
	(pc) =	sbr.ind lr, $3  }
0x3a: {  	_ = 	snop  }
0x3b: {  	_ = 	snop  }
0x3c: {  	p2 =	seq.s32 s10, $0x1;
	s10 =	sld [smem:$0x3FB1]  }
0x3d: {  	_ =	shalt  }
0x3e: {  	_ =	shalt  }
0x3f: {  	_ =	shalt  }
0x40: {  	_ =	shalt  }
0x41: {  	_ =	shalt  }
0x42: {  	_ =	shalt  }
0x43: {  	_ =	shalt  }
0x44: {  	_ =	shalt  }
0x45: {  	_ =	shalt  }
0x46: {  	_ =	shalt  }
0x47: {  	_ =	shalt  }
0x48: {  	_ =	shalt  }
0x49: {  	_ =	shalt  }
0x4a: {  	_ =	shalt  }
0x4b: {  	_ =	shalt  }
0x4c: {  	_ =	shalt  }
0x4d: {  	_ =	shalt  }
0x4e: {  	_ =	shalt  }
0x4f: {  	_ =	shalt  }
0x50: {  	_ =	shalt  }
0x51: {  	_ =	shalt  }
0x52: {  	_ =	shalt  }
0x53: {  	_ =	shalt  }
0x54: {  	_ =	shalt  }
0x55: {  	_ =	shalt  }
0x56: {  	_ =	shalt  }
0x57: {  	_ =	shalt  }
0x58: {  	_ =	shalt  }
0x59: {  	_ =	shalt  }
0x5a: {  	_ =	shalt  }
0x5b: {  	_ =	shalt  }
0x5c: {  	_ =	shalt  }
0x5d: {  	_ =	shalt  }
0x5e: {  	_ =	shalt  }
0x5f: {  	_ =	shalt  }
0x60: {  	_ =	shalt  }
0x61: {  	_ =	shalt  }
0x62: {  	_ =	shalt  }
0x63: {  	_ =	shalt  }
0x64: {  	_ =	shalt  }
0x65: {  	_ =	shalt  }
0x66: {  	_ =	shalt  }
0x67: {  	_ =	shalt  }
0x68: {  	_ =	shalt  }
0x69: {  	_ =	shalt  }
0x6a: {  	_ =	shalt  }
0x6b: {  	_ =	shalt  }
0x6c: {  	_ =	shalt  }
0x6d: {  	_ =	shalt  }
0x6e: {  	_ =	shalt  }
0x6f: {  	_ =	shalt  }
0x70: {  	_ =	shalt  }
0x71: {  	_ =	shalt  }
0x72: {  	_ =	shalt  }
0x73: {  	_ =	shalt  }
0x74: {  	_ =	shalt  }
0x75: {  	_ =	shalt  }
0x76: {  	_ =	shalt  }
0x77: {  	_ =	shalt  }
0x78: {  	_ =	shalt  }
0x79: {  	_ =	shalt  }
0x7a: {  	_ =	shalt  }
0x7b: {  	_ =	shalt  }
0x7c: {  	_ =	shalt  }
0x7d: {  	_ =	shalt  }
0x7e: {  	_ =	shalt  }
0x7f: {  	_ =	shalt  }
0x80: {  	_ =	shalt  }
0x81: {  	_ =	shalt  }
0x82: {  	_ =	shalt  }
0x83: {  	_ =	shalt  }
0x84: {  	_ =	shalt  }
0x85: {  	_ =	shalt  }
0x86: {  	_ =	shalt  }
0x87: {  	_ =	shalt  }
.Lfunc_end0:
.L_simem_size_0:
called_computation.2_lowered:
.L_overlay_start_0:
0x88: {  	s2 =	sld [smem:$0x3FD9]  }
0x89: {  	s3 =	sld [smem:$0x3FFE];
	_ =	sdelay $0x1  }
0x8a: {  	s1 =	srdreg.scid  }
0x8b: {  	s0 =	sand.u32 $0x1, s1  }
0x8c: {  	s17 =	sshll.u32 s0, $0xA;
	s2 =	sadd.s32 s3, s2  }
0x8d: {  	s2 =	sadd.s32 s2, s17  }
0x8e: {  	[smem:$0x3FBD] =	sst s2  }
0x8f: {  	_ = 	snop  }
0x90: {  	s2 =	sld [smem:$0x3FD0];
	(tm) =	ssettm $0x1  }
0x91: {  	s18 =	sld [smem:$0x3FFB];
	_ =	sdelay $0x3  }
0x92: {  	_ =	strace s18  }
0x93: {  	s3 =	sld [smem:$0x3FFC];
	_ =	sdelay $0x3  }
0x94: {  	_ =	strace s3  }
0x95: {  	s3 =	sld [smem:$0x3FFD];
	_ =	sdelay $0x3  }
0x96: {  	_ =	strace s3  }
0x97: {  	_ =	strace $0x8FFFFFFF  }
0x98: {  	s19 =	sld [smem:$0x3FDB];
	_ =	sdelay $0x1  }
0x99: {  	s4 =	simm.s32 $_scs_section_size  }
0x9a: {  	s5 =	simm.s32 $_size__tile_overlayer_lowered;
	s6 =	simm.s32 $_tile_overlayer_lowered  }
0x9b: {  	s22 =	simm.s32 $0x1BFF;
	s21 =	sshll.u32 s6, $0x1;
	s3 =	sadd.s32 s4, s19  }
0x9c: {  	s7 =	simm.s32 $0x0;
	s20 =	sshll.u32 s5, $0x1;
	s5 =	sadd.s32 s21, s3  }
0x9d: {  	[timem:s7], [sflag:s22] =	dma.local [hbm:s5], s20  }
0x9e: {  	_ =	swait.ge [sflag:s22], s20  }
0x9f: {  	s4 =	ssub.s32 $0x0, s20;
	[sflag:s22] =	ssyncset.done $0x0  }
0xa0: {  	[sflag:s22] =	ssyncadd.s32 s4;
	_ =	sdelay $0x1  }
0xa1: {  	s23 =	simm.s32 $0x1B8B  }
0xa2: {  	_ =	swait.ge [sflag:s23], $0x1  }
0xa3: {  	[sflag:s23] =	ssyncset.done $0x0  }
0xa4: {  	s25 =	simm.s32 $0x1B8E;
	s24 =	sld [smem:$0x3FFE];
	[sflag:s23] =	ssyncadd.s32 $0xFFFFFFFF  }
0xa5: {  	s26 =	simm.s32 $execute0_lowered;
	[smem:$0x3FD2] =	sst s25  }
0xa6: {  	s5 =	sshll.u32 s26, $0x1;
	_ =	strace $0x80000052;
	[dreg:$0x1] =	wrdreg $0xFFFFFFFF  }
0xa7: {  	s28 =	simm.s32 $_size_execute0_lowered;
	s3 =	sadd.s32 s3, s5;
	[dreg:$0x0] =	wrdreg $0x0  }
0xa8: {  	s5 =	sshll.u32 s28, $0x1;
	[dreg:$0x2] =	wrdreg s3  }
0xa9: {  	[dreg:$0x3] =	wrdreg s5  }
0xaa: {  	[dreg:$0x4] =	wrdreg $0xC0  }
0xab: {  	_ =	task [dreg:s7], $0x5FFFF  }
0xac: {  	[dreg:$0x1] =	wrdreg $0xFFFFFFFF  }
0xad: {  	[dreg:$0x0] =	wrdreg $0x60  }
0xae: {  	[dreg:$0x2] =	wrdreg s24  }
0xaf: {  	[dreg:$0x3] =	wrdreg s2  }
0xb0: {  	[dreg:$0x4] =	wrdreg $0x0  }
0xb1: {  	[dreg:$0x5] =	wrdreg $0x9  }
0xb2: {  	_ =	task.clear_ibuf [dreg:s7], $0x6FFFF;
	_ =	strace $0x90000052  }
0xb3: {  	s29 =	simm.s32 $0x9;
	_ =	strace $0x8000005A  }
0xb4: {  	_ =	swait.ge [sflag:s29], $0x1  }
0xb5: {  	[sflag:s29] =	ssyncadd.s32 $0xFFFFFFFF  }
0xb6: {  	_ =	strace $0x9000005A  }
0xb7: {  	_ =	sfence  }
0xb8: {  	s30 =	sld [smem:$0x0];
	_ =	sdelay $0x2  }
0xb9: {  	s31 =	sshll.u32 s1, $0xD;
	s1 =	sshrl.u32 s1, $0x2  }
0xba: {  	s3 =	sand.u32 $0x4000, s31;
	s1 =	sadd.s32 s1, s30  }
0xbb: {  	s0 =	sor.u32 s3, s0;
	s1 =	sshll.u32 s1, $0x11  }
0xbc: {  	s0 =	sor.u32 s1, s0  }
0xbd: {  	s0 =	sadd.s32 $0x8F2B, s0  }
0xbe: {  	[sflag:s0] =	ssyncadd.remote.s32 $0x1  }
0xbf: {  	_ =	sfence.sel $0xFFFF  }
0xc0: {  	[dreg:$0x0] =	wrdreg $0xFFFFFFFF;
	(pc) =	sbr.abs _section_cstart, $3  }
0xc1: {  	[dreg:$0x1] =	wrdreg $0xFFFFFFFF  }
0xc2: {  	_ =	task.clear_ibuf [dreg:s7], $0x2FFFF;
	_ =	strace $0x9FFFFFFF  }
0xc3: {  	(tm) =	ssettm $0x7FFFFFFF  }
tec
execute0_lowered:
.L_overlay_start_1:
0x0: {  	(tag) =	ssettag $0x1  }
0x1: {  	s0 =	rddreg [dreg:$0x0]  }
0x2: {  	s2 =	rddreg [dreg:$0x1]  }
0x3: {  	s1 =	rddreg [dreg:$0x2]  }
0x4: {  	s3 =	srdreg.scid;
	s13 =	stileid.u32;
	s31 =	simm.s32 $0x16800  }
0x5: {  	s6 =	sand.u32 $0x1, s3;
	s3 =	simm.s32 $0x0;
	s8 =	smul.u32 $0x14000, s13  }
0x6: {  	s4 =	sadd.s32 $0x2400, s0;
	s5 =	sadd.s32 $0x2A400, s0;
	s9 =	sadd.s32 $0x66400, s0  }
0x7: {  	s10 =	sadd.s32 $0x52400, s0;
	s11 =	smul.u32 $0x50000, s13;
	s13 =	sshll.u32 s13, $0x1  }
0x8: {  	s7 =	smul.u32 $0x140000, s6;
	s25 =	ssub.s32 $0x2, s6;
	s6 =	sshll.u32 s6, $0x5  }
0x9: {  	s12 =	sadd.s32 $0x5C400, s0;
	[smem:$0x7FF] =	sst s3;
	s13 =	sor.u32 s6, s13  }
0xa: {  	s11 =	sshrl.u32 s11, $0x2;
	s7 =	sadd.s32 s8, s7;
	s8 =	smul.u32 $0x280, s13  }
0xb: {  	_ =	strace $0x80000053;
	s26 =	sshrl.u32 s25, $0x1;
	s6 =	sadd.s32 s11, s1  }
0xc: {  	s11 =	simm.s32 $0x1;
	s7 =	sshrl.u32 s7, $0x3;
	s22 =	sadd.s32 s9, s8  }
0xd: {  	s0 =	sadd.s32 s7, s0;
	s23 =	sadd.s32 s10, s8;
	[dreg:$0xc] =	wrdreg s22  }
0xe: {  	s7 =	ssub.s32 s25, s26;
	s26 =	sadd.s32 s12, s8;
	[dreg:$0xd] =	wrdreg s23  }
0xf: {  	s24 =	sadd.s32 $0x280, s8;
	s8 =	sadd.s32 s2, s8;
	[dreg:$0x10] =	wrdreg s26  }
0x10: {  	s13 =	simm.s32 $0x3;
	s14 =	sadd.s32 $0x70400, s0;
	[dreg:$0x11] =	wrdreg s8  }
0x11: {  	s28 =	sadd.s32 $0x8000, s6;
	s15 =	sadd.s32 $0x70C00, s0;
	[dreg:$0x4] =	wrdreg s14  }
0x12: {  	s29 =	sadd.s32 $0xC000, s6;
	s16 =	sadd.s32 $0x71400, s0;
	[dreg:$0x5] =	wrdreg s15  }
0x13: {  	s30 =	sadd.s32 $0x10000, s6;
	s17 =	sadd.s32 $0x71C00, s0;
	[dreg:$0x6] =	wrdreg s16  }
0x14: {  	s18 =	sadd.s32 $0x72400, s0;
	s19 =	sadd.s32 $0xC0400, s0;
	[dreg:$0x7] =	wrdreg s17  }
0x15: {  	s20 =	sadd.s32 $0xC0C00, s0;
	s21 =	sadd.s32 $0xC1400, s0;
	[dreg:$0x8] =	wrdreg s18  }
0x16: {  	s9 =	sadd.s32 s9, s24;
	s25 =	sadd.s32 s10, s24;
	[dreg:$0x9] =	wrdreg s19  }
0x17: {  	s22 =	sadd.s32 s2, s24;
	s23 =	sadd.s32 $0xC1C00, s0;
	[dreg:$0xa] =	wrdreg s20  }
0x18: {  	s26 =	sadd.s32 $0x4000, s6;
	s2 =	simm.s32 $0x14000;
	[dreg:$0xb] =	wrdreg s21  }
0x19: {  	s8 =	simm.s32 $0x80;
	s10 =	simm.s32 $0x1A800;
	[dreg:$0xe] =	wrdreg s9  }
0x1a: {  	[dreg:$0xf] =	wrdreg s25;
	s21 =	sadd.s32 s12, s24;
	s24 =	sadd.s32 $0xC2400, s0  }
0x1b: {  	s25 =	smax.u32 s7, $0x1;
	s0 =	simm.s32 $0x5;
	s7 =	simm.s32 $0x15400  }
0x1c: {  	s9 =	simm.s32 $0x14080;
	s12 =	simm.s32 $0x2;
	s14 =	simm.s32 $0x4  }
0x1d: {  	v0 =	vimm.f32 $0.0e+00;
	s15 =	simm.s32 $0x16700;
	s16 =	simm.s32 $0x16780;
	s17 =	simm.s32 $0x0  }
.LBB2_1:
0x1e: {  	_ =	strace $0x80000054;
	s18 =	simm.s32 $0x0;
	s19 =	simm.s32 $0x200  }
.LBB2_2:
0x1f: {  	p0 =	sne.s32 s19, $0xFE00;
	[tilespmem:s18+$0x16870] =	vst v0  }
0x20: {  	[tilespmem:s18+$0x16800] =	vst v0  }
0x21: {  	[tilespmem:s18+$0x16810] =	vst v0  }
.Ltmp0:
0x22: {  	[tilespmem:s18+$0x16820] =	vst v0;
	(pc) =	sbr.rel @p0 .LBB2_2-.Ltmp0, $4  }
0x23: {  	[tilespmem:s18+$0x16830] =	vst v0  }
0x24: {  	[tilespmem:s18+$0x16840] =	vst v0  }
0x25: {  	[tilespmem:s18+$0x16850] =	vst v0  }
0x26: {  	[tilespmem:s18+$0x16860] =	vst v0;
	s18 =	sshra.s32 s19, $0x2;
	s19 =	sadd.s32 $0x200, s19  }
0x27: {  	[tilespmem:s18+$0x16870] =	vst v0  }
0x28: {  	[tilespmem:s18+$0x16800] =	vst v0  }
0x29: {  	[tilespmem:s18+$0x16810] =	vst v0  }
0x2a: {  	[tilespmem:s18+$0x16820] =	vst v0  }
0x2b: {  	[tilespmem:s18+$0x16830] =	vst v0  }
0x2c: {  	[tilespmem:s18+$0x16840] =	vst v0  }
0x2d: {  	[tilespmem:s18+$0x16850] =	vst v0  }
0x2e: {  	[tilespmem:s18+$0x16860] =	vst v0  }
0x2f: {  	[spmem:s6] =	stream.linear.scatter [tilespmem:s31], [sflag:$0x5], $0x4000, $0x200038;
	[tilespmem:$0x1E800] =	vst v63  }
0x30: {  	_ =	swait.ge [sflag:s0], $0x4000  }
0x31: {  	[sflag:s0] =	ssyncset.done $0x0  }
0x32: {  	[sflag:s0] =	ssyncadd.s32 $0xFFFFC000  }
0x33: {  	[spmem:s26] =	stream.linear.scatter [tilespmem:s31], [sflag:$0x5], $0x4000, $0x200038;
	[tilespmem:$0x1E800] =	vst v63  }
0x34: {  	_ =	swait.ge [sflag:s0], $0x4000  }
0x35: {  	[sflag:s0] =	ssyncset.done $0x0  }
0x36: {  	[sflag:s0] =	ssyncadd.s32 $0xFFFFC000  }
0x37: {  	[spmem:s28] =	stream.linear.scatter [tilespmem:s31], [sflag:$0x5], $0x4000, $0x200038;
	[tilespmem:$0x1E800] =	vst v63  }
0x38: {  	_ =	swait.ge [sflag:s0], $0x4000  }
0x39: {  	[sflag:s0] =	ssyncset.done $0x0  }
0x3a: {  	[sflag:s0] =	ssyncadd.s32 $0xFFFFC000  }
0x3b: {  	[spmem:s29] =	stream.linear.scatter [tilespmem:s31], [sflag:$0x5], $0x4000, $0x200038;
	[tilespmem:$0x1E800] =	vst v63  }
0x3c: {  	_ =	swait.ge [sflag:s0], $0x4000  }
0x3d: {  	[sflag:s0] =	ssyncset.done $0x0  }
0x3e: {  	[sflag:s0] =	ssyncadd.s32 $0xFFFFC000  }
0x3f: {  	[spmem:s30] =	stream.linear.scatter [tilespmem:s31], [sflag:$0x5], $0x4000, $0x200038;
	[tilespmem:$0x1E800] =	vst v63  }
0x40: {  	_ =	swait.ge [sflag:s0], $0x4000  }
0x41: {  	[sflag:s0] =	ssyncset.done $0x0  }
0x42: {  	[sflag:s0] =	ssyncadd.s32 $0xFFFFC000  }
0x43: {  	[bflag:$0x0] =	sbarrier.arrive $0xFFFF  }
0x44: {  	_ =	strace $0x90000054  }
0x45: {  	_ =	strace $0x80000055  }
0x46: {  	s18 =	simm.s32 $0x0;
	s19 =	rddreg [dreg:$0xc]  }
0x47: {  	[tilespmem:s2], [sflag:$0x5] =	stream.linear.gather [hbm4b:s19+s18], $0x1400, $0x200038;
	[tilespmem:$0x1E800] =	vst v63  }
0x48: {  	_ =	swait.ge [sflag:s0], $0x1400  }
0x49: {  	[sflag:s0] =	ssyncset.done $0x0  }
0x4a: {  	s20 =	rddreg [dreg:$0xd];
	[sflag:s0] =	ssyncadd.s32 $0xFFFFEC00  }
0x4b: {  	[tilespmem:s7], [sflag:$0x5] =	stream.linear.gather [hbm4b:s20+s18], $0x1400, $0x200038;
	[tilespmem:$0x1E800] =	vst v63  }
0x4c: {  	_ =	swait.ge [sflag:s0], $0x1400  }
0x4d: {  	[sflag:s0] =	ssyncset.done $0x0  }
0x4e: {  	[sflag:s0] =	ssyncadd.s32 $0xFFFFEC00  }
0x4f: {  	[tilespmem:s31], [sflag:$0x1] =	stream.indirect.gather [hbm4b:s4+s8], $0x80, s2, s8, $0x2000b8;
	[tilespmem:$0x1E800] =	vst v63  }
0x50: {  	_ = 	snop  }
0x51: {  	[tilespmem:s10], [sflag:$0x2] =	stream.indirect.gather [hbm4b:s4+s8], $0x80, s9, s8, $0x2000b8;
	[tilespmem:$0x1E800] =	vst v63  }
0x52: {  	_ =	swait.ge [sflag:s11], $0x4000  }
0x53: {  	[sflag:s11] =	ssyncset.done $0x0  }
0x54: {  	s20 =	simm.s32 $0x15400;
	[sflag:s11] =	ssyncadd.s32 $0xFFFFC000  }
0x55: {  	[spmem:s1] =	stream.indirect.scatter.add.f32 [tilespmem:s31], [sflag:$0x3], $0x80, s20, s8, $0x2000b8;
	[tilespmem:$0x1E800] =	vst v63  }
0x56: {  	_ =	swait.ge [sflag:s12], $0x4000  }
0x57: {  	[sflag:s12] =	ssyncset.done $0x0  }
0x58: {  	s19 =	simm.s32 $0x15480;
	[sflag:s12] =	ssyncadd.s32 $0xFFFFC000  }
0x59: {  	[spmem:s1] =	stream.indirect.scatter.add.f32 [tilespmem:s10], [sflag:$0x4], $0x80, s19, s8, $0x2000b8;
	[tilespmem:$0x1E800] =	vst v63  }
0x5a: {  	_ =	swait.ge [sflag:s13], $0x4000  }
0x5b: {  	[sflag:s13] =	ssyncset.done $0x0  }
0x5c: {  	s20 =	simm.s32 $0x14100;
	[sflag:s13] =	ssyncadd.s32 $0xFFFFC000  }
0x5d: {  	[tilespmem:s31], [sflag:$0x1] =	stream.indirect.gather [hbm4b:s4+s8], $0x80, s20, s8, $0x2000b8;
	[tilespmem:$0x1E800] =	vst v63  }
0x5e: {  	_ =	swait.ge [sflag:s14], $0x4000  }
0x5f: {  	[sflag:s14] =	ssyncset.done $0x0  }
0x60: {  	s18 =	simm.s32 $0x400;
	s19 =	simm.s32 $0x14180;
	[sflag:s14] =	ssyncadd.s32 $0xFFFFC000  }
.LBB2_4:
0x61: {  	[tilespmem:s10], [sflag:$0x2] =	stream.indirect.gather [hbm4b:s4+s8], $0x80, s19, s8, $0x2000b8;
	[tilespmem:$0x1E800] =	vst v63  }
0x62: {  	s19 =	smov.u32 s18  }
0x63: {  	p0 =	sne.s32 s18, $0x4800;
	s18 =	sadd.s32 $0x400, s18;
	_ =	swait.ge [sflag:s11], $0x4000  }
0x64: {  	s19 =	sshra.s32 s19, $0x2;
	[sflag:s11] =	ssyncset.done $0x0  }
0x65: {  	s20 =	sadd.s32 $0x15400, s19;
	[sflag:s11] =	ssyncadd.s32 $0xFFFFC000  }
0x66: {  	[spmem:s1] =	stream.indirect.scatter.add.f32 [tilespmem:s31], [sflag:$0x3], $0x80, s20, s8, $0x2000b8;
	[tilespmem:$0x1E800] =	vst v63  }
0x67: {  	_ =	swait.ge [sflag:s12], $0x4000  }
0x68: {  	[sflag:s12] =	ssyncset.done $0x0  }
0x69: {  	s20 =	sadd.s32 $0x15480, s19;
	[sflag:s12] =	ssyncadd.s32 $0xFFFFC000  }
0x6a: {  	[spmem:s1] =	stream.indirect.scatter.add.f32 [tilespmem:s10], [sflag:$0x4], $0x80, s20, s8, $0x2000b8;
	[tilespmem:$0x1E800] =	vst v63  }
0x6b: {  	_ =	swait.ge [sflag:s13], $0x4000  }
0x6c: {  	[sflag:s13] =	ssyncset.done $0x0  }
.Ltmp1:
0x6d: {  	s20 =	sadd.s32 $0x14100, s19;
	[sflag:s13] =	ssyncadd.s32 $0xFFFFC000;
	(pc) =	sbr.rel @p0 .LBB2_4-.Ltmp1, $4  }
0x6e: {  	[tilespmem:s31], [sflag:$0x1] =	stream.indirect.gather [hbm4b:s4+s8], $0x80, s20, s8, $0x2000b8;
	[tilespmem:$0x1E800] =	vst v63  }
0x6f: {  	_ =	swait.ge [sflag:s14], $0x4000  }
0x70: {  	[sflag:s14] =	ssyncset.done $0x0  }
0x71: {  	s19 =	sadd.s32 $0x14180, s19;
	[sflag:s14] =	ssyncadd.s32 $0xFFFFC000  }
0x72: {  	[tilespmem:s10], [sflag:$0x2] =	stream.indirect.gather [hbm4b:s4+s8], $0x80, s19, s8, $0x2000b8;
	[tilespmem:$0x1E800] =	vst v63  }
0x73: {  	_ =	swait.ge [sflag:s11], $0x4000  }
0x74: {  	[sflag:s11] =	ssyncset.done $0x0  }
0x75: {  	[sflag:s11] =	ssyncadd.s32 $0xFFFFC000  }
0x76: {  	[spmem:s1] =	stream.indirect.scatter.add.f32 [tilespmem:s31], [sflag:$0x3], $0x80, s15, s8, $0x2000b8;
	[tilespmem:$0x1E800] =	vst v63  }
0x77: {  	_ =	swait.ge [sflag:s12], $0x4000  }
0x78: {  	[sflag:s12] =	ssyncset.done $0x0  }
0x79: {  	[sflag:s12] =	ssyncadd.s32 $0xFFFFC000  }
0x7a: {  	[spmem:s1] =	stream.indirect.scatter.add.f32 [tilespmem:s10], [sflag:$0x4], $0x80, s16, s8, $0x2000b8;
	[tilespmem:$0x1E800] =	vst v63  }
0x7b: {  	_ =	swait.ge [sflag:s13], $0x4000  }
0x7c: {  	[sflag:s13] =	ssyncset.done $0x0  }
0x7d: {  	[sflag:s13] =	ssyncadd.s32 $0xFFFFC000  }
0x7e: {  	_ =	swait.ge [sflag:s14], $0x4000  }
0x7f: {  	[sflag:s14] =	ssyncset.done $0x0  }
0x80: {  	s18 =	simm.s32 $0x0;
	s20 =	rddreg [dreg:$0xe];
	[sflag:s14] =	ssyncadd.s32 $0xFFFFC000  }
0x81: {  	[tilespmem:s2], [sflag:$0x5] =	stream.linear.gather [hbm4b:s20+s18], $0x1400, $0x200038;
	[tilespmem:$0x1E800] =	vst v63  }
0x82: {  	_ =	swait.ge [sflag:s0], $0x1400  }
0x83: {  	[sflag:s0] =	ssyncset.done $0x0  }
0x84: {  	s20 =	rddreg [dreg:$0xf];
	[sflag:s0] =	ssyncadd.s32 $0xFFFFEC00  }
0x85: {  	[tilespmem:s7], [sflag:$0x5] =	stream.linear.gather [hbm4b:s20+s18], $0x1400, $0x200038;
	[tilespmem:$0x1E800] =	vst v63  }
0x86: {  	_ =	swait.ge [sflag:s0], $0x1400  }
0x87: {  	[sflag:s0] =	ssyncset.done $0x0  }
0x88: {  	[sflag:s0] =	ssyncadd.s32 $0xFFFFEC00  }
0x89: {  	[tilespmem:s31], [sflag:$0x1] =	stream.indirect.gather [hbm4b:s4+s8], $0x80, s2, s8, $0x2000b8;
	[tilespmem:$0x1E800] =	vst v63  }
0x8a: {  	_ = 	snop  }
0x8b: {  	[tilespmem:s10], [sflag:$0x2] =	stream.indirect.gather [hbm4b:s4+s8], $0x80, s9, s8, $0x2000b8;
	[tilespmem:$0x1E800] =	vst v63  }
0x8c: {  	_ =	swait.ge [sflag:s11], $0x4000  }
0x8d: {  	[sflag:s11] =	ssyncset.done $0x0  }
0x8e: {  	s20 =	simm.s32 $0x15400;
	[sflag:s11] =	ssyncadd.s32 $0xFFFFC000  }
0x8f: {  	[spmem:s1] =	stream.indirect.scatter.add.f32 [tilespmem:s31], [sflag:$0x3], $0x80, s20, s8, $0x2000b8;
	[tilespmem:$0x1E800] =	vst v63  }
0x90: {  	_ =	swait.ge [sflag:s12], $0x4000  }
0x91: {  	[sflag:s12] =	ssyncset.done $0x0  }
0x92: {  	s19 =	simm.s32 $0x15480;
	[sflag:s12] =	ssyncadd.s32 $0xFFFFC000  }
0x93: {  	[spmem:s1] =	stream.indirect.scatter.add.f32 [tilespmem:s10], [sflag:$0x4], $0x80, s19, s8, $0x2000b8;
	[tilespmem:$0x1E800] =	vst v63  }
0x94: {  	_ =	swait.ge [sflag:s13], $0x4000  }
0x95: {  	[sflag:s13] =	ssyncset.done $0x0  }
0x96: {  	s20 =	simm.s32 $0x14100;
	[sflag:s13] =	ssyncadd.s32 $0xFFFFC000  }
0x97: {  	[tilespmem:s31], [sflag:$0x1] =	stream.indirect.gather [hbm4b:s4+s8], $0x80, s20, s8, $0x2000b8;
	[tilespmem:$0x1E800] =	vst v63  }
0x98: {  	_ =	swait.ge [sflag:s14], $0x4000  }
0x99: {  	[sflag:s14] =	ssyncset.done $0x0  }
0x9a: {  	s18 =	simm.s32 $0x400;
	s19 =	simm.s32 $0x14180;
	[sflag:s14] =	ssyncadd.s32 $0xFFFFC000  }
.LBB2_6:
0x9b: {  	[tilespmem:s10], [sflag:$0x2] =	stream.indirect.gather [hbm4b:s4+s8], $0x80, s19, s8, $0x2000b8;
	[tilespmem:$0x1E800] =	vst v63  }
0x9c: {  	s19 =	smov.u32 s18  }
0x9d: {  	p0 =	sne.s32 s18, $0x4800;
	s18 =	sadd.s32 $0x400, s18;
	_ =	swait.ge [sflag:s11], $0x4000  }
0x9e: {  	s19 =	sshra.s32 s19, $0x2;
	[sflag:s11] =	ssyncset.done $0x0  }
0x9f: {  	s20 =	sadd.s32 $0x15400, s19;
	[sflag:s11] =	ssyncadd.s32 $0xFFFFC000  }
0xa0: {  	[spmem:s1] =	stream.indirect.scatter.add.f32 [tilespmem:s31], [sflag:$0x3], $0x80, s20, s8, $0x2000b8;
	[tilespmem:$0x1E800] =	vst v63  }
0xa1: {  	_ =	swait.ge [sflag:s12], $0x4000  }
0xa2: {  	[sflag:s12] =	ssyncset.done $0x0  }
0xa3: {  	s20 =	sadd.s32 $0x15480, s19;
	[sflag:s12] =	ssyncadd.s32 $0xFFFFC000  }
0xa4: {  	[spmem:s1] =	stream.indirect.scatter.add.f32 [tilespmem:s10], [sflag:$0x4], $0x80, s20, s8, $0x2000b8;
	[tilespmem:$0x1E800] =	vst v63  }
0xa5: {  	_ =	swait.ge [sflag:s13], $0x4000  }
0xa6: {  	[sflag:s13] =	ssyncset.done $0x0  }
.Ltmp2:
0xa7: {  	s20 =	sadd.s32 $0x14100, s19;
	[sflag:s13] =	ssyncadd.s32 $0xFFFFC000;
	(pc) =	sbr.rel @p0 .LBB2_6-.Ltmp2, $4  }
0xa8: {  	[tilespmem:s31], [sflag:$0x1] =	stream.indirect.gather [hbm4b:s4+s8], $0x80, s20, s8, $0x2000b8;
	[tilespmem:$0x1E800] =	vst v63  }
0xa9: {  	_ =	swait.ge [sflag:s14], $0x4000  }
0xaa: {  	[sflag:s14] =	ssyncset.done $0x0  }
0xab: {  	s19 =	sadd.s32 $0x14180, s19;
	[sflag:s14] =	ssyncadd.s32 $0xFFFFC000  }
0xac: {  	[tilespmem:s10], [sflag:$0x2] =	stream.indirect.gather [hbm4b:s4+s8], $0x80, s19, s8, $0x2000b8;
	[tilespmem:$0x1E800] =	vst v63  }
0xad: {  	_ =	swait.ge [sflag:s11], $0x4000  }
0xae: {  	[sflag:s11] =	ssyncset.done $0x0  }
0xaf: {  	[sflag:s11] =	ssyncadd.s32 $0xFFFFC000  }
0xb0: {  	[spmem:s1] =	stream.indirect.scatter.add.f32 [tilespmem:s31], [sflag:$0x3], $0x80, s15, s8, $0x2000b8;
	[tilespmem:$0x1E800] =	vst v63  }
0xb1: {  	_ =	swait.ge [sflag:s12], $0x4000  }
0xb2: {  	[sflag:s12] =	ssyncset.done $0x0  }
0xb3: {  	[sflag:s12] =	ssyncadd.s32 $0xFFFFC000  }
0xb4: {  	[spmem:s1] =	stream.indirect.scatter.add.f32 [tilespmem:s10], [sflag:$0x4], $0x80, s16, s8, $0x2000b8;
	[tilespmem:$0x1E800] =	vst v63  }
0xb5: {  	_ =	swait.ge [sflag:s13], $0x4000  }
0xb6: {  	[sflag:s13] =	ssyncset.done $0x0  }
0xb7: {  	[sflag:s13] =	ssyncadd.s32 $0xFFFFC000  }
0xb8: {  	_ =	swait.ge [sflag:s14], $0x4000  }
0xb9: {  	[sflag:s14] =	ssyncset.done $0x0  }
0xba: {  	[sflag:s14] =	ssyncadd.s32 $0xFFFFC000  }
0xbb: {  	[bflag:$0x0] =	sbarrier.arrive $0xFFFF  }
0xbc: {  	_ =	strace $0x90000055  }
0xbd: {  	_ =	strace $0x80000056  }
0xbe: {  	[tilespmem:s31], [sflag:$0x5] =	stream.linear.gather [spmem:s6], $0x4000, $0x200038;
	[tilespmem:$0x1E800] =	vst v63  }
0xbf: {  	_ =	swait.ge [sflag:s0], $0x4000  }
0xc0: {  	[sflag:s0] =	ssyncset.done $0x0  }
0xc1: {  	s18 =	simm.s32 $0x0;
	s20 =	rddreg [dreg:$0x4];
	[sflag:s0] =	ssyncadd.s32 $0xFFFFC000  }
0xc2: {  	[hbm4b:s20+s18] =	stream.linear.scatter [tilespmem:s31], [sflag:$0x5], $0x4000, $0x200038;
	[tilespmem:$0x1E800] =	vst v63  }
0xc3: {  	_ =	swait.ge [sflag:s0], $0x4000  }
0xc4: {  	[sflag:s0] =	ssyncset.done $0x0  }
0xc5: {  	[sflag:s0] =	ssyncadd.s32 $0xFFFFC000  }
0xc6: {  	[tilespmem:s31], [sflag:$0x5] =	stream.linear.gather [spmem:s26], $0x4000, $0x200038;
	[tilespmem:$0x1E800] =	vst v63  }
0xc7: {  	_ =	swait.ge [sflag:s0], $0x4000  }
0xc8: {  	[sflag:s0] =	ssyncset.done $0x0  }
0xc9: {  	s20 =	rddreg [dreg:$0x5];
	[sflag:s0] =	ssyncadd.s32 $0xFFFFC000  }
0xca: {  	[hbm4b:s20+s18] =	stream.linear.scatter [tilespmem:s31], [sflag:$0x5], $0x4000, $0x200038;
	[tilespmem:$0x1E800] =	vst v63  }
0xcb: {  	_ =	swait.ge [sflag:s0], $0x4000  }
0xcc: {  	[sflag:s0] =	ssyncset.done $0x0  }
0xcd: {  	[sflag:s0] =	ssyncadd.s32 $0xFFFFC000  }
0xce: {  	[tilespmem:s31], [sflag:$0x5] =	stream.linear.gather [spmem:s28], $0x4000, $0x200038;
	[tilespmem:$0x1E800] =	vst v63  }
0xcf: {  	_ =	swait.ge [sflag:s0], $0x4000  }
0xd0: {  	[sflag:s0] =	ssyncset.done $0x0  }
0xd1: {  	s20 =	rddreg [dreg:$0x6];
	[sflag:s0] =	ssyncadd.s32 $0xFFFFC000  }
0xd2: {  	[hbm4b:s20+s18] =	stream.linear.scatter [tilespmem:s31], [sflag:$0x5], $0x4000, $0x200038;
	[tilespmem:$0x1E800] =	vst v63  }
0xd3: {  	_ =	swait.ge [sflag:s0], $0x4000  }
0xd4: {  	[sflag:s0] =	ssyncset.done $0x0  }
0xd5: {  	[sflag:s0] =	ssyncadd.s32 $0xFFFFC000  }
0xd6: {  	[tilespmem:s31], [sflag:$0x5] =	stream.linear.gather [spmem:s29], $0x4000, $0x200038;
	[tilespmem:$0x1E800] =	vst v63  }
0xd7: {  	_ =	swait.ge [sflag:s0], $0x4000  }
0xd8: {  	[sflag:s0] =	ssyncset.done $0x0  }
0xd9: {  	s20 =	rddreg [dreg:$0x7];
	[sflag:s0] =	ssyncadd.s32 $0xFFFFC000  }
0xda: {  	[hbm4b:s20+s18] =	stream.linear.scatter [tilespmem:s31], [sflag:$0x5], $0x4000, $0x200038;
	[tilespmem:$0x1E800] =	vst v63  }
0xdb: {  	_ =	swait.ge [sflag:s0], $0x4000  }
0xdc: {  	[sflag:s0] =	ssyncset.done $0x0  }
0xdd: {  	[sflag:s0] =	ssyncadd.s32 $0xFFFFC000  }
0xde: {  	[tilespmem:s31], [sflag:$0x5] =	stream.linear.gather [spmem:s30], $0x4000, $0x200038;
	[tilespmem:$0x1E800] =	vst v63  }
0xdf: {  	_ =	swait.ge [sflag:s0], $0x4000  }
0xe0: {  	[sflag:s0] =	ssyncset.done $0x0  }
0xe1: {  	s20 =	rddreg [dreg:$0x8];
	[sflag:s0] =	ssyncadd.s32 $0xFFFFC000  }
0xe2: {  	[hbm4b:s20+s18] =	stream.linear.scatter [tilespmem:s31], [sflag:$0x5], $0x4000, $0x200038;
	[tilespmem:$0x1E800] =	vst v63  }
0xe3: {  	_ =	swait.ge [sflag:s0], $0x4000  }
0xe4: {  	[sflag:s0] =	ssyncset.done $0x0  }
0xe5: {  	[sflag:s0] =	ssyncadd.s32 $0xFFFFC000  }
0xe6: {  	[bflag:$0x0] =	sbarrier.arrive $0xFFFF  }
0xe7: {  	_ =	strace $0x90000056  }
0xe8: {  	s19 =	simm.s32 $0x200;
	s18 =	simm.s32 $0x0;
	_ =	strace $0x80000057  }
.LBB2_8:
0xe9: {  	p0 =	sne.s32 s19, $0xFE00;
	[tilespmem:s18+$0x16870] =	vst v0  }
0xea: {  	[tilespmem:s18+$0x16800] =	vst v0  }
0xeb: {  	[tilespmem:s18+$0x16810] =	vst v0  }
.Ltmp3:
0xec: {  	[tilespmem:s18+$0x16820] =	vst v0;
	(pc) =	sbr.rel @p0 .LBB2_8-.Ltmp3, $4  }
0xed: {  	[tilespmem:s18+$0x16830] =	vst v0  }
0xee: {  	[tilespmem:s18+$0x16840] =	vst v0  }
0xef: {  	[tilespmem:s18+$0x16850] =	vst v0  }
0xf0: {  	[tilespmem:s18+$0x16860] =	vst v0;
	s18 =	sshra.s32 s19, $0x2;
	s19 =	sadd.s32 $0x200, s19  }
0xf1: {  	[tilespmem:s18+$0x16870] =	vst v0  }
0xf2: {  	[tilespmem:s18+$0x16800] =	vst v0  }
0xf3: {  	[tilespmem:s18+$0x16810] =	vst v0  }
0xf4: {  	[tilespmem:s18+$0x16820] =	vst v0  }
0xf5: {  	[tilespmem:s18+$0x16830] =	vst v0  }
0xf6: {  	[tilespmem:s18+$0x16840] =	vst v0  }
0xf7: {  	[tilespmem:s18+$0x16850] =	vst v0  }
0xf8: {  	[tilespmem:s18+$0x16860] =	vst v0  }
0xf9: {  	[spmem:s6] =	stream.linear.scatter [tilespmem:s31], [sflag:$0x5], $0x4000, $0x200038;
	[tilespmem:$0x1E800] =	vst v63  }
0xfa: {  	_ =	swait.ge [sflag:s0], $0x4000  }
0xfb: {  	[sflag:s0] =	ssyncset.done $0x0  }
0xfc: {  	[sflag:s0] =	ssyncadd.s32 $0xFFFFC000  }
0xfd: {  	[spmem:s26] =	stream.linear.scatter [tilespmem:s31], [sflag:$0x5], $0x4000, $0x200038;
	[tilespmem:$0x1E800] =	vst v63  }
0xfe: {  	_ =	swait.ge [sflag:s0], $0x4000  }
0xff: {  	[sflag:s0] =	ssyncset.done $0x0  }
0x100: {  	[sflag:s0] =	ssyncadd.s32 $0xFFFFC000  }
0x101: {  	[spmem:s28] =	stream.linear.scatter [tilespmem:s31], [sflag:$0x5], $0x4000, $0x200038;
	[tilespmem:$0x1E800] =	vst v63  }
0x102: {  	_ =	swait.ge [sflag:s0], $0x4000  }
0x103: {  	[sflag:s0] =	ssyncset.done $0x0  }
0x104: {  	[sflag:s0] =	ssyncadd.s32 $0xFFFFC000  }
0x105: {  	[spmem:s29] =	stream.linear.scatter [tilespmem:s31], [sflag:$0x5], $0x4000, $0x200038;
	[tilespmem:$0x1E800] =	vst v63  }
0x106: {  	_ =	swait.ge [sflag:s0], $0x4000  }
0x107: {  	[sflag:s0] =	ssyncset.done $0x0  }
0x108: {  	[sflag:s0] =	ssyncadd.s32 $0xFFFFC000  }
0x109: {  	[spmem:s30] =	stream.linear.scatter [tilespmem:s31], [sflag:$0x5], $0x4000, $0x200038;
	[tilespmem:$0x1E800] =	vst v63  }
0x10a: {  	_ =	swait.ge [sflag:s0], $0x4000  }
0x10b: {  	[sflag:s0] =	ssyncset.done $0x0  }
0x10c: {  	[sflag:s0] =	ssyncadd.s32 $0xFFFFC000  }
0x10d: {  	[bflag:$0x0] =	sbarrier.arrive $0xFFFF  }
0x10e: {  	_ =	strace $0x90000057  }
0x10f: {  	_ =	strace $0x80000058  }
0x110: {  	s18 =	simm.s32 $0x0;
	s19 =	rddreg [dreg:$0x10]  }
0x111: {  	[tilespmem:s2], [sflag:$0x5] =	stream.linear.gather [hbm4b:s19+s18], $0x1400, $0x200038;
	[tilespmem:$0x1E800] =	vst v63  }
0x112: {  	_ =	swait.ge [sflag:s0], $0x1400  }
0x113: {  	[sflag:s0] =	ssyncset.done $0x0  }
0x114: {  	s20 =	rddreg [dreg:$0x11];
	[sflag:s0] =	ssyncadd.s32 $0xFFFFEC00  }
0x115: {  	[tilespmem:s7], [sflag:$0x5] =	stream.linear.gather [hbm4b:s20+s18], $0x1400, $0x200038;
	[tilespmem:$0x1E800] =	vst v63  }
0x116: {  	_ =	swait.ge [sflag:s0], $0x1400  }
0x117: {  	[sflag:s0] =	ssyncset.done $0x0  }
0x118: {  	[sflag:s0] =	ssyncadd.s32 $0xFFFFEC00  }
0x119: {  	[tilespmem:s31], [sflag:$0x1] =	stream.indirect.gather [hbm4b:s5+s8], $0x80, s2, s8, $0x2000b8;
	[tilespmem:$0x1E800] =	vst v63  }
0x11a: {  	_ = 	snop  }
0x11b: {  	[tilespmem:s10], [sflag:$0x2] =	stream.indirect.gather [hbm4b:s5+s8], $0x80, s9, s8, $0x2000b8;
	[tilespmem:$0x1E800] =	vst v63  }
0x11c: {  	_ =	swait.ge [sflag:s11], $0x4000  }
0x11d: {  	[sflag:s11] =	ssyncset.done $0x0  }
0x11e: {  	s20 =	simm.s32 $0x15400;
	[sflag:s11] =	ssyncadd.s32 $0xFFFFC000  }
0x11f: {  	[spmem:s1] =	stream.indirect.scatter.add.f32 [tilespmem:s31], [sflag:$0x3], $0x80, s20, s8, $0x2000b8;
	[tilespmem:$0x1E800] =	vst v63  }
0x120: {  	_ =	swait.ge [sflag:s12], $0x4000  }
0x121: {  	[sflag:s12] =	ssyncset.done $0x0  }
0x122: {  	s19 =	simm.s32 $0x15480;
	[sflag:s12] =	ssyncadd.s32 $0xFFFFC000  }
0x123: {  	[spmem:s1] =	stream.indirect.scatter.add.f32 [tilespmem:s10], [sflag:$0x4], $0x80, s19, s8, $0x2000b8;
	[tilespmem:$0x1E800] =	vst v63  }
0x124: {  	_ =	swait.ge [sflag:s13], $0x4000  }
0x125: {  	[sflag:s13] =	ssyncset.done $0x0  }
0x126: {  	s20 =	simm.s32 $0x14100;
	[sflag:s13] =	ssyncadd.s32 $0xFFFFC000  }
0x127: {  	[tilespmem:s31], [sflag:$0x1] =	stream.indirect.gather [hbm4b:s5+s8], $0x80, s20, s8, $0x2000b8;
	[tilespmem:$0x1E800] =	vst v63  }
0x128: {  	_ =	swait.ge [sflag:s14], $0x4000  }
0x129: {  	[sflag:s14] =	ssyncset.done $0x0  }
0x12a: {  	s18 =	simm.s32 $0x400;
	s19 =	simm.s32 $0x14180;
	[sflag:s14] =	ssyncadd.s32 $0xFFFFC000  }
.LBB2_10:
0x12b: {  	[tilespmem:s10], [sflag:$0x2] =	stream.indirect.gather [hbm4b:s5+s8], $0x80, s19, s8, $0x2000b8;
	[tilespmem:$0x1E800] =	vst v63  }
0x12c: {  	s19 =	smov.u32 s18  }
0x12d: {  	p0 =	sne.s32 s18, $0x4800;
	s18 =	sadd.s32 $0x400, s18;
	_ =	swait.ge [sflag:s11], $0x4000  }
0x12e: {  	s19 =	sshra.s32 s19, $0x2;
	[sflag:s11] =	ssyncset.done $0x0  }
0x12f: {  	s20 =	sadd.s32 $0x15400, s19;
	[sflag:s11] =	ssyncadd.s32 $0xFFFFC000  }
0x130: {  	[spmem:s1] =	stream.indirect.scatter.add.f32 [tilespmem:s31], [sflag:$0x3], $0x80, s20, s8, $0x2000b8;
	[tilespmem:$0x1E800] =	vst v63  }
0x131: {  	_ =	swait.ge [sflag:s12], $0x4000  }
0x132: {  	[sflag:s12] =	ssyncset.done $0x0  }
0x133: {  	s20 =	sadd.s32 $0x15480, s19;
	[sflag:s12] =	ssyncadd.s32 $0xFFFFC000  }
0x134: {  	[spmem:s1] =	stream.indirect.scatter.add.f32 [tilespmem:s10], [sflag:$0x4], $0x80, s20, s8, $0x2000b8;
	[tilespmem:$0x1E800] =	vst v63  }
0x135: {  	_ =	swait.ge [sflag:s13], $0x4000  }
0x136: {  	[sflag:s13] =	ssyncset.done $0x0  }
.Ltmp4:
0x137: {  	s20 =	sadd.s32 $0x14100, s19;
	[sflag:s13] =	ssyncadd.s32 $0xFFFFC000;
	(pc) =	sbr.rel @p0 .LBB2_10-.Ltmp4, $4  }
0x138: {  	[tilespmem:s31], [sflag:$0x1] =	stream.indirect.gather [hbm4b:s5+s8], $0x80, s20, s8, $0x2000b8;
	[tilespmem:$0x1E800] =	vst v63  }
0x139: {  	_ =	swait.ge [sflag:s14], $0x4000  }
0x13a: {  	[sflag:s14] =	ssyncset.done $0x0  }
0x13b: {  	s19 =	sadd.s32 $0x14180, s19;
	[sflag:s14] =	ssyncadd.s32 $0xFFFFC000  }
0x13c: {  	[tilespmem:s10], [sflag:$0x2] =	stream.indirect.gather [hbm4b:s5+s8], $0x80, s19, s8, $0x2000b8;
	[tilespmem:$0x1E800] =	vst v63  }
0x13d: {  	_ =	swait.ge [sflag:s11], $0x4000  }
0x13e: {  	[sflag:s11] =	ssyncset.done $0x0  }
0x13f: {  	[sflag:s11] =	ssyncadd.s32 $0xFFFFC000  }
0x140: {  	[spmem:s1] =	stream.indirect.scatter.add.f32 [tilespmem:s31], [sflag:$0x3], $0x80, s15, s8, $0x2000b8;
	[tilespmem:$0x1E800] =	vst v63  }
0x141: {  	_ =	swait.ge [sflag:s12], $0x4000  }
0x142: {  	[sflag:s12] =	ssyncset.done $0x0  }
0x143: {  	[sflag:s12] =	ssyncadd.s32 $0xFFFFC000  }
0x144: {  	[spmem:s1] =	stream.indirect.scatter.add.f32 [tilespmem:s10], [sflag:$0x4], $0x80, s16, s8, $0x2000b8;
	[tilespmem:$0x1E800] =	vst v63  }
0x145: {  	_ =	swait.ge [sflag:s13], $0x4000  }
0x146: {  	[sflag:s13] =	ssyncset.done $0x0  }
0x147: {  	[sflag:s13] =	ssyncadd.s32 $0xFFFFC000  }
0x148: {  	_ =	swait.ge [sflag:s14], $0x4000  }
0x149: {  	[sflag:s14] =	ssyncset.done $0x0  }
0x14a: {  	s18 =	simm.s32 $0x0;
	[sflag:s14] =	ssyncadd.s32 $0xFFFFC000  }
0x14b: {  	[tilespmem:s2], [sflag:$0x5] =	stream.linear.gather [hbm4b:s21+s18], $0x1400, $0x200038;
	[tilespmem:$0x1E800] =	vst v63  }
0x14c: {  	_ =	swait.ge [sflag:s0], $0x1400  }
0x14d: {  	[sflag:s0] =	ssyncset.done $0x0  }
0x14e: {  	[sflag:s0] =	ssyncadd.s32 $0xFFFFEC00  }
0x14f: {  	[tilespmem:s7], [sflag:$0x5] =	stream.linear.gather [hbm4b:s22+s18], $0x1400, $0x200038;
	[tilespmem:$0x1E800] =	vst v63  }
0x150: {  	_ =	swait.ge [sflag:s0], $0x1400  }
0x151: {  	[sflag:s0] =	ssyncset.done $0x0  }
0x152: {  	[sflag:s0] =	ssyncadd.s32 $0xFFFFEC00  }
0x153: {  	[tilespmem:s31], [sflag:$0x1] =	stream.indirect.gather [hbm4b:s5+s8], $0x80, s2, s8, $0x2000b8;
	[tilespmem:$0x1E800] =	vst v63  }
0x154: {  	_ = 	snop  }
0x155: {  	[tilespmem:s10], [sflag:$0x2] =	stream.indirect.gather [hbm4b:s5+s8], $0x80, s9, s8, $0x2000b8;
	[tilespmem:$0x1E800] =	vst v63  }
0x156: {  	_ =	swait.ge [sflag:s11], $0x4000  }
0x157: {  	[sflag:s11] =	ssyncset.done $0x0  }
0x158: {  	s20 =	simm.s32 $0x15400;
	[sflag:s11] =	ssyncadd.s32 $0xFFFFC000  }
0x159: {  	[spmem:s1] =	stream.indirect.scatter.add.f32 [tilespmem:s31], [sflag:$0x3], $0x80, s20, s8, $0x2000b8;
	[tilespmem:$0x1E800] =	vst v63  }
0x15a: {  	_ =	swait.ge [sflag:s12], $0x4000  }
0x15b: {  	[sflag:s12] =	ssyncset.done $0x0  }
0x15c: {  	s19 =	simm.s32 $0x15480;
	[sflag:s12] =	ssyncadd.s32 $0xFFFFC000  }
0x15d: {  	[spmem:s1] =	stream.indirect.scatter.add.f32 [tilespmem:s10], [sflag:$0x4], $0x80, s19, s8, $0x2000b8;
	[tilespmem:$0x1E800] =	vst v63  }
0x15e: {  	_ =	swait.ge [sflag:s13], $0x4000  }
0x15f: {  	[sflag:s13] =	ssyncset.done $0x0  }
0x160: {  	s20 =	simm.s32 $0x14100;
	[sflag:s13] =	ssyncadd.s32 $0xFFFFC000  }
0x161: {  	[tilespmem:s31], [sflag:$0x1] =	stream.indirect.gather [hbm4b:s5+s8], $0x80, s20, s8, $0x2000b8;
	[tilespmem:$0x1E800] =	vst v63  }
0x162: {  	_ =	swait.ge [sflag:s14], $0x4000  }
0x163: {  	[sflag:s14] =	ssyncset.done $0x0  }
0x164: {  	s18 =	simm.s32 $0x400;
	s19 =	simm.s32 $0x14180;
	[sflag:s14] =	ssyncadd.s32 $0xFFFFC000  }
.LBB2_12:
0x165: {  	[tilespmem:s10], [sflag:$0x2] =	stream.indirect.gather [hbm4b:s5+s8], $0x80, s19, s8, $0x2000b8;
	[tilespmem:$0x1E800] =	vst v63  }
0x166: {  	s19 =	smov.u32 s18  }
0x167: {  	p0 =	sne.s32 s18, $0x4800;
	s18 =	sadd.s32 $0x400, s18;
	_ =	swait.ge [sflag:s11], $0x4000  }
0x168: {  	s19 =	sshra.s32 s19, $0x2;
	[sflag:s11] =	ssyncset.done $0x0  }
0x169: {  	s20 =	sadd.s32 $0x15400, s19;
	[sflag:s11] =	ssyncadd.s32 $0xFFFFC000  }
0x16a: {  	[spmem:s1] =	stream.indirect.scatter.add.f32 [tilespmem:s31], [sflag:$0x3], $0x80, s20, s8, $0x2000b8;
	[tilespmem:$0x1E800] =	vst v63  }
0x16b: {  	_ =	swait.ge [sflag:s12], $0x4000  }
0x16c: {  	[sflag:s12] =	ssyncset.done $0x0  }
0x16d: {  	s20 =	sadd.s32 $0x15480, s19;
	[sflag:s12] =	ssyncadd.s32 $0xFFFFC000  }
0x16e: {  	[spmem:s1] =	stream.indirect.scatter.add.f32 [tilespmem:s10], [sflag:$0x4], $0x80, s20, s8, $0x2000b8;
	[tilespmem:$0x1E800] =	vst v63  }
0x16f: {  	_ =	swait.ge [sflag:s13], $0x4000  }
0x170: {  	[sflag:s13] =	ssyncset.done $0x0  }
.Ltmp5:
0x171: {  	s20 =	sadd.s32 $0x14100, s19;
	[sflag:s13] =	ssyncadd.s32 $0xFFFFC000;
	(pc) =	sbr.rel @p0 .LBB2_12-.Ltmp5, $4  }
0x172: {  	[tilespmem:s31], [sflag:$0x1] =	stream.indirect.gather [hbm4b:s5+s8], $0x80, s20, s8, $0x2000b8;
	[tilespmem:$0x1E800] =	vst v63  }
0x173: {  	_ =	swait.ge [sflag:s14], $0x4000  }
0x174: {  	[sflag:s14] =	ssyncset.done $0x0  }
0x175: {  	s19 =	sadd.s32 $0x14180, s19;
	[sflag:s14] =	ssyncadd.s32 $0xFFFFC000  }
0x176: {  	[tilespmem:s10], [sflag:$0x2] =	stream.indirect.gather [hbm4b:s5+s8], $0x80, s19, s8, $0x2000b8;
	[tilespmem:$0x1E800] =	vst v63  }
0x177: {  	_ =	swait.ge [sflag:s11], $0x4000  }
0x178: {  	[sflag:s11] =	ssyncset.done $0x0  }
0x179: {  	[sflag:s11] =	ssyncadd.s32 $0xFFFFC000  }
0x17a: {  	[spmem:s1] =	stream.indirect.scatter.add.f32 [tilespmem:s31], [sflag:$0x3], $0x80, s15, s8, $0x2000b8;
	[tilespmem:$0x1E800] =	vst v63  }
0x17b: {  	_ =	swait.ge [sflag:s12], $0x4000  }
0x17c: {  	[sflag:s12] =	ssyncset.done $0x0  }
0x17d: {  	[sflag:s12] =	ssyncadd.s32 $0xFFFFC000  }
0x17e: {  	[spmem:s1] =	stream.indirect.scatter.add.f32 [tilespmem:s10], [sflag:$0x4], $0x80, s16, s8, $0x2000b8;
	[tilespmem:$0x1E800] =	vst v63  }
0x17f: {  	_ =	swait.ge [sflag:s13], $0x4000  }
0x180: {  	[sflag:s13] =	ssyncset.done $0x0  }
0x181: {  	[sflag:s13] =	ssyncadd.s32 $0xFFFFC000  }
0x182: {  	_ =	swait.ge [sflag:s14], $0x4000  }
0x183: {  	[sflag:s14] =	ssyncset.done $0x0  }
0x184: {  	[sflag:s14] =	ssyncadd.s32 $0xFFFFC000  }
0x185: {  	[bflag:$0x0] =	sbarrier.arrive $0xFFFF  }
0x186: {  	_ =	strace $0x90000058  }
0x187: {  	_ =	strace $0x80000059  }
0x188: {  	[tilespmem:s31], [sflag:$0x5] =	stream.linear.gather [spmem:s6], $0x4000, $0x200038;
	[tilespmem:$0x1E800] =	vst v63  }
0x189: {  	_ =	swait.ge [sflag:s0], $0x4000  }
0x18a: {  	[sflag:s0] =	ssyncset.done $0x0  }
0x18b: {  	s18 =	rddreg [dreg:$0x9];
	[sflag:s0] =	ssyncadd.s32 $0xFFFFC000  }
0x18c: {  	[hbm4b:s18+s3] =	stream.linear.scatter [tilespmem:s31], [sflag:$0x5], $0x4000, $0x200038;
	[tilespmem:$0x1E800] =	vst v63  }
0x18d: {  	_ =	swait.ge [sflag:s0], $0x4000  }
0x18e: {  	[sflag:s0] =	ssyncset.done $0x0  }
0x18f: {  	[sflag:s0] =	ssyncadd.s32 $0xFFFFC000  }
0x190: {  	[tilespmem:s31], [sflag:$0x5] =	stream.linear.gather [spmem:s26], $0x4000, $0x200038;
	[tilespmem:$0x1E800] =	vst v63  }
0x191: {  	_ =	swait.ge [sflag:s0], $0x4000  }
0x192: {  	[sflag:s0] =	ssyncset.done $0x0  }
0x193: {  	s19 =	rddreg [dreg:$0xa];
	[sflag:s0] =	ssyncadd.s32 $0xFFFFC000  }
0x194: {  	[hbm4b:s19+s3] =	stream.linear.scatter [tilespmem:s31], [sflag:$0x5], $0x4000, $0x200038;
	[tilespmem:$0x1E800] =	vst v63  }
0x195: {  	_ =	swait.ge [sflag:s0], $0x4000  }
0x196: {  	[sflag:s0] =	ssyncset.done $0x0  }
0x197: {  	[sflag:s0] =	ssyncadd.s32 $0xFFFFC000  }
0x198: {  	[tilespmem:s31], [sflag:$0x5] =	stream.linear.gather [spmem:s28], $0x4000, $0x200038;
	[tilespmem:$0x1E800] =	vst v63  }
0x199: {  	_ =	swait.ge [sflag:s0], $0x4000  }
0x19a: {  	[sflag:s0] =	ssyncset.done $0x0  }
0x19b: {  	s20 =	rddreg [dreg:$0xb];
	[sflag:s0] =	ssyncadd.s32 $0xFFFFC000  }
0x19c: {  	[hbm4b:s20+s3] =	stream.linear.scatter [tilespmem:s31], [sflag:$0x5], $0x4000, $0x200038;
	[tilespmem:$0x1E800] =	vst v63  }
0x19d: {  	_ =	swait.ge [sflag:s0], $0x4000  }
0x19e: {  	[sflag:s0] =	ssyncset.done $0x0  }
0x19f: {  	[sflag:s0] =	ssyncadd.s32 $0xFFFFC000  }
0x1a0: {  	[tilespmem:s31], [sflag:$0x5] =	stream.linear.gather [spmem:s29], $0x4000, $0x200038;
	[tilespmem:$0x1E800] =	vst v63  }
0x1a1: {  	_ =	swait.ge [sflag:s0], $0x4000  }
0x1a2: {  	[sflag:s0] =	ssyncset.done $0x0  }
0x1a3: {  	[sflag:s0] =	ssyncadd.s32 $0xFFFFC000  }
0x1a4: {  	[hbm4b:s23+s3] =	stream.linear.scatter [tilespmem:s31], [sflag:$0x5], $0x4000, $0x200038;
	[tilespmem:$0x1E800] =	vst v63  }
0x1a5: {  	_ =	swait.ge [sflag:s0], $0x4000  }
0x1a6: {  	[sflag:s0] =	ssyncset.done $0x0  }
0x1a7: {  	[sflag:s0] =	ssyncadd.s32 $0xFFFFC000  }
0x1a8: {  	[tilespmem:s31], [sflag:$0x5] =	stream.linear.gather [spmem:s30], $0x4000, $0x200038;
	[tilespmem:$0x1E800] =	vst v63  }
0x1a9: {  	_ =	swait.ge [sflag:s0], $0x4000  }
0x1aa: {  	s17 =	sadd.s32 $0x1, s17;
	[sflag:s0] =	ssyncset.done $0x0  }
0x1ab: {  	p0 =	sne.s32 s17, s25;
	[sflag:s0] =	ssyncadd.s32 $0xFFFFC000  }
0x1ac: {  	[hbm4b:s24+s3] =	stream.linear.scatter [tilespmem:s31], [sflag:$0x5], $0x4000, $0x200038;
	[tilespmem:$0x1E800] =	vst v63  }
.Ltmp6:
0x1ad: {  	_ = 	snop;
	(pc) =	sbr.rel @p0 .LBB2_1-.Ltmp6, $4  }
0x1ae: {  	_ =	swait.ge [sflag:s0], $0x4000  }
0x1af: {  	[sflag:s0] =	ssyncset.done $0x0  }
0x1b0: {  	[sflag:s0] =	ssyncadd.s32 $0xFFFFC000  }
0x1b1: {  	_ =	strace $0x90000059  }
0x1b2: {  	_ =	sfence.sel $0x180000  }
0x1b3: {  	[bflag:$0x0] =	sbarrier.arrive $0xFFFF  }
0x1b4: {  	_ =	strace $0x90000053  }
0x1b5: {  	s0 =	stileid.u32;
	[bflag:$0x2] =	sbarrier.arrive $0xFFFF  }
0x1b6: {  	p0 =	sne.s32 s0, $0x0;
	s0 =	rddreg [dreg:$0x3]  }
0x1b7: {  	s0 =	sadd.s32 @!p0 $0x100000, s0  }
0x1b8: {  	[sflag:s0] =	ssyncadd.tile.s32 @!p0 $0x1;
	_ =	shalt  }
.Lfunc_end2:
_tile_overlayer_lowered:
.L_overlay_start_2:
0x1b9: {  	(tag) =	ssettag $0x2  }
0x1ba: {  	s0 =	rddreg [dreg:$0x0];
	s2 =	stileid.u32  }
0x1bb: {  	s1 =	rddreg [dreg:$0x1];
	p0 =	sne.s32 s2, $0x0  }
0x1bc: {  	s3 =	rddreg [dreg:$0x2];
	[bflag:$0x3] =	sbarrier.arrive $0xFFFF;
	s2 =	simm.s32 @!p0 $0x1C05  }
0x1bd: {  	[timem:s3], [sflag:s2] =	dma.local @!p0 [hbm:s0], s1  }
0x1be: {  	s0 =	simm.s32 @!p0 $0x5  }
0x1bf: {  	_ =	swait.ge @!p0 [sflag:s0], s1  }
0x1c0: {  	s1 =	ssub.s32 @!p0 $0x0, s1;
	[sflag:s0] =	ssyncset.done @!p0 $0x0  }
0x1c1: {  	[sflag:s0] =	ssyncadd.s32 @!p0 s1  }
0x1c2: {  	[bflag:$0x3] =	sbarrier.arrive $0xFFFF  }
0x1c3: {  	_ =	shalt  }

// kernel: kernel.8.cloned.1.call-start
scs
__scs_entry_jumppad:
0x0: {  	(pc) =	sbr.rel $0x88, $3  }
0x1: {  	(tag) =	ssettag $0x0;
	lr =	simm.s32 $0x1  }
0x2: {  	[smem:$0x3F96] =	sst lr;
	_ =	strace $0xD0000000  }
0x3: {  	_ = 	snop  }
0x4: {  	_ = 	snop  }
0x5: {  	_ = 	snop  }
0x6: {  	_ = 	snop  }
0x7: {  	_ = 	snop  }
__scs_overlays_trampoline_lowered:
0x8: {  	[smem:$0x3FA5] =	sst s0  }
0x9: {  	[smem:$0x3FA6] =	sst s1  }
0xa: {  	[smem:$0x3FA7] =	sst s2  }
0xb: {  	[smem:$0x3FA8] =	sst s3  }
0xc: {  	[smem:$0x3FA9] =	sst s4  }
0xd: {  	[smem:$0x3FAA] =	sst s5  }
0xe: {  	[smem:$0x3FAB] =	sst s6  }
0xf: {  	[smem:$0x3FAC] =	sst s7  }
0x10: {  	[smem:$0x3FAD] =	sst s8  }
0x11: {  	[smem:$0x3FAE] =	sst s9;
	s0 =	simm.s32 @!p0 $0x0  }
0x12: {  	s1 =	sld [smem:$0x3F94];
	s0 =	simm.s32 @p0 $0x1  }
0x13: {  	[smem:$0x3FAF] =	sst s0;
	s0 =	simm.s32 @!p1 $0x0  }
0x14: {  	s2 =	sld [smem:$0x3F93];
	s0 =	simm.s32 @p1 $0x1  }
0x15: {  	[smem:$0x3FB0] =	sst s0;
	s0 =	simm.s32 @!p2 $0x0  }
0x16: {  	s3 =	sld [smem:$0x3FDB];
	s0 =	simm.s32 @p2 $0x1  }
0x17: {  	s4 =	simm.s32 $0x1BF5;
	[smem:$0x3FB2] =	sst s0  }
0x18: {  	s0 =	sld [smem:$0x3F95];
	_ =	swait.ge [sflag:s4], $0x0  }
0x19: {  	s7 =	sld [smem:$0x3F96]  }
0x1a: {  	s8 =	sadd.s32 $0xFFFFE003, lr  }
0x1b: {  	s9 =	sadd.s32 $0xFFFFFEF7, lr;
	s5 =	simm.s32 $0xFFFFFFFF;
	p2 =	slt.u32 s8, $0xFFFFF086  }
0x1c: {  	p1 =	slt.u32 s9, $0xF7A;
	s5 =	simm.s32 @!p2 $0x0  }
0x1d: {  	s5 =	simm.s32 @p1 $0x1;
	p0 =	seq.s32 s7, s2  }
0x1e: {  	s7 =	smul.u32 @!p0 $0xF7A, s2;
	p2 =	seq.s32 @!p0 s5, $0x0  }
0x1f: {  	s9 =	smul.u32 $0xF7A, s1;
	s8 =	simm.s32 @!p0 $0x1BF5;
	p2 =	por !p2, p0  }
0x20: {  	[sflag:s8] =	ssyncset.s32 @!p0 $0xFFFFF086;
	s6 =	sadd.s32 @!p0 s3, s7;
	s7 =	simm.s32 @!p0 $0x108  }
0x21: {  	s3 =	sadd.s32 s3, s9;
	s6 =	sadd.s32 @!p0 $0x88, s6;
	s7 =	simm.s32 @p2 $0x1082  }
0x22: {  	[simem:s7], [sflag:s8] =	dma.local @!p0 [hbm:s6], $0xF7A  }
0x23: {  	s9 =	sor.u32 $0xD0000000, s2;
	s6 =	simm.s32 $0x108;
	_ =	swait.ge @!p0 [sflag:s8], $0x0  }
0x24: {  	s3 =	sadd.s32 $0x88, s3;
	s6 =	simm.s32 @!p1 $0x1082;
	[sflag:s4] =	ssyncset.s32 $0xFFFFF086  }
0x25: {  	[simem:s6], [sflag:s4] =	dma.local [hbm:s3], $0xF7A  }
0x26: {  	[smem:$0x3F96] =	sst s1;
	(tag) =	ssettag s2;
	_ =	strace s9  }
0x27: {  	s1 =	sld [smem:$0x3FA6]  }
0x28: {  	s2 =	sld [smem:$0x3FA7]  }
0x29: {  	s4 =	sld [smem:$0x3FA9]  }
0x2a: {  	p0 =	seq.s32 s5, $0x0;
	s5 =	sld [smem:$0x3FAA]  }
0x2b: {  	s6 =	sld [smem:$0x3FAB]  }
0x2c: {  	s7 =	sld [smem:$0x3FAC]  }
0x2d: {  	s3 =	simm.s32 $0x108;
	s8 =	sld [smem:$0x3FAD]  }
0x2e: {  	s3 =	simm.s32 @!p0 $0x1082;
	s9 =	sld [smem:$0x3FAE]  }
0x2f: {  	lr =	sadd.s32 s0, s3;
	s0 =	sld [smem:$0x3FA5]  }
0x30: {  	s3 =	sld [smem:$0x3FA8]  }
0x31: {  	[smem:$0x3FB1] =	sst s10  }
0x32: {  	s10 =	sld [smem:$0x3FAF];
	_ =	sdelay $0x3  }
0x33: {  	p0 =	seq.s32 s10, $0x1;
	s10 =	sld [smem:$0x3FB1];
	_ =	sdelay $0x3  }
0x34: {  	[smem:$0x3FB1] =	sst s10  }
0x35: {  	s10 =	sld [smem:$0x3FB0];
	_ =	sdelay $0x3  }
0x36: {  	p1 =	seq.s32 s10, $0x1;
	s10 =	sld [smem:$0x3FB1];
	_ =	sdelay $0x3  }
0x37: {  	[smem:$0x3FB1] =	sst s10  }
0x38: {  	s10 =	sld [smem:$0x3FB2]  }
0x39: {  	_ = 	snop;
	(pc) =	sbr.ind lr, $3  }
0x3a: {  	_ = 	snop  }
0x3b: {  	_ = 	snop  }
0x3c: {  	p2 =	seq.s32 s10, $0x1;
	s10 =	sld [smem:$0x3FB1]  }
0x3d: {  	_ =	shalt  }
0x3e: {  	_ =	shalt  }
0x3f: {  	_ =	shalt  }
0x40: {  	_ =	shalt  }
0x41: {  	_ =	shalt  }
0x42: {  	_ =	shalt  }
0x43: {  	_ =	shalt  }
0x44: {  	_ =	shalt  }
0x45: {  	_ =	shalt  }
0x46: {  	_ =	shalt  }
0x47: {  	_ =	shalt  }
0x48: {  	_ =	shalt  }
0x49: {  	_ =	shalt  }
0x4a: {  	_ =	shalt  }
0x4b: {  	_ =	shalt  }
0x4c: {  	_ =	shalt  }
0x4d: {  	_ =	shalt  }
0x4e: {  	_ =	shalt  }
0x4f: {  	_ =	shalt  }
0x50: {  	_ =	shalt  }
0x51: {  	_ =	shalt  }
0x52: {  	_ =	shalt  }
0x53: {  	_ =	shalt  }
0x54: {  	_ =	shalt  }
0x55: {  	_ =	shalt  }
0x56: {  	_ =	shalt  }
0x57: {  	_ =	shalt  }
0x58: {  	_ =	shalt  }
0x59: {  	_ =	shalt  }
0x5a: {  	_ =	shalt  }
0x5b: {  	_ =	shalt  }
0x5c: {  	_ =	shalt  }
0x5d: {  	_ =	shalt  }
0x5e: {  	_ =	shalt  }
0x5f: {  	_ =	shalt  }
0x60: {  	_ =	shalt  }
0x61: {  	_ =	shalt  }
0x62: {  	_ =	shalt  }
0x63: {  	_ =	shalt  }
0x64: {  	_ =	shalt  }
0x65: {  	_ =	shalt  }
0x66: {  	_ =	shalt  }
0x67: {  	_ =	shalt  }
0x68: {  	_ =	shalt  }
0x69: {  	_ =	shalt  }
0x6a: {  	_ =	shalt  }
0x6b: {  	_ =	shalt  }
0x6c: {  	_ =	shalt  }
0x6d: {  	_ =	shalt  }
0x6e: {  	_ =	shalt  }
0x6f: {  	_ =	shalt  }
0x70: {  	_ =	shalt  }
0x71: {  	_ =	shalt  }
0x72: {  	_ =	shalt  }
0x73: {  	_ =	shalt  }
0x74: {  	_ =	shalt  }
0x75: {  	_ =	shalt  }
0x76: {  	_ =	shalt  }
0x77: {  	_ =	shalt  }
0x78: {  	_ =	shalt  }
0x79: {  	_ =	shalt  }
0x7a: {  	_ =	shalt  }
0x7b: {  	_ =	shalt  }
0x7c: {  	_ =	shalt  }
0x7d: {  	_ =	shalt  }
0x7e: {  	_ =	shalt  }
0x7f: {  	_ =	shalt  }
0x80: {  	_ =	shalt  }
0x81: {  	_ =	shalt  }
0x82: {  	_ =	shalt  }
0x83: {  	_ =	shalt  }
0x84: {  	_ =	shalt  }
0x85: {  	_ =	shalt  }
0x86: {  	_ =	shalt  }
0x87: {  	_ =	shalt  }
.Lfunc_end0:
.L_simem_size_0:
called_computation_lowered:
.L_overlay_start_0:
0x88: {  	s2 =	sld [smem:$0x3FD9]  }
0x89: {  	s3 =	sld [smem:$0x3FFE];
	_ =	sdelay $0x1  }
0x8a: {  	s1 =	srdreg.scid  }
0x8b: {  	s0 =	sand.u32 $0x1, s1  }
0x8c: {  	s16 =	sshll.u32 s0, $0xA;
	s2 =	sadd.s32 s3, s2  }
0x8d: {  	s2 =	sadd.s32 s2, s16  }
0x8e: {  	[smem:$0x3FBD] =	sst s2  }
0x8f: {  	_ = 	snop  }
0x90: {  	(tm) =	ssettm $0x1  }
0x91: {  	s17 =	sld [smem:$0x3FFB];
	_ =	sdelay $0x3  }
0x92: {  	_ =	strace s17  }
0x93: {  	s2 =	sld [smem:$0x3FFC];
	_ =	sdelay $0x3  }
0x94: {  	_ =	strace s2  }
0x95: {  	s2 =	sld [smem:$0x3FFD];
	_ =	sdelay $0x3  }
0x96: {  	_ =	strace s2  }
0x97: {  	_ =	strace $0x8FFFFFFF  }
0x98: {  	s18 =	sld [smem:$0x3FDB];
	_ =	sdelay $0x1  }
0x99: {  	s19 =	simm.s32 $_scs_section_size  }
0x9a: {  	s4 =	simm.s32 $_size__tile_overlayer_lowered;
	s5 =	simm.s32 $_tile_overlayer_lowered  }
0x9b: {  	s22 =	simm.s32 $0x1BFF;
	s21 =	sshll.u32 s5, $0x1;
	s2 =	sadd.s32 s19, s18  }
0x9c: {  	s6 =	simm.s32 $0x0;
	s20 =	sshll.u32 s4, $0x1;
	s4 =	sadd.s32 s21, s2  }
0x9d: {  	[timem:s6], [sflag:s22] =	dma.local [hbm:s4], s20  }
0x9e: {  	_ =	swait.ge [sflag:s22], s20  }
0x9f: {  	s3 =	ssub.s32 $0x0, s20;
	[sflag:s22] =	ssyncset.done $0x0  }
0xa0: {  	[sflag:s22] =	ssyncadd.s32 s3;
	_ =	sdelay $0x1  }
0xa1: {  	s23 =	simm.s32 $0x1B8B  }
0xa2: {  	_ =	swait.ge [sflag:s23], $0x1  }
0xa3: {  	[sflag:s23] =	ssyncset.done $0x0  }
0xa4: {  	s25 =	simm.s32 $0x1B8E;
	s24 =	sld [smem:$0x3FFE];
	[sflag:s23] =	ssyncadd.s32 $0xFFFFFFFF  }
0xa5: {  	s26 =	simm.s32 $execute0_lowered;
	[smem:$0x3FD2] =	sst s25  }
0xa6: {  	s4 =	sshll.u32 s26, $0x1;
	_ =	strace $0x80000046;
	[dreg:$0x1] =	wrdreg $0xFFFFFFFF  }
0xa7: {  	s28 =	simm.s32 $_size_execute0_lowered;
	s2 =	sadd.s32 s2, s4;
	[dreg:$0x0] =	wrdreg $0x0  }
0xa8: {  	s4 =	sshll.u32 s28, $0x1;
	[dreg:$0x2] =	wrdreg s2  }
0xa9: {  	[dreg:$0x3] =	wrdreg s4  }
0xaa: {  	[dreg:$0x4] =	wrdreg $0xC0  }
0xab: {  	_ =	task [dreg:s6], $0x5FFFF  }
0xac: {  	[dreg:$0x1] =	wrdreg $0xFFFFFFFF  }
0xad: {  	[dreg:$0x0] =	wrdreg $0x60  }
0xae: {  	[dreg:$0x2] =	wrdreg s24  }
0xaf: {  	[dreg:$0x3] =	wrdreg $0x9  }
0xb0: {  	_ =	task.clear_ibuf [dreg:s6], $0x4FFFF;
	_ =	strace $0x90000046  }
0xb1: {  	s29 =	simm.s32 $0x9;
	_ =	strace $0x80000048  }
0xb2: {  	_ =	swait.ge [sflag:s29], $0x1  }
0xb3: {  	[sflag:s29] =	ssyncadd.s32 $0xFFFFFFFF  }
0xb4: {  	_ =	strace $0x90000048  }
0xb5: {  	_ =	sfence  }
0xb6: {  	s30 =	sld [smem:$0x0];
	_ =	sdelay $0x2  }
0xb7: {  	s31 =	sshll.u32 s1, $0xD;
	s1 =	sshrl.u32 s1, $0x2  }
0xb8: {  	s3 =	sand.u32 $0x4000, s31;
	s1 =	sadd.s32 s1, s30  }
0xb9: {  	s0 =	sor.u32 s3, s0;
	s1 =	sshll.u32 s1, $0x11  }
0xba: {  	s0 =	sor.u32 s1, s0  }
0xbb: {  	s0 =	sadd.s32 $0x8F2B, s0  }
0xbc: {  	[sflag:s0] =	ssyncadd.remote.s32 $0x1  }
0xbd: {  	_ =	sfence.sel $0xFFFF  }
0xbe: {  	[dreg:$0x0] =	wrdreg $0xFFFFFFFF;
	(pc) =	sbr.abs _section_cstart, $3  }
0xbf: {  	[dreg:$0x1] =	wrdreg $0xFFFFFFFF  }
0xc0: {  	_ =	task.clear_ibuf [dreg:s6], $0x2FFFF;
	_ =	strace $0x9FFFFFFF  }
0xc1: {  	(tm) =	ssettm $0x7FFFFFFF  }
tec
execute0_lowered:
.L_overlay_start_1:
0x0: {  	(tag) =	ssettag $0x1  }
0x1: {  	s1 =	srdreg.scid;
	s0 =	stileid.u32  }
0x2: {  	s4 =	rddreg [dreg:$0x0];
	s9 =	simm.s32 $0x400;
	s3 =	sand.u32 $0x1, s1  }
0x3: {  	s10 =	simm.s32 $0x0;
	s2 =	sshrl.u32 s0, $0x3;
	s5 =	smul.u32 $0xA0000, s3  }
0x4: {  	s1 =	rddreg [dreg:$0x1];
	s8 =	sshll.u32 s0, $0x7;
	s6 =	smul.u32 $0x50000, s2  }
0x5: {  	s2 =	simm.s32 $0x0;
	s7 =	sshll.u32 s3, $0x4;
	s29 =	sand.u32 $0x380, s8  }
0x6: {  	s3 =	ssub.s32 $0x2, s3;
	s8 =	simm.s32 $0x80;
	s7 =	sor.u32 s0, s7  }
0x7: {  	[smem:$0x7FF] =	sst s2;
	s5 =	sadd.s32 s5, s6;
	s7 =	smul.u32 $0x1400, s7  }
0x8: {  	s31 =	sshrl.u32 s3, $0x1;
	_ =	strace $0x80000047;
	s5 =	sor.u32 s29, s5  }
0x9: {  	s6 =	simm.s32 $0xA000;
	s5 =	sshrl.u32 s5, $0x3;
	s30 =	sadd.s32 s7, s4  }
0xa: {  	s7 =	simm.s32 $0x1;
	s4 =	sadd.s32 s5, s4;
	s5 =	ssub.s32 s3, s31  }
0xb: {  	v0 =	vimm.f32 $0.0e+00;
	v1 =	vimm.f32 $1.000000000e+00;
	s3 =	sadd.s32 $0x2400, s30;
	s4 =	sadd.s32 $0x2A400, s4;
	s5 =	smax.u32 s5, $0x1  }
.LBB2_1:
0xc: {  	s11 =	simm.s32 $0x40;
	s12 =	simm.s32 $0x0  }
.LBB2_2:
0xd: {  	p0 =	sne.s32 s11, $0x27FC0;
	[tilespmem:s12+$0x0] =	vst v0;
	s12 =	smov.u32 s11;
	s11 =	sadd.s32 $0x40, s11  }
.Ltmp0:
0xe: {  	(pc) =	sbr.rel @p0 .LBB2_2-.Ltmp0, $2  }
0xf: {  	_ =	sdelay $0x2  }
0x10: {  	s12 =	sshra.s32 s12, $0x2  }
0x11: {  	[tilespmem:s12+$0x0] =	vst v0;
	s11 =	simm.s32 $0x0  }
0x12: {  	[tilespmem:s6], [sflag:$0x1] =	stream.linear.gather [hbm4b:s3+s11], $0xA000, $0x38;
	[tilespmem:$0x14000] =	vst v63  }
0x13: {  	_ =	swait.ge [sflag:s7], $0xA000  }
0x14: {  	[sflag:s7] =	ssyncset.done $0x0  }
0x15: {  	[sflag:s7] =	ssyncadd.s32 $0xFFFF6000  }
.LBB2_4:
0x16: {  	s12 =	sshra.s32 s11, $0x2  }
0x17: {  	v2 =	vld [tilespmem:s12+$0xA000];
	_ =	sdelay $0x7  }
0x18: {  	[tilespmem:v2+s2+$0x0] =	vst.idx.add.f32.msk $0xffff, v1  }
0x19: {  	v2 =	vld [tilespmem:s12+$0xA010];
	_ =	sdelay $0x7  }
0x1a: {  	[tilespmem:v2+s2+$0x0] =	vst.idx.add.f32.msk $0xffff, v1  }
0x1b: {  	v2 =	vld [tilespmem:s12+$0xA020];
	_ =	sdelay $0x7  }
0x1c: {  	[tilespmem:v2+s2+$0x0] =	vst.idx.add.f32.msk $0xffff, v1  }
0x1d: {  	v2 =	vld [tilespmem:s12+$0xA030];
	_ =	sdelay $0x7  }
0x1e: {  	[tilespmem:v2+s2+$0x0] =	vst.idx.add.f32.msk $0xffff, v1  }
0x1f: {  	v2 =	vld [tilespmem:s12+$0xA040];
	_ =	sdelay $0x7  }
0x20: {  	[tilespmem:v2+s2+$0x0] =	vst.idx.add.f32.msk $0xffff, v1  }
0x21: {  	v2 =	vld [tilespmem:s12+$0xA050];
	_ =	sdelay $0x7  }
0x22: {  	[tilespmem:v2+s2+$0x0] =	vst.idx.add.f32.msk $0xffff, v1  }
0x23: {  	v2 =	vld [tilespmem:s12+$0xA060];
	_ =	sdelay $0x7  }
0x24: {  	[tilespmem:v2+s2+$0x0] =	vst.idx.add.f32.msk $0xffff, v1  }
0x25: {  	v2 =	vld [tilespmem:s12+$0xA070];
	_ =	sdelay $0x2  }
0x26: {  	p0 =	sne.s32 s11, $0x27E00  }
.Ltmp1:
0x27: {  	_ = 	snop;
	(pc) =	sbr.rel @p0 .LBB2_4-.Ltmp1, $2  }
0x28: {  	_ =	sdelay $0x2  }
0x29: {  	s11 =	sadd.s32 $0x200, s11;
	[tilespmem:v2+s2+$0x0] =	vst.idx.add.f32.msk $0xffff, v1  }
0x2a: {  	s10 =	sadd.s32 $0x1, s10  }
0x2b: {  	p0 =	sne.s32 s10, s5  }
.Ltmp2:
0x2c: {  	_ = 	snop;
	(pc) =	sbr.rel @p0 .LBB2_1-.Ltmp2, $4  }
0x2d: {  	[hbm4b:s4+s8] =	stream.strided.scatter [tilespmem:s2], [sflag:$0x1], $0xA000, s9, s8, $0x38;
	[tilespmem:$0x14000] =	vst v63  }
0x2e: {  	_ =	swait.ge [sflag:s7], $0xA000  }
0x2f: {  	[sflag:s7] =	ssyncset.done $0x0  }
0x30: {  	[sflag:s7] =	ssyncadd.s32 $0xFFFF6000  }
0x31: {  	_ =	sfence.sel $0x180000  }
0x32: {  	[bflag:$0x0] =	sbarrier.arrive $0xFFFF  }
0x33: {  	p0 =	sne.s32 s0, $0x0;
	_ =	strace $0x90000047  }
0x34: {  	s0 =	sadd.s32 @!p0 $0x100000, s1;
	[bflag:$0x2] =	sbarrier.arrive $0xFFFF  }
0x35: {  	[sflag:s0] =	ssyncadd.tile.s32 @!p0 $0x1;
	_ =	shalt  }
.Lfunc_end2:
_tile_overlayer_lowered:
.L_overlay_start_2:
0x36: {  	(tag) =	ssettag $0x2  }
0x37: {  	s0 =	rddreg [dreg:$0x0];
	s2 =	stileid.u32  }
0x38: {  	s1 =	rddreg [dreg:$0x1];
	p0 =	sne.s32 s2, $0x0  }
0x39: {  	s3 =	rddreg [dreg:$0x2];
	[bflag:$0x3] =	sbarrier.arrive $0xFFFF;
	s2 =	simm.s32 @!p0 $0x1C01  }
0x3a: {  	[timem:s3], [sflag:s2] =	dma.local @!p0 [hbm:s0], s1  }
0x3b: {  	s0 =	simm.s32 @!p0 $0x1  }
0x3c: {  	_ =	swait.ge @!p0 [sflag:s0], s1  }
0x3d: {  	s1 =	ssub.s32 @!p0 $0x0, s1;
	[sflag:s0] =	ssyncset.done @!p0 $0x0  }
0x3e: {  	[sflag:s0] =	ssyncadd.s32 @!p0 s1  }
0x3f: {  	[bflag:$0x3] =	sbarrier.arrive $0xFFFF  }
0x40: {  	_ =	shalt  }

</sc_bundles>
